<compile_context>
chip_gen: v7x
topology: tpu7x:2x2x1
jax: 0.10.2.dev20260603
libtpu: 0.0.44.dev20260713+nightly
codegen_flags: <defaults>
</compile_context>

<pallas_src>
import functools

import jax
import jax.numpy as jnp
from jax import lax
from jax.experimental import pallas as pl
from jax.experimental.pallas import tpu as pltpu
from jax.experimental.pallas import tpu_sc as plsc

_N = 4096
_K = 32
_OUT = 64
_NEG = float(jnp.finfo(jnp.float32).min)
_HALF = _N // 2



def _dot(a, b):
    return lax.dot_general(a, b, (((1,), (0,)), ((), ())),
                           preferred_element_type=jnp.float32)


def _ua_body(x_ref, wu_ref, wa_ref, b_ref, u_ref, a_ref):
    xb = x_ref[...]
    u_ref[...] = _dot(xb, wu_ref[...])
    a_ref[...] = _dot(xb, wa_ref[...]) + b_ref[...]


def _ua(x, Wu, Wa, b2):
    C = x.shape[1]
    R = 2048
    return pl.pallas_call(
        _ua_body,
        grid=(_N // R,),
        in_specs=[
            pl.BlockSpec((R, C), lambda i: (i, 0)),
            pl.BlockSpec((C, _OUT), lambda i: (0, 0)),
            pl.BlockSpec((C, _OUT), lambda i: (0, 0)),
            pl.BlockSpec((1, _OUT), lambda i: (0, 0)),
        ],
        out_specs=[
            pl.BlockSpec((R, _OUT), lambda i: (i, 0)),
            pl.BlockSpec((R, _OUT), lambda i: (i, 0)),
        ],
        out_shape=[
            jax.ShapeDtypeStruct((_N, _OUT), jnp.float32),
            jax.ShapeDtypeStruct((_N, _OUT), jnp.float32),
        ],
    )(x, Wu, Wa, b2)



_TOPK_R = 256


def _topk_body(base_blk, x_ref, xT2_ref, idx_ref, s_ref):
    R = _TOPK_R
    xb = x_ref[...]
    xt2 = xT2_ref[...]
    xy2 = _dot(xb, xt2)
    sq = 0.25 * jnp.sum(xt2 * xt2, axis=0, keepdims=True)
    iota = lax.broadcasted_iota(jnp.int32, (R, _N), 1)
    iotaf = iota.astype(jnp.float32)
    lanek = lax.broadcasted_iota(jnp.int32, (R, _K), 1)
    blk = pl.program_id(0) + base_blk
    diag = lax.broadcasted_iota(jnp.int32, (R, 1), 0) + blk * R
    s_ref[...] = jnp.where(iota == diag, _NEG, xy2 - sq)

    def step(r, idx_acc):
        sw = s_ref[...]
        v = jnp.max(sw, axis=1, keepdims=True)
        jf = jnp.min(jnp.where(sw == v, iotaf, 1e9), axis=1, keepdims=True)
        jstar = jf.astype(jnp.int32)
        s_ref[...] = jnp.where(iota == jstar, _NEG, sw)
        return jnp.where(lanek == r, jstar, idx_acc)

    idx0 = jnp.where(lanek == 0, diag, jnp.zeros((R, _K), jnp.int32))
    idx_ref[...] = lax.fori_loop(1, _K, step, idx0)


def _edge_topk_half(x, xT2, half):
    C = x.shape[1]
    R = _TOPK_R
    G = _HALF // R
    base_blk = half * G
    return pl.pallas_call(
        functools.partial(_topk_body, base_blk),
        grid=(G,),
        in_specs=[
            pl.BlockSpec((R, C), lambda i: (i + base_blk, 0)),
            pl.BlockSpec((C, _N), lambda i: (0, 0)),
        ],
        out_specs=pl.BlockSpec((R, _K), lambda i: (i, 0)),
        out_shape=jax.ShapeDtypeStruct((_HALF, _K), jnp.int32),
        scratch_shapes=[pltpu.VMEM((R, _N), jnp.float32)],
    )(x, xT2)



_NW = 32
_ROWS_W = _HALF // _NW
_CH = 4
_NCH = _ROWS_W // _CH


def _sc_gather_relu_max(u, idx_flat, a_half):
    mesh = plsc.VectorSubcoreMesh(core_axis_name="c", subcore_axis_name="s")

    @functools.partial(
        pl.kernel,
        out_type=jax.ShapeDtypeStruct((_HALF, _OUT), jnp.float32),
        mesh=mesh,
        compiler_params=pltpu.CompilerParams(use_tc_tiling_on_sc=False),
        scratch_types=[
            pltpu.VMEM((_CH * _K,), jnp.int32),
            pltpu.VMEM((_CH * _K,), jnp.int32),
            pltpu.VMEM((_CH * _K, _OUT), jnp.float32),
            pltpu.VMEM((_CH * _K, _OUT), jnp.float32),
            pltpu.VMEM((_ROWS_W, _OUT), jnp.float32),
            pltpu.VMEM((_ROWS_W, _OUT), jnp.float32),
            pltpu.SemaphoreType.DMA,
            pltpu.SemaphoreType.DMA,
            pltpu.SemaphoreType.DMA,
        ],
    )
    def k(u_hbm, idx_hbm, a_hbm, out_hbm, idx0, idx1, rows0, rows1,
          a_v, o_v, sem0, sem1, sema):
        wid = lax.axis_index("s") * 2 + lax.axis_index("c")
        base = wid * _ROWS_W

        def fire(ci, idxbuf, rowsbuf, sem):
            pltpu.sync_copy(
                idx_hbm.at[pl.ds((base + ci * _CH) * _K, _CH * _K)], idxbuf)
            pltpu.async_copy(u_hbm.at[idxbuf], rowsbuf, sem)

        def wait(rowsbuf, sem):
            pltpu.make_async_copy(u_hbm.at[pl.ds(0, _CH * _K), :],
                                  rowsbuf, sem).wait()

        def compute(ci, rowsbuf):
            def row_do(r, _):
                def jstep(j, accs):
                    return tuple(
                        jnp.maximum(acc, rowsbuf[r * _K + j, pl.ds(c * 16, 16)])
                        for c, acc in enumerate(accs))
                accs = tuple(rowsbuf[r * _K, pl.ds(c * 16, 16)]
                             for c in range(_OUT // 16))
                accs = lax.fori_loop(1, _K, jstep, accs)
                orow = ci * _CH + r
                for c in range(_OUT // 16):
                    o_v[orow, pl.ds(c * 16, 16)] = jnp.maximum(
                        a_v[orow, pl.ds(c * 16, 16)] + accs[c], 0.0)
                return 0
            lax.fori_loop(0, _CH, row_do, 0)

        pltpu.async_copy(a_hbm.at[pl.ds(base, _ROWS_W), :], a_v, sema)
        fire(0, idx0, rows0, sem0)
        pltpu.make_async_copy(a_hbm.at[pl.ds(base, _ROWS_W), :],
                              a_v, sema).wait()

        def body(g, carry):
            ci0 = 2 * g
            fire(ci0 + 1, idx1, rows1, sem1)
            wait(rows0, sem0)
            compute(ci0, rows0)

            @pl.when(ci0 + 2 < _NCH)
            def _():
                fire(ci0 + 2, idx0, rows0, sem0)

            wait(rows1, sem1)
            compute(ci0 + 1, rows1)
            return carry

        lax.fori_loop(0, _NCH // 2, body, 0)
        pltpu.sync_copy(o_v, out_hbm.at[pl.ds(base, _ROWS_W), :])

    return k(u, idx_flat, a_half)



_HEAD_R = 1024


def _head_body(x1_ref, x2_ref, x3_ref, wl_ref, bl_ref, wm1_ref, bm1_ref,
               wm2_ref, bm2_ref, wh_ref, bh_ref, o_ref):
    wl = wl_ref[...]
    h = (_dot(x1_ref[...], wl[0:_OUT]) + _dot(x2_ref[...], wl[_OUT:2 * _OUT])
         + _dot(x3_ref[...], wl[2 * _OUT:3 * _OUT]) + bl_ref[...])
    h = jnp.maximum(h, 0.0)
    h = jnp.maximum(_dot(h, wm1_ref[...]) + bm1_ref[...], 0.0)
    h = jnp.maximum(_dot(h, wm2_ref[...]) + bm2_ref[...], 0.0)
    o = _dot(h, wh_ref[...]) + bh_ref[...]
    shifted = o - jnp.max(o, axis=1, keepdims=True)
    o_ref[...] = shifted - jnp.log(
        jnp.sum(jnp.exp(shifted), axis=1, keepdims=True))


def _head(x1, x2, x3, Wl, bl, Wm1, bm1, Wm2, bm2, Wh, bh):
    R = _HEAD_R
    G = _N // R
    ncls = Wh.shape[1]
    full = lambda shp: pl.BlockSpec(shp, lambda i: tuple(0 for _ in shp))
    row = lambda shp: pl.BlockSpec(shp, lambda i: (i,) + (0,) * (len(shp) - 1))
    return pl.pallas_call(
        _head_body,
        grid=(G,),
        in_specs=[
            row((R, _OUT)), row((R, _OUT)), row((R, _OUT)),
            full(Wl.shape), full((1, bl.shape[0])),
            full(Wm1.shape), full((1, bm1.shape[0])),
            full(Wm2.shape), full((1, bm2.shape[0])),
            full(Wh.shape), full((1, bh.shape[0])),
        ],
        out_specs=row((R, ncls)),
        out_shape=jax.ShapeDtypeStruct((_N, ncls), jnp.float32),
    )(x1, x2, x3, Wl, bl.reshape(1, -1), Wm1, bm1.reshape(1, -1),
      Wm2, bm2.reshape(1, -1), Wh, bh.reshape(1, -1))




def _layer(xin, W, b):
    C = xin.shape[1]
    Wa = W[:C] - W[C:]
    Wu = W[C:]
    if C < 8:
        pad = 8 - C
        xin = jnp.concatenate([xin, jnp.zeros((_N, pad), xin.dtype)], axis=1)
        Wa = jnp.concatenate([Wa, jnp.zeros((pad, _OUT), Wa.dtype)], axis=0)
        Wu = jnp.concatenate([Wu, jnp.zeros((pad, _OUT), Wu.dtype)], axis=0)
    u, a = _ua(xin, Wu, Wa, b.reshape(1, _OUT))
    xT2 = (xin + xin).T
    idxA = _edge_topk_half(xin, xT2, 0)
    idxB = _edge_topk_half(xin, xT2, 1)
    xnA = _sc_gather_relu_max(u, idxA.reshape(_HALF * _K), a[:_HALF])
    xnB = _sc_gather_relu_max(u, idxB.reshape(_HALF * _K), a[_HALF:])
    return jnp.concatenate([xnA, xnB], axis=0)


def kernel(x, W1, b1, W2, b2, W3, b3, Wl, bl, Wm1, bm1, Wm2, bm2, Wh, bh):
    x1 = _layer(x, W1, b1)
    x2 = _layer(x1, W2, b2)
    x3 = _layer(x2, W3, b3)
    return _head(x1, x2, x3, Wl, bl, Wm1, bm1, Wm2, bm2, Wh, bh)

# --- scband reference (transcript-rebuilt; emitter-appended) ---
"""Pipeline reference for scband-hybrid-dgnn-10393820856801 (READ-ONLY COPY).

The authoritative reference and input builder live on the scoring server;
editing this copy changes nothing except your own understanding.
"""

import jax, jax.numpy as jnp
import numpy as np

N, C, K, OUT, NC = 4096, 3, 32, 64, 40

def setup_inputs(seed: int = 0) -> dict:
    key = jax.random.key(seed)
    ks = jax.random.split(key, 16)
    def w(k, shp):
        return jax.random.normal(k, shp, jnp.float32) * (1.0 / np.sqrt(shp[0]))
    return {
        "x":   jax.random.normal(ks[0], (N, C), jnp.float32),
        "W1":  w(ks[1], (2 * C, OUT)),   "b1": jnp.zeros((OUT,), jnp.float32),
        "W2":  w(ks[2], (2 * OUT, OUT)), "b2": jnp.zeros((OUT,), jnp.float32),
        "W3":  w(ks[3], (2 * OUT, OUT)), "b3": jnp.zeros((OUT,), jnp.float32),
        "Wl":  w(ks[4], (3 * OUT, 1024)), "bl": jnp.zeros((1024,), jnp.float32),
        "Wm1": w(ks[5], (1024, 256)), "bm1": jnp.zeros((256,), jnp.float32),
        "Wm2": w(ks[6], (256, 128)),  "bm2": jnp.zeros((128,), jnp.float32),
        "Wh":  w(ks[7], (128, NC)),   "bh": jnp.zeros((NC,), jnp.float32),
    }

def _knn_idx(x, k):
    # pairwise squared euclidean distances [N, N]
    sq = jnp.sum(x * x, axis=1)
    dist = sq[:, None] - 2.0 * (x @ x.T) + sq[None, :]
    _, idx = jax.lax.top_k(-dist, k)
    return idx

def _delirium(x, W, b, k):
    # dynamic edge-conv: kNN graph in feature space, edge MLP, max aggregation
    idx = _knn_idx(x, k)                       # [N, k] int32
    xj = jnp.take(x, idx, axis=0)              # gather neighbors [N, k, C]
    xi = jnp.broadcast_to(x[:, None, :], xj.shape)
    e = jnp.concatenate([xi, xj - xi], axis=-1)  # [N, k, 2C]
    h = jax.nn.relu(e @ W + b)                 # [N, k, OUT]
    return jnp.max(h, axis=1)                  # [N, OUT]

def reference(x, W1, b1, W2, b2, W3, b3, Wl, bl, Wm1, bm1, Wm2, bm2, Wh, bh):
    x1 = _delirium(x,  W1, b1, K)
    x2 = _delirium(x1, W2, b2, K)
    x3 = _delirium(x2, W3, b3, K)
    out = jax.nn.relu(jnp.concatenate([x1, x2, x3], axis=1) @ Wl + bl)
    out = jax.nn.relu(out @ Wm1 + bm1)   # Dropout = identity (eval mode)
    out = jax.nn.relu(out @ Wm2 + bm2)   # Dropout = identity (eval mode)
    out = out @ Wh + bh
    return jax.nn.log_softmax(out, axis=-1)

if __name__ == "__main__":
    import jax
    _d = setup_inputs()
    print(jax.jit(kernel)(*tuple(_d.values())))

</pallas_src>

<mosaic_0001>
#map = affine_map<(d0, d1) -> (0, 0)>
#map1 = affine_map<(d0, d1) -> (0)>
module attributes {stable_mosaic.version = 14 : i64} {
  func.func @k(%arg0: i32, %arg1: i32, %arg2: memref<4096x64xf32, #tpu.memory_space<hbm>>, %arg3: memref<65536xi32, #tpu.memory_space<hbm>>, %arg4: memref<2048x64xf32, #tpu.memory_space<hbm>>, %arg5: memref<2048x64xf32, #tpu.memory_space<hbm>>, %arg6: memref<128xi32, #tpu.memory_space<vmem>>, %arg7: memref<128xi32, #tpu.memory_space<vmem>>, %arg8: memref<128x64xf32, #tpu.memory_space<vmem>>, %arg9: memref<128x64xf32, #tpu.memory_space<vmem>>, %arg10: memref<64x64xf32, #tpu.memory_space<vmem>>, %arg11: memref<64x64xf32, #tpu.memory_space<vmem>>, %arg12: memref<!tpu.dma_semaphore, #tpu.memory_space<semaphore_mem>>, %arg13: memref<!tpu.dma_semaphore, #tpu.memory_space<semaphore_mem>>, %arg14: memref<!tpu.dma_semaphore, #tpu.memory_space<semaphore_mem>>) attributes {dimension_semantics = [#tpu.dimension_semantics<core_parallel>, #tpu.dimension_semantics<subcore_parallel>], iteration_bounds = array<i64: 2, 16>, scalar_prefetch = 0 : i64, scratch_operands = 9 : i64, tpu.core_type = #tpu.core_type<sc_vector_subcore>, window_params = [{transform_indices = #map}, {transform_indices = #map1}, {transform_indices = #map}, {transform_indices = #map}]} {
    %mul3A = arith.constant 2 : i32
    %mul3A_0 = arith.muli %arg1, %mul3A : i32
    %add3A = arith.addi %mul3A_0, %arg0 : i32
    %mul3A_1 = arith.constant 64 : i32
    %mul3A_2 = arith.muli %add3A, %mul3A_1 : i32
    %dma_start3A = arith.constant 0 : i32
    %dma_start3A_3 = tpu.memref_slice %arg4[%mul3A_2, %dma_start3A] : memref<2048x64xf32, #tpu.memory_space<hbm>> -> memref<64x64xf32, #tpu.memory_space<hbm>>
    %dma_start3A_4 = arith.constant 0 : i32
    %dma_start3A_5 = tpu.memref_slice %arg4[%mul3A_2, %dma_start3A_4] : memref<2048x64xf32, #tpu.memory_space<hbm>> -> memref<64x64xf32, #tpu.memory_space<hbm>>
    tpu.enqueue_dma source(%dma_start3A_5 : memref<64x64xf32, #tpu.memory_space<hbm>>) target(%arg10 : memref<64x64xf32, #tpu.memory_space<vmem>>) target_semaphore(%arg14 : memref<!tpu.dma_semaphore, #tpu.memory_space<semaphore_mem>>)
    %add3A_6 = arith.constant 0 : i32
    %add3A_7 = arith.addi %mul3A_2, %add3A_6 : i32
    %mul3A_8 = arith.constant 32 : i32
    %mul3A_9 = arith.muli %add3A_7, %mul3A_8 : i32
    "tpu.region"() ({
      %run_scoped3A = tpu.sem_alloc : memref<!tpu.dma_semaphore, #tpu.memory_space<semaphore_mem>>
      %dma_start3A_21 = tpu.memref_slice %arg3[%mul3A_9] : memref<65536xi32, #tpu.memory_space<hbm>> -> memref<128xi32, #tpu.memory_space<hbm>>
      %dma_start3A_22 = tpu.memref_slice %arg3[%mul3A_9] : memref<65536xi32, #tpu.memory_space<hbm>> -> memref<128xi32, #tpu.memory_space<hbm>>
      tpu.enqueue_dma source(%dma_start3A_22 : memref<128xi32, #tpu.memory_space<hbm>>) target(%arg6 : memref<128xi32, #tpu.memory_space<vmem>>) target_semaphore(%run_scoped3A : memref<!tpu.dma_semaphore, #tpu.memory_space<semaphore_mem>>)
      %dma_wait3A_23 = tpu.memref_slice %arg3[%mul3A_9] : memref<65536xi32, #tpu.memory_space<hbm>> -> memref<128xi32, #tpu.memory_space<hbm>>
      %dma_wait3A_24 = tpu.memref_slice %arg3[%mul3A_9] : memref<65536xi32, #tpu.memory_space<hbm>> -> memref<128xi32, #tpu.memory_space<hbm>>
      tpu.wait_dma2 semaphore(%run_scoped3A : memref<!tpu.dma_semaphore, #tpu.memory_space<semaphore_mem>>) src(%dma_wait3A_24 : memref<128xi32, #tpu.memory_space<hbm>>) dst(%arg6 : memref<128xi32, #tpu.memory_space<vmem>>)
      tpu.yield
    }) : () -> ()
    %dma_start3A_10 = arith.constant 0 : i32
    %dma_start3A_11 = arith.constant 0 : i32
    %dma_start3A_12 = tpu.memref_slice %arg2[%dma_start3A_10, %dma_start3A_11] : memref<4096x64xf32, #tpu.memory_space<hbm>> -> memref<4096x64xf32, #tpu.memory_space<hbm>>
    tpu.enqueue_indirect_dma source(%dma_start3A_12 : memref<4096x64xf32, #tpu.memory_space<hbm>>) target(%arg8 : memref<128x64xf32, #tpu.memory_space<vmem>>) offsets(%arg6 : memref<128xi32, #tpu.memory_space<vmem>>) semaphore(%arg12 : memref<!tpu.dma_semaphore, #tpu.memory_space<semaphore_mem>>)
    %dma_wait3A = arith.constant 0 : i32
    %dma_wait3A_13 = tpu.memref_slice %arg4[%mul3A_2, %dma_wait3A] : memref<2048x64xf32, #tpu.memory_space<hbm>> -> memref<64x64xf32, #tpu.memory_space<hbm>>
    %dma_wait3A_14 = arith.constant 0 : i32
    %dma_wait3A_15 = tpu.memref_slice %arg4[%mul3A_2, %dma_wait3A_14] : memref<2048x64xf32, #tpu.memory_space<hbm>> -> memref<64x64xf32, #tpu.memory_space<hbm>>
    tpu.wait_dma2 semaphore(%arg14 : memref<!tpu.dma_semaphore, #tpu.memory_space<semaphore_mem>>) src(%dma_wait3A_15 : memref<64x64xf32, #tpu.memory_space<hbm>>) dst(%arg10 : memref<64x64xf32, #tpu.memory_space<vmem>>)
    %scan3A = arith.constant 0 : i32
    %scan3A_16 = arith.constant 0 : i32
    %scan3A_17 = arith.constant 8 : i32
    %scan3A_18 = arith.addi %scan3A_16, %scan3A_17 : i32
    %scan3A_19 = arith.constant 1 : i32
    scf.for %scan3A_21 = %scan3A_16 to %scan3A_18 step %scan3A_19  : i32 {
      %mul3A_22 = arith.constant 2 : i32
      %mul3A_23 = arith.muli %mul3A_22, %scan3A_21 : i32
      %add3A_24 = arith.constant 1 : i32
      %add3A_25 = arith.addi %mul3A_23, %add3A_24 : i32
      %mul3A_26 = arith.constant 4 : i32
      %mul3A_27 = arith.muli %add3A_25, %mul3A_26 : i32
      %add3A_28 = arith.addi %mul3A_2, %mul3A_27 : i32
      %mul3A_29 = arith.constant 32 : i32
      %mul3A_30 = arith.muli %add3A_28, %mul3A_29 : i32
      "tpu.region"() ({
        %run_scoped3A = tpu.sem_alloc : memref<!tpu.dma_semaphore, #tpu.memory_space<semaphore_mem>>
        %dma_start3A_66 = tpu.memref_slice %arg3[%mul3A_30] : memref<65536xi32, #tpu.memory_space<hbm>> -> memref<128xi32, #tpu.memory_space<hbm>>
        %dma_start3A_67 = tpu.memref_slice %arg3[%mul3A_30] : memref<65536xi32, #tpu.memory_space<hbm>> -> memref<128xi32, #tpu.memory_space<hbm>>
        tpu.enqueue_dma source(%dma_start3A_67 : memref<128xi32, #tpu.memory_space<hbm>>) target(%arg7 : memref<128xi32, #tpu.memory_space<vmem>>) target_semaphore(%run_scoped3A : memref<!tpu.dma_semaphore, #tpu.memory_space<semaphore_mem>>)
        %dma_wait3A_68 = tpu.memref_slice %arg3[%mul3A_30] : memref<65536xi32, #tpu.memory_space<hbm>> -> memref<128xi32, #tpu.memory_space<hbm>>
        %dma_wait3A_69 = tpu.memref_slice %arg3[%mul3A_30] : memref<65536xi32, #tpu.memory_space<hbm>> -> memref<128xi32, #tpu.memory_space<hbm>>
        tpu.wait_dma2 semaphore(%run_scoped3A : memref<!tpu.dma_semaphore, #tpu.memory_space<semaphore_mem>>) src(%dma_wait3A_69 : memref<128xi32, #tpu.memory_space<hbm>>) dst(%arg7 : memref<128xi32, #tpu.memory_space<vmem>>)
        tpu.yield
      }) : () -> ()
      %dma_start3A_31 = arith.constant 0 : i32
      %dma_start3A_32 = arith.constant 0 : i32
      %dma_start3A_33 = tpu.memref_slice %arg2[%dma_start3A_31, %dma_start3A_32] : memref<4096x64xf32, #tpu.memory_space<hbm>> -> memref<4096x64xf32, #tpu.memory_space<hbm>>
      tpu.enqueue_indirect_dma source(%dma_start3A_33 : memref<4096x64xf32, #tpu.memory_space<hbm>>) target(%arg9 : memref<128x64xf32, #tpu.memory_space<vmem>>) offsets(%arg7 : memref<128xi32, #tpu.memory_space<vmem>>) semaphore(%arg13 : memref<!tpu.dma_semaphore, #tpu.memory_space<semaphore_mem>>)
      %dma_wait3A_34 = arith.constant 0 : i32
      %dma_wait3A_35 = arith.constant 0 : i32
      %dma_wait3A_36 = tpu.memref_slice %arg2[%dma_wait3A_34, %dma_wait3A_35] : memref<4096x64xf32, #tpu.memory_space<hbm>> -> memref<128x64xf32, #tpu.memory_space<hbm>>
      %dma_wait3A_37 = arith.constant 0 : i32
      %dma_wait3A_38 = arith.constant 0 : i32
      %dma_wait3A_39 = tpu.memref_slice %arg2[%dma_wait3A_37, %dma_wait3A_38] : memref<4096x64xf32, #tpu.memory_space<hbm>> -> memref<128x64xf32, #tpu.memory_space<hbm>>
      tpu.wait_dma2 semaphore(%arg12 : memref<!tpu.dma_semaphore, #tpu.memory_space<semaphore_mem>>) src(%dma_wait3A_39 : memref<128x64xf32, #tpu.memory_space<hbm>>) dst(%arg8 : memref<128x64xf32, #tpu.memory_space<vmem>>)
      %scan3A_40 = arith.constant 0 : i32
      %scan3A_41 = arith.constant 0 : i32
      %scan3A_42 = arith.constant 4 : i32
      %scan3A_43 = arith.addi %scan3A_41, %scan3A_42 : i32
      %scan3A_44 = arith.constant 1 : i32
      %scan3A_45 = scf.for %scan3A_66 = %scan3A_41 to %scan3A_43 step %scan3A_44 iter_args(%scan3A_67 = %scan3A_40) -> (i32)  : i32 {
        %mul3A_68 = arith.constant 32 : i32
        %mul3A_69 = arith.muli %scan3A_66, %mul3A_68 : i32
        %get3A = arith.index_cast %mul3A_69 : i32 to index
        %get3A_70 = arith.constant 0 : index
        %get3A_71 = tpu.vector_load %arg8[%get3A, %get3A_70] {strides = array<i32>} : memref<128x64xf32, #tpu.memory_space<vmem>>, vector<1x16xf32>,
        %get3A_72 = vector.shape_cast %get3A_71 : vector<1x16xf32> to vector<16xf32>
        %mul3A_73 = arith.constant 32 : i32
        %mul3A_74 = arith.muli %scan3A_66, %mul3A_73 : i32
        %get3A_75 = arith.index_cast %mul3A_74 : i32 to index
        %get3A_76 = arith.constant 16 : index
        %get3A_77 = tpu.vector_load %arg8[%get3A_75, %get3A_76] {strides = array<i32>} : memref<128x64xf32, #tpu.memory_space<vmem>>, vector<1x16xf32>,
        %get3A_78 = vector.shape_cast %get3A_77 : vector<1x16xf32> to vector<16xf32>
        %mul3A_79 = arith.constant 32 : i32
        %mul3A_80 = arith.muli %scan3A_66, %mul3A_79 : i32
        %get3A_81 = arith.index_cast %mul3A_80 : i32 to index
        %get3A_82 = arith.constant 32 : index
        %get3A_83 = tpu.vector_load %arg8[%get3A_81, %get3A_82] {strides = array<i32>} : memref<128x64xf32, #tpu.memory_space<vmem>>, vector<1x16xf32>,
        %get3A_84 = vector.shape_cast %get3A_83 : vector<1x16xf32> to vector<16xf32>
        %mul3A_85 = arith.constant 32 : i32
        %mul3A_86 = arith.muli %scan3A_66, %mul3A_85 : i32
        %get3A_87 = arith.index_cast %mul3A_86 : i32 to index
        %get3A_88 = arith.constant 48 : index
        %get3A_89 = tpu.vector_load %arg8[%get3A_87, %get3A_88] {strides = array<i32>} : memref<128x64xf32, #tpu.memory_space<vmem>>, vector<1x16xf32>,
        %get3A_90 = vector.shape_cast %get3A_89 : vector<1x16xf32> to vector<16xf32>
        %scan3A_91 = arith.constant 1 : i32
        %scan3A_92 = arith.constant 31 : i32
        %scan3A_93 = arith.addi %scan3A_91, %scan3A_92 : i32
        %scan3A_94 = arith.constant 1 : i32
        %scan3A_95:4 = scf.for %scan3A_151 = %scan3A_91 to %scan3A_93 step %scan3A_94 iter_args(%scan3A_152 = %get3A_72, %scan3A_153 = %get3A_78, %scan3A_154 = %get3A_84, %scan3A_155 = %get3A_90) -> (vector<16xf32>, vector<16xf32>, vector<16xf32>, vector<16xf32>)  : i32 {
          %mul3A_156 = arith.constant 32 : i32
          %mul3A_157 = arith.muli %scan3A_66, %mul3A_156 : i32
          %add3A_158 = arith.addi %mul3A_157, %scan3A_151 : i32
          %get3A_159 = arith.index_cast %add3A_158 : i32 to index
          %get3A_160 = arith.constant 0 : index
          %get3A_161 = tpu.vector_load %arg8[%get3A_159, %get3A_160] {strides = array<i32>} : memref<128x64xf32, #tpu.memory_space<vmem>>, vector<1x16xf32>,
          %get3A_162 = vector.shape_cast %get3A_161 : vector<1x16xf32> to vector<16xf32>
          %max3A_163 = arith.maximumf %scan3A_152, %get3A_162 : vector<16xf32>
          %mul3A_164 = arith.constant 32 : i32
          %mul3A_165 = arith.muli %scan3A_66, %mul3A_164 : i32
          %add3A_166 = arith.addi %mul3A_165, %scan3A_151 : i32
          %get3A_167 = arith.index_cast %add3A_166 : i32 to index
          %get3A_168 = arith.constant 16 : index
          %get3A_169 = tpu.vector_load %arg8[%get3A_167, %get3A_168] {strides = array<i32>} : memref<128x64xf32, #tpu.memory_space<vmem>>, vector<1x16xf32>,
          %get3A_170 = vector.shape_cast %get3A_169 : vector<1x16xf32> to vector<16xf32>
          %max3A_171 = arith.maximumf %scan3A_153, %get3A_170 : vector<16xf32>
          %mul3A_172 = arith.constant 32 : i32
          %mul3A_173 = arith.muli %scan3A_66, %mul3A_172 : i32
          %add3A_174 = arith.addi %mul3A_173, %scan3A_151 : i32
          %get3A_175 = arith.index_cast %add3A_174 : i32 to index
          %get3A_176 = arith.constant 32 : index
          %get3A_177 = tpu.vector_load %arg8[%get3A_175, %get3A_176] {strides = array<i32>} : memref<128x64xf32, #tpu.memory_space<vmem>>, vector<1x16xf32>,
          %get3A_178 = vector.shape_cast %get3A_177 : vector<1x16xf32> to vector<16xf32>
          %max3A_179 = arith.maximumf %scan3A_154, %get3A_178 : vector<16xf32>
          %mul3A_180 = arith.constant 32 : i32
          %mul3A_181 = arith.muli %scan3A_66, %mul3A_180 : i32
          %add3A_182 = arith.addi %mul3A_181, %scan3A_151 : i32
          %get3A_183 = arith.index_cast %add3A_182 : i32 to index
          %get3A_184 = arith.constant 48 : index
          %get3A_185 = tpu.vector_load %arg8[%get3A_183, %get3A_184] {strides = array<i32>} : memref<128x64xf32, #tpu.memory_space<vmem>>, vector<1x16xf32>,
          %get3A_186 = vector.shape_cast %get3A_185 : vector<1x16xf32> to vector<16xf32>
          %max3A_187 = arith.maximumf %scan3A_155, %get3A_186 : vector<16xf32>
          scf.yield %max3A_163, %max3A_171, %max3A_179, %max3A_187 : vector<16xf32>, vector<16xf32>, vector<16xf32>, vector<16xf32>
        }
        %scan3A_96 = arith.constant 31 : i32
        %mul3A_97 = arith.constant 4 : i32
        %mul3A_98 = arith.muli %mul3A_23, %mul3A_97 : i32
        %add3A_99 = arith.addi %mul3A_98, %scan3A_66 : i32
        %get3A_100 = arith.index_cast %add3A_99 : i32 to index
        %get3A_101 = arith.constant 0 : index
        %get3A_102 = tpu.vector_load %arg10[%get3A_100, %get3A_101] {strides = array<i32>} : memref<64x64xf32, #tpu.memory_space<vmem>>, vector<1x16xf32>,
        %get3A_103 = vector.shape_cast %get3A_102 : vector<1x16xf32> to vector<16xf32>
        %add3A_104 = arith.addf %get3A_103, %scan3A_95#0 : vector<16xf32>
        %max3A = arith.constant 0.000000e+00 : f32
        %max3A_105 = vector.broadcast %max3A : f32 to vector<16xf32>
        %max3A_106 = arith.maximumf %add3A_104, %max3A_105 : vector<16xf32>
        %swap3A = arith.index_cast %add3A_99 : i32 to index
        %swap3A_107 = arith.constant 0 : index
        %swap3A_108 = tpu.vector_load %arg11[%swap3A, %swap3A_107] {strides = array<i32>} : memref<64x64xf32, #tpu.memory_space<vmem>>, vector<1x16xf32>,
        %swap3A_109 = vector.shape_cast %swap3A_108 : vector<1x16xf32> to vector<16xf32>
        %swap3A_110 = vector.shape_cast %max3A_106 : vector<16xf32> to vector<1x16xf32>
        tpu.vector_store %arg11[%swap3A, %swap3A_107], %swap3A_110 {strides = array<i32>} : memref<64x64xf32, #tpu.memory_space<vmem>>, vector<1x16xf32>,
        %get3A_111 = arith.index_cast %add3A_99 : i32 to index
        %get3A_112 = arith.constant 16 : index
        %get3A_113 = tpu.vector_load %arg10[%get3A_111, %get3A_112] {strides = array<i32>} : memref<64x64xf32, #tpu.memory_space<vmem>>, vector<1x16xf32>,
        %get3A_114 = vector.shape_cast %get3A_113 : vector<1x16xf32> to vector<16xf32>
        %add3A_115 = arith.addf %get3A_114, %scan3A_95#1 : vector<16xf32>
        %max3A_116 = arith.constant 0.000000e+00 : f32
        %max3A_117 = vector.broadcast %max3A_116 : f32 to vector<16xf32>
        %max3A_118 = arith.maximumf %add3A_115, %max3A_117 : vector<16xf32>
        %swap3A_119 = arith.index_cast %add3A_99 : i32 to index
        %swap3A_120 = arith.constant 16 : index
        %swap3A_121 = tpu.vector_load %arg11[%swap3A_119, %swap3A_120] {strides = array<i32>} : memref<64x64xf32, #tpu.memory_space<vmem>>, vector<1x16xf32>,
        %swap3A_122 = vector.shape_cast %swap3A_121 : vector<1x16xf32> to vector<16xf32>
        %swap3A_123 = vector.shape_cast %max3A_118 : vector<16xf32> to vector<1x16xf32>
        tpu.vector_store %arg11[%swap3A_119, %swap3A_120], %swap3A_123 {strides = array<i32>} : memref<64x64xf32, #tpu.memory_space<vmem>>, vector<1x16xf32>,
        %get3A_124 = arith.index_cast %add3A_99 : i32 to index
        %get3A_125 = arith.constant 32 : index
        %get3A_126 = tpu.vector_load %arg10[%get3A_124, %get3A_125] {strides = array<i32>} : memref<64x64xf32, #tpu.memory_space<vmem>>, vector<1x16xf32>,
        %get3A_127 = vector.shape_cast %get3A_126 : vector<1x16xf32> to vector<16xf32>
        %add3A_128 = arith.addf %get3A_127, %scan3A_95#2 : vector<16xf32>
        %max3A_129 = arith.constant 0.000000e+00 : f32
        %max3A_130 = vector.broadcast %max3A_129 : f32 to vector<16xf32>
        %max3A_131 = arith.maximumf %add3A_128, %max3A_130 : vector<16xf32>
        %swap3A_132 = arith.index_cast %add3A_99 : i32 to index
        %swap3A_133 = arith.constant 32 : index
        %swap3A_134 = tpu.vector_load %arg11[%swap3A_132, %swap3A_133] {strides = array<i32>} : memref<64x64xf32, #tpu.memory_space<vmem>>, vector<1x16xf32>,
        %swap3A_135 = vector.shape_cast %swap3A_134 : vector<1x16xf32> to vector<16xf32>
        %swap3A_136 = vector.shape_cast %max3A_131 : vector<16xf32> to vector<1x16xf32>
        tpu.vector_store %arg11[%swap3A_132, %swap3A_133], %swap3A_136 {strides = array<i32>} : memref<64x64xf32, #tpu.memory_space<vmem>>, vector<1x16xf32>,
        %get3A_137 = arith.index_cast %add3A_99 : i32 to index
        %get3A_138 = arith.constant 48 : index
        %get3A_139 = tpu.vector_load %arg10[%get3A_137, %get3A_138] {strides = array<i32>} : memref<64x64xf32, #tpu.memory_space<vmem>>, vector<1x16xf32>,
        %get3A_140 = vector.shape_cast %get3A_139 : vector<1x16xf32> to vector<16xf32>
        %add3A_141 = arith.addf %get3A_140, %scan3A_95#3 : vector<16xf32>
        %max3A_142 = arith.constant 0.000000e+00 : f32
        %max3A_143 = vector.broadcast %max3A_142 : f32 to vector<16xf32>
        %max3A_144 = arith.maximumf %add3A_141, %max3A_143 : vector<16xf32>
        %swap3A_145 = arith.index_cast %add3A_99 : i32 to index
        %swap3A_146 = arith.constant 48 : index
        %swap3A_147 = tpu.vector_load %arg11[%swap3A_145, %swap3A_146] {strides = array<i32>} : memref<64x64xf32, #tpu.memory_space<vmem>>, vector<1x16xf32>,
        %swap3A_148 = vector.shape_cast %swap3A_147 : vector<1x16xf32> to vector<16xf32>
        %swap3A_149 = vector.shape_cast %max3A_144 : vector<16xf32> to vector<1x16xf32>
        tpu.vector_store %arg11[%swap3A_145, %swap3A_146], %swap3A_149 {strides = array<i32>} : memref<64x64xf32, #tpu.memory_space<vmem>>, vector<1x16xf32>,
        %scan3A_150 = arith.constant 0 : i32
        scf.yield %scan3A_150 : i32
      }
      %scan3A_46 = arith.constant 4 : i32
      %add3A_47 = arith.constant 2 : i32
      %add3A_48 = arith.addi %mul3A_23, %add3A_47 : i32
      %lt3A = arith.constant 16 : i32
      %lt3A_49 = arith.cmpi slt, %add3A_48, %lt3A : i32
      %convert_element_type3A = arith.extui %lt3A_49 : i1 to i32
      %cond3A = arith.constant 0 : i32
      %cond3A_50 = arith.cmpi ne, %convert_element_type3A, %cond3A : i32
      scf.if %cond3A_50 {
        %add3A_66 = arith.constant 2 : i32
        %add3A_67 = arith.addi %mul3A_23, %add3A_66 : i32
        %mul3A_68 = arith.constant 4 : i32
        %mul3A_69 = arith.muli %add3A_67, %mul3A_68 : i32
        %add3A_70 = arith.addi %mul3A_2, %mul3A_69 : i32
        %mul3A_71 = arith.constant 32 : i32
        %mul3A_72 = arith.muli %add3A_70, %mul3A_71 : i32
        "tpu.region"() ({
          %run_scoped3A = tpu.sem_alloc : memref<!tpu.dma_semaphore, #tpu.memory_space<semaphore_mem>>
          %dma_start3A_76 = tpu.memref_slice %arg3[%mul3A_72] : memref<65536xi32, #tpu.memory_space<hbm>> -> memref<128xi32, #tpu.memory_space<hbm>>
          %dma_start3A_77 = tpu.memref_slice %arg3[%mul3A_72] : memref<65536xi32, #tpu.memory_space<hbm>> -> memref<128xi32, #tpu.memory_space<hbm>>
          tpu.enqueue_dma source(%dma_start3A_77 : memref<128xi32, #tpu.memory_space<hbm>>) target(%arg6 : memref<128xi32, #tpu.memory_space<vmem>>) target_semaphore(%run_scoped3A : memref<!tpu.dma_semaphore, #tpu.memory_space<semaphore_mem>>)
          %dma_wait3A_78 = tpu.memref_slice %arg3[%mul3A_72] : memref<65536xi32, #tpu.memory_space<hbm>> -> memref<128xi32, #tpu.memory_space<hbm>>
          %dma_wait3A_79 = tpu.memref_slice %arg3[%mul3A_72] : memref<65536xi32, #tpu.memory_space<hbm>> -> memref<128xi32, #tpu.memory_space<hbm>>
          tpu.wait_dma2 semaphore(%run_scoped3A : memref<!tpu.dma_semaphore, #tpu.memory_space<semaphore_mem>>) src(%dma_wait3A_79 : memref<128xi32, #tpu.memory_space<hbm>>) dst(%arg6 : memref<128xi32, #tpu.memory_space<vmem>>)
          tpu.yield
        }) : () -> ()
        %dma_start3A_73 = arith.constant 0 : i32
        %dma_start3A_74 = arith.constant 0 : i32
        %dma_start3A_75 = tpu.memref_slice %arg2[%dma_start3A_73, %dma_start3A_74] : memref<4096x64xf32, #tpu.memory_space<hbm>> -> memref<4096x64xf32, #tpu.memory_space<hbm>>
        tpu.enqueue_indirect_dma source(%dma_start3A_75 : memref<4096x64xf32, #tpu.memory_space<hbm>>) target(%arg8 : memref<128x64xf32, #tpu.memory_space<vmem>>) offsets(%arg6 : memref<128xi32, #tpu.memory_space<vmem>>) semaphore(%arg12 : memref<!tpu.dma_semaphore, #tpu.memory_space<semaphore_mem>>)
      } else {
      }
      %dma_wait3A_51 = arith.constant 0 : i32
      %dma_wait3A_52 = arith.constant 0 : i32
      %dma_wait3A_53 = tpu.memref_slice %arg2[%dma_wait3A_51, %dma_wait3A_52] : memref<4096x64xf32, #tpu.memory_space<hbm>> -> memref<128x64xf32, #tpu.memory_space<hbm>>
      %dma_wait3A_54 = arith.constant 0 : i32
      %dma_wait3A_55 = arith.constant 0 : i32
      %dma_wait3A_56 = tpu.memref_slice %arg2[%dma_wait3A_54, %dma_wait3A_55] : memref<4096x64xf32, #tpu.memory_space<hbm>> -> memref<128x64xf32, #tpu.memory_space<hbm>>
      tpu.wait_dma2 semaphore(%arg13 : memref<!tpu.dma_semaphore, #tpu.memory_space<semaphore_mem>>) src(%dma_wait3A_56 : memref<128x64xf32, #tpu.memory_space<hbm>>) dst(%arg9 : memref<128x64xf32, #tpu.memory_space<vmem>>)
      %add3A_57 = arith.constant 1 : i32
      %add3A_58 = arith.addi %mul3A_23, %add3A_57 : i32
      %scan3A_59 = arith.constant 0 : i32
      %scan3A_60 = arith.constant 0 : i32
      %scan3A_61 = arith.constant 4 : i32
      %scan3A_62 = arith.addi %scan3A_60, %scan3A_61 : i32
      %scan3A_63 = arith.constant 1 : i32
      %scan3A_64 = scf.for %scan3A_66 = %scan3A_60 to %scan3A_62 step %scan3A_63 iter_args(%scan3A_67 = %scan3A_59) -> (i32)  : i32 {
        %mul3A_68 = arith.constant 32 : i32
        %mul3A_69 = arith.muli %scan3A_66, %mul3A_68 : i32
        %get3A = arith.index_cast %mul3A_69 : i32 to index
        %get3A_70 = arith.constant 0 : index
        %get3A_71 = tpu.vector_load %arg9[%get3A, %get3A_70] {strides = array<i32>} : memref<128x64xf32, #tpu.memory_space<vmem>>, vector<1x16xf32>,
        %get3A_72 = vector.shape_cast %get3A_71 : vector<1x16xf32> to vector<16xf32>
        %mul3A_73 = arith.constant 32 : i32
        %mul3A_74 = arith.muli %scan3A_66, %mul3A_73 : i32
        %get3A_75 = arith.index_cast %mul3A_74 : i32 to index
        %get3A_76 = arith.constant 16 : index
        %get3A_77 = tpu.vector_load %arg9[%get3A_75, %get3A_76] {strides = array<i32>} : memref<128x64xf32, #tpu.memory_space<vmem>>, vector<1x16xf32>,
        %get3A_78 = vector.shape_cast %get3A_77 : vector<1x16xf32> to vector<16xf32>
        %mul3A_79 = arith.constant 32 : i32
        %mul3A_80 = arith.muli %scan3A_66, %mul3A_79 : i32
        %get3A_81 = arith.index_cast %mul3A_80 : i32 to index
        %get3A_82 = arith.constant 32 : index
        %get3A_83 = tpu.vector_load %arg9[%get3A_81, %get3A_82] {strides = array<i32>} : memref<128x64xf32, #tpu.memory_space<vmem>>, vector<1x16xf32>,
        %get3A_84 = vector.shape_cast %get3A_83 : vector<1x16xf32> to vector<16xf32>
        %mul3A_85 = arith.constant 32 : i32
        %mul3A_86 = arith.muli %scan3A_66, %mul3A_85 : i32
        %get3A_87 = arith.index_cast %mul3A_86 : i32 to index
        %get3A_88 = arith.constant 48 : index
        %get3A_89 = tpu.vector_load %arg9[%get3A_87, %get3A_88] {strides = array<i32>} : memref<128x64xf32, #tpu.memory_space<vmem>>, vector<1x16xf32>,
        %get3A_90 = vector.shape_cast %get3A_89 : vector<1x16xf32> to vector<16xf32>
        %scan3A_91 = arith.constant 1 : i32
        %scan3A_92 = arith.constant 31 : i32
        %scan3A_93 = arith.addi %scan3A_91, %scan3A_92 : i32
        %scan3A_94 = arith.constant 1 : i32
        %scan3A_95:4 = scf.for %scan3A_151 = %scan3A_91 to %scan3A_93 step %scan3A_94 iter_args(%scan3A_152 = %get3A_72, %scan3A_153 = %get3A_78, %scan3A_154 = %get3A_84, %scan3A_155 = %get3A_90) -> (vector<16xf32>, vector<16xf32>, vector<16xf32>, vector<16xf32>)  : i32 {
          %mul3A_156 = arith.constant 32 : i32
          %mul3A_157 = arith.muli %scan3A_66, %mul3A_156 : i32
          %add3A_158 = arith.addi %mul3A_157, %scan3A_151 : i32
          %get3A_159 = arith.index_cast %add3A_158 : i32 to index
          %get3A_160 = arith.constant 0 : index
          %get3A_161 = tpu.vector_load %arg9[%get3A_159, %get3A_160] {strides = array<i32>} : memref<128x64xf32, #tpu.memory_space<vmem>>, vector<1x16xf32>,
          %get3A_162 = vector.shape_cast %get3A_161 : vector<1x16xf32> to vector<16xf32>
          %max3A_163 = arith.maximumf %scan3A_152, %get3A_162 : vector<16xf32>
          %mul3A_164 = arith.constant 32 : i32
          %mul3A_165 = arith.muli %scan3A_66, %mul3A_164 : i32
          %add3A_166 = arith.addi %mul3A_165, %scan3A_151 : i32
          %get3A_167 = arith.index_cast %add3A_166 : i32 to index
          %get3A_168 = arith.constant 16 : index
          %get3A_169 = tpu.vector_load %arg9[%get3A_167, %get3A_168] {strides = array<i32>} : memref<128x64xf32, #tpu.memory_space<vmem>>, vector<1x16xf32>,
          %get3A_170 = vector.shape_cast %get3A_169 : vector<1x16xf32> to vector<16xf32>
          %max3A_171 = arith.maximumf %scan3A_153, %get3A_170 : vector<16xf32>
          %mul3A_172 = arith.constant 32 : i32
          %mul3A_173 = arith.muli %scan3A_66, %mul3A_172 : i32
          %add3A_174 = arith.addi %mul3A_173, %scan3A_151 : i32
          %get3A_175 = arith.index_cast %add3A_174 : i32 to index
          %get3A_176 = arith.constant 32 : index
          %get3A_177 = tpu.vector_load %arg9[%get3A_175, %get3A_176] {strides = array<i32>} : memref<128x64xf32, #tpu.memory_space<vmem>>, vector<1x16xf32>,
          %get3A_178 = vector.shape_cast %get3A_177 : vector<1x16xf32> to vector<16xf32>
          %max3A_179 = arith.maximumf %scan3A_154, %get3A_178 : vector<16xf32>
          %mul3A_180 = arith.constant 32 : i32
          %mul3A_181 = arith.muli %scan3A_66, %mul3A_180 : i32
          %add3A_182 = arith.addi %mul3A_181, %scan3A_151 : i32
          %get3A_183 = arith.index_cast %add3A_182 : i32 to index
          %get3A_184 = arith.constant 48 : index
          %get3A_185 = tpu.vector_load %arg9[%get3A_183, %get3A_184] {strides = array<i32>} : memref<128x64xf32, #tpu.memory_space<vmem>>, vector<1x16xf32>,
          %get3A_186 = vector.shape_cast %get3A_185 : vector<1x16xf32> to vector<16xf32>
          %max3A_187 = arith.maximumf %scan3A_155, %get3A_186 : vector<16xf32>
          scf.yield %max3A_163, %max3A_171, %max3A_179, %max3A_187 : vector<16xf32>, vector<16xf32>, vector<16xf32>, vector<16xf32>
        }
        %scan3A_96 = arith.constant 31 : i32
        %mul3A_97 = arith.constant 4 : i32
        %mul3A_98 = arith.muli %add3A_58, %mul3A_97 : i32
        %add3A_99 = arith.addi %mul3A_98, %scan3A_66 : i32
        %get3A_100 = arith.index_cast %add3A_99 : i32 to index
        %get3A_101 = arith.constant 0 : index
        %get3A_102 = tpu.vector_load %arg10[%get3A_100, %get3A_101] {strides = array<i32>} : memref<64x64xf32, #tpu.memory_space<vmem>>, vector<1x16xf32>,
        %get3A_103 = vector.shape_cast %get3A_102 : vector<1x16xf32> to vector<16xf32>
        %add3A_104 = arith.addf %get3A_103, %scan3A_95#0 : vector<16xf32>
        %max3A = arith.constant 0.000000e+00 : f32
        %max3A_105 = vector.broadcast %max3A : f32 to vector<16xf32>
        %max3A_106 = arith.maximumf %add3A_104, %max3A_105 : vector<16xf32>
        %swap3A = arith.index_cast %add3A_99 : i32 to index
        %swap3A_107 = arith.constant 0 : index
        %swap3A_108 = tpu.vector_load %arg11[%swap3A, %swap3A_107] {strides = array<i32>} : memref<64x64xf32, #tpu.memory_space<vmem>>, vector<1x16xf32>,
        %swap3A_109 = vector.shape_cast %swap3A_108 : vector<1x16xf32> to vector<16xf32>
        %swap3A_110 = vector.shape_cast %max3A_106 : vector<16xf32> to vector<1x16xf32>
        tpu.vector_store %arg11[%swap3A, %swap3A_107], %swap3A_110 {strides = array<i32>} : memref<64x64xf32, #tpu.memory_space<vmem>>, vector<1x16xf32>,
        %get3A_111 = arith.index_cast %add3A_99 : i32 to index
        %get3A_112 = arith.constant 16 : index
        %get3A_113 = tpu.vector_load %arg10[%get3A_111, %get3A_112] {strides = array<i32>} : memref<64x64xf32, #tpu.memory_space<vmem>>, vector<1x16xf32>,
        %get3A_114 = vector.shape_cast %get3A_113 : vector<1x16xf32> to vector<16xf32>
        %add3A_115 = arith.addf %get3A_114, %scan3A_95#1 : vector<16xf32>
        %max3A_116 = arith.constant 0.000000e+00 : f32
        %max3A_117 = vector.broadcast %max3A_116 : f32 to vector<16xf32>
        %max3A_118 = arith.maximumf %add3A_115, %max3A_117 : vector<16xf32>
        %swap3A_119 = arith.index_cast %add3A_99 : i32 to index
        %swap3A_120 = arith.constant 16 : index
        %swap3A_121 = tpu.vector_load %arg11[%swap3A_119, %swap3A_120] {strides = array<i32>} : memref<64x64xf32, #tpu.memory_space<vmem>>, vector<1x16xf32>,
        %swap3A_122 = vector.shape_cast %swap3A_121 : vector<1x16xf32> to vector<16xf32>
        %swap3A_123 = vector.shape_cast %max3A_118 : vector<16xf32> to vector<1x16xf32>
        tpu.vector_store %arg11[%swap3A_119, %swap3A_120], %swap3A_123 {strides = array<i32>} : memref<64x64xf32, #tpu.memory_space<vmem>>, vector<1x16xf32>,
        %get3A_124 = arith.index_cast %add3A_99 : i32 to index
        %get3A_125 = arith.constant 32 : index
        %get3A_126 = tpu.vector_load %arg10[%get3A_124, %get3A_125] {strides = array<i32>} : memref<64x64xf32, #tpu.memory_space<vmem>>, vector<1x16xf32>,
        %get3A_127 = vector.shape_cast %get3A_126 : vector<1x16xf32> to vector<16xf32>
        %add3A_128 = arith.addf %get3A_127, %scan3A_95#2 : vector<16xf32>
        %max3A_129 = arith.constant 0.000000e+00 : f32
        %max3A_130 = vector.broadcast %max3A_129 : f32 to vector<16xf32>
        %max3A_131 = arith.maximumf %add3A_128, %max3A_130 : vector<16xf32>
        %swap3A_132 = arith.index_cast %add3A_99 : i32 to index
        %swap3A_133 = arith.constant 32 : index
        %swap3A_134 = tpu.vector_load %arg11[%swap3A_132, %swap3A_133] {strides = array<i32>} : memref<64x64xf32, #tpu.memory_space<vmem>>, vector<1x16xf32>,
        %swap3A_135 = vector.shape_cast %swap3A_134 : vector<1x16xf32> to vector<16xf32>
        %swap3A_136 = vector.shape_cast %max3A_131 : vector<16xf32> to vector<1x16xf32>
        tpu.vector_store %arg11[%swap3A_132, %swap3A_133], %swap3A_136 {strides = array<i32>} : memref<64x64xf32, #tpu.memory_space<vmem>>, vector<1x16xf32>,
        %get3A_137 = arith.index_cast %add3A_99 : i32 to index
        %get3A_138 = arith.constant 48 : index
        %get3A_139 = tpu.vector_load %arg10[%get3A_137, %get3A_138] {strides = array<i32>} : memref<64x64xf32, #tpu.memory_space<vmem>>, vector<1x16xf32>,
        %get3A_140 = vector.shape_cast %get3A_139 : vector<1x16xf32> to vector<16xf32>
        %add3A_141 = arith.addf %get3A_140, %scan3A_95#3 : vector<16xf32>
        %max3A_142 = arith.constant 0.000000e+00 : f32
        %max3A_143 = vector.broadcast %max3A_142 : f32 to vector<16xf32>
        %max3A_144 = arith.maximumf %add3A_141, %max3A_143 : vector<16xf32>
        %swap3A_145 = arith.index_cast %add3A_99 : i32 to index
        %swap3A_146 = arith.constant 48 : index
        %swap3A_147 = tpu.vector_load %arg11[%swap3A_145, %swap3A_146] {strides = array<i32>} : memref<64x64xf32, #tpu.memory_space<vmem>>, vector<1x16xf32>,
        %swap3A_148 = vector.shape_cast %swap3A_147 : vector<1x16xf32> to vector<16xf32>
        %swap3A_149 = vector.shape_cast %max3A_144 : vector<16xf32> to vector<1x16xf32>
        tpu.vector_store %arg11[%swap3A_145, %swap3A_146], %swap3A_149 {strides = array<i32>} : memref<64x64xf32, #tpu.memory_space<vmem>>, vector<1x16xf32>,
        %scan3A_150 = arith.constant 0 : i32
        scf.yield %scan3A_150 : i32
      }
      %scan3A_65 = arith.constant 4 : i32
    }
    %scan3A_20 = arith.constant 8 : i32
    "tpu.region"() ({
      %run_scoped3A = tpu.sem_alloc : memref<!tpu.dma_semaphore, #tpu.memory_space<semaphore_mem>>
      %dma_start3A_21 = arith.constant 0 : i32
      %dma_start3A_22 = tpu.memref_slice %arg5[%mul3A_2, %dma_start3A_21] : memref<2048x64xf32, #tpu.memory_space<hbm>> -> memref<64x64xf32, #tpu.memory_space<hbm>>
      %dma_start3A_23 = arith.constant 0 : i32
      %dma_start3A_24 = tpu.memref_slice %arg5[%mul3A_2, %dma_start3A_23] : memref<2048x64xf32, #tpu.memory_space<hbm>> -> memref<64x64xf32, #tpu.memory_space<hbm>>
      tpu.enqueue_dma source(%arg11 : memref<64x64xf32, #tpu.memory_space<vmem>>) target(%dma_start3A_24 : memref<64x64xf32, #tpu.memory_space<hbm>>) target_semaphore(%run_scoped3A : memref<!tpu.dma_semaphore, #tpu.memory_space<semaphore_mem>>)
      %dma_wait3A_25 = arith.constant 0 : i32
      %dma_wait3A_26 = tpu.memref_slice %arg5[%mul3A_2, %dma_wait3A_25] : memref<2048x64xf32, #tpu.memory_space<hbm>> -> memref<64x64xf32, #tpu.memory_space<hbm>>
      %dma_wait3A_27 = arith.constant 0 : i32
      %dma_wait3A_28 = tpu.memref_slice %arg5[%mul3A_2, %dma_wait3A_27] : memref<2048x64xf32, #tpu.memory_space<hbm>> -> memref<64x64xf32, #tpu.memory_space<hbm>>
      tpu.wait_dma2 semaphore(%run_scoped3A : memref<!tpu.dma_semaphore, #tpu.memory_space<semaphore_mem>>) src(%arg11 : memref<64x64xf32, #tpu.memory_space<vmem>>) dst(%dma_wait3A_28 : memref<64x64xf32, #tpu.memory_space<hbm>>)
      tpu.yield
    }) : () -> ()
    return
  }
}

#map = affine_map<(d0, d1) -> (0, 0)>
#map1 = affine_map<(d0, d1) -> (0)>
module attributes {stable_mosaic.version = 14 : i64} {
  func.func @k(%arg0: i32, %arg1: i32, %arg2: memref<4096x64xf32, #tpu.memory_space<hbm>>, %arg3: memref<65536xi32, #tpu.memory_space<hbm>>, %arg4: memref<2048x64xf32, #tpu.memory_space<hbm>>, %arg5: memref<2048x64xf32, #tpu.memory_space<hbm>>, %arg6: memref<128xi32, #tpu.memory_space<vmem>>, %arg7: memref<128xi32, #tpu.memory_space<vmem>>, %arg8: memref<128x64xf32, #tpu.memory_space<vmem>>, %arg9: memref<128x64xf32, #tpu.memory_space<vmem>>, %arg10: memref<64x64xf32, #tpu.memory_space<vmem>>, %arg11: memref<64x64xf32, #tpu.memory_space<vmem>>, %arg12: memref<!tpu.dma_semaphore, #tpu.memory_space<semaphore_mem>>, %arg13: memref<!tpu.dma_semaphore, #tpu.memory_space<semaphore_mem>>, %arg14: memref<!tpu.dma_semaphore, #tpu.memory_space<semaphore_mem>>) attributes {dimension_semantics = [#tpu.dimension_semantics<core_parallel>, #tpu.dimension_semantics<subcore_parallel>], iteration_bounds = array<i64: 2, 16>, scalar_prefetch = 0 : i64, scratch_operands = 9 : i64, tpu.core_type = #tpu.core_type<sc_vector_subcore>, window_params = [{transform_indices = #map}, {transform_indices = #map1}, {transform_indices = #map}, {transform_indices = #map}]} {
    %mul3A = arith.constant 2 : i32
    %mul3A_0 = arith.muli %arg1, %mul3A : i32
    %add3A = arith.addi %mul3A_0, %arg0 : i32
    %mul3A_1 = arith.constant 64 : i32
    %mul3A_2 = arith.muli %add3A, %mul3A_1 : i32
    %dma_start3A = arith.constant 0 : i32
    %dma_start3A_3 = tpu.memref_slice %arg4[%mul3A_2, %dma_start3A] : memref<2048x64xf32, #tpu.memory_space<hbm>> -> memref<64x64xf32, #tpu.memory_space<hbm>>
    %dma_start3A_4 = arith.constant 0 : i32
    %dma_start3A_5 = tpu.memref_slice %arg4[%mul3A_2, %dma_start3A_4] : memref<2048x64xf32, #tpu.memory_space<hbm>> -> memref<64x64xf32, #tpu.memory_space<hbm>>
    tpu.enqueue_dma source(%dma_start3A_5 : memref<64x64xf32, #tpu.memory_space<hbm>>) target(%arg10 : memref<64x64xf32, #tpu.memory_space<vmem>>) target_semaphore(%arg14 : memref<!tpu.dma_semaphore, #tpu.memory_space<semaphore_mem>>)
    %add3A_6 = arith.constant 0 : i32
    %add3A_7 = arith.addi %mul3A_2, %add3A_6 : i32
    %mul3A_8 = arith.constant 32 : i32
    %mul3A_9 = arith.muli %add3A_7, %mul3A_8 : i32
    "tpu.region"() ({
      %run_scoped3A = tpu.sem_alloc : memref<!tpu.dma_semaphore, #tpu.memory_space<semaphore_mem>>
      %dma_start3A_21 = tpu.memref_slice %arg3[%mul3A_9] : memref<65536xi32, #tpu.memory_space<hbm>> -> memref<128xi32, #tpu.memory_space<hbm>>
      %dma_start3A_22 = tpu.memref_slice %arg3[%mul3A_9] : memref<65536xi32, #tpu.memory_space<hbm>> -> memref<128xi32, #tpu.memory_space<hbm>>
      tpu.enqueue_dma source(%dma_start3A_22 : memref<128xi32, #tpu.memory_space<hbm>>) target(%arg6 : memref<128xi32, #tpu.memory_space<vmem>>) target_semaphore(%run_scoped3A : memref<!tpu.dma_semaphore, #tpu.memory_space<semaphore_mem>>)
      %dma_wait3A_23 = tpu.memref_slice %arg3[%mul3A_9] : memref<65536xi32, #tpu.memory_space<hbm>> -> memref<128xi32, #tpu.memory_space<hbm>>
      %dma_wait3A_24 = tpu.memref_slice %arg3[%mul3A_9] : memref<65536xi32, #tpu.memory_space<hbm>> -> memref<128xi32, #tpu.memory_space<hbm>>
      tpu.wait_dma2 semaphore(%run_scoped3A : memref<!tpu.dma_semaphore, #tpu.memory_space<semaphore_mem>>) src(%dma_wait3A_24 : memref<128xi32, #tpu.memory_space<hbm>>) dst(%arg6 : memref<128xi32, #tpu.memory_space<vmem>>)
      tpu.yield
    }) : () -> ()
    %dma_start3A_10 = arith.constant 0 : i32
    %dma_start3A_11 = arith.constant 0 : i32
    %dma_start3A_12 = tpu.memref_slice %arg2[%dma_start3A_10, %dma_start3A_11] : memref<4096x64xf32, #tpu.memory_space<hbm>> -> memref<4096x64xf32, #tpu.memory_space<hbm>>
    tpu.enqueue_indirect_dma source(%dma_start3A_12 : memref<4096x64xf32, #tpu.memory_space<hbm>>) target(%arg8 : memref<128x64xf32, #tpu.memory_space<vmem>>) offsets(%arg6 : memref<128xi32, #tpu.memory_space<vmem>>) semaphore(%arg12 : memref<!tpu.dma_semaphore, #tpu.memory_space<semaphore_mem>>)
    %dma_wait3A = arith.constant 0 : i32
    %dma_wait3A_13 = tpu.memref_slice %arg4[%mul3A_2, %dma_wait3A] : memref<2048x64xf32, #tpu.memory_space<hbm>> -> memref<64x64xf32, #tpu.memory_space<hbm>>
    %dma_wait3A_14 = arith.constant 0 : i32
    %dma_wait3A_15 = tpu.memref_slice %arg4[%mul3A_2, %dma_wait3A_14] : memref<2048x64xf32, #tpu.memory_space<hbm>> -> memref<64x64xf32, #tpu.memory_space<hbm>>
    tpu.wait_dma2 semaphore(%arg14 : memref<!tpu.dma_semaphore, #tpu.memory_space<semaphore_mem>>) src(%dma_wait3A_15 : memref<64x64xf32, #tpu.memory_space<hbm>>) dst(%arg10 : memref<64x64xf32, #tpu.memory_space<vmem>>)
    %scan3A = arith.constant 0 : i32
    %scan3A_16 = arith.constant 0 : i32
    %scan3A_17 = arith.constant 8 : i32
    %scan3A_18 = arith.addi %scan3A_16, %scan3A_17 : i32
    %scan3A_19 = arith.constant 1 : i32
    scf.for %scan3A_21 = %scan3A_16 to %scan3A_18 step %scan3A_19  : i32 {
      %mul3A_22 = arith.constant 2 : i32
      %mul3A_23 = arith.muli %mul3A_22, %scan3A_21 : i32
      %add3A_24 = arith.constant 1 : i32
      %add3A_25 = arith.addi %mul3A_23, %add3A_24 : i32
      %mul3A_26 = arith.constant 4 : i32
      %mul3A_27 = arith.muli %add3A_25, %mul3A_26 : i32
      %add3A_28 = arith.addi %mul3A_2, %mul3A_27 : i32
      %mul3A_29 = arith.constant 32 : i32
      %mul3A_30 = arith.muli %add3A_28, %mul3A_29 : i32
      "tpu.region"() ({
        %run_scoped3A = tpu.sem_alloc : memref<!tpu.dma_semaphore, #tpu.memory_space<semaphore_mem>>
        %dma_start3A_66 = tpu.memref_slice %arg3[%mul3A_30] : memref<65536xi32, #tpu.memory_space<hbm>> -> memref<128xi32, #tpu.memory_space<hbm>>
        %dma_start3A_67 = tpu.memref_slice %arg3[%mul3A_30] : memref<65536xi32, #tpu.memory_space<hbm>> -> memref<128xi32, #tpu.memory_space<hbm>>
        tpu.enqueue_dma source(%dma_start3A_67 : memref<128xi32, #tpu.memory_space<hbm>>) target(%arg7 : memref<128xi32, #tpu.memory_space<vmem>>) target_semaphore(%run_scoped3A : memref<!tpu.dma_semaphore, #tpu.memory_space<semaphore_mem>>)
        %dma_wait3A_68 = tpu.memref_slice %arg3[%mul3A_30] : memref<65536xi32, #tpu.memory_space<hbm>> -> memref<128xi32, #tpu.memory_space<hbm>>
        %dma_wait3A_69 = tpu.memref_slice %arg3[%mul3A_30] : memref<65536xi32, #tpu.memory_space<hbm>> -> memref<128xi32, #tpu.memory_space<hbm>>
        tpu.wait_dma2 semaphore(%run_scoped3A : memref<!tpu.dma_semaphore, #tpu.memory_space<semaphore_mem>>) src(%dma_wait3A_69 : memref<128xi32, #tpu.memory_space<hbm>>) dst(%arg7 : memref<128xi32, #tpu.memory_space<vmem>>)
        tpu.yield
      }) : () -> ()
      %dma_start3A_31 = arith.constant 0 : i32
      %dma_start3A_32 = arith.constant 0 : i32
      %dma_start3A_33 = tpu.memref_slice %arg2[%dma_start3A_31, %dma_start3A_32] : memref<4096x64xf32, #tpu.memory_space<hbm>> -> memref<4096x64xf32, #tpu.memory_space<hbm>>
      tpu.enqueue_indirect_dma source(%dma_start3A_33 : memref<4096x64xf32, #tpu.memory_space<hbm>>) target(%arg9 : memref<128x64xf32, #tpu.memory_space<vmem>>) offsets(%arg7 : memref<128xi32, #tpu.memory_space<vmem>>) semaphore(%arg13 : memref<!tpu.dma_semaphore, #tpu.memory_space<semaphore_mem>>)
      %dma_wait3A_34 = arith.constant 0 : i32
      %dma_wait3A_35 = arith.constant 0 : i32
      %dma_wait3A_36 = tpu.memref_slice %arg2[%dma_wait3A_34, %dma_wait3A_35] : memref<4096x64xf32, #tpu.memory_space<hbm>> -> memref<128x64xf32, #tpu.memory_space<hbm>>
      %dma_wait3A_37 = arith.constant 0 : i32
      %dma_wait3A_38 = arith.constant 0 : i32
      %dma_wait3A_39 = tpu.memref_slice %arg2[%dma_wait3A_37, %dma_wait3A_38] : memref<4096x64xf32, #tpu.memory_space<hbm>> -> memref<128x64xf32, #tpu.memory_space<hbm>>
      tpu.wait_dma2 semaphore(%arg12 : memref<!tpu.dma_semaphore, #tpu.memory_space<semaphore_mem>>) src(%dma_wait3A_39 : memref<128x64xf32, #tpu.memory_space<hbm>>) dst(%arg8 : memref<128x64xf32, #tpu.memory_space<vmem>>)
      %scan3A_40 = arith.constant 0 : i32
      %scan3A_41 = arith.constant 0 : i32
      %scan3A_42 = arith.constant 4 : i32
      %scan3A_43 = arith.addi %scan3A_41, %scan3A_42 : i32
      %scan3A_44 = arith.constant 1 : i32
      %scan3A_45 = scf.for %scan3A_66 = %scan3A_41 to %scan3A_43 step %scan3A_44 iter_args(%scan3A_67 = %scan3A_40) -> (i32)  : i32 {
        %mul3A_68 = arith.constant 32 : i32
        %mul3A_69 = arith.muli %scan3A_66, %mul3A_68 : i32
        %get3A = arith.index_cast %mul3A_69 : i32 to index
        %get3A_70 = arith.constant 0 : index
        %get3A_71 = tpu.vector_load %arg8[%get3A, %get3A_70] {strides = array<i32>} : memref<128x64xf32, #tpu.memory_space<vmem>>, vector<1x16xf32>,
        %get3A_72 = vector.shape_cast %get3A_71 : vector<1x16xf32> to vector<16xf32>
        %mul3A_73 = arith.constant 32 : i32
        %mul3A_74 = arith.muli %scan3A_66, %mul3A_73 : i32
        %get3A_75 = arith.index_cast %mul3A_74 : i32 to index
        %get3A_76 = arith.constant 16 : index
        %get3A_77 = tpu.vector_load %arg8[%get3A_75, %get3A_76] {strides = array<i32>} : memref<128x64xf32, #tpu.memory_space<vmem>>, vector<1x16xf32>,
        %get3A_78 = vector.shape_cast %get3A_77 : vector<1x16xf32> to vector<16xf32>
        %mul3A_79 = arith.constant 32 : i32
        %mul3A_80 = arith.muli %scan3A_66, %mul3A_79 : i32
        %get3A_81 = arith.index_cast %mul3A_80 : i32 to index
        %get3A_82 = arith.constant 32 : index
        %get3A_83 = tpu.vector_load %arg8[%get3A_81, %get3A_82] {strides = array<i32>} : memref<128x64xf32, #tpu.memory_space<vmem>>, vector<1x16xf32>,
        %get3A_84 = vector.shape_cast %get3A_83 : vector<1x16xf32> to vector<16xf32>
        %mul3A_85 = arith.constant 32 : i32
        %mul3A_86 = arith.muli %scan3A_66, %mul3A_85 : i32
        %get3A_87 = arith.index_cast %mul3A_86 : i32 to index
        %get3A_88 = arith.constant 48 : index
        %get3A_89 = tpu.vector_load %arg8[%get3A_87, %get3A_88] {strides = array<i32>} : memref<128x64xf32, #tpu.memory_space<vmem>>, vector<1x16xf32>,
        %get3A_90 = vector.shape_cast %get3A_89 : vector<1x16xf32> to vector<16xf32>
        %scan3A_91 = arith.constant 1 : i32
        %scan3A_92 = arith.constant 31 : i32
        %scan3A_93 = arith.addi %scan3A_91, %scan3A_92 : i32
        %scan3A_94 = arith.constant 1 : i32
        %scan3A_95:4 = scf.for %scan3A_151 = %scan3A_91 to %scan3A_93 step %scan3A_94 iter_args(%scan3A_152 = %get3A_72, %scan3A_153 = %get3A_78, %scan3A_154 = %get3A_84, %scan3A_155 = %get3A_90) -> (vector<16xf32>, vector<16xf32>, vector<16xf32>, vector<16xf32>)  : i32 {
          %mul3A_156 = arith.constant 32 : i32
          %mul3A_157 = arith.muli %scan3A_66, %mul3A_156 : i32
          %add3A_158 = arith.addi %mul3A_157, %scan3A_151 : i32
          %get3A_159 = arith.index_cast %add3A_158 : i32 to index
          %get3A_160 = arith.constant 0 : index
          %get3A_161 = tpu.vector_load %arg8[%get3A_159, %get3A_160] {strides = array<i32>} : memref<128x64xf32, #tpu.memory_space<vmem>>, vector<1x16xf32>,
          %get3A_162 = vector.shape_cast %get3A_161 : vector<1x16xf32> to vector<16xf32>
          %max3A_163 = arith.maximumf %scan3A_152, %get3A_162 : vector<16xf32>
          %mul3A_164 = arith.constant 32 : i32
          %mul3A_165 = arith.muli %scan3A_66, %mul3A_164 : i32
          %add3A_166 = arith.addi %mul3A_165, %scan3A_151 : i32
          %get3A_167 = arith.index_cast %add3A_166 : i32 to index
          %get3A_168 = arith.constant 16 : index
          %get3A_169 = tpu.vector_load %arg8[%get3A_167, %get3A_168] {strides = array<i32>} : memref<128x64xf32, #tpu.memory_space<vmem>>, vector<1x16xf32>,
          %get3A_170 = vector.shape_cast %get3A_169 : vector<1x16xf32> to vector<16xf32>
          %max3A_171 = arith.maximumf %scan3A_153, %get3A_170 : vector<16xf32>
          %mul3A_172 = arith.constant 32 : i32
          %mul3A_173 = arith.muli %scan3A_66, %mul3A_172 : i32
          %add3A_174 = arith.addi %mul3A_173, %scan3A_151 : i32
          %get3A_175 = arith.index_cast %add3A_174 : i32 to index
          %get3A_176 = arith.constant 32 : index
          %get3A_177 = tpu.vector_load %arg8[%get3A_175, %get3A_176] {strides = array<i32>} : memref<128x64xf32, #tpu.memory_space<vmem>>, vector<1x16xf32>,
          %get3A_178 = vector.shape_cast %get3A_177 : vector<1x16xf32> to vector<16xf32>
          %max3A_179 = arith.maximumf %scan3A_154, %get3A_178 : vector<16xf32>
          %mul3A_180 = arith.constant 32 : i32
          %mul3A_181 = arith.muli %scan3A_66, %mul3A_180 : i32
          %add3A_182 = arith.addi %mul3A_181, %scan3A_151 : i32
          %get3A_183 = arith.index_cast %add3A_182 : i32 to index
          %get3A_184 = arith.constant 48 : index
          %get3A_185 = tpu.vector_load %arg8[%get3A_183, %get3A_184] {strides = array<i32>} : memref<128x64xf32, #tpu.memory_space<vmem>>, vector<1x16xf32>,
          %get3A_186 = vector.shape_cast %get3A_185 : vector<1x16xf32> to vector<16xf32>
          %max3A_187 = arith.maximumf %scan3A_155, %get3A_186 : vector<16xf32>
          scf.yield %max3A_163, %max3A_171, %max3A_179, %max3A_187 : vector<16xf32>, vector<16xf32>, vector<16xf32>, vector<16xf32>
        }
        %scan3A_96 = arith.constant 31 : i32
        %mul3A_97 = arith.constant 4 : i32
        %mul3A_98 = arith.muli %mul3A_23, %mul3A_97 : i32
        %add3A_99 = arith.addi %mul3A_98, %scan3A_66 : i32
        %get3A_100 = arith.index_cast %add3A_99 : i32 to index
        %get3A_101 = arith.constant 0 : index
        %get3A_102 = tpu.vector_load %arg10[%get3A_100, %get3A_101] {strides = array<i32>} : memref<64x64xf32, #tpu.memory_space<vmem>>, vector<1x16xf32>,
        %get3A_103 = vector.shape_cast %get3A_102 : vector<1x16xf32> to vector<16xf32>
        %add3A_104 = arith.addf %get3A_103, %scan3A_95#0 : vector<16xf32>
        %max3A = arith.constant 0.000000e+00 : f32
        %max3A_105 = vector.broadcast %max3A : f32 to vector<16xf32>
        %max3A_106 = arith.maximumf %add3A_104, %max3A_105 : vector<16xf32>
        %swap3A = arith.index_cast %add3A_99 : i32 to index
        %swap3A_107 = arith.constant 0 : index
        %swap3A_108 = tpu.vector_load %arg11[%swap3A, %swap3A_107] {strides = array<i32>} : memref<64x64xf32, #tpu.memory_space<vmem>>, vector<1x16xf32>,
        %swap3A_109 = vector.shape_cast %swap3A_108 : vector<1x16xf32> to vector<16xf32>
        %swap3A_110 = vector.shape_cast %max3A_106 : vector<16xf32> to vector<1x16xf32>
        tpu.vector_store %arg11[%swap3A, %swap3A_107], %swap3A_110 {strides = array<i32>} : memref<64x64xf32, #tpu.memory_space<vmem>>, vector<1x16xf32>,
        %get3A_111 = arith.index_cast %add3A_99 : i32 to index
        %get3A_112 = arith.constant 16 : index
        %get3A_113 = tpu.vector_load %arg10[%get3A_111, %get3A_112] {strides = array<i32>} : memref<64x64xf32, #tpu.memory_space<vmem>>, vector<1x16xf32>,
        %get3A_114 = vector.shape_cast %get3A_113 : vector<1x16xf32> to vector<16xf32>
        %add3A_115 = arith.addf %get3A_114, %scan3A_95#1 : vector<16xf32>
        %max3A_116 = arith.constant 0.000000e+00 : f32
        %max3A_117 = vector.broadcast %max3A_116 : f32 to vector<16xf32>
        %max3A_118 = arith.maximumf %add3A_115, %max3A_117 : vector<16xf32>
        %swap3A_119 = arith.index_cast %add3A_99 : i32 to index
        %swap3A_120 = arith.constant 16 : index
        %swap3A_121 = tpu.vector_load %arg11[%swap3A_119, %swap3A_120] {strides = array<i32>} : memref<64x64xf32, #tpu.memory_space<vmem>>, vector<1x16xf32>,
        %swap3A_122 = vector.shape_cast %swap3A_121 : vector<1x16xf32> to vector<16xf32>
        %swap3A_123 = vector.shape_cast %max3A_118 : vector<16xf32> to vector<1x16xf32>
        tpu.vector_store %arg11[%swap3A_119, %swap3A_120], %swap3A_123 {strides = array<i32>} : memref<64x64xf32, #tpu.memory_space<vmem>>, vector<1x16xf32>,
        %get3A_124 = arith.index_cast %add3A_99 : i32 to index
        %get3A_125 = arith.constant 32 : index
        %get3A_126 = tpu.vector_load %arg10[%get3A_124, %get3A_125] {strides = array<i32>} : memref<64x64xf32, #tpu.memory_space<vmem>>, vector<1x16xf32>,
        %get3A_127 = vector.shape_cast %get3A_126 : vector<1x16xf32> to vector<16xf32>
        %add3A_128 = arith.addf %get3A_127, %scan3A_95#2 : vector<16xf32>
        %max3A_129 = arith.constant 0.000000e+00 : f32
        %max3A_130 = vector.broadcast %max3A_129 : f32 to vector<16xf32>
        %max3A_131 = arith.maximumf %add3A_128, %max3A_130 : vector<16xf32>
        %swap3A_132 = arith.index_cast %add3A_99 : i32 to index
        %swap3A_133 = arith.constant 32 : index
        %swap3A_134 = tpu.vector_load %arg11[%swap3A_132, %swap3A_133] {strides = array<i32>} : memref<64x64xf32, #tpu.memory_space<vmem>>, vector<1x16xf32>,
        %swap3A_135 = vector.shape_cast %swap3A_134 : vector<1x16xf32> to vector<16xf32>
        %swap3A_136 = vector.shape_cast %max3A_131 : vector<16xf32> to vector<1x16xf32>
        tpu.vector_store %arg11[%swap3A_132, %swap3A_133], %swap3A_136 {strides = array<i32>} : memref<64x64xf32, #tpu.memory_space<vmem>>, vector<1x16xf32>,
        %get3A_137 = arith.index_cast %add3A_99 : i32 to index
        %get3A_138 = arith.constant 48 : index
        %get3A_139 = tpu.vector_load %arg10[%get3A_137, %get3A_138] {strides = array<i32>} : memref<64x64xf32, #tpu.memory_space<vmem>>, vector<1x16xf32>,
        %get3A_140 = vector.shape_cast %get3A_139 : vector<1x16xf32> to vector<16xf32>
        %add3A_141 = arith.addf %get3A_140, %scan3A_95#3 : vector<16xf32>
        %max3A_142 = arith.constant 0.000000e+00 : f32
        %max3A_143 = vector.broadcast %max3A_142 : f32 to vector<16xf32>
        %max3A_144 = arith.maximumf %add3A_141, %max3A_143 : vector<16xf32>
        %swap3A_145 = arith.index_cast %add3A_99 : i32 to index
        %swap3A_146 = arith.constant 48 : index
        %swap3A_147 = tpu.vector_load %arg11[%swap3A_145, %swap3A_146] {strides = array<i32>} : memref<64x64xf32, #tpu.memory_space<vmem>>, vector<1x16xf32>,
        %swap3A_148 = vector.shape_cast %swap3A_147 : vector<1x16xf32> to vector<16xf32>
        %swap3A_149 = vector.shape_cast %max3A_144 : vector<16xf32> to vector<1x16xf32>
        tpu.vector_store %arg11[%swap3A_145, %swap3A_146], %swap3A_149 {strides = array<i32>} : memref<64x64xf32, #tpu.memory_space<vmem>>, vector<1x16xf32>,
        %scan3A_150 = arith.constant 0 : i32
        scf.yield %scan3A_150 : i32
      }
      %scan3A_46 = arith.constant 4 : i32
      %add3A_47 = arith.constant 2 : i32
      %add3A_48 = arith.addi %mul3A_23, %add3A_47 : i32
      %lt3A = arith.constant 16 : i32
      %lt3A_49 = arith.cmpi slt, %add3A_48, %lt3A : i32
      %convert_element_type3A = arith.extui %lt3A_49 : i1 to i32
      %cond3A = arith.constant 0 : i32
      %cond3A_50 = arith.cmpi ne, %convert_element_type3A, %cond3A : i32
      scf.if %cond3A_50 {
        %add3A_66 = arith.constant 2 : i32
        %add3A_67 = arith.addi %mul3A_23, %add3A_66 : i32
        %mul3A_68 = arith.constant 4 : i32
        %mul3A_69 = arith.muli %add3A_67, %mul3A_68 : i32
        %add3A_70 = arith.addi %mul3A_2, %mul3A_69 : i32
        %mul3A_71 = arith.constant 32 : i32
        %mul3A_72 = arith.muli %add3A_70, %mul3A_71 : i32
        "tpu.region"() ({
          %run_scoped3A = tpu.sem_alloc : memref<!tpu.dma_semaphore, #tpu.memory_space<semaphore_mem>>
          %dma_start3A_76 = tpu.memref_slice %arg3[%mul3A_72] : memref<65536xi32, #tpu.memory_space<hbm>> -> memref<128xi32, #tpu.memory_space<hbm>>
          %dma_start3A_77 = tpu.memref_slice %arg3[%mul3A_72] : memref<65536xi32, #tpu.memory_space<hbm>> -> memref<128xi32, #tpu.memory_space<hbm>>
          tpu.enqueue_dma source(%dma_start3A_77 : memref<128xi32, #tpu.memory_space<hbm>>) target(%arg6 : memref<128xi32, #tpu.memory_space<vmem>>) target_semaphore(%run_scoped3A : memref<!tpu.dma_semaphore, #tpu.memory_space<semaphore_mem>>)
          %dma_wait3A_78 = tpu.memref_slice %arg3[%mul3A_72] : memref<65536xi32, #tpu.memory_space<hbm>> -> memref<128xi32, #tpu.memory_space<hbm>>
          %dma_wait3A_79 = tpu.memref_slice %arg3[%mul3A_72] : memref<65536xi32, #tpu.memory_space<hbm>> -> memref<128xi32, #tpu.memory_space<hbm>>
          tpu.wait_dma2 semaphore(%run_scoped3A : memref<!tpu.dma_semaphore, #tpu.memory_space<semaphore_mem>>) src(%dma_wait3A_79 : memref<128xi32, #tpu.memory_space<hbm>>) dst(%arg6 : memref<128xi32, #tpu.memory_space<vmem>>)
          tpu.yield
        }) : () -> ()
        %dma_start3A_73 = arith.constant 0 : i32
        %dma_start3A_74 = arith.constant 0 : i32
        %dma_start3A_75 = tpu.memref_slice %arg2[%dma_start3A_73, %dma_start3A_74] : memref<4096x64xf32, #tpu.memory_space<hbm>> -> memref<4096x64xf32, #tpu.memory_space<hbm>>
        tpu.enqueue_indirect_dma source(%dma_start3A_75 : memref<4096x64xf32, #tpu.memory_space<hbm>>) target(%arg8 : memref<128x64xf32, #tpu.memory_space<vmem>>) offsets(%arg6 : memref<128xi32, #tpu.memory_space<vmem>>) semaphore(%arg12 : memref<!tpu.dma_semaphore, #tpu.memory_space<semaphore_mem>>)
      } else {
      }
      %dma_wait3A_51 = arith.constant 0 : i32
      %dma_wait3A_52 = arith.constant 0 : i32
      %dma_wait3A_53 = tpu.memref_slice %arg2[%dma_wait3A_51, %dma_wait3A_52] : memref<4096x64xf32, #tpu.memory_space<hbm>> -> memref<128x64xf32, #tpu.memory_space<hbm>>
      %dma_wait3A_54 = arith.constant 0 : i32
      %dma_wait3A_55 = arith.constant 0 : i32
      %dma_wait3A_56 = tpu.memref_slice %arg2[%dma_wait3A_54, %dma_wait3A_55] : memref<4096x64xf32, #tpu.memory_space<hbm>> -> memref<128x64xf32, #tpu.memory_space<hbm>>
      tpu.wait_dma2 semaphore(%arg13 : memref<!tpu.dma_semaphore, #tpu.memory_space<semaphore_mem>>) src(%dma_wait3A_56 : memref<128x64xf32, #tpu.memory_space<hbm>>) dst(%arg9 : memref<128x64xf32, #tpu.memory_space<vmem>>)
      %add3A_57 = arith.constant 1 : i32
      %add3A_58 = arith.addi %mul3A_23, %add3A_57 : i32
      %scan3A_59 = arith.constant 0 : i32
      %scan3A_60 = arith.constant 0 : i32
      %scan3A_61 = arith.constant 4 : i32
      %scan3A_62 = arith.addi %scan3A_60, %scan3A_61 : i32
      %scan3A_63 = arith.constant 1 : i32
      %scan3A_64 = scf.for %scan3A_66 = %scan3A_60 to %scan3A_62 step %scan3A_63 iter_args(%scan3A_67 = %scan3A_59) -> (i32)  : i32 {
        %mul3A_68 = arith.constant 32 : i32
        %mul3A_69 = arith.muli %scan3A_66, %mul3A_68 : i32
        %get3A = arith.index_cast %mul3A_69 : i32 to index
        %get3A_70 = arith.constant 0 : index
        %get3A_71 = tpu.vector_load %arg9[%get3A, %get3A_70] {strides = array<i32>} : memref<128x64xf32, #tpu.memory_space<vmem>>, vector<1x16xf32>,
        %get3A_72 = vector.shape_cast %get3A_71 : vector<1x16xf32> to vector<16xf32>
        %mul3A_73 = arith.constant 32 : i32
        %mul3A_74 = arith.muli %scan3A_66, %mul3A_73 : i32
        %get3A_75 = arith.index_cast %mul3A_74 : i32 to index
        %get3A_76 = arith.constant 16 : index
        %get3A_77 = tpu.vector_load %arg9[%get3A_75, %get3A_76] {strides = array<i32>} : memref<128x64xf32, #tpu.memory_space<vmem>>, vector<1x16xf32>,
        %get3A_78 = vector.shape_cast %get3A_77 : vector<1x16xf32> to vector<16xf32>
        %mul3A_79 = arith.constant 32 : i32
        %mul3A_80 = arith.muli %scan3A_66, %mul3A_79 : i32
        %get3A_81 = arith.index_cast %mul3A_80 : i32 to index
        %get3A_82 = arith.constant 32 : index
        %get3A_83 = tpu.vector_load %arg9[%get3A_81, %get3A_82] {strides = array<i32>} : memref<128x64xf32, #tpu.memory_space<vmem>>, vector<1x16xf32>,
        %get3A_84 = vector.shape_cast %get3A_83 : vector<1x16xf32> to vector<16xf32>
        %mul3A_85 = arith.constant 32 : i32
        %mul3A_86 = arith.muli %scan3A_66, %mul3A_85 : i32
        %get3A_87 = arith.index_cast %mul3A_86 : i32 to index
        %get3A_88 = arith.constant 48 : index
        %get3A_89 = tpu.vector_load %arg9[%get3A_87, %get3A_88] {strides = array<i32>} : memref<128x64xf32, #tpu.memory_space<vmem>>, vector<1x16xf32>,
        %get3A_90 = vector.shape_cast %get3A_89 : vector<1x16xf32> to vector<16xf32>
        %scan3A_91 = arith.constant 1 : i32
        %scan3A_92 = arith.constant 31 : i32
        %scan3A_93 = arith.addi %scan3A_91, %scan3A_92 : i32
        %scan3A_94 = arith.constant 1 : i32
        %scan3A_95:4 = scf.for %scan3A_151 = %scan3A_91 to %scan3A_93 step %scan3A_94 iter_args(%scan3A_152 = %get3A_72, %scan3A_153 = %get3A_78, %scan3A_154 = %get3A_84, %scan3A_155 = %get3A_90) -> (vector<16xf32>, vector<16xf32>, vector<16xf32>, vector<16xf32>)  : i32 {
          %mul3A_156 = arith.constant 32 : i32
          %mul3A_157 = arith.muli %scan3A_66, %mul3A_156 : i32
          %add3A_158 = arith.addi %mul3A_157, %scan3A_151 : i32
          %get3A_159 = arith.index_cast %add3A_158 : i32 to index
          %get3A_160 = arith.constant 0 : index
          %get3A_161 = tpu.vector_load %arg9[%get3A_159, %get3A_160] {strides = array<i32>} : memref<128x64xf32, #tpu.memory_space<vmem>>, vector<1x16xf32>,
          %get3A_162 = vector.shape_cast %get3A_161 : vector<1x16xf32> to vector<16xf32>
          %max3A_163 = arith.maximumf %scan3A_152, %get3A_162 : vector<16xf32>
          %mul3A_164 = arith.constant 32 : i32
          %mul3A_165 = arith.muli %scan3A_66, %mul3A_164 : i32
          %add3A_166 = arith.addi %mul3A_165, %scan3A_151 : i32
          %get3A_167 = arith.index_cast %add3A_166 : i32 to index
          %get3A_168 = arith.constant 16 : index
          %get3A_169 = tpu.vector_load %arg9[%get3A_167, %get3A_168] {strides = array<i32>} : memref<128x64xf32, #tpu.memory_space<vmem>>, vector<1x16xf32>,
          %get3A_170 = vector.shape_cast %get3A_169 : vector<1x16xf32> to vector<16xf32>
          %max3A_171 = arith.maximumf %scan3A_153, %get3A_170 : vector<16xf32>
          %mul3A_172 = arith.constant 32 : i32
          %mul3A_173 = arith.muli %scan3A_66, %mul3A_172 : i32
          %add3A_174 = arith.addi %mul3A_173, %scan3A_151 : i32
          %get3A_175 = arith.index_cast %add3A_174 : i32 to index
          %get3A_176 = arith.constant 32 : index
          %get3A_177 = tpu.vector_load %arg9[%get3A_175, %get3A_176] {strides = array<i32>} : memref<128x64xf32, #tpu.memory_space<vmem>>, vector<1x16xf32>,
          %get3A_178 = vector.shape_cast %get3A_177 : vector<1x16xf32> to vector<16xf32>
          %max3A_179 = arith.maximumf %scan3A_154, %get3A_178 : vector<16xf32>
          %mul3A_180 = arith.constant 32 : i32
          %mul3A_181 = arith.muli %scan3A_66, %mul3A_180 : i32
          %add3A_182 = arith.addi %mul3A_181, %scan3A_151 : i32
          %get3A_183 = arith.index_cast %add3A_182 : i32 to index
          %get3A_184 = arith.constant 48 : index
          %get3A_185 = tpu.vector_load %arg9[%get3A_183, %get3A_184] {strides = array<i32>} : memref<128x64xf32, #tpu.memory_space<vmem>>, vector<1x16xf32>,
          %get3A_186 = vector.shape_cast %get3A_185 : vector<1x16xf32> to vector<16xf32>
          %max3A_187 = arith.maximumf %scan3A_155, %get3A_186 : vector<16xf32>
          scf.yield %max3A_163, %max3A_171, %max3A_179, %max3A_187 : vector<16xf32>, vector<16xf32>, vector<16xf32>, vector<16xf32>
        }
        %scan3A_96 = arith.constant 31 : i32
        %mul3A_97 = arith.constant 4 : i32
        %mul3A_98 = arith.muli %add3A_58, %mul3A_97 : i32
        %add3A_99 = arith.addi %mul3A_98, %scan3A_66 : i32
        %get3A_100 = arith.index_cast %add3A_99 : i32 to index
        %get3A_101 = arith.constant 0 : index
        %get3A_102 = tpu.vector_load %arg10[%get3A_100, %get3A_101] {strides = array<i32>} : memref<64x64xf32, #tpu.memory_space<vmem>>, vector<1x16xf32>,
        %get3A_103 = vector.shape_cast %get3A_102 : vector<1x16xf32> to vector<16xf32>
        %add3A_104 = arith.addf %get3A_103, %scan3A_95#0 : vector<16xf32>
        %max3A = arith.constant 0.000000e+00 : f32
        %max3A_105 = vector.broadcast %max3A : f32 to vector<16xf32>
        %max3A_106 = arith.maximumf %add3A_104, %max3A_105 : vector<16xf32>
        %swap3A = arith.index_cast %add3A_99 : i32 to index
        %swap3A_107 = arith.constant 0 : index
        %swap3A_108 = tpu.vector_load %arg11[%swap3A, %swap3A_107] {strides = array<i32>} : memref<64x64xf32, #tpu.memory_space<vmem>>, vector<1x16xf32>,
        %swap3A_109 = vector.shape_cast %swap3A_108 : vector<1x16xf32> to vector<16xf32>
        %swap3A_110 = vector.shape_cast %max3A_106 : vector<16xf32> to vector<1x16xf32>
        tpu.vector_store %arg11[%swap3A, %swap3A_107], %swap3A_110 {strides = array<i32>} : memref<64x64xf32, #tpu.memory_space<vmem>>, vector<1x16xf32>,
        %get3A_111 = arith.index_cast %add3A_99 : i32 to index
        %get3A_112 = arith.constant 16 : index
        %get3A_113 = tpu.vector_load %arg10[%get3A_111, %get3A_112] {strides = array<i32>} : memref<64x64xf32, #tpu.memory_space<vmem>>, vector<1x16xf32>,
        %get3A_114 = vector.shape_cast %get3A_113 : vector<1x16xf32> to vector<16xf32>
        %add3A_115 = arith.addf %get3A_114, %scan3A_95#1 : vector<16xf32>
        %max3A_116 = arith.constant 0.000000e+00 : f32
        %max3A_117 = vector.broadcast %max3A_116 : f32 to vector<16xf32>
        %max3A_118 = arith.maximumf %add3A_115, %max3A_117 : vector<16xf32>
        %swap3A_119 = arith.index_cast %add3A_99 : i32 to index
        %swap3A_120 = arith.constant 16 : index
        %swap3A_121 = tpu.vector_load %arg11[%swap3A_119, %swap3A_120] {strides = array<i32>} : memref<64x64xf32, #tpu.memory_space<vmem>>, vector<1x16xf32>,
        %swap3A_122 = vector.shape_cast %swap3A_121 : vector<1x16xf32> to vector<16xf32>
        %swap3A_123 = vector.shape_cast %max3A_118 : vector<16xf32> to vector<1x16xf32>
        tpu.vector_store %arg11[%swap3A_119, %swap3A_120], %swap3A_123 {strides = array<i32>} : memref<64x64xf32, #tpu.memory_space<vmem>>, vector<1x16xf32>,
        %get3A_124 = arith.index_cast %add3A_99 : i32 to index
        %get3A_125 = arith.constant 32 : index
        %get3A_126 = tpu.vector_load %arg10[%get3A_124, %get3A_125] {strides = array<i32>} : memref<64x64xf32, #tpu.memory_space<vmem>>, vector<1x16xf32>,
        %get3A_127 = vector.shape_cast %get3A_126 : vector<1x16xf32> to vector<16xf32>
        %add3A_128 = arith.addf %get3A_127, %scan3A_95#2 : vector<16xf32>
        %max3A_129 = arith.constant 0.000000e+00 : f32
        %max3A_130 = vector.broadcast %max3A_129 : f32 to vector<16xf32>
        %max3A_131 = arith.maximumf %add3A_128, %max3A_130 : vector<16xf32>
        %swap3A_132 = arith.index_cast %add3A_99 : i32 to index
        %swap3A_133 = arith.constant 32 : index
        %swap3A_134 = tpu.vector_load %arg11[%swap3A_132, %swap3A_133] {strides = array<i32>} : memref<64x64xf32, #tpu.memory_space<vmem>>, vector<1x16xf32>,
        %swap3A_135 = vector.shape_cast %swap3A_134 : vector<1x16xf32> to vector<16xf32>
        %swap3A_136 = vector.shape_cast %max3A_131 : vector<16xf32> to vector<1x16xf32>
        tpu.vector_store %arg11[%swap3A_132, %swap3A_133], %swap3A_136 {strides = array<i32>} : memref<64x64xf32, #tpu.memory_space<vmem>>, vector<1x16xf32>,
        %get3A_137 = arith.index_cast %add3A_99 : i32 to index
        %get3A_138 = arith.constant 48 : index
        %get3A_139 = tpu.vector_load %arg10[%get3A_137, %get3A_138] {strides = array<i32>} : memref<64x64xf32, #tpu.memory_space<vmem>>, vector<1x16xf32>,
        %get3A_140 = vector.shape_cast %get3A_139 : vector<1x16xf32> to vector<16xf32>
        %add3A_141 = arith.addf %get3A_140, %scan3A_95#3 : vector<16xf32>
        %max3A_142 = arith.constant 0.000000e+00 : f32
        %max3A_143 = vector.broadcast %max3A_142 : f32 to vector<16xf32>
        %max3A_144 = arith.maximumf %add3A_141, %max3A_143 : vector<16xf32>
        %swap3A_145 = arith.index_cast %add3A_99 : i32 to index
        %swap3A_146 = arith.constant 48 : index
        %swap3A_147 = tpu.vector_load %arg11[%swap3A_145, %swap3A_146] {strides = array<i32>} : memref<64x64xf32, #tpu.memory_space<vmem>>, vector<1x16xf32>,
        %swap3A_148 = vector.shape_cast %swap3A_147 : vector<1x16xf32> to vector<16xf32>
        %swap3A_149 = vector.shape_cast %max3A_144 : vector<16xf32> to vector<1x16xf32>
        tpu.vector_store %arg11[%swap3A_145, %swap3A_146], %swap3A_149 {strides = array<i32>} : memref<64x64xf32, #tpu.memory_space<vmem>>, vector<1x16xf32>,
        %scan3A_150 = arith.constant 0 : i32
        scf.yield %scan3A_150 : i32
      }
      %scan3A_65 = arith.constant 4 : i32
    }
    %scan3A_20 = arith.constant 8 : i32
    "tpu.region"() ({
      %run_scoped3A = tpu.sem_alloc : memref<!tpu.dma_semaphore, #tpu.memory_space<semaphore_mem>>
      %dma_start3A_21 = arith.constant 0 : i32
      %dma_start3A_22 = tpu.memref_slice %arg5[%mul3A_2, %dma_start3A_21] : memref<2048x64xf32, #tpu.memory_space<hbm>> -> memref<64x64xf32, #tpu.memory_space<hbm>>
      %dma_start3A_23 = arith.constant 0 : i32
      %dma_start3A_24 = tpu.memref_slice %arg5[%mul3A_2, %dma_start3A_23] : memref<2048x64xf32, #tpu.memory_space<hbm>> -> memref<64x64xf32, #tpu.memory_space<hbm>>
      tpu.enqueue_dma source(%arg11 : memref<64x64xf32, #tpu.memory_space<vmem>>) target(%dma_start3A_24 : memref<64x64xf32, #tpu.memory_space<hbm>>) target_semaphore(%run_scoped3A : memref<!tpu.dma_semaphore, #tpu.memory_space<semaphore_mem>>)
      %dma_wait3A_25 = arith.constant 0 : i32
      %dma_wait3A_26 = tpu.memref_slice %arg5[%mul3A_2, %dma_wait3A_25] : memref<2048x64xf32, #tpu.memory_space<hbm>> -> memref<64x64xf32, #tpu.memory_space<hbm>>
      %dma_wait3A_27 = arith.constant 0 : i32
      %dma_wait3A_28 = tpu.memref_slice %arg5[%mul3A_2, %dma_wait3A_27] : memref<2048x64xf32, #tpu.memory_space<hbm>> -> memref<64x64xf32, #tpu.memory_space<hbm>>
      tpu.wait_dma2 semaphore(%run_scoped3A : memref<!tpu.dma_semaphore, #tpu.memory_space<semaphore_mem>>) src(%arg11 : memref<64x64xf32, #tpu.memory_space<vmem>>) dst(%dma_wait3A_28 : memref<64x64xf32, #tpu.memory_space<hbm>>)
      tpu.yield
    }) : () -> ()
    return
  }
}

#map = affine_map<(d0, d1) -> (0, 0)>
#map1 = affine_map<(d0, d1) -> (0)>
module attributes {stable_mosaic.version = 14 : i64} {
  func.func @k(%arg0: i32, %arg1: i32, %arg2: memref<4096x64xf32, #tpu.memory_space<hbm>>, %arg3: memref<65536xi32, #tpu.memory_space<hbm>>, %arg4: memref<2048x64xf32, #tpu.memory_space<hbm>>, %arg5: memref<2048x64xf32, #tpu.memory_space<hbm>>, %arg6: memref<128xi32, #tpu.memory_space<vmem>>, %arg7: memref<128xi32, #tpu.memory_space<vmem>>, %arg8: memref<128x64xf32, #tpu.memory_space<vmem>>, %arg9: memref<128x64xf32, #tpu.memory_space<vmem>>, %arg10: memref<64x64xf32, #tpu.memory_space<vmem>>, %arg11: memref<64x64xf32, #tpu.memory_space<vmem>>, %arg12: memref<!tpu.dma_semaphore, #tpu.memory_space<semaphore_mem>>, %arg13: memref<!tpu.dma_semaphore, #tpu.memory_space<semaphore_mem>>, %arg14: memref<!tpu.dma_semaphore, #tpu.memory_space<semaphore_mem>>) attributes {dimension_semantics = [#tpu.dimension_semantics<core_parallel>, #tpu.dimension_semantics<subcore_parallel>], iteration_bounds = array<i64: 2, 16>, scalar_prefetch = 0 : i64, scratch_operands = 9 : i64, tpu.core_type = #tpu.core_type<sc_vector_subcore>, window_params = [{transform_indices = #map}, {transform_indices = #map1}, {transform_indices = #map}, {transform_indices = #map}]} {
    %mul3A = arith.constant 2 : i32
    %mul3A_0 = arith.muli %arg1, %mul3A : i32
    %add3A = arith.addi %mul3A_0, %arg0 : i32
    %mul3A_1 = arith.constant 64 : i32
    %mul3A_2 = arith.muli %add3A, %mul3A_1 : i32
    %dma_start3A = arith.constant 0 : i32
    %dma_start3A_3 = tpu.memref_slice %arg4[%mul3A_2, %dma_start3A] : memref<2048x64xf32, #tpu.memory_space<hbm>> -> memref<64x64xf32, #tpu.memory_space<hbm>>
    %dma_start3A_4 = arith.constant 0 : i32
    %dma_start3A_5 = tpu.memref_slice %arg4[%mul3A_2, %dma_start3A_4] : memref<2048x64xf32, #tpu.memory_space<hbm>> -> memref<64x64xf32, #tpu.memory_space<hbm>>
    tpu.enqueue_dma source(%dma_start3A_5 : memref<64x64xf32, #tpu.memory_space<hbm>>) target(%arg10 : memref<64x64xf32, #tpu.memory_space<vmem>>) target_semaphore(%arg14 : memref<!tpu.dma_semaphore, #tpu.memory_space<semaphore_mem>>)
    %add3A_6 = arith.constant 0 : i32
    %add3A_7 = arith.addi %mul3A_2, %add3A_6 : i32
    %mul3A_8 = arith.constant 32 : i32
    %mul3A_9 = arith.muli %add3A_7, %mul3A_8 : i32
    "tpu.region"() ({
      %run_scoped3A = tpu.sem_alloc : memref<!tpu.dma_semaphore, #tpu.memory_space<semaphore_mem>>
      %dma_start3A_21 = tpu.memref_slice %arg3[%mul3A_9] : memref<65536xi32, #tpu.memory_space<hbm>> -> memref<128xi32, #tpu.memory_space<hbm>>
      %dma_start3A_22 = tpu.memref_slice %arg3[%mul3A_9] : memref<65536xi32, #tpu.memory_space<hbm>> -> memref<128xi32, #tpu.memory_space<hbm>>
      tpu.enqueue_dma source(%dma_start3A_22 : memref<128xi32, #tpu.memory_space<hbm>>) target(%arg6 : memref<128xi32, #tpu.memory_space<vmem>>) target_semaphore(%run_scoped3A : memref<!tpu.dma_semaphore, #tpu.memory_space<semaphore_mem>>)
      %dma_wait3A_23 = tpu.memref_slice %arg3[%mul3A_9] : memref<65536xi32, #tpu.memory_space<hbm>> -> memref<128xi32, #tpu.memory_space<hbm>>
      %dma_wait3A_24 = tpu.memref_slice %arg3[%mul3A_9] : memref<65536xi32, #tpu.memory_space<hbm>> -> memref<128xi32, #tpu.memory_space<hbm>>
      tpu.wait_dma2 semaphore(%run_scoped3A : memref<!tpu.dma_semaphore, #tpu.memory_space<semaphore_mem>>) src(%dma_wait3A_24 : memref<128xi32, #tpu.memory_space<hbm>>) dst(%arg6 : memref<128xi32, #tpu.memory_space<vmem>>)
      tpu.yield
    }) : () -> ()
    %dma_start3A_10 = arith.constant 0 : i32
    %dma_start3A_11 = arith.constant 0 : i32
    %dma_start3A_12 = tpu.memref_slice %arg2[%dma_start3A_10, %dma_start3A_11] : memref<4096x64xf32, #tpu.memory_space<hbm>> -> memref<4096x64xf32, #tpu.memory_space<hbm>>
    tpu.enqueue_indirect_dma source(%dma_start3A_12 : memref<4096x64xf32, #tpu.memory_space<hbm>>) target(%arg8 : memref<128x64xf32, #tpu.memory_space<vmem>>) offsets(%arg6 : memref<128xi32, #tpu.memory_space<vmem>>) semaphore(%arg12 : memref<!tpu.dma_semaphore, #tpu.memory_space<semaphore_mem>>)
    %dma_wait3A = arith.constant 0 : i32
    %dma_wait3A_13 = tpu.memref_slice %arg4[%mul3A_2, %dma_wait3A] : memref<2048x64xf32, #tpu.memory_space<hbm>> -> memref<64x64xf32, #tpu.memory_space<hbm>>
    %dma_wait3A_14 = arith.constant 0 : i32
    %dma_wait3A_15 = tpu.memref_slice %arg4[%mul3A_2, %dma_wait3A_14] : memref<2048x64xf32, #tpu.memory_space<hbm>> -> memref<64x64xf32, #tpu.memory_space<hbm>>
    tpu.wait_dma2 semaphore(%arg14 : memref<!tpu.dma_semaphore, #tpu.memory_space<semaphore_mem>>) src(%dma_wait3A_15 : memref<64x64xf32, #tpu.memory_space<hbm>>) dst(%arg10 : memref<64x64xf32, #tpu.memory_space<vmem>>)
    %scan3A = arith.constant 0 : i32
    %scan3A_16 = arith.constant 0 : i32
    %scan3A_17 = arith.constant 8 : i32
    %scan3A_18 = arith.addi %scan3A_16, %scan3A_17 : i32
    %scan3A_19 = arith.constant 1 : i32
    scf.for %scan3A_21 = %scan3A_16 to %scan3A_18 step %scan3A_19  : i32 {
      %mul3A_22 = arith.constant 2 : i32
      %mul3A_23 = arith.muli %mul3A_22, %scan3A_21 : i32
      %add3A_24 = arith.constant 1 : i32
      %add3A_25 = arith.addi %mul3A_23, %add3A_24 : i32
      %mul3A_26 = arith.constant 4 : i32
      %mul3A_27 = arith.muli %add3A_25, %mul3A_26 : i32
      %add3A_28 = arith.addi %mul3A_2, %mul3A_27 : i32
      %mul3A_29 = arith.constant 32 : i32
      %mul3A_30 = arith.muli %add3A_28, %mul3A_29 : i32
      "tpu.region"() ({
        %run_scoped3A = tpu.sem_alloc : memref<!tpu.dma_semaphore, #tpu.memory_space<semaphore_mem>>
        %dma_start3A_66 = tpu.memref_slice %arg3[%mul3A_30] : memref<65536xi32, #tpu.memory_space<hbm>> -> memref<128xi32, #tpu.memory_space<hbm>>
        %dma_start3A_67 = tpu.memref_slice %arg3[%mul3A_30] : memref<65536xi32, #tpu.memory_space<hbm>> -> memref<128xi32, #tpu.memory_space<hbm>>
        tpu.enqueue_dma source(%dma_start3A_67 : memref<128xi32, #tpu.memory_space<hbm>>) target(%arg7 : memref<128xi32, #tpu.memory_space<vmem>>) target_semaphore(%run_scoped3A : memref<!tpu.dma_semaphore, #tpu.memory_space<semaphore_mem>>)
        %dma_wait3A_68 = tpu.memref_slice %arg3[%mul3A_30] : memref<65536xi32, #tpu.memory_space<hbm>> -> memref<128xi32, #tpu.memory_space<hbm>>
        %dma_wait3A_69 = tpu.memref_slice %arg3[%mul3A_30] : memref<65536xi32, #tpu.memory_space<hbm>> -> memref<128xi32, #tpu.memory_space<hbm>>
        tpu.wait_dma2 semaphore(%run_scoped3A : memref<!tpu.dma_semaphore, #tpu.memory_space<semaphore_mem>>) src(%dma_wait3A_69 : memref<128xi32, #tpu.memory_space<hbm>>) dst(%arg7 : memref<128xi32, #tpu.memory_space<vmem>>)
        tpu.yield
      }) : () -> ()
      %dma_start3A_31 = arith.constant 0 : i32
      %dma_start3A_32 = arith.constant 0 : i32
      %dma_start3A_33 = tpu.memref_slice %arg2[%dma_start3A_31, %dma_start3A_32] : memref<4096x64xf32, #tpu.memory_space<hbm>> -> memref<4096x64xf32, #tpu.memory_space<hbm>>
      tpu.enqueue_indirect_dma source(%dma_start3A_33 : memref<4096x64xf32, #tpu.memory_space<hbm>>) target(%arg9 : memref<128x64xf32, #tpu.memory_space<vmem>>) offsets(%arg7 : memref<128xi32, #tpu.memory_space<vmem>>) semaphore(%arg13 : memref<!tpu.dma_semaphore, #tpu.memory_space<semaphore_mem>>)
      %dma_wait3A_34 = arith.constant 0 : i32
      %dma_wait3A_35 = arith.constant 0 : i32
      %dma_wait3A_36 = tpu.memref_slice %arg2[%dma_wait3A_34, %dma_wait3A_35] : memref<4096x64xf32, #tpu.memory_space<hbm>> -> memref<128x64xf32, #tpu.memory_space<hbm>>
      %dma_wait3A_37 = arith.constant 0 : i32
      %dma_wait3A_38 = arith.constant 0 : i32
      %dma_wait3A_39 = tpu.memref_slice %arg2[%dma_wait3A_37, %dma_wait3A_38] : memref<4096x64xf32, #tpu.memory_space<hbm>> -> memref<128x64xf32, #tpu.memory_space<hbm>>
      tpu.wait_dma2 semaphore(%arg12 : memref<!tpu.dma_semaphore, #tpu.memory_space<semaphore_mem>>) src(%dma_wait3A_39 : memref<128x64xf32, #tpu.memory_space<hbm>>) dst(%arg8 : memref<128x64xf32, #tpu.memory_space<vmem>>)
      %scan3A_40 = arith.constant 0 : i32
      %scan3A_41 = arith.constant 0 : i32
      %scan3A_42 = arith.constant 4 : i32
      %scan3A_43 = arith.addi %scan3A_41, %scan3A_42 : i32
      %scan3A_44 = arith.constant 1 : i32
      %scan3A_45 = scf.for %scan3A_66 = %scan3A_41 to %scan3A_43 step %scan3A_44 iter_args(%scan3A_67 = %scan3A_40) -> (i32)  : i32 {
        %mul3A_68 = arith.constant 32 : i32
        %mul3A_69 = arith.muli %scan3A_66, %mul3A_68 : i32
        %get3A = arith.index_cast %mul3A_69 : i32 to index
        %get3A_70 = arith.constant 0 : index
        %get3A_71 = tpu.vector_load %arg8[%get3A, %get3A_70] {strides = array<i32>} : memref<128x64xf32, #tpu.memory_space<vmem>>, vector<1x16xf32>,
        %get3A_72 = vector.shape_cast %get3A_71 : vector<1x16xf32> to vector<16xf32>
        %mul3A_73 = arith.constant 32 : i32
        %mul3A_74 = arith.muli %scan3A_66, %mul3A_73 : i32
        %get3A_75 = arith.index_cast %mul3A_74 : i32 to index
        %get3A_76 = arith.constant 16 : index
        %get3A_77 = tpu.vector_load %arg8[%get3A_75, %get3A_76] {strides = array<i32>} : memref<128x64xf32, #tpu.memory_space<vmem>>, vector<1x16xf32>,
        %get3A_78 = vector.shape_cast %get3A_77 : vector<1x16xf32> to vector<16xf32>
        %mul3A_79 = arith.constant 32 : i32
        %mul3A_80 = arith.muli %scan3A_66, %mul3A_79 : i32
        %get3A_81 = arith.index_cast %mul3A_80 : i32 to index
        %get3A_82 = arith.constant 32 : index
        %get3A_83 = tpu.vector_load %arg8[%get3A_81, %get3A_82] {strides = array<i32>} : memref<128x64xf32, #tpu.memory_space<vmem>>, vector<1x16xf32>,
        %get3A_84 = vector.shape_cast %get3A_83 : vector<1x16xf32> to vector<16xf32>
        %mul3A_85 = arith.constant 32 : i32
        %mul3A_86 = arith.muli %scan3A_66, %mul3A_85 : i32
        %get3A_87 = arith.index_cast %mul3A_86 : i32 to index
        %get3A_88 = arith.constant 48 : index
        %get3A_89 = tpu.vector_load %arg8[%get3A_87, %get3A_88] {strides = array<i32>} : memref<128x64xf32, #tpu.memory_space<vmem>>, vector<1x16xf32>,
        %get3A_90 = vector.shape_cast %get3A_89 : vector<1x16xf32> to vector<16xf32>
        %scan3A_91 = arith.constant 1 : i32
        %scan3A_92 = arith.constant 31 : i32
        %scan3A_93 = arith.addi %scan3A_91, %scan3A_92 : i32
        %scan3A_94 = arith.constant 1 : i32
        %scan3A_95:4 = scf.for %scan3A_151 = %scan3A_91 to %scan3A_93 step %scan3A_94 iter_args(%scan3A_152 = %get3A_72, %scan3A_153 = %get3A_78, %scan3A_154 = %get3A_84, %scan3A_155 = %get3A_90) -> (vector<16xf32>, vector<16xf32>, vector<16xf32>, vector<16xf32>)  : i32 {
          %mul3A_156 = arith.constant 32 : i32
          %mul3A_157 = arith.muli %scan3A_66, %mul3A_156 : i32
          %add3A_158 = arith.addi %mul3A_157, %scan3A_151 : i32
          %get3A_159 = arith.index_cast %add3A_158 : i32 to index
          %get3A_160 = arith.constant 0 : index
          %get3A_161 = tpu.vector_load %arg8[%get3A_159, %get3A_160] {strides = array<i32>} : memref<128x64xf32, #tpu.memory_space<vmem>>, vector<1x16xf32>,
          %get3A_162 = vector.shape_cast %get3A_161 : vector<1x16xf32> to vector<16xf32>
          %max3A_163 = arith.maximumf %scan3A_152, %get3A_162 : vector<16xf32>
          %mul3A_164 = arith.constant 32 : i32
          %mul3A_165 = arith.muli %scan3A_66, %mul3A_164 : i32
          %add3A_166 = arith.addi %mul3A_165, %scan3A_151 : i32
          %get3A_167 = arith.index_cast %add3A_166 : i32 to index
          %get3A_168 = arith.constant 16 : index
          %get3A_169 = tpu.vector_load %arg8[%get3A_167, %get3A_168] {strides = array<i32>} : memref<128x64xf32, #tpu.memory_space<vmem>>, vector<1x16xf32>,
          %get3A_170 = vector.shape_cast %get3A_169 : vector<1x16xf32> to vector<16xf32>
          %max3A_171 = arith.maximumf %scan3A_153, %get3A_170 : vector<16xf32>
          %mul3A_172 = arith.constant 32 : i32
          %mul3A_173 = arith.muli %scan3A_66, %mul3A_172 : i32
          %add3A_174 = arith.addi %mul3A_173, %scan3A_151 : i32
          %get3A_175 = arith.index_cast %add3A_174 : i32 to index
          %get3A_176 = arith.constant 32 : index
          %get3A_177 = tpu.vector_load %arg8[%get3A_175, %get3A_176] {strides = array<i32>} : memref<128x64xf32, #tpu.memory_space<vmem>>, vector<1x16xf32>,
          %get3A_178 = vector.shape_cast %get3A_177 : vector<1x16xf32> to vector<16xf32>
          %max3A_179 = arith.maximumf %scan3A_154, %get3A_178 : vector<16xf32>
          %mul3A_180 = arith.constant 32 : i32
          %mul3A_181 = arith.muli %scan3A_66, %mul3A_180 : i32
          %add3A_182 = arith.addi %mul3A_181, %scan3A_151 : i32
          %get3A_183 = arith.index_cast %add3A_182 : i32 to index
          %get3A_184 = arith.constant 48 : index
          %get3A_185 = tpu.vector_load %arg8[%get3A_183, %get3A_184] {strides = array<i32>} : memref<128x64xf32, #tpu.memory_space<vmem>>, vector<1x16xf32>,
          %get3A_186 = vector.shape_cast %get3A_185 : vector<1x16xf32> to vector<16xf32>
          %max3A_187 = arith.maximumf %scan3A_155, %get3A_186 : vector<16xf32>
          scf.yield %max3A_163, %max3A_171, %max3A_179, %max3A_187 : vector<16xf32>, vector<16xf32>, vector<16xf32>, vector<16xf32>
        }
        %scan3A_96 = arith.constant 31 : i32
        %mul3A_97 = arith.constant 4 : i32
        %mul3A_98 = arith.muli %mul3A_23, %mul3A_97 : i32
        %add3A_99 = arith.addi %mul3A_98, %scan3A_66 : i32
        %get3A_100 = arith.index_cast %add3A_99 : i32 to index
        %get3A_101 = arith.constant 0 : index
        %get3A_102 = tpu.vector_load %arg10[%get3A_100, %get3A_101] {strides = array<i32>} : memref<64x64xf32, #tpu.memory_space<vmem>>, vector<1x16xf32>,
        %get3A_103 = vector.shape_cast %get3A_102 : vector<1x16xf32> to vector<16xf32>
        %add3A_104 = arith.addf %get3A_103, %scan3A_95#0 : vector<16xf32>
        %max3A = arith.constant 0.000000e+00 : f32
        %max3A_105 = vector.broadcast %max3A : f32 to vector<16xf32>
        %max3A_106 = arith.maximumf %add3A_104, %max3A_105 : vector<16xf32>
        %swap3A = arith.index_cast %add3A_99 : i32 to index
        %swap3A_107 = arith.constant 0 : index
        %swap3A_108 = tpu.vector_load %arg11[%swap3A, %swap3A_107] {strides = array<i32>} : memref<64x64xf32, #tpu.memory_space<vmem>>, vector<1x16xf32>,
        %swap3A_109 = vector.shape_cast %swap3A_108 : vector<1x16xf32> to vector<16xf32>
        %swap3A_110 = vector.shape_cast %max3A_106 : vector<16xf32> to vector<1x16xf32>
        tpu.vector_store %arg11[%swap3A, %swap3A_107], %swap3A_110 {strides = array<i32>} : memref<64x64xf32, #tpu.memory_space<vmem>>, vector<1x16xf32>,
        %get3A_111 = arith.index_cast %add3A_99 : i32 to index
        %get3A_112 = arith.constant 16 : index
        %get3A_113 = tpu.vector_load %arg10[%get3A_111, %get3A_112] {strides = array<i32>} : memref<64x64xf32, #tpu.memory_space<vmem>>, vector<1x16xf32>,
        %get3A_114 = vector.shape_cast %get3A_113 : vector<1x16xf32> to vector<16xf32>
        %add3A_115 = arith.addf %get3A_114, %scan3A_95#1 : vector<16xf32>
        %max3A_116 = arith.constant 0.000000e+00 : f32
        %max3A_117 = vector.broadcast %max3A_116 : f32 to vector<16xf32>
        %max3A_118 = arith.maximumf %add3A_115, %max3A_117 : vector<16xf32>
        %swap3A_119 = arith.index_cast %add3A_99 : i32 to index
        %swap3A_120 = arith.constant 16 : index
        %swap3A_121 = tpu.vector_load %arg11[%swap3A_119, %swap3A_120] {strides = array<i32>} : memref<64x64xf32, #tpu.memory_space<vmem>>, vector<1x16xf32>,
        %swap3A_122 = vector.shape_cast %swap3A_121 : vector<1x16xf32> to vector<16xf32>
        %swap3A_123 = vector.shape_cast %max3A_118 : vector<16xf32> to vector<1x16xf32>
        tpu.vector_store %arg11[%swap3A_119, %swap3A_120], %swap3A_123 {strides = array<i32>} : memref<64x64xf32, #tpu.memory_space<vmem>>, vector<1x16xf32>,
        %get3A_124 = arith.index_cast %add3A_99 : i32 to index
        %get3A_125 = arith.constant 32 : index
        %get3A_126 = tpu.vector_load %arg10[%get3A_124, %get3A_125] {strides = array<i32>} : memref<64x64xf32, #tpu.memory_space<vmem>>, vector<1x16xf32>,
        %get3A_127 = vector.shape_cast %get3A_126 : vector<1x16xf32> to vector<16xf32>
        %add3A_128 = arith.addf %get3A_127, %scan3A_95#2 : vector<16xf32>
        %max3A_129 = arith.constant 0.000000e+00 : f32
        %max3A_130 = vector.broadcast %max3A_129 : f32 to vector<16xf32>
        %max3A_131 = arith.maximumf %add3A_128, %max3A_130 : vector<16xf32>
        %swap3A_132 = arith.index_cast %add3A_99 : i32 to index
        %swap3A_133 = arith.constant 32 : index
        %swap3A_134 = tpu.vector_load %arg11[%swap3A_132, %swap3A_133] {strides = array<i32>} : memref<64x64xf32, #tpu.memory_space<vmem>>, vector<1x16xf32>,
        %swap3A_135 = vector.shape_cast %swap3A_134 : vector<1x16xf32> to vector<16xf32>
        %swap3A_136 = vector.shape_cast %max3A_131 : vector<16xf32> to vector<1x16xf32>
        tpu.vector_store %arg11[%swap3A_132, %swap3A_133], %swap3A_136 {strides = array<i32>} : memref<64x64xf32, #tpu.memory_space<vmem>>, vector<1x16xf32>,
        %get3A_137 = arith.index_cast %add3A_99 : i32 to index
        %get3A_138 = arith.constant 48 : index
        %get3A_139 = tpu.vector_load %arg10[%get3A_137, %get3A_138] {strides = array<i32>} : memref<64x64xf32, #tpu.memory_space<vmem>>, vector<1x16xf32>,
        %get3A_140 = vector.shape_cast %get3A_139 : vector<1x16xf32> to vector<16xf32>
        %add3A_141 = arith.addf %get3A_140, %scan3A_95#3 : vector<16xf32>
        %max3A_142 = arith.constant 0.000000e+00 : f32
        %max3A_143 = vector.broadcast %max3A_142 : f32 to vector<16xf32>
        %max3A_144 = arith.maximumf %add3A_141, %max3A_143 : vector<16xf32>
        %swap3A_145 = arith.index_cast %add3A_99 : i32 to index
        %swap3A_146 = arith.constant 48 : index
        %swap3A_147 = tpu.vector_load %arg11[%swap3A_145, %swap3A_146] {strides = array<i32>} : memref<64x64xf32, #tpu.memory_space<vmem>>, vector<1x16xf32>,
        %swap3A_148 = vector.shape_cast %swap3A_147 : vector<1x16xf32> to vector<16xf32>
        %swap3A_149 = vector.shape_cast %max3A_144 : vector<16xf32> to vector<1x16xf32>
        tpu.vector_store %arg11[%swap3A_145, %swap3A_146], %swap3A_149 {strides = array<i32>} : memref<64x64xf32, #tpu.memory_space<vmem>>, vector<1x16xf32>,
        %scan3A_150 = arith.constant 0 : i32
        scf.yield %scan3A_150 : i32
      }
      %scan3A_46 = arith.constant 4 : i32
      %add3A_47 = arith.constant 2 : i32
      %add3A_48 = arith.addi %mul3A_23, %add3A_47 : i32
      %lt3A = arith.constant 16 : i32
      %lt3A_49 = arith.cmpi slt, %add3A_48, %lt3A : i32
      %convert_element_type3A = arith.extui %lt3A_49 : i1 to i32
      %cond3A = arith.constant 0 : i32
      %cond3A_50 = arith.cmpi ne, %convert_element_type3A, %cond3A : i32
      scf.if %cond3A_50 {
        %add3A_66 = arith.constant 2 : i32
        %add3A_67 = arith.addi %mul3A_23, %add3A_66 : i32
        %mul3A_68 = arith.constant 4 : i32
        %mul3A_69 = arith.muli %add3A_67, %mul3A_68 : i32
        %add3A_70 = arith.addi %mul3A_2, %mul3A_69 : i32
        %mul3A_71 = arith.constant 32 : i32
        %mul3A_72 = arith.muli %add3A_70, %mul3A_71 : i32
        "tpu.region"() ({
          %run_scoped3A = tpu.sem_alloc : memref<!tpu.dma_semaphore, #tpu.memory_space<semaphore_mem>>
          %dma_start3A_76 = tpu.memref_slice %arg3[%mul3A_72] : memref<65536xi32, #tpu.memory_space<hbm>> -> memref<128xi32, #tpu.memory_space<hbm>>
          %dma_start3A_77 = tpu.memref_slice %arg3[%mul3A_72] : memref<65536xi32, #tpu.memory_space<hbm>> -> memref<128xi32, #tpu.memory_space<hbm>>
          tpu.enqueue_dma source(%dma_start3A_77 : memref<128xi32, #tpu.memory_space<hbm>>) target(%arg6 : memref<128xi32, #tpu.memory_space<vmem>>) target_semaphore(%run_scoped3A : memref<!tpu.dma_semaphore, #tpu.memory_space<semaphore_mem>>)
          %dma_wait3A_78 = tpu.memref_slice %arg3[%mul3A_72] : memref<65536xi32, #tpu.memory_space<hbm>> -> memref<128xi32, #tpu.memory_space<hbm>>
          %dma_wait3A_79 = tpu.memref_slice %arg3[%mul3A_72] : memref<65536xi32, #tpu.memory_space<hbm>> -> memref<128xi32, #tpu.memory_space<hbm>>
          tpu.wait_dma2 semaphore(%run_scoped3A : memref<!tpu.dma_semaphore, #tpu.memory_space<semaphore_mem>>) src(%dma_wait3A_79 : memref<128xi32, #tpu.memory_space<hbm>>) dst(%arg6 : memref<128xi32, #tpu.memory_space<vmem>>)
          tpu.yield
        }) : () -> ()
        %dma_start3A_73 = arith.constant 0 : i32
        %dma_start3A_74 = arith.constant 0 : i32
        %dma_start3A_75 = tpu.memref_slice %arg2[%dma_start3A_73, %dma_start3A_74] : memref<4096x64xf32, #tpu.memory_space<hbm>> -> memref<4096x64xf32, #tpu.memory_space<hbm>>
        tpu.enqueue_indirect_dma source(%dma_start3A_75 : memref<4096x64xf32, #tpu.memory_space<hbm>>) target(%arg8 : memref<128x64xf32, #tpu.memory_space<vmem>>) offsets(%arg6 : memref<128xi32, #tpu.memory_space<vmem>>) semaphore(%arg12 : memref<!tpu.dma_semaphore, #tpu.memory_space<semaphore_mem>>)
      } else {
      }
      %dma_wait3A_51 = arith.constant 0 : i32
      %dma_wait3A_52 = arith.constant 0 : i32
      %dma_wait3A_53 = tpu.memref_slice %arg2[%dma_wait3A_51, %dma_wait3A_52] : memref<4096x64xf32, #tpu.memory_space<hbm>> -> memref<128x64xf32, #tpu.memory_space<hbm>>
      %dma_wait3A_54 = arith.constant 0 : i32
      %dma_wait3A_55 = arith.constant 0 : i32
      %dma_wait3A_56 = tpu.memref_slice %arg2[%dma_wait3A_54, %dma_wait3A_55] : memref<4096x64xf32, #tpu.memory_space<hbm>> -> memref<128x64xf32, #tpu.memory_space<hbm>>
      tpu.wait_dma2 semaphore(%arg13 : memref<!tpu.dma_semaphore, #tpu.memory_space<semaphore_mem>>) src(%dma_wait3A_56 : memref<128x64xf32, #tpu.memory_space<hbm>>) dst(%arg9 : memref<128x64xf32, #tpu.memory_space<vmem>>)
      %add3A_57 = arith.constant 1 : i32
      %add3A_58 = arith.addi %mul3A_23, %add3A_57 : i32
      %scan3A_59 = arith.constant 0 : i32
      %scan3A_60 = arith.constant 0 : i32
      %scan3A_61 = arith.constant 4 : i32
      %scan3A_62 = arith.addi %scan3A_60, %scan3A_61 : i32
      %scan3A_63 = arith.constant 1 : i32
      %scan3A_64 = scf.for %scan3A_66 = %scan3A_60 to %scan3A_62 step %scan3A_63 iter_args(%scan3A_67 = %scan3A_59) -> (i32)  : i32 {
        %mul3A_68 = arith.constant 32 : i32
        %mul3A_69 = arith.muli %scan3A_66, %mul3A_68 : i32
        %get3A = arith.index_cast %mul3A_69 : i32 to index
        %get3A_70 = arith.constant 0 : index
        %get3A_71 = tpu.vector_load %arg9[%get3A, %get3A_70] {strides = array<i32>} : memref<128x64xf32, #tpu.memory_space<vmem>>, vector<1x16xf32>,
        %get3A_72 = vector.shape_cast %get3A_71 : vector<1x16xf32> to vector<16xf32>
        %mul3A_73 = arith.constant 32 : i32
        %mul3A_74 = arith.muli %scan3A_66, %mul3A_73 : i32
        %get3A_75 = arith.index_cast %mul3A_74 : i32 to index
        %get3A_76 = arith.constant 16 : index
        %get3A_77 = tpu.vector_load %arg9[%get3A_75, %get3A_76] {strides = array<i32>} : memref<128x64xf32, #tpu.memory_space<vmem>>, vector<1x16xf32>,
        %get3A_78 = vector.shape_cast %get3A_77 : vector<1x16xf32> to vector<16xf32>
        %mul3A_79 = arith.constant 32 : i32
        %mul3A_80 = arith.muli %scan3A_66, %mul3A_79 : i32
        %get3A_81 = arith.index_cast %mul3A_80 : i32 to index
        %get3A_82 = arith.constant 32 : index
        %get3A_83 = tpu.vector_load %arg9[%get3A_81, %get3A_82] {strides = array<i32>} : memref<128x64xf32, #tpu.memory_space<vmem>>, vector<1x16xf32>,
        %get3A_84 = vector.shape_cast %get3A_83 : vector<1x16xf32> to vector<16xf32>
        %mul3A_85 = arith.constant 32 : i32
        %mul3A_86 = arith.muli %scan3A_66, %mul3A_85 : i32
        %get3A_87 = arith.index_cast %mul3A_86 : i32 to index
        %get3A_88 = arith.constant 48 : index
        %get3A_89 = tpu.vector_load %arg9[%get3A_87, %get3A_88] {strides = array<i32>} : memref<128x64xf32, #tpu.memory_space<vmem>>, vector<1x16xf32>,
        %get3A_90 = vector.shape_cast %get3A_89 : vector<1x16xf32> to vector<16xf32>
        %scan3A_91 = arith.constant 1 : i32
        %scan3A_92 = arith.constant 31 : i32
        %scan3A_93 = arith.addi %scan3A_91, %scan3A_92 : i32
        %scan3A_94 = arith.constant 1 : i32
        %scan3A_95:4 = scf.for %scan3A_151 = %scan3A_91 to %scan3A_93 step %scan3A_94 iter_args(%scan3A_152 = %get3A_72, %scan3A_153 = %get3A_78, %scan3A_154 = %get3A_84, %scan3A_155 = %get3A_90) -> (vector<16xf32>, vector<16xf32>, vector<16xf32>, vector<16xf32>)  : i32 {
          %mul3A_156 = arith.constant 32 : i32
          %mul3A_157 = arith.muli %scan3A_66, %mul3A_156 : i32
          %add3A_158 = arith.addi %mul3A_157, %scan3A_151 : i32
          %get3A_159 = arith.index_cast %add3A_158 : i32 to index
          %get3A_160 = arith.constant 0 : index
          %get3A_161 = tpu.vector_load %arg9[%get3A_159, %get3A_160] {strides = array<i32>} : memref<128x64xf32, #tpu.memory_space<vmem>>, vector<1x16xf32>,
          %get3A_162 = vector.shape_cast %get3A_161 : vector<1x16xf32> to vector<16xf32>
          %max3A_163 = arith.maximumf %scan3A_152, %get3A_162 : vector<16xf32>
          %mul3A_164 = arith.constant 32 : i32
          %mul3A_165 = arith.muli %scan3A_66, %mul3A_164 : i32
          %add3A_166 = arith.addi %mul3A_165, %scan3A_151 : i32
          %get3A_167 = arith.index_cast %add3A_166 : i32 to index
          %get3A_168 = arith.constant 16 : index
          %get3A_169 = tpu.vector_load %arg9[%get3A_167, %get3A_168] {strides = array<i32>} : memref<128x64xf32, #tpu.memory_space<vmem>>, vector<1x16xf32>,
          %get3A_170 = vector.shape_cast %get3A_169 : vector<1x16xf32> to vector<16xf32>
          %max3A_171 = arith.maximumf %scan3A_153, %get3A_170 : vector<16xf32>
          %mul3A_172 = arith.constant 32 : i32
          %mul3A_173 = arith.muli %scan3A_66, %mul3A_172 : i32
          %add3A_174 = arith.addi %mul3A_173, %scan3A_151 : i32
          %get3A_175 = arith.index_cast %add3A_174 : i32 to index
          %get3A_176 = arith.constant 32 : index
          %get3A_177 = tpu.vector_load %arg9[%get3A_175, %get3A_176] {strides = array<i32>} : memref<128x64xf32, #tpu.memory_space<vmem>>, vector<1x16xf32>,
          %get3A_178 = vector.shape_cast %get3A_177 : vector<1x16xf32> to vector<16xf32>
          %max3A_179 = arith.maximumf %scan3A_154, %get3A_178 : vector<16xf32>
          %mul3A_180 = arith.constant 32 : i32
          %mul3A_181 = arith.muli %scan3A_66, %mul3A_180 : i32
          %add3A_182 = arith.addi %mul3A_181, %scan3A_151 : i32
          %get3A_183 = arith.index_cast %add3A_182 : i32 to index
          %get3A_184 = arith.constant 48 : index
          %get3A_185 = tpu.vector_load %arg9[%get3A_183, %get3A_184] {strides = array<i32>} : memref<128x64xf32, #tpu.memory_space<vmem>>, vector<1x16xf32>,
          %get3A_186 = vector.shape_cast %get3A_185 : vector<1x16xf32> to vector<16xf32>
          %max3A_187 = arith.maximumf %scan3A_155, %get3A_186 : vector<16xf32>
          scf.yield %max3A_163, %max3A_171, %max3A_179, %max3A_187 : vector<16xf32>, vector<16xf32>, vector<16xf32>, vector<16xf32>
        }
        %scan3A_96 = arith.constant 31 : i32
        %mul3A_97 = arith.constant 4 : i32
        %mul3A_98 = arith.muli %add3A_58, %mul3A_97 : i32
        %add3A_99 = arith.addi %mul3A_98, %scan3A_66 : i32
        %get3A_100 = arith.index_cast %add3A_99 : i32 to index
        %get3A_101 = arith.constant 0 : index
        %get3A_102 = tpu.vector_load %arg10[%get3A_100, %get3A_101] {strides = array<i32>} : memref<64x64xf32, #tpu.memory_space<vmem>>, vector<1x16xf32>,
        %get3A_103 = vector.shape_cast %get3A_102 : vector<1x16xf32> to vector<16xf32>
        %add3A_104 = arith.addf %get3A_103, %scan3A_95#0 : vector<16xf32>
        %max3A = arith.constant 0.000000e+00 : f32
        %max3A_105 = vector.broadcast %max3A : f32 to vector<16xf32>
        %max3A_106 = arith.maximumf %add3A_104, %max3A_105 : vector<16xf32>
        %swap3A = arith.index_cast %add3A_99 : i32 to index
        %swap3A_107 = arith.constant 0 : index
        %swap3A_108 = tpu.vector_load %arg11[%swap3A, %swap3A_107] {strides = array<i32>} : memref<64x64xf32, #tpu.memory_space<vmem>>, vector<1x16xf32>,
        %swap3A_109 = vector.shape_cast %swap3A_108 : vector<1x16xf32> to vector<16xf32>
        %swap3A_110 = vector.shape_cast %max3A_106 : vector<16xf32> to vector<1x16xf32>
        tpu.vector_store %arg11[%swap3A, %swap3A_107], %swap3A_110 {strides = array<i32>} : memref<64x64xf32, #tpu.memory_space<vmem>>, vector<1x16xf32>,
        %get3A_111 = arith.index_cast %add3A_99 : i32 to index
        %get3A_112 = arith.constant 16 : index
        %get3A_113 = tpu.vector_load %arg10[%get3A_111, %get3A_112] {strides = array<i32>} : memref<64x64xf32, #tpu.memory_space<vmem>>, vector<1x16xf32>,
        %get3A_114 = vector.shape_cast %get3A_113 : vector<1x16xf32> to vector<16xf32>
        %add3A_115 = arith.addf %get3A_114, %scan3A_95#1 : vector<16xf32>
        %max3A_116 = arith.constant 0.000000e+00 : f32
        %max3A_117 = vector.broadcast %max3A_116 : f32 to vector<16xf32>
        %max3A_118 = arith.maximumf %add3A_115, %max3A_117 : vector<16xf32>
        %swap3A_119 = arith.index_cast %add3A_99 : i32 to index
        %swap3A_120 = arith.constant 16 : index
        %swap3A_121 = tpu.vector_load %arg11[%swap3A_119, %swap3A_120] {strides = array<i32>} : memref<64x64xf32, #tpu.memory_space<vmem>>, vector<1x16xf32>,
        %swap3A_122 = vector.shape_cast %swap3A_121 : vector<1x16xf32> to vector<16xf32>
        %swap3A_123 = vector.shape_cast %max3A_118 : vector<16xf32> to vector<1x16xf32>
        tpu.vector_store %arg11[%swap3A_119, %swap3A_120], %swap3A_123 {strides = array<i32>} : memref<64x64xf32, #tpu.memory_space<vmem>>, vector<1x16xf32>,
        %get3A_124 = arith.index_cast %add3A_99 : i32 to index
        %get3A_125 = arith.constant 32 : index
        %get3A_126 = tpu.vector_load %arg10[%get3A_124, %get3A_125] {strides = array<i32>} : memref<64x64xf32, #tpu.memory_space<vmem>>, vector<1x16xf32>,
        %get3A_127 = vector.shape_cast %get3A_126 : vector<1x16xf32> to vector<16xf32>
        %add3A_128 = arith.addf %get3A_127, %scan3A_95#2 : vector<16xf32>
        %max3A_129 = arith.constant 0.000000e+00 : f32
        %max3A_130 = vector.broadcast %max3A_129 : f32 to vector<16xf32>
        %max3A_131 = arith.maximumf %add3A_128, %max3A_130 : vector<16xf32>
        %swap3A_132 = arith.index_cast %add3A_99 : i32 to index
        %swap3A_133 = arith.constant 32 : index
        %swap3A_134 = tpu.vector_load %arg11[%swap3A_132, %swap3A_133] {strides = array<i32>} : memref<64x64xf32, #tpu.memory_space<vmem>>, vector<1x16xf32>,
        %swap3A_135 = vector.shape_cast %swap3A_134 : vector<1x16xf32> to vector<16xf32>
        %swap3A_136 = vector.shape_cast %max3A_131 : vector<16xf32> to vector<1x16xf32>
        tpu.vector_store %arg11[%swap3A_132, %swap3A_133], %swap3A_136 {strides = array<i32>} : memref<64x64xf32, #tpu.memory_space<vmem>>, vector<1x16xf32>,
        %get3A_137 = arith.index_cast %add3A_99 : i32 to index
        %get3A_138 = arith.constant 48 : index
        %get3A_139 = tpu.vector_load %arg10[%get3A_137, %get3A_138] {strides = array<i32>} : memref<64x64xf32, #tpu.memory_space<vmem>>, vector<1x16xf32>,
        %get3A_140 = vector.shape_cast %get3A_139 : vector<1x16xf32> to vector<16xf32>
        %add3A_141 = arith.addf %get3A_140, %scan3A_95#3 : vector<16xf32>
        %max3A_142 = arith.constant 0.000000e+00 : f32
        %max3A_143 = vector.broadcast %max3A_142 : f32 to vector<16xf32>
        %max3A_144 = arith.maximumf %add3A_141, %max3A_143 : vector<16xf32>
        %swap3A_145 = arith.index_cast %add3A_99 : i32 to index
        %swap3A_146 = arith.constant 48 : index
        %swap3A_147 = tpu.vector_load %arg11[%swap3A_145, %swap3A_146] {strides = array<i32>} : memref<64x64xf32, #tpu.memory_space<vmem>>, vector<1x16xf32>,
        %swap3A_148 = vector.shape_cast %swap3A_147 : vector<1x16xf32> to vector<16xf32>
        %swap3A_149 = vector.shape_cast %max3A_144 : vector<16xf32> to vector<1x16xf32>
        tpu.vector_store %arg11[%swap3A_145, %swap3A_146], %swap3A_149 {strides = array<i32>} : memref<64x64xf32, #tpu.memory_space<vmem>>, vector<1x16xf32>,
        %scan3A_150 = arith.constant 0 : i32
        scf.yield %scan3A_150 : i32
      }
      %scan3A_65 = arith.constant 4 : i32
    }
    %scan3A_20 = arith.constant 8 : i32
    "tpu.region"() ({
      %run_scoped3A = tpu.sem_alloc : memref<!tpu.dma_semaphore, #tpu.memory_space<semaphore_mem>>
      %dma_start3A_21 = arith.constant 0 : i32
      %dma_start3A_22 = tpu.memref_slice %arg5[%mul3A_2, %dma_start3A_21] : memref<2048x64xf32, #tpu.memory_space<hbm>> -> memref<64x64xf32, #tpu.memory_space<hbm>>
      %dma_start3A_23 = arith.constant 0 : i32
      %dma_start3A_24 = tpu.memref_slice %arg5[%mul3A_2, %dma_start3A_23] : memref<2048x64xf32, #tpu.memory_space<hbm>> -> memref<64x64xf32, #tpu.memory_space<hbm>>
      tpu.enqueue_dma source(%arg11 : memref<64x64xf32, #tpu.memory_space<vmem>>) target(%dma_start3A_24 : memref<64x64xf32, #tpu.memory_space<hbm>>) target_semaphore(%run_scoped3A : memref<!tpu.dma_semaphore, #tpu.memory_space<semaphore_mem>>)
      %dma_wait3A_25 = arith.constant 0 : i32
      %dma_wait3A_26 = tpu.memref_slice %arg5[%mul3A_2, %dma_wait3A_25] : memref<2048x64xf32, #tpu.memory_space<hbm>> -> memref<64x64xf32, #tpu.memory_space<hbm>>
      %dma_wait3A_27 = arith.constant 0 : i32
      %dma_wait3A_28 = tpu.memref_slice %arg5[%mul3A_2, %dma_wait3A_27] : memref<2048x64xf32, #tpu.memory_space<hbm>> -> memref<64x64xf32, #tpu.memory_space<hbm>>
      tpu.wait_dma2 semaphore(%run_scoped3A : memref<!tpu.dma_semaphore, #tpu.memory_space<semaphore_mem>>) src(%arg11 : memref<64x64xf32, #tpu.memory_space<vmem>>) dst(%dma_wait3A_28 : memref<64x64xf32, #tpu.memory_space<hbm>>)
      tpu.yield
    }) : () -> ()
    return
  }
}

#map = affine_map<(d0, d1) -> (0, 0)>
#map1 = affine_map<(d0, d1) -> (0)>
module attributes {stable_mosaic.version = 14 : i64} {
  func.func @k(%arg0: i32, %arg1: i32, %arg2: memref<4096x64xf32, #tpu.memory_space<hbm>>, %arg3: memref<65536xi32, #tpu.memory_space<hbm>>, %arg4: memref<2048x64xf32, #tpu.memory_space<hbm>>, %arg5: memref<2048x64xf32, #tpu.memory_space<hbm>>, %arg6: memref<128xi32, #tpu.memory_space<vmem>>, %arg7: memref<128xi32, #tpu.memory_space<vmem>>, %arg8: memref<128x64xf32, #tpu.memory_space<vmem>>, %arg9: memref<128x64xf32, #tpu.memory_space<vmem>>, %arg10: memref<64x64xf32, #tpu.memory_space<vmem>>, %arg11: memref<64x64xf32, #tpu.memory_space<vmem>>, %arg12: memref<!tpu.dma_semaphore, #tpu.memory_space<semaphore_mem>>, %arg13: memref<!tpu.dma_semaphore, #tpu.memory_space<semaphore_mem>>, %arg14: memref<!tpu.dma_semaphore, #tpu.memory_space<semaphore_mem>>) attributes {dimension_semantics = [#tpu.dimension_semantics<core_parallel>, #tpu.dimension_semantics<subcore_parallel>], iteration_bounds = array<i64: 2, 16>, scalar_prefetch = 0 : i64, scratch_operands = 9 : i64, tpu.core_type = #tpu.core_type<sc_vector_subcore>, window_params = [{transform_indices = #map}, {transform_indices = #map1}, {transform_indices = #map}, {transform_indices = #map}]} {
    %mul3A = arith.constant 2 : i32
    %mul3A_0 = arith.muli %arg1, %mul3A : i32
    %add3A = arith.addi %mul3A_0, %arg0 : i32
    %mul3A_1 = arith.constant 64 : i32
    %mul3A_2 = arith.muli %add3A, %mul3A_1 : i32
    %dma_start3A = arith.constant 0 : i32
    %dma_start3A_3 = tpu.memref_slice %arg4[%mul3A_2, %dma_start3A] : memref<2048x64xf32, #tpu.memory_space<hbm>> -> memref<64x64xf32, #tpu.memory_space<hbm>>
    %dma_start3A_4 = arith.constant 0 : i32
    %dma_start3A_5 = tpu.memref_slice %arg4[%mul3A_2, %dma_start3A_4] : memref<2048x64xf32, #tpu.memory_space<hbm>> -> memref<64x64xf32, #tpu.memory_space<hbm>>
    tpu.enqueue_dma source(%dma_start3A_5 : memref<64x64xf32, #tpu.memory_space<hbm>>) target(%arg10 : memref<64x64xf32, #tpu.memory_space<vmem>>) target_semaphore(%arg14 : memref<!tpu.dma_semaphore, #tpu.memory_space<semaphore_mem>>)
    %add3A_6 = arith.constant 0 : i32
    %add3A_7 = arith.addi %mul3A_2, %add3A_6 : i32
    %mul3A_8 = arith.constant 32 : i32
    %mul3A_9 = arith.muli %add3A_7, %mul3A_8 : i32
    "tpu.region"() ({
      %run_scoped3A = tpu.sem_alloc : memref<!tpu.dma_semaphore, #tpu.memory_space<semaphore_mem>>
      %dma_start3A_21 = tpu.memref_slice %arg3[%mul3A_9] : memref<65536xi32, #tpu.memory_space<hbm>> -> memref<128xi32, #tpu.memory_space<hbm>>
      %dma_start3A_22 = tpu.memref_slice %arg3[%mul3A_9] : memref<65536xi32, #tpu.memory_space<hbm>> -> memref<128xi32, #tpu.memory_space<hbm>>
      tpu.enqueue_dma source(%dma_start3A_22 : memref<128xi32, #tpu.memory_space<hbm>>) target(%arg6 : memref<128xi32, #tpu.memory_space<vmem>>) target_semaphore(%run_scoped3A : memref<!tpu.dma_semaphore, #tpu.memory_space<semaphore_mem>>)
      %dma_wait3A_23 = tpu.memref_slice %arg3[%mul3A_9] : memref<65536xi32, #tpu.memory_space<hbm>> -> memref<128xi32, #tpu.memory_space<hbm>>
      %dma_wait3A_24 = tpu.memref_slice %arg3[%mul3A_9] : memref<65536xi32, #tpu.memory_space<hbm>> -> memref<128xi32, #tpu.memory_space<hbm>>
      tpu.wait_dma2 semaphore(%run_scoped3A : memref<!tpu.dma_semaphore, #tpu.memory_space<semaphore_mem>>) src(%dma_wait3A_24 : memref<128xi32, #tpu.memory_space<hbm>>) dst(%arg6 : memref<128xi32, #tpu.memory_space<vmem>>)
      tpu.yield
    }) : () -> ()
    %dma_start3A_10 = arith.constant 0 : i32
    %dma_start3A_11 = arith.constant 0 : i32
    %dma_start3A_12 = tpu.memref_slice %arg2[%dma_start3A_10, %dma_start3A_11] : memref<4096x64xf32, #tpu.memory_space<hbm>> -> memref<4096x64xf32, #tpu.memory_space<hbm>>
    tpu.enqueue_indirect_dma source(%dma_start3A_12 : memref<4096x64xf32, #tpu.memory_space<hbm>>) target(%arg8 : memref<128x64xf32, #tpu.memory_space<vmem>>) offsets(%arg6 : memref<128xi32, #tpu.memory_space<vmem>>) semaphore(%arg12 : memref<!tpu.dma_semaphore, #tpu.memory_space<semaphore_mem>>)
    %dma_wait3A = arith.constant 0 : i32
    %dma_wait3A_13 = tpu.memref_slice %arg4[%mul3A_2, %dma_wait3A] : memref<2048x64xf32, #tpu.memory_space<hbm>> -> memref<64x64xf32, #tpu.memory_space<hbm>>
    %dma_wait3A_14 = arith.constant 0 : i32
    %dma_wait3A_15 = tpu.memref_slice %arg4[%mul3A_2, %dma_wait3A_14] : memref<2048x64xf32, #tpu.memory_space<hbm>> -> memref<64x64xf32, #tpu.memory_space<hbm>>
    tpu.wait_dma2 semaphore(%arg14 : memref<!tpu.dma_semaphore, #tpu.memory_space<semaphore_mem>>) src(%dma_wait3A_15 : memref<64x64xf32, #tpu.memory_space<hbm>>) dst(%arg10 : memref<64x64xf32, #tpu.memory_space<vmem>>)
    %scan3A = arith.constant 0 : i32
    %scan3A_16 = arith.constant 0 : i32
    %scan3A_17 = arith.constant 8 : i32
    %scan3A_18 = arith.addi %scan3A_16, %scan3A_17 : i32
    %scan3A_19 = arith.constant 1 : i32
    scf.for %scan3A_21 = %scan3A_16 to %scan3A_18 step %scan3A_19  : i32 {
      %mul3A_22 = arith.constant 2 : i32
      %mul3A_23 = arith.muli %mul3A_22, %scan3A_21 : i32
      %add3A_24 = arith.constant 1 : i32
      %add3A_25 = arith.addi %mul3A_23, %add3A_24 : i32
      %mul3A_26 = arith.constant 4 : i32
      %mul3A_27 = arith.muli %add3A_25, %mul3A_26 : i32
      %add3A_28 = arith.addi %mul3A_2, %mul3A_27 : i32
      %mul3A_29 = arith.constant 32 : i32
      %mul3A_30 = arith.muli %add3A_28, %mul3A_29 : i32
      "tpu.region"() ({
        %run_scoped3A = tpu.sem_alloc : memref<!tpu.dma_semaphore, #tpu.memory_space<semaphore_mem>>
        %dma_start3A_66 = tpu.memref_slice %arg3[%mul3A_30] : memref<65536xi32, #tpu.memory_space<hbm>> -> memref<128xi32, #tpu.memory_space<hbm>>
        %dma_start3A_67 = tpu.memref_slice %arg3[%mul3A_30] : memref<65536xi32, #tpu.memory_space<hbm>> -> memref<128xi32, #tpu.memory_space<hbm>>
        tpu.enqueue_dma source(%dma_start3A_67 : memref<128xi32, #tpu.memory_space<hbm>>) target(%arg7 : memref<128xi32, #tpu.memory_space<vmem>>) target_semaphore(%run_scoped3A : memref<!tpu.dma_semaphore, #tpu.memory_space<semaphore_mem>>)
        %dma_wait3A_68 = tpu.memref_slice %arg3[%mul3A_30] : memref<65536xi32, #tpu.memory_space<hbm>> -> memref<128xi32, #tpu.memory_space<hbm>>
        %dma_wait3A_69 = tpu.memref_slice %arg3[%mul3A_30] : memref<65536xi32, #tpu.memory_space<hbm>> -> memref<128xi32, #tpu.memory_space<hbm>>
        tpu.wait_dma2 semaphore(%run_scoped3A : memref<!tpu.dma_semaphore, #tpu.memory_space<semaphore_mem>>) src(%dma_wait3A_69 : memref<128xi32, #tpu.memory_space<hbm>>) dst(%arg7 : memref<128xi32, #tpu.memory_space<vmem>>)
        tpu.yield
      }) : () -> ()
      %dma_start3A_31 = arith.constant 0 : i32
      %dma_start3A_32 = arith.constant 0 : i32
      %dma_start3A_33 = tpu.memref_slice %arg2[%dma_start3A_31, %dma_start3A_32] : memref<4096x64xf32, #tpu.memory_space<hbm>> -> memref<4096x64xf32, #tpu.memory_space<hbm>>
      tpu.enqueue_indirect_dma source(%dma_start3A_33 : memref<4096x64xf32, #tpu.memory_space<hbm>>) target(%arg9 : memref<128x64xf32, #tpu.memory_space<vmem>>) offsets(%arg7 : memref<128xi32, #tpu.memory_space<vmem>>) semaphore(%arg13 : memref<!tpu.dma_semaphore, #tpu.memory_space<semaphore_mem>>)
      %dma_wait3A_34 = arith.constant 0 : i32
      %dma_wait3A_35 = arith.constant 0 : i32
      %dma_wait3A_36 = tpu.memref_slice %arg2[%dma_wait3A_34, %dma_wait3A_35] : memref<4096x64xf32, #tpu.memory_space<hbm>> -> memref<128x64xf32, #tpu.memory_space<hbm>>
      %dma_wait3A_37 = arith.constant 0 : i32
      %dma_wait3A_38 = arith.constant 0 : i32
      %dma_wait3A_39 = tpu.memref_slice %arg2[%dma_wait3A_37, %dma_wait3A_38] : memref<4096x64xf32, #tpu.memory_space<hbm>> -> memref<128x64xf32, #tpu.memory_space<hbm>>
      tpu.wait_dma2 semaphore(%arg12 : memref<!tpu.dma_semaphore, #tpu.memory_space<semaphore_mem>>) src(%dma_wait3A_39 : memref<128x64xf32, #tpu.memory_space<hbm>>) dst(%arg8 : memref<128x64xf32, #tpu.memory_space<vmem>>)
      %scan3A_40 = arith.constant 0 : i32
      %scan3A_41 = arith.constant 0 : i32
      %scan3A_42 = arith.constant 4 : i32
      %scan3A_43 = arith.addi %scan3A_41, %scan3A_42 : i32
      %scan3A_44 = arith.constant 1 : i32
      %scan3A_45 = scf.for %scan3A_66 = %scan3A_41 to %scan3A_43 step %scan3A_44 iter_args(%scan3A_67 = %scan3A_40) -> (i32)  : i32 {
        %mul3A_68 = arith.constant 32 : i32
        %mul3A_69 = arith.muli %scan3A_66, %mul3A_68 : i32
        %get3A = arith.index_cast %mul3A_69 : i32 to index
        %get3A_70 = arith.constant 0 : index
        %get3A_71 = tpu.vector_load %arg8[%get3A, %get3A_70] {strides = array<i32>} : memref<128x64xf32, #tpu.memory_space<vmem>>, vector<1x16xf32>,
        %get3A_72 = vector.shape_cast %get3A_71 : vector<1x16xf32> to vector<16xf32>
        %mul3A_73 = arith.constant 32 : i32
        %mul3A_74 = arith.muli %scan3A_66, %mul3A_73 : i32
        %get3A_75 = arith.index_cast %mul3A_74 : i32 to index
        %get3A_76 = arith.constant 16 : index
        %get3A_77 = tpu.vector_load %arg8[%get3A_75, %get3A_76] {strides = array<i32>} : memref<128x64xf32, #tpu.memory_space<vmem>>, vector<1x16xf32>,
        %get3A_78 = vector.shape_cast %get3A_77 : vector<1x16xf32> to vector<16xf32>
        %mul3A_79 = arith.constant 32 : i32
        %mul3A_80 = arith.muli %scan3A_66, %mul3A_79 : i32
        %get3A_81 = arith.index_cast %mul3A_80 : i32 to index
        %get3A_82 = arith.constant 32 : index
        %get3A_83 = tpu.vector_load %arg8[%get3A_81, %get3A_82] {strides = array<i32>} : memref<128x64xf32, #tpu.memory_space<vmem>>, vector<1x16xf32>,
        %get3A_84 = vector.shape_cast %get3A_83 : vector<1x16xf32> to vector<16xf32>
        %mul3A_85 = arith.constant 32 : i32
        %mul3A_86 = arith.muli %scan3A_66, %mul3A_85 : i32
        %get3A_87 = arith.index_cast %mul3A_86 : i32 to index
        %get3A_88 = arith.constant 48 : index
        %get3A_89 = tpu.vector_load %arg8[%get3A_87, %get3A_88] {strides = array<i32>} : memref<128x64xf32, #tpu.memory_space<vmem>>, vector<1x16xf32>,
        %get3A_90 = vector.shape_cast %get3A_89 : vector<1x16xf32> to vector<16xf32>
        %scan3A_91 = arith.constant 1 : i32
        %scan3A_92 = arith.constant 31 : i32
        %scan3A_93 = arith.addi %scan3A_91, %scan3A_92 : i32
        %scan3A_94 = arith.constant 1 : i32
        %scan3A_95:4 = scf.for %scan3A_151 = %scan3A_91 to %scan3A_93 step %scan3A_94 iter_args(%scan3A_152 = %get3A_72, %scan3A_153 = %get3A_78, %scan3A_154 = %get3A_84, %scan3A_155 = %get3A_90) -> (vector<16xf32>, vector<16xf32>, vector<16xf32>, vector<16xf32>)  : i32 {
          %mul3A_156 = arith.constant 32 : i32
          %mul3A_157 = arith.muli %scan3A_66, %mul3A_156 : i32
          %add3A_158 = arith.addi %mul3A_157, %scan3A_151 : i32
          %get3A_159 = arith.index_cast %add3A_158 : i32 to index
          %get3A_160 = arith.constant 0 : index
          %get3A_161 = tpu.vector_load %arg8[%get3A_159, %get3A_160] {strides = array<i32>} : memref<128x64xf32, #tpu.memory_space<vmem>>, vector<1x16xf32>,
          %get3A_162 = vector.shape_cast %get3A_161 : vector<1x16xf32> to vector<16xf32>
          %max3A_163 = arith.maximumf %scan3A_152, %get3A_162 : vector<16xf32>
          %mul3A_164 = arith.constant 32 : i32
          %mul3A_165 = arith.muli %scan3A_66, %mul3A_164 : i32
          %add3A_166 = arith.addi %mul3A_165, %scan3A_151 : i32
          %get3A_167 = arith.index_cast %add3A_166 : i32 to index
          %get3A_168 = arith.constant 16 : index
          %get3A_169 = tpu.vector_load %arg8[%get3A_167, %get3A_168] {strides = array<i32>} : memref<128x64xf32, #tpu.memory_space<vmem>>, vector<1x16xf32>,
          %get3A_170 = vector.shape_cast %get3A_169 : vector<1x16xf32> to vector<16xf32>
          %max3A_171 = arith.maximumf %scan3A_153, %get3A_170 : vector<16xf32>
          %mul3A_172 = arith.constant 32 : i32
          %mul3A_173 = arith.muli %scan3A_66, %mul3A_172 : i32
          %add3A_174 = arith.addi %mul3A_173, %scan3A_151 : i32
          %get3A_175 = arith.index_cast %add3A_174 : i32 to index
          %get3A_176 = arith.constant 32 : index
          %get3A_177 = tpu.vector_load %arg8[%get3A_175, %get3A_176] {strides = array<i32>} : memref<128x64xf32, #tpu.memory_space<vmem>>, vector<1x16xf32>,
          %get3A_178 = vector.shape_cast %get3A_177 : vector<1x16xf32> to vector<16xf32>
          %max3A_179 = arith.maximumf %scan3A_154, %get3A_178 : vector<16xf32>
          %mul3A_180 = arith.constant 32 : i32
          %mul3A_181 = arith.muli %scan3A_66, %mul3A_180 : i32
          %add3A_182 = arith.addi %mul3A_181, %scan3A_151 : i32
          %get3A_183 = arith.index_cast %add3A_182 : i32 to index
          %get3A_184 = arith.constant 48 : index
          %get3A_185 = tpu.vector_load %arg8[%get3A_183, %get3A_184] {strides = array<i32>} : memref<128x64xf32, #tpu.memory_space<vmem>>, vector<1x16xf32>,
          %get3A_186 = vector.shape_cast %get3A_185 : vector<1x16xf32> to vector<16xf32>
          %max3A_187 = arith.maximumf %scan3A_155, %get3A_186 : vector<16xf32>
          scf.yield %max3A_163, %max3A_171, %max3A_179, %max3A_187 : vector<16xf32>, vector<16xf32>, vector<16xf32>, vector<16xf32>
        }
        %scan3A_96 = arith.constant 31 : i32
        %mul3A_97 = arith.constant 4 : i32
        %mul3A_98 = arith.muli %mul3A_23, %mul3A_97 : i32
        %add3A_99 = arith.addi %mul3A_98, %scan3A_66 : i32
        %get3A_100 = arith.index_cast %add3A_99 : i32 to index
        %get3A_101 = arith.constant 0 : index
        %get3A_102 = tpu.vector_load %arg10[%get3A_100, %get3A_101] {strides = array<i32>} : memref<64x64xf32, #tpu.memory_space<vmem>>, vector<1x16xf32>,
        %get3A_103 = vector.shape_cast %get3A_102 : vector<1x16xf32> to vector<16xf32>
        %add3A_104 = arith.addf %get3A_103, %scan3A_95#0 : vector<16xf32>
        %max3A = arith.constant 0.000000e+00 : f32
        %max3A_105 = vector.broadcast %max3A : f32 to vector<16xf32>
        %max3A_106 = arith.maximumf %add3A_104, %max3A_105 : vector<16xf32>
        %swap3A = arith.index_cast %add3A_99 : i32 to index
        %swap3A_107 = arith.constant 0 : index
        %swap3A_108 = tpu.vector_load %arg11[%swap3A, %swap3A_107] {strides = array<i32>} : memref<64x64xf32, #tpu.memory_space<vmem>>, vector<1x16xf32>,
        %swap3A_109 = vector.shape_cast %swap3A_108 : vector<1x16xf32> to vector<16xf32>
        %swap3A_110 = vector.shape_cast %max3A_106 : vector<16xf32> to vector<1x16xf32>
        tpu.vector_store %arg11[%swap3A, %swap3A_107], %swap3A_110 {strides = array<i32>} : memref<64x64xf32, #tpu.memory_space<vmem>>, vector<1x16xf32>,
        %get3A_111 = arith.index_cast %add3A_99 : i32 to index
        %get3A_112 = arith.constant 16 : index
        %get3A_113 = tpu.vector_load %arg10[%get3A_111, %get3A_112] {strides = array<i32>} : memref<64x64xf32, #tpu.memory_space<vmem>>, vector<1x16xf32>,
        %get3A_114 = vector.shape_cast %get3A_113 : vector<1x16xf32> to vector<16xf32>
        %add3A_115 = arith.addf %get3A_114, %scan3A_95#1 : vector<16xf32>
        %max3A_116 = arith.constant 0.000000e+00 : f32
        %max3A_117 = vector.broadcast %max3A_116 : f32 to vector<16xf32>
        %max3A_118 = arith.maximumf %add3A_115, %max3A_117 : vector<16xf32>
        %swap3A_119 = arith.index_cast %add3A_99 : i32 to index
        %swap3A_120 = arith.constant 16 : index
        %swap3A_121 = tpu.vector_load %arg11[%swap3A_119, %swap3A_120] {strides = array<i32>} : memref<64x64xf32, #tpu.memory_space<vmem>>, vector<1x16xf32>,
        %swap3A_122 = vector.shape_cast %swap3A_121 : vector<1x16xf32> to vector<16xf32>
        %swap3A_123 = vector.shape_cast %max3A_118 : vector<16xf32> to vector<1x16xf32>
        tpu.vector_store %arg11[%swap3A_119, %swap3A_120], %swap3A_123 {strides = array<i32>} : memref<64x64xf32, #tpu.memory_space<vmem>>, vector<1x16xf32>,
        %get3A_124 = arith.index_cast %add3A_99 : i32 to index
        %get3A_125 = arith.constant 32 : index
        %get3A_126 = tpu.vector_load %arg10[%get3A_124, %get3A_125] {strides = array<i32>} : memref<64x64xf32, #tpu.memory_space<vmem>>, vector<1x16xf32>,
        %get3A_127 = vector.shape_cast %get3A_126 : vector<1x16xf32> to vector<16xf32>
        %add3A_128 = arith.addf %get3A_127, %scan3A_95#2 : vector<16xf32>
        %max3A_129 = arith.constant 0.000000e+00 : f32
        %max3A_130 = vector.broadcast %max3A_129 : f32 to vector<16xf32>
        %max3A_131 = arith.maximumf %add3A_128, %max3A_130 : vector<16xf32>
        %swap3A_132 = arith.index_cast %add3A_99 : i32 to index
        %swap3A_133 = arith.constant 32 : index
        %swap3A_134 = tpu.vector_load %arg11[%swap3A_132, %swap3A_133] {strides = array<i32>} : memref<64x64xf32, #tpu.memory_space<vmem>>, vector<1x16xf32>,
        %swap3A_135 = vector.shape_cast %swap3A_134 : vector<1x16xf32> to vector<16xf32>
        %swap3A_136 = vector.shape_cast %max3A_131 : vector<16xf32> to vector<1x16xf32>
        tpu.vector_store %arg11[%swap3A_132, %swap3A_133], %swap3A_136 {strides = array<i32>} : memref<64x64xf32, #tpu.memory_space<vmem>>, vector<1x16xf32>,
        %get3A_137 = arith.index_cast %add3A_99 : i32 to index
        %get3A_138 = arith.constant 48 : index
        %get3A_139 = tpu.vector_load %arg10[%get3A_137, %get3A_138] {strides = array<i32>} : memref<64x64xf32, #tpu.memory_space<vmem>>, vector<1x16xf32>,
        %get3A_140 = vector.shape_cast %get3A_139 : vector<1x16xf32> to vector<16xf32>
        %add3A_141 = arith.addf %get3A_140, %scan3A_95#3 : vector<16xf32>
        %max3A_142 = arith.constant 0.000000e+00 : f32
        %max3A_143 = vector.broadcast %max3A_142 : f32 to vector<16xf32>
        %max3A_144 = arith.maximumf %add3A_141, %max3A_143 : vector<16xf32>
        %swap3A_145 = arith.index_cast %add3A_99 : i32 to index
        %swap3A_146 = arith.constant 48 : index
        %swap3A_147 = tpu.vector_load %arg11[%swap3A_145, %swap3A_146] {strides = array<i32>} : memref<64x64xf32, #tpu.memory_space<vmem>>, vector<1x16xf32>,
        %swap3A_148 = vector.shape_cast %swap3A_147 : vector<1x16xf32> to vector<16xf32>
        %swap3A_149 = vector.shape_cast %max3A_144 : vector<16xf32> to vector<1x16xf32>
        tpu.vector_store %arg11[%swap3A_145, %swap3A_146], %swap3A_149 {strides = array<i32>} : memref<64x64xf32, #tpu.memory_space<vmem>>, vector<1x16xf32>,
        %scan3A_150 = arith.constant 0 : i32
        scf.yield %scan3A_150 : i32
      }
      %scan3A_46 = arith.constant 4 : i32
      %add3A_47 = arith.constant 2 : i32
      %add3A_48 = arith.addi %mul3A_23, %add3A_47 : i32
      %lt3A = arith.constant 16 : i32
      %lt3A_49 = arith.cmpi slt, %add3A_48, %lt3A : i32
      %convert_element_type3A = arith.extui %lt3A_49 : i1 to i32
      %cond3A = arith.constant 0 : i32
      %cond3A_50 = arith.cmpi ne, %convert_element_type3A, %cond3A : i32
      scf.if %cond3A_50 {
        %add3A_66 = arith.constant 2 : i32
        %add3A_67 = arith.addi %mul3A_23, %add3A_66 : i32
        %mul3A_68 = arith.constant 4 : i32
        %mul3A_69 = arith.muli %add3A_67, %mul3A_68 : i32
        %add3A_70 = arith.addi %mul3A_2, %mul3A_69 : i32
        %mul3A_71 = arith.constant 32 : i32
        %mul3A_72 = arith.muli %add3A_70, %mul3A_71 : i32
        "tpu.region"() ({
          %run_scoped3A = tpu.sem_alloc : memref<!tpu.dma_semaphore, #tpu.memory_space<semaphore_mem>>
          %dma_start3A_76 = tpu.memref_slice %arg3[%mul3A_72] : memref<65536xi32, #tpu.memory_space<hbm>> -> memref<128xi32, #tpu.memory_space<hbm>>
          %dma_start3A_77 = tpu.memref_slice %arg3[%mul3A_72] : memref<65536xi32, #tpu.memory_space<hbm>> -> memref<128xi32, #tpu.memory_space<hbm>>
          tpu.enqueue_dma source(%dma_start3A_77 : memref<128xi32, #tpu.memory_space<hbm>>) target(%arg6 : memref<128xi32, #tpu.memory_space<vmem>>) target_semaphore(%run_scoped3A : memref<!tpu.dma_semaphore, #tpu.memory_space<semaphore_mem>>)
          %dma_wait3A_78 = tpu.memref_slice %arg3[%mul3A_72] : memref<65536xi32, #tpu.memory_space<hbm>> -> memref<128xi32, #tpu.memory_space<hbm>>
          %dma_wait3A_79 = tpu.memref_slice %arg3[%mul3A_72] : memref<65536xi32, #tpu.memory_space<hbm>> -> memref<128xi32, #tpu.memory_space<hbm>>
          tpu.wait_dma2 semaphore(%run_scoped3A : memref<!tpu.dma_semaphore, #tpu.memory_space<semaphore_mem>>) src(%dma_wait3A_79 : memref<128xi32, #tpu.memory_space<hbm>>) dst(%arg6 : memref<128xi32, #tpu.memory_space<vmem>>)
          tpu.yield
        }) : () -> ()
        %dma_start3A_73 = arith.constant 0 : i32
        %dma_start3A_74 = arith.constant 0 : i32
        %dma_start3A_75 = tpu.memref_slice %arg2[%dma_start3A_73, %dma_start3A_74] : memref<4096x64xf32, #tpu.memory_space<hbm>> -> memref<4096x64xf32, #tpu.memory_space<hbm>>
        tpu.enqueue_indirect_dma source(%dma_start3A_75 : memref<4096x64xf32, #tpu.memory_space<hbm>>) target(%arg8 : memref<128x64xf32, #tpu.memory_space<vmem>>) offsets(%arg6 : memref<128xi32, #tpu.memory_space<vmem>>) semaphore(%arg12 : memref<!tpu.dma_semaphore, #tpu.memory_space<semaphore_mem>>)
      } else {
      }
      %dma_wait3A_51 = arith.constant 0 : i32
      %dma_wait3A_52 = arith.constant 0 : i32
      %dma_wait3A_53 = tpu.memref_slice %arg2[%dma_wait3A_51, %dma_wait3A_52] : memref<4096x64xf32, #tpu.memory_space<hbm>> -> memref<128x64xf32, #tpu.memory_space<hbm>>
      %dma_wait3A_54 = arith.constant 0 : i32
      %dma_wait3A_55 = arith.constant 0 : i32
      %dma_wait3A_56 = tpu.memref_slice %arg2[%dma_wait3A_54, %dma_wait3A_55] : memref<4096x64xf32, #tpu.memory_space<hbm>> -> memref<128x64xf32, #tpu.memory_space<hbm>>
      tpu.wait_dma2 semaphore(%arg13 : memref<!tpu.dma_semaphore, #tpu.memory_space<semaphore_mem>>) src(%dma_wait3A_56 : memref<128x64xf32, #tpu.memory_space<hbm>>) dst(%arg9 : memref<128x64xf32, #tpu.memory_space<vmem>>)
      %add3A_57 = arith.constant 1 : i32
      %add3A_58 = arith.addi %mul3A_23, %add3A_57 : i32
      %scan3A_59 = arith.constant 0 : i32
      %scan3A_60 = arith.constant 0 : i32
      %scan3A_61 = arith.constant 4 : i32
      %scan3A_62 = arith.addi %scan3A_60, %scan3A_61 : i32
      %scan3A_63 = arith.constant 1 : i32
      %scan3A_64 = scf.for %scan3A_66 = %scan3A_60 to %scan3A_62 step %scan3A_63 iter_args(%scan3A_67 = %scan3A_59) -> (i32)  : i32 {
        %mul3A_68 = arith.constant 32 : i32
        %mul3A_69 = arith.muli %scan3A_66, %mul3A_68 : i32
        %get3A = arith.index_cast %mul3A_69 : i32 to index
        %get3A_70 = arith.constant 0 : index
        %get3A_71 = tpu.vector_load %arg9[%get3A, %get3A_70] {strides = array<i32>} : memref<128x64xf32, #tpu.memory_space<vmem>>, vector<1x16xf32>,
        %get3A_72 = vector.shape_cast %get3A_71 : vector<1x16xf32> to vector<16xf32>
        %mul3A_73 = arith.constant 32 : i32
        %mul3A_74 = arith.muli %scan3A_66, %mul3A_73 : i32
        %get3A_75 = arith.index_cast %mul3A_74 : i32 to index
        %get3A_76 = arith.constant 16 : index
        %get3A_77 = tpu.vector_load %arg9[%get3A_75, %get3A_76] {strides = array<i32>} : memref<128x64xf32, #tpu.memory_space<vmem>>, vector<1x16xf32>,
        %get3A_78 = vector.shape_cast %get3A_77 : vector<1x16xf32> to vector<16xf32>
        %mul3A_79 = arith.constant 32 : i32
        %mul3A_80 = arith.muli %scan3A_66, %mul3A_79 : i32
        %get3A_81 = arith.index_cast %mul3A_80 : i32 to index
        %get3A_82 = arith.constant 32 : index
        %get3A_83 = tpu.vector_load %arg9[%get3A_81, %get3A_82] {strides = array<i32>} : memref<128x64xf32, #tpu.memory_space<vmem>>, vector<1x16xf32>,
        %get3A_84 = vector.shape_cast %get3A_83 : vector<1x16xf32> to vector<16xf32>
        %mul3A_85 = arith.constant 32 : i32
        %mul3A_86 = arith.muli %scan3A_66, %mul3A_85 : i32
        %get3A_87 = arith.index_cast %mul3A_86 : i32 to index
        %get3A_88 = arith.constant 48 : index
        %get3A_89 = tpu.vector_load %arg9[%get3A_87, %get3A_88] {strides = array<i32>} : memref<128x64xf32, #tpu.memory_space<vmem>>, vector<1x16xf32>,
        %get3A_90 = vector.shape_cast %get3A_89 : vector<1x16xf32> to vector<16xf32>
        %scan3A_91 = arith.constant 1 : i32
        %scan3A_92 = arith.constant 31 : i32
        %scan3A_93 = arith.addi %scan3A_91, %scan3A_92 : i32
        %scan3A_94 = arith.constant 1 : i32
        %scan3A_95:4 = scf.for %scan3A_151 = %scan3A_91 to %scan3A_93 step %scan3A_94 iter_args(%scan3A_152 = %get3A_72, %scan3A_153 = %get3A_78, %scan3A_154 = %get3A_84, %scan3A_155 = %get3A_90) -> (vector<16xf32>, vector<16xf32>, vector<16xf32>, vector<16xf32>)  : i32 {
          %mul3A_156 = arith.constant 32 : i32
          %mul3A_157 = arith.muli %scan3A_66, %mul3A_156 : i32
          %add3A_158 = arith.addi %mul3A_157, %scan3A_151 : i32
          %get3A_159 = arith.index_cast %add3A_158 : i32 to index
          %get3A_160 = arith.constant 0 : index
          %get3A_161 = tpu.vector_load %arg9[%get3A_159, %get3A_160] {strides = array<i32>} : memref<128x64xf32, #tpu.memory_space<vmem>>, vector<1x16xf32>,
          %get3A_162 = vector.shape_cast %get3A_161 : vector<1x16xf32> to vector<16xf32>
          %max3A_163 = arith.maximumf %scan3A_152, %get3A_162 : vector<16xf32>
          %mul3A_164 = arith.constant 32 : i32
          %mul3A_165 = arith.muli %scan3A_66, %mul3A_164 : i32
          %add3A_166 = arith.addi %mul3A_165, %scan3A_151 : i32
          %get3A_167 = arith.index_cast %add3A_166 : i32 to index
          %get3A_168 = arith.constant 16 : index
          %get3A_169 = tpu.vector_load %arg9[%get3A_167, %get3A_168] {strides = array<i32>} : memref<128x64xf32, #tpu.memory_space<vmem>>, vector<1x16xf32>,
          %get3A_170 = vector.shape_cast %get3A_169 : vector<1x16xf32> to vector<16xf32>
          %max3A_171 = arith.maximumf %scan3A_153, %get3A_170 : vector<16xf32>
          %mul3A_172 = arith.constant 32 : i32
          %mul3A_173 = arith.muli %scan3A_66, %mul3A_172 : i32
          %add3A_174 = arith.addi %mul3A_173, %scan3A_151 : i32
          %get3A_175 = arith.index_cast %add3A_174 : i32 to index
          %get3A_176 = arith.constant 32 : index
          %get3A_177 = tpu.vector_load %arg9[%get3A_175, %get3A_176] {strides = array<i32>} : memref<128x64xf32, #tpu.memory_space<vmem>>, vector<1x16xf32>,
          %get3A_178 = vector.shape_cast %get3A_177 : vector<1x16xf32> to vector<16xf32>
          %max3A_179 = arith.maximumf %scan3A_154, %get3A_178 : vector<16xf32>
          %mul3A_180 = arith.constant 32 : i32
          %mul3A_181 = arith.muli %scan3A_66, %mul3A_180 : i32
          %add3A_182 = arith.addi %mul3A_181, %scan3A_151 : i32
          %get3A_183 = arith.index_cast %add3A_182 : i32 to index
          %get3A_184 = arith.constant 48 : index
          %get3A_185 = tpu.vector_load %arg9[%get3A_183, %get3A_184] {strides = array<i32>} : memref<128x64xf32, #tpu.memory_space<vmem>>, vector<1x16xf32>,
          %get3A_186 = vector.shape_cast %get3A_185 : vector<1x16xf32> to vector<16xf32>
          %max3A_187 = arith.maximumf %scan3A_155, %get3A_186 : vector<16xf32>
          scf.yield %max3A_163, %max3A_171, %max3A_179, %max3A_187 : vector<16xf32>, vector<16xf32>, vector<16xf32>, vector<16xf32>
        }
        %scan3A_96 = arith.constant 31 : i32
        %mul3A_97 = arith.constant 4 : i32
        %mul3A_98 = arith.muli %add3A_58, %mul3A_97 : i32
        %add3A_99 = arith.addi %mul3A_98, %scan3A_66 : i32
        %get3A_100 = arith.index_cast %add3A_99 : i32 to index
        %get3A_101 = arith.constant 0 : index
        %get3A_102 = tpu.vector_load %arg10[%get3A_100, %get3A_101] {strides = array<i32>} : memref<64x64xf32, #tpu.memory_space<vmem>>, vector<1x16xf32>,
        %get3A_103 = vector.shape_cast %get3A_102 : vector<1x16xf32> to vector<16xf32>
        %add3A_104 = arith.addf %get3A_103, %scan3A_95#0 : vector<16xf32>
        %max3A = arith.constant 0.000000e+00 : f32
        %max3A_105 = vector.broadcast %max3A : f32 to vector<16xf32>
        %max3A_106 = arith.maximumf %add3A_104, %max3A_105 : vector<16xf32>
        %swap3A = arith.index_cast %add3A_99 : i32 to index
        %swap3A_107 = arith.constant 0 : index
        %swap3A_108 = tpu.vector_load %arg11[%swap3A, %swap3A_107] {strides = array<i32>} : memref<64x64xf32, #tpu.memory_space<vmem>>, vector<1x16xf32>,
        %swap3A_109 = vector.shape_cast %swap3A_108 : vector<1x16xf32> to vector<16xf32>
        %swap3A_110 = vector.shape_cast %max3A_106 : vector<16xf32> to vector<1x16xf32>
        tpu.vector_store %arg11[%swap3A, %swap3A_107], %swap3A_110 {strides = array<i32>} : memref<64x64xf32, #tpu.memory_space<vmem>>, vector<1x16xf32>,
        %get3A_111 = arith.index_cast %add3A_99 : i32 to index
        %get3A_112 = arith.constant 16 : index
        %get3A_113 = tpu.vector_load %arg10[%get3A_111, %get3A_112] {strides = array<i32>} : memref<64x64xf32, #tpu.memory_space<vmem>>, vector<1x16xf32>,
        %get3A_114 = vector.shape_cast %get3A_113 : vector<1x16xf32> to vector<16xf32>
        %add3A_115 = arith.addf %get3A_114, %scan3A_95#1 : vector<16xf32>
        %max3A_116 = arith.constant 0.000000e+00 : f32
        %max3A_117 = vector.broadcast %max3A_116 : f32 to vector<16xf32>
        %max3A_118 = arith.maximumf %add3A_115, %max3A_117 : vector<16xf32>
        %swap3A_119 = arith.index_cast %add3A_99 : i32 to index
        %swap3A_120 = arith.constant 16 : index
        %swap3A_121 = tpu.vector_load %arg11[%swap3A_119, %swap3A_120] {strides = array<i32>} : memref<64x64xf32, #tpu.memory_space<vmem>>, vector<1x16xf32>,
        %swap3A_122 = vector.shape_cast %swap3A_121 : vector<1x16xf32> to vector<16xf32>
        %swap3A_123 = vector.shape_cast %max3A_118 : vector<16xf32> to vector<1x16xf32>
        tpu.vector_store %arg11[%swap3A_119, %swap3A_120], %swap3A_123 {strides = array<i32>} : memref<64x64xf32, #tpu.memory_space<vmem>>, vector<1x16xf32>,
        %get3A_124 = arith.index_cast %add3A_99 : i32 to index
        %get3A_125 = arith.constant 32 : index
        %get3A_126 = tpu.vector_load %arg10[%get3A_124, %get3A_125] {strides = array<i32>} : memref<64x64xf32, #tpu.memory_space<vmem>>, vector<1x16xf32>,
        %get3A_127 = vector.shape_cast %get3A_126 : vector<1x16xf32> to vector<16xf32>
        %add3A_128 = arith.addf %get3A_127, %scan3A_95#2 : vector<16xf32>
        %max3A_129 = arith.constant 0.000000e+00 : f32
        %max3A_130 = vector.broadcast %max3A_129 : f32 to vector<16xf32>
        %max3A_131 = arith.maximumf %add3A_128, %max3A_130 : vector<16xf32>
        %swap3A_132 = arith.index_cast %add3A_99 : i32 to index
        %swap3A_133 = arith.constant 32 : index
        %swap3A_134 = tpu.vector_load %arg11[%swap3A_132, %swap3A_133] {strides = array<i32>} : memref<64x64xf32, #tpu.memory_space<vmem>>, vector<1x16xf32>,
        %swap3A_135 = vector.shape_cast %swap3A_134 : vector<1x16xf32> to vector<16xf32>
        %swap3A_136 = vector.shape_cast %max3A_131 : vector<16xf32> to vector<1x16xf32>
        tpu.vector_store %arg11[%swap3A_132, %swap3A_133], %swap3A_136 {strides = array<i32>} : memref<64x64xf32, #tpu.memory_space<vmem>>, vector<1x16xf32>,
        %get3A_137 = arith.index_cast %add3A_99 : i32 to index
        %get3A_138 = arith.constant 48 : index
        %get3A_139 = tpu.vector_load %arg10[%get3A_137, %get3A_138] {strides = array<i32>} : memref<64x64xf32, #tpu.memory_space<vmem>>, vector<1x16xf32>,
        %get3A_140 = vector.shape_cast %get3A_139 : vector<1x16xf32> to vector<16xf32>
        %add3A_141 = arith.addf %get3A_140, %scan3A_95#3 : vector<16xf32>
        %max3A_142 = arith.constant 0.000000e+00 : f32
        %max3A_143 = vector.broadcast %max3A_142 : f32 to vector<16xf32>
        %max3A_144 = arith.maximumf %add3A_141, %max3A_143 : vector<16xf32>
        %swap3A_145 = arith.index_cast %add3A_99 : i32 to index
        %swap3A_146 = arith.constant 48 : index
        %swap3A_147 = tpu.vector_load %arg11[%swap3A_145, %swap3A_146] {strides = array<i32>} : memref<64x64xf32, #tpu.memory_space<vmem>>, vector<1x16xf32>,
        %swap3A_148 = vector.shape_cast %swap3A_147 : vector<1x16xf32> to vector<16xf32>
        %swap3A_149 = vector.shape_cast %max3A_144 : vector<16xf32> to vector<1x16xf32>
        tpu.vector_store %arg11[%swap3A_145, %swap3A_146], %swap3A_149 {strides = array<i32>} : memref<64x64xf32, #tpu.memory_space<vmem>>, vector<1x16xf32>,
        %scan3A_150 = arith.constant 0 : i32
        scf.yield %scan3A_150 : i32
      }
      %scan3A_65 = arith.constant 4 : i32
    }
    %scan3A_20 = arith.constant 8 : i32
    "tpu.region"() ({
      %run_scoped3A = tpu.sem_alloc : memref<!tpu.dma_semaphore, #tpu.memory_space<semaphore_mem>>
      %dma_start3A_21 = arith.constant 0 : i32
      %dma_start3A_22 = tpu.memref_slice %arg5[%mul3A_2, %dma_start3A_21] : memref<2048x64xf32, #tpu.memory_space<hbm>> -> memref<64x64xf32, #tpu.memory_space<hbm>>
      %dma_start3A_23 = arith.constant 0 : i32
      %dma_start3A_24 = tpu.memref_slice %arg5[%mul3A_2, %dma_start3A_23] : memref<2048x64xf32, #tpu.memory_space<hbm>> -> memref<64x64xf32, #tpu.memory_space<hbm>>
      tpu.enqueue_dma source(%arg11 : memref<64x64xf32, #tpu.memory_space<vmem>>) target(%dma_start3A_24 : memref<64x64xf32, #tpu.memory_space<hbm>>) target_semaphore(%run_scoped3A : memref<!tpu.dma_semaphore, #tpu.memory_space<semaphore_mem>>)
      %dma_wait3A_25 = arith.constant 0 : i32
      %dma_wait3A_26 = tpu.memref_slice %arg5[%mul3A_2, %dma_wait3A_25] : memref<2048x64xf32, #tpu.memory_space<hbm>> -> memref<64x64xf32, #tpu.memory_space<hbm>>
      %dma_wait3A_27 = arith.constant 0 : i32
      %dma_wait3A_28 = tpu.memref_slice %arg5[%mul3A_2, %dma_wait3A_27] : memref<2048x64xf32, #tpu.memory_space<hbm>> -> memref<64x64xf32, #tpu.memory_space<hbm>>
      tpu.wait_dma2 semaphore(%run_scoped3A : memref<!tpu.dma_semaphore, #tpu.memory_space<semaphore_mem>>) src(%arg11 : memref<64x64xf32, #tpu.memory_space<vmem>>) dst(%dma_wait3A_28 : memref<64x64xf32, #tpu.memory_space<hbm>>)
      tpu.yield
    }) : () -> ()
    return
  }
}

#map = affine_map<(d0, d1) -> (0, 0)>
#map1 = affine_map<(d0, d1) -> (0)>
module attributes {stable_mosaic.version = 14 : i64} {
  func.func @k(%arg0: i32, %arg1: i32, %arg2: memref<4096x64xf32, #tpu.memory_space<hbm>>, %arg3: memref<65536xi32, #tpu.memory_space<hbm>>, %arg4: memref<2048x64xf32, #tpu.memory_space<hbm>>, %arg5: memref<2048x64xf32, #tpu.memory_space<hbm>>, %arg6: memref<128xi32, #tpu.memory_space<vmem>>, %arg7: memref<128xi32, #tpu.memory_space<vmem>>, %arg8: memref<128x64xf32, #tpu.memory_space<vmem>>, %arg9: memref<128x64xf32, #tpu.memory_space<vmem>>, %arg10: memref<64x64xf32, #tpu.memory_space<vmem>>, %arg11: memref<64x64xf32, #tpu.memory_space<vmem>>, %arg12: memref<!tpu.dma_semaphore, #tpu.memory_space<semaphore_mem>>, %arg13: memref<!tpu.dma_semaphore, #tpu.memory_space<semaphore_mem>>, %arg14: memref<!tpu.dma_semaphore, #tpu.memory_space<semaphore_mem>>) attributes {dimension_semantics = [#tpu.dimension_semantics<core_parallel>, #tpu.dimension_semantics<subcore_parallel>], iteration_bounds = array<i64: 2, 16>, scalar_prefetch = 0 : i64, scratch_operands = 9 : i64, tpu.core_type = #tpu.core_type<sc_vector_subcore>, window_params = [{transform_indices = #map}, {transform_indices = #map1}, {transform_indices = #map}, {transform_indices = #map}]} {
    %mul3A = arith.constant 2 : i32
    %mul3A_0 = arith.muli %arg1, %mul3A : i32
    %add3A = arith.addi %mul3A_0, %arg0 : i32
    %mul3A_1 = arith.constant 64 : i32
    %mul3A_2 = arith.muli %add3A, %mul3A_1 : i32
    %dma_start3A = arith.constant 0 : i32
    %dma_start3A_3 = tpu.memref_slice %arg4[%mul3A_2, %dma_start3A] : memref<2048x64xf32, #tpu.memory_space<hbm>> -> memref<64x64xf32, #tpu.memory_space<hbm>>
    %dma_start3A_4 = arith.constant 0 : i32
    %dma_start3A_5 = tpu.memref_slice %arg4[%mul3A_2, %dma_start3A_4] : memref<2048x64xf32, #tpu.memory_space<hbm>> -> memref<64x64xf32, #tpu.memory_space<hbm>>
    tpu.enqueue_dma source(%dma_start3A_5 : memref<64x64xf32, #tpu.memory_space<hbm>>) target(%arg10 : memref<64x64xf32, #tpu.memory_space<vmem>>) target_semaphore(%arg14 : memref<!tpu.dma_semaphore, #tpu.memory_space<semaphore_mem>>)
    %add3A_6 = arith.constant 0 : i32
    %add3A_7 = arith.addi %mul3A_2, %add3A_6 : i32
    %mul3A_8 = arith.constant 32 : i32
    %mul3A_9 = arith.muli %add3A_7, %mul3A_8 : i32
    "tpu.region"() ({
      %run_scoped3A = tpu.sem_alloc : memref<!tpu.dma_semaphore, #tpu.memory_space<semaphore_mem>>
      %dma_start3A_21 = tpu.memref_slice %arg3[%mul3A_9] : memref<65536xi32, #tpu.memory_space<hbm>> -> memref<128xi32, #tpu.memory_space<hbm>>
      %dma_start3A_22 = tpu.memref_slice %arg3[%mul3A_9] : memref<65536xi32, #tpu.memory_space<hbm>> -> memref<128xi32, #tpu.memory_space<hbm>>
      tpu.enqueue_dma source(%dma_start3A_22 : memref<128xi32, #tpu.memory_space<hbm>>) target(%arg6 : memref<128xi32, #tpu.memory_space<vmem>>) target_semaphore(%run_scoped3A : memref<!tpu.dma_semaphore, #tpu.memory_space<semaphore_mem>>)
      %dma_wait3A_23 = tpu.memref_slice %arg3[%mul3A_9] : memref<65536xi32, #tpu.memory_space<hbm>> -> memref<128xi32, #tpu.memory_space<hbm>>
      %dma_wait3A_24 = tpu.memref_slice %arg3[%mul3A_9] : memref<65536xi32, #tpu.memory_space<hbm>> -> memref<128xi32, #tpu.memory_space<hbm>>
      tpu.wait_dma2 semaphore(%run_scoped3A : memref<!tpu.dma_semaphore, #tpu.memory_space<semaphore_mem>>) src(%dma_wait3A_24 : memref<128xi32, #tpu.memory_space<hbm>>) dst(%arg6 : memref<128xi32, #tpu.memory_space<vmem>>)
      tpu.yield
    }) : () -> ()
    %dma_start3A_10 = arith.constant 0 : i32
    %dma_start3A_11 = arith.constant 0 : i32
    %dma_start3A_12 = tpu.memref_slice %arg2[%dma_start3A_10, %dma_start3A_11] : memref<4096x64xf32, #tpu.memory_space<hbm>> -> memref<4096x64xf32, #tpu.memory_space<hbm>>
    tpu.enqueue_indirect_dma source(%dma_start3A_12 : memref<4096x64xf32, #tpu.memory_space<hbm>>) target(%arg8 : memref<128x64xf32, #tpu.memory_space<vmem>>) offsets(%arg6 : memref<128xi32, #tpu.memory_space<vmem>>) semaphore(%arg12 : memref<!tpu.dma_semaphore, #tpu.memory_space<semaphore_mem>>)
    %dma_wait3A = arith.constant 0 : i32
    %dma_wait3A_13 = tpu.memref_slice %arg4[%mul3A_2, %dma_wait3A] : memref<2048x64xf32, #tpu.memory_space<hbm>> -> memref<64x64xf32, #tpu.memory_space<hbm>>
    %dma_wait3A_14 = arith.constant 0 : i32
    %dma_wait3A_15 = tpu.memref_slice %arg4[%mul3A_2, %dma_wait3A_14] : memref<2048x64xf32, #tpu.memory_space<hbm>> -> memref<64x64xf32, #tpu.memory_space<hbm>>
    tpu.wait_dma2 semaphore(%arg14 : memref<!tpu.dma_semaphore, #tpu.memory_space<semaphore_mem>>) src(%dma_wait3A_15 : memref<64x64xf32, #tpu.memory_space<hbm>>) dst(%arg10 : memref<64x64xf32, #tpu.memory_space<vmem>>)
    %scan3A = arith.constant 0 : i32
    %scan3A_16 = arith.constant 0 : i32
    %scan3A_17 = arith.constant 8 : i32
    %scan3A_18 = arith.addi %scan3A_16, %scan3A_17 : i32
    %scan3A_19 = arith.constant 1 : i32
    scf.for %scan3A_21 = %scan3A_16 to %scan3A_18 step %scan3A_19  : i32 {
      %mul3A_22 = arith.constant 2 : i32
      %mul3A_23 = arith.muli %mul3A_22, %scan3A_21 : i32
      %add3A_24 = arith.constant 1 : i32
      %add3A_25 = arith.addi %mul3A_23, %add3A_24 : i32
      %mul3A_26 = arith.constant 4 : i32
      %mul3A_27 = arith.muli %add3A_25, %mul3A_26 : i32
      %add3A_28 = arith.addi %mul3A_2, %mul3A_27 : i32
      %mul3A_29 = arith.constant 32 : i32
      %mul3A_30 = arith.muli %add3A_28, %mul3A_29 : i32
      "tpu.region"() ({
        %run_scoped3A = tpu.sem_alloc : memref<!tpu.dma_semaphore, #tpu.memory_space<semaphore_mem>>
        %dma_start3A_66 = tpu.memref_slice %arg3[%mul3A_30] : memref<65536xi32, #tpu.memory_space<hbm>> -> memref<128xi32, #tpu.memory_space<hbm>>
        %dma_start3A_67 = tpu.memref_slice %arg3[%mul3A_30] : memref<65536xi32, #tpu.memory_space<hbm>> -> memref<128xi32, #tpu.memory_space<hbm>>
        tpu.enqueue_dma source(%dma_start3A_67 : memref<128xi32, #tpu.memory_space<hbm>>) target(%arg7 : memref<128xi32, #tpu.memory_space<vmem>>) target_semaphore(%run_scoped3A : memref<!tpu.dma_semaphore, #tpu.memory_space<semaphore_mem>>)
        %dma_wait3A_68 = tpu.memref_slice %arg3[%mul3A_30] : memref<65536xi32, #tpu.memory_space<hbm>> -> memref<128xi32, #tpu.memory_space<hbm>>
        %dma_wait3A_69 = tpu.memref_slice %arg3[%mul3A_30] : memref<65536xi32, #tpu.memory_space<hbm>> -> memref<128xi32, #tpu.memory_space<hbm>>
        tpu.wait_dma2 semaphore(%run_scoped3A : memref<!tpu.dma_semaphore, #tpu.memory_space<semaphore_mem>>) src(%dma_wait3A_69 : memref<128xi32, #tpu.memory_space<hbm>>) dst(%arg7 : memref<128xi32, #tpu.memory_space<vmem>>)
        tpu.yield
      }) : () -> ()
      %dma_start3A_31 = arith.constant 0 : i32
      %dma_start3A_32 = arith.constant 0 : i32
      %dma_start3A_33 = tpu.memref_slice %arg2[%dma_start3A_31, %dma_start3A_32] : memref<4096x64xf32, #tpu.memory_space<hbm>> -> memref<4096x64xf32, #tpu.memory_space<hbm>>
      tpu.enqueue_indirect_dma source(%dma_start3A_33 : memref<4096x64xf32, #tpu.memory_space<hbm>>) target(%arg9 : memref<128x64xf32, #tpu.memory_space<vmem>>) offsets(%arg7 : memref<128xi32, #tpu.memory_space<vmem>>) semaphore(%arg13 : memref<!tpu.dma_semaphore, #tpu.memory_space<semaphore_mem>>)
      %dma_wait3A_34 = arith.constant 0 : i32
      %dma_wait3A_35 = arith.constant 0 : i32
      %dma_wait3A_36 = tpu.memref_slice %arg2[%dma_wait3A_34, %dma_wait3A_35] : memref<4096x64xf32, #tpu.memory_space<hbm>> -> memref<128x64xf32, #tpu.memory_space<hbm>>
      %dma_wait3A_37 = arith.constant 0 : i32
      %dma_wait3A_38 = arith.constant 0 : i32
      %dma_wait3A_39 = tpu.memref_slice %arg2[%dma_wait3A_37, %dma_wait3A_38] : memref<4096x64xf32, #tpu.memory_space<hbm>> -> memref<128x64xf32, #tpu.memory_space<hbm>>
      tpu.wait_dma2 semaphore(%arg12 : memref<!tpu.dma_semaphore, #tpu.memory_space<semaphore_mem>>) src(%dma_wait3A_39 : memref<128x64xf32, #tpu.memory_space<hbm>>) dst(%arg8 : memref<128x64xf32, #tpu.memory_space<vmem>>)
      %scan3A_40 = arith.constant 0 : i32
      %scan3A_41 = arith.constant 0 : i32
      %scan3A_42 = arith.constant 4 : i32
      %scan3A_43 = arith.addi %scan3A_41, %scan3A_42 : i32
      %scan3A_44 = arith.constant 1 : i32
      %scan3A_45 = scf.for %scan3A_66 = %scan3A_41 to %scan3A_43 step %scan3A_44 iter_args(%scan3A_67 = %scan3A_40) -> (i32)  : i32 {
        %mul3A_68 = arith.constant 32 : i32
        %mul3A_69 = arith.muli %scan3A_66, %mul3A_68 : i32
        %get3A = arith.index_cast %mul3A_69 : i32 to index
        %get3A_70 = arith.constant 0 : index
        %get3A_71 = tpu.vector_load %arg8[%get3A, %get3A_70] {strides = array<i32>} : memref<128x64xf32, #tpu.memory_space<vmem>>, vector<1x16xf32>,
        %get3A_72 = vector.shape_cast %get3A_71 : vector<1x16xf32> to vector<16xf32>
        %mul3A_73 = arith.constant 32 : i32
        %mul3A_74 = arith.muli %scan3A_66, %mul3A_73 : i32
        %get3A_75 = arith.index_cast %mul3A_74 : i32 to index
        %get3A_76 = arith.constant 16 : index
        %get3A_77 = tpu.vector_load %arg8[%get3A_75, %get3A_76] {strides = array<i32>} : memref<128x64xf32, #tpu.memory_space<vmem>>, vector<1x16xf32>,
        %get3A_78 = vector.shape_cast %get3A_77 : vector<1x16xf32> to vector<16xf32>
        %mul3A_79 = arith.constant 32 : i32
        %mul3A_80 = arith.muli %scan3A_66, %mul3A_79 : i32
        %get3A_81 = arith.index_cast %mul3A_80 : i32 to index
        %get3A_82 = arith.constant 32 : index
        %get3A_83 = tpu.vector_load %arg8[%get3A_81, %get3A_82] {strides = array<i32>} : memref<128x64xf32, #tpu.memory_space<vmem>>, vector<1x16xf32>,
        %get3A_84 = vector.shape_cast %get3A_83 : vector<1x16xf32> to vector<16xf32>
        %mul3A_85 = arith.constant 32 : i32
        %mul3A_86 = arith.muli %scan3A_66, %mul3A_85 : i32
        %get3A_87 = arith.index_cast %mul3A_86 : i32 to index
        %get3A_88 = arith.constant 48 : index
        %get3A_89 = tpu.vector_load %arg8[%get3A_87, %get3A_88] {strides = array<i32>} : memref<128x64xf32, #tpu.memory_space<vmem>>, vector<1x16xf32>,
        %get3A_90 = vector.shape_cast %get3A_89 : vector<1x16xf32> to vector<16xf32>
        %scan3A_91 = arith.constant 1 : i32
        %scan3A_92 = arith.constant 31 : i32
        %scan3A_93 = arith.addi %scan3A_91, %scan3A_92 : i32
        %scan3A_94 = arith.constant 1 : i32
        %scan3A_95:4 = scf.for %scan3A_151 = %scan3A_91 to %scan3A_93 step %scan3A_94 iter_args(%scan3A_152 = %get3A_72, %scan3A_153 = %get3A_78, %scan3A_154 = %get3A_84, %scan3A_155 = %get3A_90) -> (vector<16xf32>, vector<16xf32>, vector<16xf32>, vector<16xf32>)  : i32 {
          %mul3A_156 = arith.constant 32 : i32
          %mul3A_157 = arith.muli %scan3A_66, %mul3A_156 : i32
          %add3A_158 = arith.addi %mul3A_157, %scan3A_151 : i32
          %get3A_159 = arith.index_cast %add3A_158 : i32 to index
          %get3A_160 = arith.constant 0 : index
          %get3A_161 = tpu.vector_load %arg8[%get3A_159, %get3A_160] {strides = array<i32>} : memref<128x64xf32, #tpu.memory_space<vmem>>, vector<1x16xf32>,
          %get3A_162 = vector.shape_cast %get3A_161 : vector<1x16xf32> to vector<16xf32>
          %max3A_163 = arith.maximumf %scan3A_152, %get3A_162 : vector<16xf32>
          %mul3A_164 = arith.constant 32 : i32
          %mul3A_165 = arith.muli %scan3A_66, %mul3A_164 : i32
          %add3A_166 = arith.addi %mul3A_165, %scan3A_151 : i32
          %get3A_167 = arith.index_cast %add3A_166 : i32 to index
          %get3A_168 = arith.constant 16 : index
          %get3A_169 = tpu.vector_load %arg8[%get3A_167, %get3A_168] {strides = array<i32>} : memref<128x64xf32, #tpu.memory_space<vmem>>, vector<1x16xf32>,
          %get3A_170 = vector.shape_cast %get3A_169 : vector<1x16xf32> to vector<16xf32>
          %max3A_171 = arith.maximumf %scan3A_153, %get3A_170 : vector<16xf32>
          %mul3A_172 = arith.constant 32 : i32
          %mul3A_173 = arith.muli %scan3A_66, %mul3A_172 : i32
          %add3A_174 = arith.addi %mul3A_173, %scan3A_151 : i32
          %get3A_175 = arith.index_cast %add3A_174 : i32 to index
          %get3A_176 = arith.constant 32 : index
          %get3A_177 = tpu.vector_load %arg8[%get3A_175, %get3A_176] {strides = array<i32>} : memref<128x64xf32, #tpu.memory_space<vmem>>, vector<1x16xf32>,
          %get3A_178 = vector.shape_cast %get3A_177 : vector<1x16xf32> to vector<16xf32>
          %max3A_179 = arith.maximumf %scan3A_154, %get3A_178 : vector<16xf32>
          %mul3A_180 = arith.constant 32 : i32
          %mul3A_181 = arith.muli %scan3A_66, %mul3A_180 : i32
          %add3A_182 = arith.addi %mul3A_181, %scan3A_151 : i32
          %get3A_183 = arith.index_cast %add3A_182 : i32 to index
          %get3A_184 = arith.constant 48 : index
          %get3A_185 = tpu.vector_load %arg8[%get3A_183, %get3A_184] {strides = array<i32>} : memref<128x64xf32, #tpu.memory_space<vmem>>, vector<1x16xf32>,
          %get3A_186 = vector.shape_cast %get3A_185 : vector<1x16xf32> to vector<16xf32>
          %max3A_187 = arith.maximumf %scan3A_155, %get3A_186 : vector<16xf32>
          scf.yield %max3A_163, %max3A_171, %max3A_179, %max3A_187 : vector<16xf32>, vector<16xf32>, vector<16xf32>, vector<16xf32>
        }
        %scan3A_96 = arith.constant 31 : i32
        %mul3A_97 = arith.constant 4 : i32
        %mul3A_98 = arith.muli %mul3A_23, %mul3A_97 : i32
        %add3A_99 = arith.addi %mul3A_98, %scan3A_66 : i32
        %get3A_100 = arith.index_cast %add3A_99 : i32 to index
        %get3A_101 = arith.constant 0 : index
        %get3A_102 = tpu.vector_load %arg10[%get3A_100, %get3A_101] {strides = array<i32>} : memref<64x64xf32, #tpu.memory_space<vmem>>, vector<1x16xf32>,
        %get3A_103 = vector.shape_cast %get3A_102 : vector<1x16xf32> to vector<16xf32>
        %add3A_104 = arith.addf %get3A_103, %scan3A_95#0 : vector<16xf32>
        %max3A = arith.constant 0.000000e+00 : f32
        %max3A_105 = vector.broadcast %max3A : f32 to vector<16xf32>
        %max3A_106 = arith.maximumf %add3A_104, %max3A_105 : vector<16xf32>
        %swap3A = arith.index_cast %add3A_99 : i32 to index
        %swap3A_107 = arith.constant 0 : index
        %swap3A_108 = tpu.vector_load %arg11[%swap3A, %swap3A_107] {strides = array<i32>} : memref<64x64xf32, #tpu.memory_space<vmem>>, vector<1x16xf32>,
        %swap3A_109 = vector.shape_cast %swap3A_108 : vector<1x16xf32> to vector<16xf32>
        %swap3A_110 = vector.shape_cast %max3A_106 : vector<16xf32> to vector<1x16xf32>
        tpu.vector_store %arg11[%swap3A, %swap3A_107], %swap3A_110 {strides = array<i32>} : memref<64x64xf32, #tpu.memory_space<vmem>>, vector<1x16xf32>,
        %get3A_111 = arith.index_cast %add3A_99 : i32 to index
        %get3A_112 = arith.constant 16 : index
        %get3A_113 = tpu.vector_load %arg10[%get3A_111, %get3A_112] {strides = array<i32>} : memref<64x64xf32, #tpu.memory_space<vmem>>, vector<1x16xf32>,
        %get3A_114 = vector.shape_cast %get3A_113 : vector<1x16xf32> to vector<16xf32>
        %add3A_115 = arith.addf %get3A_114, %scan3A_95#1 : vector<16xf32>
        %max3A_116 = arith.constant 0.000000e+00 : f32
        %max3A_117 = vector.broadcast %max3A_116 : f32 to vector<16xf32>
        %max3A_118 = arith.maximumf %add3A_115, %max3A_117 : vector<16xf32>
        %swap3A_119 = arith.index_cast %add3A_99 : i32 to index
        %swap3A_120 = arith.constant 16 : index
        %swap3A_121 = tpu.vector_load %arg11[%swap3A_119, %swap3A_120] {strides = array<i32>} : memref<64x64xf32, #tpu.memory_space<vmem>>, vector<1x16xf32>,
        %swap3A_122 = vector.shape_cast %swap3A_121 : vector<1x16xf32> to vector<16xf32>
        %swap3A_123 = vector.shape_cast %max3A_118 : vector<16xf32> to vector<1x16xf32>
        tpu.vector_store %arg11[%swap3A_119, %swap3A_120], %swap3A_123 {strides = array<i32>} : memref<64x64xf32, #tpu.memory_space<vmem>>, vector<1x16xf32>,
        %get3A_124 = arith.index_cast %add3A_99 : i32 to index
        %get3A_125 = arith.constant 32 : index
        %get3A_126 = tpu.vector_load %arg10[%get3A_124, %get3A_125] {strides = array<i32>} : memref<64x64xf32, #tpu.memory_space<vmem>>, vector<1x16xf32>,
        %get3A_127 = vector.shape_cast %get3A_126 : vector<1x16xf32> to vector<16xf32>
        %add3A_128 = arith.addf %get3A_127, %scan3A_95#2 : vector<16xf32>
        %max3A_129 = arith.constant 0.000000e+00 : f32
        %max3A_130 = vector.broadcast %max3A_129 : f32 to vector<16xf32>
        %max3A_131 = arith.maximumf %add3A_128, %max3A_130 : vector<16xf32>
        %swap3A_132 = arith.index_cast %add3A_99 : i32 to index
        %swap3A_133 = arith.constant 32 : index
        %swap3A_134 = tpu.vector_load %arg11[%swap3A_132, %swap3A_133] {strides = array<i32>} : memref<64x64xf32, #tpu.memory_space<vmem>>, vector<1x16xf32>,
        %swap3A_135 = vector.shape_cast %swap3A_134 : vector<1x16xf32> to vector<16xf32>
        %swap3A_136 = vector.shape_cast %max3A_131 : vector<16xf32> to vector<1x16xf32>
        tpu.vector_store %arg11[%swap3A_132, %swap3A_133], %swap3A_136 {strides = array<i32>} : memref<64x64xf32, #tpu.memory_space<vmem>>, vector<1x16xf32>,
        %get3A_137 = arith.index_cast %add3A_99 : i32 to index
        %get3A_138 = arith.constant 48 : index
        %get3A_139 = tpu.vector_load %arg10[%get3A_137, %get3A_138] {strides = array<i32>} : memref<64x64xf32, #tpu.memory_space<vmem>>, vector<1x16xf32>,
        %get3A_140 = vector.shape_cast %get3A_139 : vector<1x16xf32> to vector<16xf32>
        %add3A_141 = arith.addf %get3A_140, %scan3A_95#3 : vector<16xf32>
        %max3A_142 = arith.constant 0.000000e+00 : f32
        %max3A_143 = vector.broadcast %max3A_142 : f32 to vector<16xf32>
        %max3A_144 = arith.maximumf %add3A_141, %max3A_143 : vector<16xf32>
        %swap3A_145 = arith.index_cast %add3A_99 : i32 to index
        %swap3A_146 = arith.constant 48 : index
        %swap3A_147 = tpu.vector_load %arg11[%swap3A_145, %swap3A_146] {strides = array<i32>} : memref<64x64xf32, #tpu.memory_space<vmem>>, vector<1x16xf32>,
        %swap3A_148 = vector.shape_cast %swap3A_147 : vector<1x16xf32> to vector<16xf32>
        %swap3A_149 = vector.shape_cast %max3A_144 : vector<16xf32> to vector<1x16xf32>
        tpu.vector_store %arg11[%swap3A_145, %swap3A_146], %swap3A_149 {strides = array<i32>} : memref<64x64xf32, #tpu.memory_space<vmem>>, vector<1x16xf32>,
        %scan3A_150 = arith.constant 0 : i32
        scf.yield %scan3A_150 : i32
      }
      %scan3A_46 = arith.constant 4 : i32
      %add3A_47 = arith.constant 2 : i32
      %add3A_48 = arith.addi %mul3A_23, %add3A_47 : i32
      %lt3A = arith.constant 16 : i32
      %lt3A_49 = arith.cmpi slt, %add3A_48, %lt3A : i32
      %convert_element_type3A = arith.extui %lt3A_49 : i1 to i32
      %cond3A = arith.constant 0 : i32
      %cond3A_50 = arith.cmpi ne, %convert_element_type3A, %cond3A : i32
      scf.if %cond3A_50 {
        %add3A_66 = arith.constant 2 : i32
        %add3A_67 = arith.addi %mul3A_23, %add3A_66 : i32
        %mul3A_68 = arith.constant 4 : i32
        %mul3A_69 = arith.muli %add3A_67, %mul3A_68 : i32
        %add3A_70 = arith.addi %mul3A_2, %mul3A_69 : i32
        %mul3A_71 = arith.constant 32 : i32
        %mul3A_72 = arith.muli %add3A_70, %mul3A_71 : i32
        "tpu.region"() ({
          %run_scoped3A = tpu.sem_alloc : memref<!tpu.dma_semaphore, #tpu.memory_space<semaphore_mem>>
          %dma_start3A_76 = tpu.memref_slice %arg3[%mul3A_72] : memref<65536xi32, #tpu.memory_space<hbm>> -> memref<128xi32, #tpu.memory_space<hbm>>
          %dma_start3A_77 = tpu.memref_slice %arg3[%mul3A_72] : memref<65536xi32, #tpu.memory_space<hbm>> -> memref<128xi32, #tpu.memory_space<hbm>>
          tpu.enqueue_dma source(%dma_start3A_77 : memref<128xi32, #tpu.memory_space<hbm>>) target(%arg6 : memref<128xi32, #tpu.memory_space<vmem>>) target_semaphore(%run_scoped3A : memref<!tpu.dma_semaphore, #tpu.memory_space<semaphore_mem>>)
          %dma_wait3A_78 = tpu.memref_slice %arg3[%mul3A_72] : memref<65536xi32, #tpu.memory_space<hbm>> -> memref<128xi32, #tpu.memory_space<hbm>>
          %dma_wait3A_79 = tpu.memref_slice %arg3[%mul3A_72] : memref<65536xi32, #tpu.memory_space<hbm>> -> memref<128xi32, #tpu.memory_space<hbm>>
          tpu.wait_dma2 semaphore(%run_scoped3A : memref<!tpu.dma_semaphore, #tpu.memory_space<semaphore_mem>>) src(%dma_wait3A_79 : memref<128xi32, #tpu.memory_space<hbm>>) dst(%arg6 : memref<128xi32, #tpu.memory_space<vmem>>)
          tpu.yield
        }) : () -> ()
        %dma_start3A_73 = arith.constant 0 : i32
        %dma_start3A_74 = arith.constant 0 : i32
        %dma_start3A_75 = tpu.memref_slice %arg2[%dma_start3A_73, %dma_start3A_74] : memref<4096x64xf32, #tpu.memory_space<hbm>> -> memref<4096x64xf32, #tpu.memory_space<hbm>>
        tpu.enqueue_indirect_dma source(%dma_start3A_75 : memref<4096x64xf32, #tpu.memory_space<hbm>>) target(%arg8 : memref<128x64xf32, #tpu.memory_space<vmem>>) offsets(%arg6 : memref<128xi32, #tpu.memory_space<vmem>>) semaphore(%arg12 : memref<!tpu.dma_semaphore, #tpu.memory_space<semaphore_mem>>)
      } else {
      }
      %dma_wait3A_51 = arith.constant 0 : i32
      %dma_wait3A_52 = arith.constant 0 : i32
      %dma_wait3A_53 = tpu.memref_slice %arg2[%dma_wait3A_51, %dma_wait3A_52] : memref<4096x64xf32, #tpu.memory_space<hbm>> -> memref<128x64xf32, #tpu.memory_space<hbm>>
      %dma_wait3A_54 = arith.constant 0 : i32
      %dma_wait3A_55 = arith.constant 0 : i32
      %dma_wait3A_56 = tpu.memref_slice %arg2[%dma_wait3A_54, %dma_wait3A_55] : memref<4096x64xf32, #tpu.memory_space<hbm>> -> memref<128x64xf32, #tpu.memory_space<hbm>>
      tpu.wait_dma2 semaphore(%arg13 : memref<!tpu.dma_semaphore, #tpu.memory_space<semaphore_mem>>) src(%dma_wait3A_56 : memref<128x64xf32, #tpu.memory_space<hbm>>) dst(%arg9 : memref<128x64xf32, #tpu.memory_space<vmem>>)
      %add3A_57 = arith.constant 1 : i32
      %add3A_58 = arith.addi %mul3A_23, %add3A_57 : i32
      %scan3A_59 = arith.constant 0 : i32
      %scan3A_60 = arith.constant 0 : i32
      %scan3A_61 = arith.constant 4 : i32
      %scan3A_62 = arith.addi %scan3A_60, %scan3A_61 : i32
      %scan3A_63 = arith.constant 1 : i32
      %scan3A_64 = scf.for %scan3A_66 = %scan3A_60 to %scan3A_62 step %scan3A_63 iter_args(%scan3A_67 = %scan3A_59) -> (i32)  : i32 {
        %mul3A_68 = arith.constant 32 : i32
        %mul3A_69 = arith.muli %scan3A_66, %mul3A_68 : i32
        %get3A = arith.index_cast %mul3A_69 : i32 to index
        %get3A_70 = arith.constant 0 : index
        %get3A_71 = tpu.vector_load %arg9[%get3A, %get3A_70] {strides = array<i32>} : memref<128x64xf32, #tpu.memory_space<vmem>>, vector<1x16xf32>,
        %get3A_72 = vector.shape_cast %get3A_71 : vector<1x16xf32> to vector<16xf32>
        %mul3A_73 = arith.constant 32 : i32
        %mul3A_74 = arith.muli %scan3A_66, %mul3A_73 : i32
        %get3A_75 = arith.index_cast %mul3A_74 : i32 to index
        %get3A_76 = arith.constant 16 : index
        %get3A_77 = tpu.vector_load %arg9[%get3A_75, %get3A_76] {strides = array<i32>} : memref<128x64xf32, #tpu.memory_space<vmem>>, vector<1x16xf32>,
        %get3A_78 = vector.shape_cast %get3A_77 : vector<1x16xf32> to vector<16xf32>
        %mul3A_79 = arith.constant 32 : i32
        %mul3A_80 = arith.muli %scan3A_66, %mul3A_79 : i32
        %get3A_81 = arith.index_cast %mul3A_80 : i32 to index
        %get3A_82 = arith.constant 32 : index
        %get3A_83 = tpu.vector_load %arg9[%get3A_81, %get3A_82] {strides = array<i32>} : memref<128x64xf32, #tpu.memory_space<vmem>>, vector<1x16xf32>,
        %get3A_84 = vector.shape_cast %get3A_83 : vector<1x16xf32> to vector<16xf32>
        %mul3A_85 = arith.constant 32 : i32
        %mul3A_86 = arith.muli %scan3A_66, %mul3A_85 : i32
        %get3A_87 = arith.index_cast %mul3A_86 : i32 to index
        %get3A_88 = arith.constant 48 : index
        %get3A_89 = tpu.vector_load %arg9[%get3A_87, %get3A_88] {strides = array<i32>} : memref<128x64xf32, #tpu.memory_space<vmem>>, vector<1x16xf32>,
        %get3A_90 = vector.shape_cast %get3A_89 : vector<1x16xf32> to vector<16xf32>
        %scan3A_91 = arith.constant 1 : i32
        %scan3A_92 = arith.constant 31 : i32
        %scan3A_93 = arith.addi %scan3A_91, %scan3A_92 : i32
        %scan3A_94 = arith.constant 1 : i32
        %scan3A_95:4 = scf.for %scan3A_151 = %scan3A_91 to %scan3A_93 step %scan3A_94 iter_args(%scan3A_152 = %get3A_72, %scan3A_153 = %get3A_78, %scan3A_154 = %get3A_84, %scan3A_155 = %get3A_90) -> (vector<16xf32>, vector<16xf32>, vector<16xf32>, vector<16xf32>)  : i32 {
          %mul3A_156 = arith.constant 32 : i32
          %mul3A_157 = arith.muli %scan3A_66, %mul3A_156 : i32
          %add3A_158 = arith.addi %mul3A_157, %scan3A_151 : i32
          %get3A_159 = arith.index_cast %add3A_158 : i32 to index
          %get3A_160 = arith.constant 0 : index
          %get3A_161 = tpu.vector_load %arg9[%get3A_159, %get3A_160] {strides = array<i32>} : memref<128x64xf32, #tpu.memory_space<vmem>>, vector<1x16xf32>,
          %get3A_162 = vector.shape_cast %get3A_161 : vector<1x16xf32> to vector<16xf32>
          %max3A_163 = arith.maximumf %scan3A_152, %get3A_162 : vector<16xf32>
          %mul3A_164 = arith.constant 32 : i32
          %mul3A_165 = arith.muli %scan3A_66, %mul3A_164 : i32
          %add3A_166 = arith.addi %mul3A_165, %scan3A_151 : i32
          %get3A_167 = arith.index_cast %add3A_166 : i32 to index
          %get3A_168 = arith.constant 16 : index
          %get3A_169 = tpu.vector_load %arg9[%get3A_167, %get3A_168] {strides = array<i32>} : memref<128x64xf32, #tpu.memory_space<vmem>>, vector<1x16xf32>,
          %get3A_170 = vector.shape_cast %get3A_169 : vector<1x16xf32> to vector<16xf32>
          %max3A_171 = arith.maximumf %scan3A_153, %get3A_170 : vector<16xf32>
          %mul3A_172 = arith.constant 32 : i32
          %mul3A_173 = arith.muli %scan3A_66, %mul3A_172 : i32
          %add3A_174 = arith.addi %mul3A_173, %scan3A_151 : i32
          %get3A_175 = arith.index_cast %add3A_174 : i32 to index
          %get3A_176 = arith.constant 32 : index
          %get3A_177 = tpu.vector_load %arg9[%get3A_175, %get3A_176] {strides = array<i32>} : memref<128x64xf32, #tpu.memory_space<vmem>>, vector<1x16xf32>,
          %get3A_178 = vector.shape_cast %get3A_177 : vector<1x16xf32> to vector<16xf32>
          %max3A_179 = arith.maximumf %scan3A_154, %get3A_178 : vector<16xf32>
          %mul3A_180 = arith.constant 32 : i32
          %mul3A_181 = arith.muli %scan3A_66, %mul3A_180 : i32
          %add3A_182 = arith.addi %mul3A_181, %scan3A_151 : i32
          %get3A_183 = arith.index_cast %add3A_182 : i32 to index
          %get3A_184 = arith.constant 48 : index
          %get3A_185 = tpu.vector_load %arg9[%get3A_183, %get3A_184] {strides = array<i32>} : memref<128x64xf32, #tpu.memory_space<vmem>>, vector<1x16xf32>,
          %get3A_186 = vector.shape_cast %get3A_185 : vector<1x16xf32> to vector<16xf32>
          %max3A_187 = arith.maximumf %scan3A_155, %get3A_186 : vector<16xf32>
          scf.yield %max3A_163, %max3A_171, %max3A_179, %max3A_187 : vector<16xf32>, vector<16xf32>, vector<16xf32>, vector<16xf32>
        }
        %scan3A_96 = arith.constant 31 : i32
        %mul3A_97 = arith.constant 4 : i32
        %mul3A_98 = arith.muli %add3A_58, %mul3A_97 : i32
        %add3A_99 = arith.addi %mul3A_98, %scan3A_66 : i32
        %get3A_100 = arith.index_cast %add3A_99 : i32 to index
        %get3A_101 = arith.constant 0 : index
        %get3A_102 = tpu.vector_load %arg10[%get3A_100, %get3A_101] {strides = array<i32>} : memref<64x64xf32, #tpu.memory_space<vmem>>, vector<1x16xf32>,
        %get3A_103 = vector.shape_cast %get3A_102 : vector<1x16xf32> to vector<16xf32>
        %add3A_104 = arith.addf %get3A_103, %scan3A_95#0 : vector<16xf32>
        %max3A = arith.constant 0.000000e+00 : f32
        %max3A_105 = vector.broadcast %max3A : f32 to vector<16xf32>
        %max3A_106 = arith.maximumf %add3A_104, %max3A_105 : vector<16xf32>
        %swap3A = arith.index_cast %add3A_99 : i32 to index
        %swap3A_107 = arith.constant 0 : index
        %swap3A_108 = tpu.vector_load %arg11[%swap3A, %swap3A_107] {strides = array<i32>} : memref<64x64xf32, #tpu.memory_space<vmem>>, vector<1x16xf32>,
        %swap3A_109 = vector.shape_cast %swap3A_108 : vector<1x16xf32> to vector<16xf32>
        %swap3A_110 = vector.shape_cast %max3A_106 : vector<16xf32> to vector<1x16xf32>
        tpu.vector_store %arg11[%swap3A, %swap3A_107], %swap3A_110 {strides = array<i32>} : memref<64x64xf32, #tpu.memory_space<vmem>>, vector<1x16xf32>,
        %get3A_111 = arith.index_cast %add3A_99 : i32 to index
        %get3A_112 = arith.constant 16 : index
        %get3A_113 = tpu.vector_load %arg10[%get3A_111, %get3A_112] {strides = array<i32>} : memref<64x64xf32, #tpu.memory_space<vmem>>, vector<1x16xf32>,
        %get3A_114 = vector.shape_cast %get3A_113 : vector<1x16xf32> to vector<16xf32>
        %add3A_115 = arith.addf %get3A_114, %scan3A_95#1 : vector<16xf32>
        %max3A_116 = arith.constant 0.000000e+00 : f32
        %max3A_117 = vector.broadcast %max3A_116 : f32 to vector<16xf32>
        %max3A_118 = arith.maximumf %add3A_115, %max3A_117 : vector<16xf32>
        %swap3A_119 = arith.index_cast %add3A_99 : i32 to index
        %swap3A_120 = arith.constant 16 : index
        %swap3A_121 = tpu.vector_load %arg11[%swap3A_119, %swap3A_120] {strides = array<i32>} : memref<64x64xf32, #tpu.memory_space<vmem>>, vector<1x16xf32>,
        %swap3A_122 = vector.shape_cast %swap3A_121 : vector<1x16xf32> to vector<16xf32>
        %swap3A_123 = vector.shape_cast %max3A_118 : vector<16xf32> to vector<1x16xf32>
        tpu.vector_store %arg11[%swap3A_119, %swap3A_120], %swap3A_123 {strides = array<i32>} : memref<64x64xf32, #tpu.memory_space<vmem>>, vector<1x16xf32>,
        %get3A_124 = arith.index_cast %add3A_99 : i32 to index
        %get3A_125 = arith.constant 32 : index
        %get3A_126 = tpu.vector_load %arg10[%get3A_124, %get3A_125] {strides = array<i32>} : memref<64x64xf32, #tpu.memory_space<vmem>>, vector<1x16xf32>,
        %get3A_127 = vector.shape_cast %get3A_126 : vector<1x16xf32> to vector<16xf32>
        %add3A_128 = arith.addf %get3A_127, %scan3A_95#2 : vector<16xf32>
        %max3A_129 = arith.constant 0.000000e+00 : f32
        %max3A_130 = vector.broadcast %max3A_129 : f32 to vector<16xf32>
        %max3A_131 = arith.maximumf %add3A_128, %max3A_130 : vector<16xf32>
        %swap3A_132 = arith.index_cast %add3A_99 : i32 to index
        %swap3A_133 = arith.constant 32 : index
        %swap3A_134 = tpu.vector_load %arg11[%swap3A_132, %swap3A_133] {strides = array<i32>} : memref<64x64xf32, #tpu.memory_space<vmem>>, vector<1x16xf32>,
        %swap3A_135 = vector.shape_cast %swap3A_134 : vector<1x16xf32> to vector<16xf32>
        %swap3A_136 = vector.shape_cast %max3A_131 : vector<16xf32> to vector<1x16xf32>
        tpu.vector_store %arg11[%swap3A_132, %swap3A_133], %swap3A_136 {strides = array<i32>} : memref<64x64xf32, #tpu.memory_space<vmem>>, vector<1x16xf32>,
        %get3A_137 = arith.index_cast %add3A_99 : i32 to index
        %get3A_138 = arith.constant 48 : index
        %get3A_139 = tpu.vector_load %arg10[%get3A_137, %get3A_138] {strides = array<i32>} : memref<64x64xf32, #tpu.memory_space<vmem>>, vector<1x16xf32>,
        %get3A_140 = vector.shape_cast %get3A_139 : vector<1x16xf32> to vector<16xf32>
        %add3A_141 = arith.addf %get3A_140, %scan3A_95#3 : vector<16xf32>
        %max3A_142 = arith.constant 0.000000e+00 : f32
        %max3A_143 = vector.broadcast %max3A_142 : f32 to vector<16xf32>
        %max3A_144 = arith.maximumf %add3A_141, %max3A_143 : vector<16xf32>
        %swap3A_145 = arith.index_cast %add3A_99 : i32 to index
        %swap3A_146 = arith.constant 48 : index
        %swap3A_147 = tpu.vector_load %arg11[%swap3A_145, %swap3A_146] {strides = array<i32>} : memref<64x64xf32, #tpu.memory_space<vmem>>, vector<1x16xf32>,
        %swap3A_148 = vector.shape_cast %swap3A_147 : vector<1x16xf32> to vector<16xf32>
        %swap3A_149 = vector.shape_cast %max3A_144 : vector<16xf32> to vector<1x16xf32>
        tpu.vector_store %arg11[%swap3A_145, %swap3A_146], %swap3A_149 {strides = array<i32>} : memref<64x64xf32, #tpu.memory_space<vmem>>, vector<1x16xf32>,
        %scan3A_150 = arith.constant 0 : i32
        scf.yield %scan3A_150 : i32
      }
      %scan3A_65 = arith.constant 4 : i32
    }
    %scan3A_20 = arith.constant 8 : i32
    "tpu.region"() ({
      %run_scoped3A = tpu.sem_alloc : memref<!tpu.dma_semaphore, #tpu.memory_space<semaphore_mem>>
      %dma_start3A_21 = arith.constant 0 : i32
      %dma_start3A_22 = tpu.memref_slice %arg5[%mul3A_2, %dma_start3A_21] : memref<2048x64xf32, #tpu.memory_space<hbm>> -> memref<64x64xf32, #tpu.memory_space<hbm>>
      %dma_start3A_23 = arith.constant 0 : i32
      %dma_start3A_24 = tpu.memref_slice %arg5[%mul3A_2, %dma_start3A_23] : memref<2048x64xf32, #tpu.memory_space<hbm>> -> memref<64x64xf32, #tpu.memory_space<hbm>>
      tpu.enqueue_dma source(%arg11 : memref<64x64xf32, #tpu.memory_space<vmem>>) target(%dma_start3A_24 : memref<64x64xf32, #tpu.memory_space<hbm>>) target_semaphore(%run_scoped3A : memref<!tpu.dma_semaphore, #tpu.memory_space<semaphore_mem>>)
      %dma_wait3A_25 = arith.constant 0 : i32
      %dma_wait3A_26 = tpu.memref_slice %arg5[%mul3A_2, %dma_wait3A_25] : memref<2048x64xf32, #tpu.memory_space<hbm>> -> memref<64x64xf32, #tpu.memory_space<hbm>>
      %dma_wait3A_27 = arith.constant 0 : i32
      %dma_wait3A_28 = tpu.memref_slice %arg5[%mul3A_2, %dma_wait3A_27] : memref<2048x64xf32, #tpu.memory_space<hbm>> -> memref<64x64xf32, #tpu.memory_space<hbm>>
      tpu.wait_dma2 semaphore(%run_scoped3A : memref<!tpu.dma_semaphore, #tpu.memory_space<semaphore_mem>>) src(%arg11 : memref<64x64xf32, #tpu.memory_space<vmem>>) dst(%dma_wait3A_28 : memref<64x64xf32, #tpu.memory_space<hbm>>)
      tpu.yield
    }) : () -> ()
    return
  }
}

#map = affine_map<(d0, d1) -> (0, 0)>
#map1 = affine_map<(d0, d1) -> (0)>
module attributes {stable_mosaic.version = 14 : i64} {
  func.func @k(%arg0: i32, %arg1: i32, %arg2: memref<4096x64xf32, #tpu.memory_space<hbm>>, %arg3: memref<65536xi32, #tpu.memory_space<hbm>>, %arg4: memref<2048x64xf32, #tpu.memory_space<hbm>>, %arg5: memref<2048x64xf32, #tpu.memory_space<hbm>>, %arg6: memref<128xi32, #tpu.memory_space<vmem>>, %arg7: memref<128xi32, #tpu.memory_space<vmem>>, %arg8: memref<128x64xf32, #tpu.memory_space<vmem>>, %arg9: memref<128x64xf32, #tpu.memory_space<vmem>>, %arg10: memref<64x64xf32, #tpu.memory_space<vmem>>, %arg11: memref<64x64xf32, #tpu.memory_space<vmem>>, %arg12: memref<!tpu.dma_semaphore, #tpu.memory_space<semaphore_mem>>, %arg13: memref<!tpu.dma_semaphore, #tpu.memory_space<semaphore_mem>>, %arg14: memref<!tpu.dma_semaphore, #tpu.memory_space<semaphore_mem>>) attributes {dimension_semantics = [#tpu.dimension_semantics<core_parallel>, #tpu.dimension_semantics<subcore_parallel>], iteration_bounds = array<i64: 2, 16>, scalar_prefetch = 0 : i64, scratch_operands = 9 : i64, tpu.core_type = #tpu.core_type<sc_vector_subcore>, window_params = [{transform_indices = #map}, {transform_indices = #map1}, {transform_indices = #map}, {transform_indices = #map}]} {
    %mul3A = arith.constant 2 : i32
    %mul3A_0 = arith.muli %arg1, %mul3A : i32
    %add3A = arith.addi %mul3A_0, %arg0 : i32
    %mul3A_1 = arith.constant 64 : i32
    %mul3A_2 = arith.muli %add3A, %mul3A_1 : i32
    %dma_start3A = arith.constant 0 : i32
    %dma_start3A_3 = tpu.memref_slice %arg4[%mul3A_2, %dma_start3A] : memref<2048x64xf32, #tpu.memory_space<hbm>> -> memref<64x64xf32, #tpu.memory_space<hbm>>
    %dma_start3A_4 = arith.constant 0 : i32
    %dma_start3A_5 = tpu.memref_slice %arg4[%mul3A_2, %dma_start3A_4] : memref<2048x64xf32, #tpu.memory_space<hbm>> -> memref<64x64xf32, #tpu.memory_space<hbm>>
    tpu.enqueue_dma source(%dma_start3A_5 : memref<64x64xf32, #tpu.memory_space<hbm>>) target(%arg10 : memref<64x64xf32, #tpu.memory_space<vmem>>) target_semaphore(%arg14 : memref<!tpu.dma_semaphore, #tpu.memory_space<semaphore_mem>>)
    %add3A_6 = arith.constant 0 : i32
    %add3A_7 = arith.addi %mul3A_2, %add3A_6 : i32
    %mul3A_8 = arith.constant 32 : i32
    %mul3A_9 = arith.muli %add3A_7, %mul3A_8 : i32
    "tpu.region"() ({
      %run_scoped3A = tpu.sem_alloc : memref<!tpu.dma_semaphore, #tpu.memory_space<semaphore_mem>>
      %dma_start3A_21 = tpu.memref_slice %arg3[%mul3A_9] : memref<65536xi32, #tpu.memory_space<hbm>> -> memref<128xi32, #tpu.memory_space<hbm>>
      %dma_start3A_22 = tpu.memref_slice %arg3[%mul3A_9] : memref<65536xi32, #tpu.memory_space<hbm>> -> memref<128xi32, #tpu.memory_space<hbm>>
      tpu.enqueue_dma source(%dma_start3A_22 : memref<128xi32, #tpu.memory_space<hbm>>) target(%arg6 : memref<128xi32, #tpu.memory_space<vmem>>) target_semaphore(%run_scoped3A : memref<!tpu.dma_semaphore, #tpu.memory_space<semaphore_mem>>)
      %dma_wait3A_23 = tpu.memref_slice %arg3[%mul3A_9] : memref<65536xi32, #tpu.memory_space<hbm>> -> memref<128xi32, #tpu.memory_space<hbm>>
      %dma_wait3A_24 = tpu.memref_slice %arg3[%mul3A_9] : memref<65536xi32, #tpu.memory_space<hbm>> -> memref<128xi32, #tpu.memory_space<hbm>>
      tpu.wait_dma2 semaphore(%run_scoped3A : memref<!tpu.dma_semaphore, #tpu.memory_space<semaphore_mem>>) src(%dma_wait3A_24 : memref<128xi32, #tpu.memory_space<hbm>>) dst(%arg6 : memref<128xi32, #tpu.memory_space<vmem>>)
      tpu.yield
    }) : () -> ()
    %dma_start3A_10 = arith.constant 0 : i32
    %dma_start3A_11 = arith.constant 0 : i32
    %dma_start3A_12 = tpu.memref_slice %arg2[%dma_start3A_10, %dma_start3A_11] : memref<4096x64xf32, #tpu.memory_space<hbm>> -> memref<4096x64xf32, #tpu.memory_space<hbm>>
    tpu.enqueue_indirect_dma source(%dma_start3A_12 : memref<4096x64xf32, #tpu.memory_space<hbm>>) target(%arg8 : memref<128x64xf32, #tpu.memory_space<vmem>>) offsets(%arg6 : memref<128xi32, #tpu.memory_space<vmem>>) semaphore(%arg12 : memref<!tpu.dma_semaphore, #tpu.memory_space<semaphore_mem>>)
    %dma_wait3A = arith.constant 0 : i32
    %dma_wait3A_13 = tpu.memref_slice %arg4[%mul3A_2, %dma_wait3A] : memref<2048x64xf32, #tpu.memory_space<hbm>> -> memref<64x64xf32, #tpu.memory_space<hbm>>
    %dma_wait3A_14 = arith.constant 0 : i32
    %dma_wait3A_15 = tpu.memref_slice %arg4[%mul3A_2, %dma_wait3A_14] : memref<2048x64xf32, #tpu.memory_space<hbm>> -> memref<64x64xf32, #tpu.memory_space<hbm>>
    tpu.wait_dma2 semaphore(%arg14 : memref<!tpu.dma_semaphore, #tpu.memory_space<semaphore_mem>>) src(%dma_wait3A_15 : memref<64x64xf32, #tpu.memory_space<hbm>>) dst(%arg10 : memref<64x64xf32, #tpu.memory_space<vmem>>)
    %scan3A = arith.constant 0 : i32
    %scan3A_16 = arith.constant 0 : i32
    %scan3A_17 = arith.constant 8 : i32
    %scan3A_18 = arith.addi %scan3A_16, %scan3A_17 : i32
    %scan3A_19 = arith.constant 1 : i32
    scf.for %scan3A_21 = %scan3A_16 to %scan3A_18 step %scan3A_19  : i32 {
      %mul3A_22 = arith.constant 2 : i32
      %mul3A_23 = arith.muli %mul3A_22, %scan3A_21 : i32
      %add3A_24 = arith.constant 1 : i32
      %add3A_25 = arith.addi %mul3A_23, %add3A_24 : i32
      %mul3A_26 = arith.constant 4 : i32
      %mul3A_27 = arith.muli %add3A_25, %mul3A_26 : i32
      %add3A_28 = arith.addi %mul3A_2, %mul3A_27 : i32
      %mul3A_29 = arith.constant 32 : i32
      %mul3A_30 = arith.muli %add3A_28, %mul3A_29 : i32
      "tpu.region"() ({
        %run_scoped3A = tpu.sem_alloc : memref<!tpu.dma_semaphore, #tpu.memory_space<semaphore_mem>>
        %dma_start3A_66 = tpu.memref_slice %arg3[%mul3A_30] : memref<65536xi32, #tpu.memory_space<hbm>> -> memref<128xi32, #tpu.memory_space<hbm>>
        %dma_start3A_67 = tpu.memref_slice %arg3[%mul3A_30] : memref<65536xi32, #tpu.memory_space<hbm>> -> memref<128xi32, #tpu.memory_space<hbm>>
        tpu.enqueue_dma source(%dma_start3A_67 : memref<128xi32, #tpu.memory_space<hbm>>) target(%arg7 : memref<128xi32, #tpu.memory_space<vmem>>) target_semaphore(%run_scoped3A : memref<!tpu.dma_semaphore, #tpu.memory_space<semaphore_mem>>)
        %dma_wait3A_68 = tpu.memref_slice %arg3[%mul3A_30] : memref<65536xi32, #tpu.memory_space<hbm>> -> memref<128xi32, #tpu.memory_space<hbm>>
        %dma_wait3A_69 = tpu.memref_slice %arg3[%mul3A_30] : memref<65536xi32, #tpu.memory_space<hbm>> -> memref<128xi32, #tpu.memory_space<hbm>>
        tpu.wait_dma2 semaphore(%run_scoped3A : memref<!tpu.dma_semaphore, #tpu.memory_space<semaphore_mem>>) src(%dma_wait3A_69 : memref<128xi32, #tpu.memory_space<hbm>>) dst(%arg7 : memref<128xi32, #tpu.memory_space<vmem>>)
        tpu.yield
      }) : () -> ()
      %dma_start3A_31 = arith.constant 0 : i32
      %dma_start3A_32 = arith.constant 0 : i32
      %dma_start3A_33 = tpu.memref_slice %arg2[%dma_start3A_31, %dma_start3A_32] : memref<4096x64xf32, #tpu.memory_space<hbm>> -> memref<4096x64xf32, #tpu.memory_space<hbm>>
      tpu.enqueue_indirect_dma source(%dma_start3A_33 : memref<4096x64xf32, #tpu.memory_space<hbm>>) target(%arg9 : memref<128x64xf32, #tpu.memory_space<vmem>>) offsets(%arg7 : memref<128xi32, #tpu.memory_space<vmem>>) semaphore(%arg13 : memref<!tpu.dma_semaphore, #tpu.memory_space<semaphore_mem>>)
      %dma_wait3A_34 = arith.constant 0 : i32
      %dma_wait3A_35 = arith.constant 0 : i32
      %dma_wait3A_36 = tpu.memref_slice %arg2[%dma_wait3A_34, %dma_wait3A_35] : memref<4096x64xf32, #tpu.memory_space<hbm>> -> memref<128x64xf32, #tpu.memory_space<hbm>>
      %dma_wait3A_37 = arith.constant 0 : i32
      %dma_wait3A_38 = arith.constant 0 : i32
      %dma_wait3A_39 = tpu.memref_slice %arg2[%dma_wait3A_37, %dma_wait3A_38] : memref<4096x64xf32, #tpu.memory_space<hbm>> -> memref<128x64xf32, #tpu.memory_space<hbm>>
      tpu.wait_dma2 semaphore(%arg12 : memref<!tpu.dma_semaphore, #tpu.memory_space<semaphore_mem>>) src(%dma_wait3A_39 : memref<128x64xf32, #tpu.memory_space<hbm>>) dst(%arg8 : memref<128x64xf32, #tpu.memory_space<vmem>>)
      %scan3A_40 = arith.constant 0 : i32
      %scan3A_41 = arith.constant 0 : i32
      %scan3A_42 = arith.constant 4 : i32
      %scan3A_43 = arith.addi %scan3A_41, %scan3A_42 : i32
      %scan3A_44 = arith.constant 1 : i32
      %scan3A_45 = scf.for %scan3A_66 = %scan3A_41 to %scan3A_43 step %scan3A_44 iter_args(%scan3A_67 = %scan3A_40) -> (i32)  : i32 {
        %mul3A_68 = arith.constant 32 : i32
        %mul3A_69 = arith.muli %scan3A_66, %mul3A_68 : i32
        %get3A = arith.index_cast %mul3A_69 : i32 to index
        %get3A_70 = arith.constant 0 : index
        %get3A_71 = tpu.vector_load %arg8[%get3A, %get3A_70] {strides = array<i32>} : memref<128x64xf32, #tpu.memory_space<vmem>>, vector<1x16xf32>,
        %get3A_72 = vector.shape_cast %get3A_71 : vector<1x16xf32> to vector<16xf32>
        %mul3A_73 = arith.constant 32 : i32
        %mul3A_74 = arith.muli %scan3A_66, %mul3A_73 : i32
        %get3A_75 = arith.index_cast %mul3A_74 : i32 to index
        %get3A_76 = arith.constant 16 : index
        %get3A_77 = tpu.vector_load %arg8[%get3A_75, %get3A_76] {strides = array<i32>} : memref<128x64xf32, #tpu.memory_space<vmem>>, vector<1x16xf32>,
        %get3A_78 = vector.shape_cast %get3A_77 : vector<1x16xf32> to vector<16xf32>
        %mul3A_79 = arith.constant 32 : i32
        %mul3A_80 = arith.muli %scan3A_66, %mul3A_79 : i32
        %get3A_81 = arith.index_cast %mul3A_80 : i32 to index
        %get3A_82 = arith.constant 32 : index
        %get3A_83 = tpu.vector_load %arg8[%get3A_81, %get3A_82] {strides = array<i32>} : memref<128x64xf32, #tpu.memory_space<vmem>>, vector<1x16xf32>,
        %get3A_84 = vector.shape_cast %get3A_83 : vector<1x16xf32> to vector<16xf32>
        %mul3A_85 = arith.constant 32 : i32
        %mul3A_86 = arith.muli %scan3A_66, %mul3A_85 : i32
        %get3A_87 = arith.index_cast %mul3A_86 : i32 to index
        %get3A_88 = arith.constant 48 : index
        %get3A_89 = tpu.vector_load %arg8[%get3A_87, %get3A_88] {strides = array<i32>} : memref<128x64xf32, #tpu.memory_space<vmem>>, vector<1x16xf32>,
        %get3A_90 = vector.shape_cast %get3A_89 : vector<1x16xf32> to vector<16xf32>
        %scan3A_91 = arith.constant 1 : i32
        %scan3A_92 = arith.constant 31 : i32
        %scan3A_93 = arith.addi %scan3A_91, %scan3A_92 : i32
        %scan3A_94 = arith.constant 1 : i32
        %scan3A_95:4 = scf.for %scan3A_151 = %scan3A_91 to %scan3A_93 step %scan3A_94 iter_args(%scan3A_152 = %get3A_72, %scan3A_153 = %get3A_78, %scan3A_154 = %get3A_84, %scan3A_155 = %get3A_90) -> (vector<16xf32>, vector<16xf32>, vector<16xf32>, vector<16xf32>)  : i32 {
          %mul3A_156 = arith.constant 32 : i32
          %mul3A_157 = arith.muli %scan3A_66, %mul3A_156 : i32
          %add3A_158 = arith.addi %mul3A_157, %scan3A_151 : i32
          %get3A_159 = arith.index_cast %add3A_158 : i32 to index
          %get3A_160 = arith.constant 0 : index
          %get3A_161 = tpu.vector_load %arg8[%get3A_159, %get3A_160] {strides = array<i32>} : memref<128x64xf32, #tpu.memory_space<vmem>>, vector<1x16xf32>,
          %get3A_162 = vector.shape_cast %get3A_161 : vector<1x16xf32> to vector<16xf32>
          %max3A_163 = arith.maximumf %scan3A_152, %get3A_162 : vector<16xf32>
          %mul3A_164 = arith.constant 32 : i32
          %mul3A_165 = arith.muli %scan3A_66, %mul3A_164 : i32
          %add3A_166 = arith.addi %mul3A_165, %scan3A_151 : i32
          %get3A_167 = arith.index_cast %add3A_166 : i32 to index
          %get3A_168 = arith.constant 16 : index
          %get3A_169 = tpu.vector_load %arg8[%get3A_167, %get3A_168] {strides = array<i32>} : memref<128x64xf32, #tpu.memory_space<vmem>>, vector<1x16xf32>,
          %get3A_170 = vector.shape_cast %get3A_169 : vector<1x16xf32> to vector<16xf32>
          %max3A_171 = arith.maximumf %scan3A_153, %get3A_170 : vector<16xf32>
          %mul3A_172 = arith.constant 32 : i32
          %mul3A_173 = arith.muli %scan3A_66, %mul3A_172 : i32
          %add3A_174 = arith.addi %mul3A_173, %scan3A_151 : i32
          %get3A_175 = arith.index_cast %add3A_174 : i32 to index
          %get3A_176 = arith.constant 32 : index
          %get3A_177 = tpu.vector_load %arg8[%get3A_175, %get3A_176] {strides = array<i32>} : memref<128x64xf32, #tpu.memory_space<vmem>>, vector<1x16xf32>,
          %get3A_178 = vector.shape_cast %get3A_177 : vector<1x16xf32> to vector<16xf32>
          %max3A_179 = arith.maximumf %scan3A_154, %get3A_178 : vector<16xf32>
          %mul3A_180 = arith.constant 32 : i32
          %mul3A_181 = arith.muli %scan3A_66, %mul3A_180 : i32
          %add3A_182 = arith.addi %mul3A_181, %scan3A_151 : i32
          %get3A_183 = arith.index_cast %add3A_182 : i32 to index
          %get3A_184 = arith.constant 48 : index
          %get3A_185 = tpu.vector_load %arg8[%get3A_183, %get3A_184] {strides = array<i32>} : memref<128x64xf32, #tpu.memory_space<vmem>>, vector<1x16xf32>,
          %get3A_186 = vector.shape_cast %get3A_185 : vector<1x16xf32> to vector<16xf32>
          %max3A_187 = arith.maximumf %scan3A_155, %get3A_186 : vector<16xf32>
          scf.yield %max3A_163, %max3A_171, %max3A_179, %max3A_187 : vector<16xf32>, vector<16xf32>, vector<16xf32>, vector<16xf32>
        }
        %scan3A_96 = arith.constant 31 : i32
        %mul3A_97 = arith.constant 4 : i32
        %mul3A_98 = arith.muli %mul3A_23, %mul3A_97 : i32
        %add3A_99 = arith.addi %mul3A_98, %scan3A_66 : i32
        %get3A_100 = arith.index_cast %add3A_99 : i32 to index
        %get3A_101 = arith.constant 0 : index
        %get3A_102 = tpu.vector_load %arg10[%get3A_100, %get3A_101] {strides = array<i32>} : memref<64x64xf32, #tpu.memory_space<vmem>>, vector<1x16xf32>,
        %get3A_103 = vector.shape_cast %get3A_102 : vector<1x16xf32> to vector<16xf32>
        %add3A_104 = arith.addf %get3A_103, %scan3A_95#0 : vector<16xf32>
        %max3A = arith.constant 0.000000e+00 : f32
        %max3A_105 = vector.broadcast %max3A : f32 to vector<16xf32>
        %max3A_106 = arith.maximumf %add3A_104, %max3A_105 : vector<16xf32>
        %swap3A = arith.index_cast %add3A_99 : i32 to index
        %swap3A_107 = arith.constant 0 : index
        %swap3A_108 = tpu.vector_load %arg11[%swap3A, %swap3A_107] {strides = array<i32>} : memref<64x64xf32, #tpu.memory_space<vmem>>, vector<1x16xf32>,
        %swap3A_109 = vector.shape_cast %swap3A_108 : vector<1x16xf32> to vector<16xf32>
        %swap3A_110 = vector.shape_cast %max3A_106 : vector<16xf32> to vector<1x16xf32>
        tpu.vector_store %arg11[%swap3A, %swap3A_107], %swap3A_110 {strides = array<i32>} : memref<64x64xf32, #tpu.memory_space<vmem>>, vector<1x16xf32>,
        %get3A_111 = arith.index_cast %add3A_99 : i32 to index
        %get3A_112 = arith.constant 16 : index
        %get3A_113 = tpu.vector_load %arg10[%get3A_111, %get3A_112] {strides = array<i32>} : memref<64x64xf32, #tpu.memory_space<vmem>>, vector<1x16xf32>,
        %get3A_114 = vector.shape_cast %get3A_113 : vector<1x16xf32> to vector<16xf32>
        %add3A_115 = arith.addf %get3A_114, %scan3A_95#1 : vector<16xf32>
        %max3A_116 = arith.constant 0.000000e+00 : f32
        %max3A_117 = vector.broadcast %max3A_116 : f32 to vector<16xf32>
        %max3A_118 = arith.maximumf %add3A_115, %max3A_117 : vector<16xf32>
        %swap3A_119 = arith.index_cast %add3A_99 : i32 to index
        %swap3A_120 = arith.constant 16 : index
        %swap3A_121 = tpu.vector_load %arg11[%swap3A_119, %swap3A_120] {strides = array<i32>} : memref<64x64xf32, #tpu.memory_space<vmem>>, vector<1x16xf32>,
        %swap3A_122 = vector.shape_cast %swap3A_121 : vector<1x16xf32> to vector<16xf32>
        %swap3A_123 = vector.shape_cast %max3A_118 : vector<16xf32> to vector<1x16xf32>
        tpu.vector_store %arg11[%swap3A_119, %swap3A_120], %swap3A_123 {strides = array<i32>} : memref<64x64xf32, #tpu.memory_space<vmem>>, vector<1x16xf32>,
        %get3A_124 = arith.index_cast %add3A_99 : i32 to index
        %get3A_125 = arith.constant 32 : index
        %get3A_126 = tpu.vector_load %arg10[%get3A_124, %get3A_125] {strides = array<i32>} : memref<64x64xf32, #tpu.memory_space<vmem>>, vector<1x16xf32>,
        %get3A_127 = vector.shape_cast %get3A_126 : vector<1x16xf32> to vector<16xf32>
        %add3A_128 = arith.addf %get3A_127, %scan3A_95#2 : vector<16xf32>
        %max3A_129 = arith.constant 0.000000e+00 : f32
        %max3A_130 = vector.broadcast %max3A_129 : f32 to vector<16xf32>
        %max3A_131 = arith.maximumf %add3A_128, %max3A_130 : vector<16xf32>
        %swap3A_132 = arith.index_cast %add3A_99 : i32 to index
        %swap3A_133 = arith.constant 32 : index
        %swap3A_134 = tpu.vector_load %arg11[%swap3A_132, %swap3A_133] {strides = array<i32>} : memref<64x64xf32, #tpu.memory_space<vmem>>, vector<1x16xf32>,
        %swap3A_135 = vector.shape_cast %swap3A_134 : vector<1x16xf32> to vector<16xf32>
        %swap3A_136 = vector.shape_cast %max3A_131 : vector<16xf32> to vector<1x16xf32>
        tpu.vector_store %arg11[%swap3A_132, %swap3A_133], %swap3A_136 {strides = array<i32>} : memref<64x64xf32, #tpu.memory_space<vmem>>, vector<1x16xf32>,
        %get3A_137 = arith.index_cast %add3A_99 : i32 to index
        %get3A_138 = arith.constant 48 : index
        %get3A_139 = tpu.vector_load %arg10[%get3A_137, %get3A_138] {strides = array<i32>} : memref<64x64xf32, #tpu.memory_space<vmem>>, vector<1x16xf32>,
        %get3A_140 = vector.shape_cast %get3A_139 : vector<1x16xf32> to vector<16xf32>
        %add3A_141 = arith.addf %get3A_140, %scan3A_95#3 : vector<16xf32>
        %max3A_142 = arith.constant 0.000000e+00 : f32
        %max3A_143 = vector.broadcast %max3A_142 : f32 to vector<16xf32>
        %max3A_144 = arith.maximumf %add3A_141, %max3A_143 : vector<16xf32>
        %swap3A_145 = arith.index_cast %add3A_99 : i32 to index
        %swap3A_146 = arith.constant 48 : index
        %swap3A_147 = tpu.vector_load %arg11[%swap3A_145, %swap3A_146] {strides = array<i32>} : memref<64x64xf32, #tpu.memory_space<vmem>>, vector<1x16xf32>,
        %swap3A_148 = vector.shape_cast %swap3A_147 : vector<1x16xf32> to vector<16xf32>
        %swap3A_149 = vector.shape_cast %max3A_144 : vector<16xf32> to vector<1x16xf32>
        tpu.vector_store %arg11[%swap3A_145, %swap3A_146], %swap3A_149 {strides = array<i32>} : memref<64x64xf32, #tpu.memory_space<vmem>>, vector<1x16xf32>,
        %scan3A_150 = arith.constant 0 : i32
        scf.yield %scan3A_150 : i32
      }
      %scan3A_46 = arith.constant 4 : i32
      %add3A_47 = arith.constant 2 : i32
      %add3A_48 = arith.addi %mul3A_23, %add3A_47 : i32
      %lt3A = arith.constant 16 : i32
      %lt3A_49 = arith.cmpi slt, %add3A_48, %lt3A : i32
      %convert_element_type3A = arith.extui %lt3A_49 : i1 to i32
      %cond3A = arith.constant 0 : i32
      %cond3A_50 = arith.cmpi ne, %convert_element_type3A, %cond3A : i32
      scf.if %cond3A_50 {
        %add3A_66 = arith.constant 2 : i32
        %add3A_67 = arith.addi %mul3A_23, %add3A_66 : i32
        %mul3A_68 = arith.constant 4 : i32
        %mul3A_69 = arith.muli %add3A_67, %mul3A_68 : i32
        %add3A_70 = arith.addi %mul3A_2, %mul3A_69 : i32
        %mul3A_71 = arith.constant 32 : i32
        %mul3A_72 = arith.muli %add3A_70, %mul3A_71 : i32
        "tpu.region"() ({
          %run_scoped3A = tpu.sem_alloc : memref<!tpu.dma_semaphore, #tpu.memory_space<semaphore_mem>>
          %dma_start3A_76 = tpu.memref_slice %arg3[%mul3A_72] : memref<65536xi32, #tpu.memory_space<hbm>> -> memref<128xi32, #tpu.memory_space<hbm>>
          %dma_start3A_77 = tpu.memref_slice %arg3[%mul3A_72] : memref<65536xi32, #tpu.memory_space<hbm>> -> memref<128xi32, #tpu.memory_space<hbm>>
          tpu.enqueue_dma source(%dma_start3A_77 : memref<128xi32, #tpu.memory_space<hbm>>) target(%arg6 : memref<128xi32, #tpu.memory_space<vmem>>) target_semaphore(%run_scoped3A : memref<!tpu.dma_semaphore, #tpu.memory_space<semaphore_mem>>)
          %dma_wait3A_78 = tpu.memref_slice %arg3[%mul3A_72] : memref<65536xi32, #tpu.memory_space<hbm>> -> memref<128xi32, #tpu.memory_space<hbm>>
          %dma_wait3A_79 = tpu.memref_slice %arg3[%mul3A_72] : memref<65536xi32, #tpu.memory_space<hbm>> -> memref<128xi32, #tpu.memory_space<hbm>>
          tpu.wait_dma2 semaphore(%run_scoped3A : memref<!tpu.dma_semaphore, #tpu.memory_space<semaphore_mem>>) src(%dma_wait3A_79 : memref<128xi32, #tpu.memory_space<hbm>>) dst(%arg6 : memref<128xi32, #tpu.memory_space<vmem>>)
          tpu.yield
        }) : () -> ()
        %dma_start3A_73 = arith.constant 0 : i32
        %dma_start3A_74 = arith.constant 0 : i32
        %dma_start3A_75 = tpu.memref_slice %arg2[%dma_start3A_73, %dma_start3A_74] : memref<4096x64xf32, #tpu.memory_space<hbm>> -> memref<4096x64xf32, #tpu.memory_space<hbm>>
        tpu.enqueue_indirect_dma source(%dma_start3A_75 : memref<4096x64xf32, #tpu.memory_space<hbm>>) target(%arg8 : memref<128x64xf32, #tpu.memory_space<vmem>>) offsets(%arg6 : memref<128xi32, #tpu.memory_space<vmem>>) semaphore(%arg12 : memref<!tpu.dma_semaphore, #tpu.memory_space<semaphore_mem>>)
      } else {
      }
      %dma_wait3A_51 = arith.constant 0 : i32
      %dma_wait3A_52 = arith.constant 0 : i32
      %dma_wait3A_53 = tpu.memref_slice %arg2[%dma_wait3A_51, %dma_wait3A_52] : memref<4096x64xf32, #tpu.memory_space<hbm>> -> memref<128x64xf32, #tpu.memory_space<hbm>>
      %dma_wait3A_54 = arith.constant 0 : i32
      %dma_wait3A_55 = arith.constant 0 : i32
      %dma_wait3A_56 = tpu.memref_slice %arg2[%dma_wait3A_54, %dma_wait3A_55] : memref<4096x64xf32, #tpu.memory_space<hbm>> -> memref<128x64xf32, #tpu.memory_space<hbm>>
      tpu.wait_dma2 semaphore(%arg13 : memref<!tpu.dma_semaphore, #tpu.memory_space<semaphore_mem>>) src(%dma_wait3A_56 : memref<128x64xf32, #tpu.memory_space<hbm>>) dst(%arg9 : memref<128x64xf32, #tpu.memory_space<vmem>>)
      %add3A_57 = arith.constant 1 : i32
      %add3A_58 = arith.addi %mul3A_23, %add3A_57 : i32
      %scan3A_59 = arith.constant 0 : i32
      %scan3A_60 = arith.constant 0 : i32
      %scan3A_61 = arith.constant 4 : i32
      %scan3A_62 = arith.addi %scan3A_60, %scan3A_61 : i32
      %scan3A_63 = arith.constant 1 : i32
      %scan3A_64 = scf.for %scan3A_66 = %scan3A_60 to %scan3A_62 step %scan3A_63 iter_args(%scan3A_67 = %scan3A_59) -> (i32)  : i32 {
        %mul3A_68 = arith.constant 32 : i32
        %mul3A_69 = arith.muli %scan3A_66, %mul3A_68 : i32
        %get3A = arith.index_cast %mul3A_69 : i32 to index
        %get3A_70 = arith.constant 0 : index
        %get3A_71 = tpu.vector_load %arg9[%get3A, %get3A_70] {strides = array<i32>} : memref<128x64xf32, #tpu.memory_space<vmem>>, vector<1x16xf32>,
        %get3A_72 = vector.shape_cast %get3A_71 : vector<1x16xf32> to vector<16xf32>
        %mul3A_73 = arith.constant 32 : i32
        %mul3A_74 = arith.muli %scan3A_66, %mul3A_73 : i32
        %get3A_75 = arith.index_cast %mul3A_74 : i32 to index
        %get3A_76 = arith.constant 16 : index
        %get3A_77 = tpu.vector_load %arg9[%get3A_75, %get3A_76] {strides = array<i32>} : memref<128x64xf32, #tpu.memory_space<vmem>>, vector<1x16xf32>,
        %get3A_78 = vector.shape_cast %get3A_77 : vector<1x16xf32> to vector<16xf32>
        %mul3A_79 = arith.constant 32 : i32
        %mul3A_80 = arith.muli %scan3A_66, %mul3A_79 : i32
        %get3A_81 = arith.index_cast %mul3A_80 : i32 to index
        %get3A_82 = arith.constant 32 : index
        %get3A_83 = tpu.vector_load %arg9[%get3A_81, %get3A_82] {strides = array<i32>} : memref<128x64xf32, #tpu.memory_space<vmem>>, vector<1x16xf32>,
        %get3A_84 = vector.shape_cast %get3A_83 : vector<1x16xf32> to vector<16xf32>
        %mul3A_85 = arith.constant 32 : i32
        %mul3A_86 = arith.muli %scan3A_66, %mul3A_85 : i32
        %get3A_87 = arith.index_cast %mul3A_86 : i32 to index
        %get3A_88 = arith.constant 48 : index
        %get3A_89 = tpu.vector_load %arg9[%get3A_87, %get3A_88] {strides = array<i32>} : memref<128x64xf32, #tpu.memory_space<vmem>>, vector<1x16xf32>,
        %get3A_90 = vector.shape_cast %get3A_89 : vector<1x16xf32> to vector<16xf32>
        %scan3A_91 = arith.constant 1 : i32
        %scan3A_92 = arith.constant 31 : i32
        %scan3A_93 = arith.addi %scan3A_91, %scan3A_92 : i32
        %scan3A_94 = arith.constant 1 : i32
        %scan3A_95:4 = scf.for %scan3A_151 = %scan3A_91 to %scan3A_93 step %scan3A_94 iter_args(%scan3A_152 = %get3A_72, %scan3A_153 = %get3A_78, %scan3A_154 = %get3A_84, %scan3A_155 = %get3A_90) -> (vector<16xf32>, vector<16xf32>, vector<16xf32>, vector<16xf32>)  : i32 {
          %mul3A_156 = arith.constant 32 : i32
          %mul3A_157 = arith.muli %scan3A_66, %mul3A_156 : i32
          %add3A_158 = arith.addi %mul3A_157, %scan3A_151 : i32
          %get3A_159 = arith.index_cast %add3A_158 : i32 to index
          %get3A_160 = arith.constant 0 : index
          %get3A_161 = tpu.vector_load %arg9[%get3A_159, %get3A_160] {strides = array<i32>} : memref<128x64xf32, #tpu.memory_space<vmem>>, vector<1x16xf32>,
          %get3A_162 = vector.shape_cast %get3A_161 : vector<1x16xf32> to vector<16xf32>
          %max3A_163 = arith.maximumf %scan3A_152, %get3A_162 : vector<16xf32>
          %mul3A_164 = arith.constant 32 : i32
          %mul3A_165 = arith.muli %scan3A_66, %mul3A_164 : i32
          %add3A_166 = arith.addi %mul3A_165, %scan3A_151 : i32
          %get3A_167 = arith.index_cast %add3A_166 : i32 to index
          %get3A_168 = arith.constant 16 : index
          %get3A_169 = tpu.vector_load %arg9[%get3A_167, %get3A_168] {strides = array<i32>} : memref<128x64xf32, #tpu.memory_space<vmem>>, vector<1x16xf32>,
          %get3A_170 = vector.shape_cast %get3A_169 : vector<1x16xf32> to vector<16xf32>
          %max3A_171 = arith.maximumf %scan3A_153, %get3A_170 : vector<16xf32>
          %mul3A_172 = arith.constant 32 : i32
          %mul3A_173 = arith.muli %scan3A_66, %mul3A_172 : i32
          %add3A_174 = arith.addi %mul3A_173, %scan3A_151 : i32
          %get3A_175 = arith.index_cast %add3A_174 : i32 to index
          %get3A_176 = arith.constant 32 : index
          %get3A_177 = tpu.vector_load %arg9[%get3A_175, %get3A_176] {strides = array<i32>} : memref<128x64xf32, #tpu.memory_space<vmem>>, vector<1x16xf32>,
          %get3A_178 = vector.shape_cast %get3A_177 : vector<1x16xf32> to vector<16xf32>
          %max3A_179 = arith.maximumf %scan3A_154, %get3A_178 : vector<16xf32>
          %mul3A_180 = arith.constant 32 : i32
          %mul3A_181 = arith.muli %scan3A_66, %mul3A_180 : i32
          %add3A_182 = arith.addi %mul3A_181, %scan3A_151 : i32
          %get3A_183 = arith.index_cast %add3A_182 : i32 to index
          %get3A_184 = arith.constant 48 : index
          %get3A_185 = tpu.vector_load %arg9[%get3A_183, %get3A_184] {strides = array<i32>} : memref<128x64xf32, #tpu.memory_space<vmem>>, vector<1x16xf32>,
          %get3A_186 = vector.shape_cast %get3A_185 : vector<1x16xf32> to vector<16xf32>
          %max3A_187 = arith.maximumf %scan3A_155, %get3A_186 : vector<16xf32>
          scf.yield %max3A_163, %max3A_171, %max3A_179, %max3A_187 : vector<16xf32>, vector<16xf32>, vector<16xf32>, vector<16xf32>
        }
        %scan3A_96 = arith.constant 31 : i32
        %mul3A_97 = arith.constant 4 : i32
        %mul3A_98 = arith.muli %add3A_58, %mul3A_97 : i32
        %add3A_99 = arith.addi %mul3A_98, %scan3A_66 : i32
        %get3A_100 = arith.index_cast %add3A_99 : i32 to index
        %get3A_101 = arith.constant 0 : index
        %get3A_102 = tpu.vector_load %arg10[%get3A_100, %get3A_101] {strides = array<i32>} : memref<64x64xf32, #tpu.memory_space<vmem>>, vector<1x16xf32>,
        %get3A_103 = vector.shape_cast %get3A_102 : vector<1x16xf32> to vector<16xf32>
        %add3A_104 = arith.addf %get3A_103, %scan3A_95#0 : vector<16xf32>
        %max3A = arith.constant 0.000000e+00 : f32
        %max3A_105 = vector.broadcast %max3A : f32 to vector<16xf32>
        %max3A_106 = arith.maximumf %add3A_104, %max3A_105 : vector<16xf32>
        %swap3A = arith.index_cast %add3A_99 : i32 to index
        %swap3A_107 = arith.constant 0 : index
        %swap3A_108 = tpu.vector_load %arg11[%swap3A, %swap3A_107] {strides = array<i32>} : memref<64x64xf32, #tpu.memory_space<vmem>>, vector<1x16xf32>,
        %swap3A_109 = vector.shape_cast %swap3A_108 : vector<1x16xf32> to vector<16xf32>
        %swap3A_110 = vector.shape_cast %max3A_106 : vector<16xf32> to vector<1x16xf32>
        tpu.vector_store %arg11[%swap3A, %swap3A_107], %swap3A_110 {strides = array<i32>} : memref<64x64xf32, #tpu.memory_space<vmem>>, vector<1x16xf32>,
        %get3A_111 = arith.index_cast %add3A_99 : i32 to index
        %get3A_112 = arith.constant 16 : index
        %get3A_113 = tpu.vector_load %arg10[%get3A_111, %get3A_112] {strides = array<i32>} : memref<64x64xf32, #tpu.memory_space<vmem>>, vector<1x16xf32>,
        %get3A_114 = vector.shape_cast %get3A_113 : vector<1x16xf32> to vector<16xf32>
        %add3A_115 = arith.addf %get3A_114, %scan3A_95#1 : vector<16xf32>
        %max3A_116 = arith.constant 0.000000e+00 : f32
        %max3A_117 = vector.broadcast %max3A_116 : f32 to vector<16xf32>
        %max3A_118 = arith.maximumf %add3A_115, %max3A_117 : vector<16xf32>
        %swap3A_119 = arith.index_cast %add3A_99 : i32 to index
        %swap3A_120 = arith.constant 16 : index
        %swap3A_121 = tpu.vector_load %arg11[%swap3A_119, %swap3A_120] {strides = array<i32>} : memref<64x64xf32, #tpu.memory_space<vmem>>, vector<1x16xf32>,
        %swap3A_122 = vector.shape_cast %swap3A_121 : vector<1x16xf32> to vector<16xf32>
        %swap3A_123 = vector.shape_cast %max3A_118 : vector<16xf32> to vector<1x16xf32>
        tpu.vector_store %arg11[%swap3A_119, %swap3A_120], %swap3A_123 {strides = array<i32>} : memref<64x64xf32, #tpu.memory_space<vmem>>, vector<1x16xf32>,
        %get3A_124 = arith.index_cast %add3A_99 : i32 to index
        %get3A_125 = arith.constant 32 : index
        %get3A_126 = tpu.vector_load %arg10[%get3A_124, %get3A_125] {strides = array<i32>} : memref<64x64xf32, #tpu.memory_space<vmem>>, vector<1x16xf32>,
        %get3A_127 = vector.shape_cast %get3A_126 : vector<1x16xf32> to vector<16xf32>
        %add3A_128 = arith.addf %get3A_127, %scan3A_95#2 : vector<16xf32>
        %max3A_129 = arith.constant 0.000000e+00 : f32
        %max3A_130 = vector.broadcast %max3A_129 : f32 to vector<16xf32>
        %max3A_131 = arith.maximumf %add3A_128, %max3A_130 : vector<16xf32>
        %swap3A_132 = arith.index_cast %add3A_99 : i32 to index
        %swap3A_133 = arith.constant 32 : index
        %swap3A_134 = tpu.vector_load %arg11[%swap3A_132, %swap3A_133] {strides = array<i32>} : memref<64x64xf32, #tpu.memory_space<vmem>>, vector<1x16xf32>,
        %swap3A_135 = vector.shape_cast %swap3A_134 : vector<1x16xf32> to vector<16xf32>
        %swap3A_136 = vector.shape_cast %max3A_131 : vector<16xf32> to vector<1x16xf32>
        tpu.vector_store %arg11[%swap3A_132, %swap3A_133], %swap3A_136 {strides = array<i32>} : memref<64x64xf32, #tpu.memory_space<vmem>>, vector<1x16xf32>,
        %get3A_137 = arith.index_cast %add3A_99 : i32 to index
        %get3A_138 = arith.constant 48 : index
        %get3A_139 = tpu.vector_load %arg10[%get3A_137, %get3A_138] {strides = array<i32>} : memref<64x64xf32, #tpu.memory_space<vmem>>, vector<1x16xf32>,
        %get3A_140 = vector.shape_cast %get3A_139 : vector<1x16xf32> to vector<16xf32>
        %add3A_141 = arith.addf %get3A_140, %scan3A_95#3 : vector<16xf32>
        %max3A_142 = arith.constant 0.000000e+00 : f32
        %max3A_143 = vector.broadcast %max3A_142 : f32 to vector<16xf32>
        %max3A_144 = arith.maximumf %add3A_141, %max3A_143 : vector<16xf32>
        %swap3A_145 = arith.index_cast %add3A_99 : i32 to index
        %swap3A_146 = arith.constant 48 : index
        %swap3A_147 = tpu.vector_load %arg11[%swap3A_145, %swap3A_146] {strides = array<i32>} : memref<64x64xf32, #tpu.memory_space<vmem>>, vector<1x16xf32>,
        %swap3A_148 = vector.shape_cast %swap3A_147 : vector<1x16xf32> to vector<16xf32>
        %swap3A_149 = vector.shape_cast %max3A_144 : vector<16xf32> to vector<1x16xf32>
        tpu.vector_store %arg11[%swap3A_145, %swap3A_146], %swap3A_149 {strides = array<i32>} : memref<64x64xf32, #tpu.memory_space<vmem>>, vector<1x16xf32>,
        %scan3A_150 = arith.constant 0 : i32
        scf.yield %scan3A_150 : i32
      }
      %scan3A_65 = arith.constant 4 : i32
    }
    %scan3A_20 = arith.constant 8 : i32
    "tpu.region"() ({
      %run_scoped3A = tpu.sem_alloc : memref<!tpu.dma_semaphore, #tpu.memory_space<semaphore_mem>>
      %dma_start3A_21 = arith.constant 0 : i32
      %dma_start3A_22 = tpu.memref_slice %arg5[%mul3A_2, %dma_start3A_21] : memref<2048x64xf32, #tpu.memory_space<hbm>> -> memref<64x64xf32, #tpu.memory_space<hbm>>
      %dma_start3A_23 = arith.constant 0 : i32
      %dma_start3A_24 = tpu.memref_slice %arg5[%mul3A_2, %dma_start3A_23] : memref<2048x64xf32, #tpu.memory_space<hbm>> -> memref<64x64xf32, #tpu.memory_space<hbm>>
      tpu.enqueue_dma source(%arg11 : memref<64x64xf32, #tpu.memory_space<vmem>>) target(%dma_start3A_24 : memref<64x64xf32, #tpu.memory_space<hbm>>) target_semaphore(%run_scoped3A : memref<!tpu.dma_semaphore, #tpu.memory_space<semaphore_mem>>)
      %dma_wait3A_25 = arith.constant 0 : i32
      %dma_wait3A_26 = tpu.memref_slice %arg5[%mul3A_2, %dma_wait3A_25] : memref<2048x64xf32, #tpu.memory_space<hbm>> -> memref<64x64xf32, #tpu.memory_space<hbm>>
      %dma_wait3A_27 = arith.constant 0 : i32
      %dma_wait3A_28 = tpu.memref_slice %arg5[%mul3A_2, %dma_wait3A_27] : memref<2048x64xf32, #tpu.memory_space<hbm>> -> memref<64x64xf32, #tpu.memory_space<hbm>>
      tpu.wait_dma2 semaphore(%run_scoped3A : memref<!tpu.dma_semaphore, #tpu.memory_space<semaphore_mem>>) src(%arg11 : memref<64x64xf32, #tpu.memory_space<vmem>>) dst(%dma_wait3A_28 : memref<64x64xf32, #tpu.memory_space<hbm>>)
      tpu.yield
    }) : () -> ()
    return
  }
}

module attributes {stable_mosaic.version = 14 : i64} {
  func.func @_topk_body(%arg0: i32, %arg1: memref<256x8xf32, #tpu.memory_space<vmem>>, %arg2: memref<8x4096xf32, #tpu.memory_space<vmem>>, %arg3: memref<256x32xi32, #tpu.memory_space<vmem>>, %arg4: memref<256x4096xf32, #tpu.memory_space<vmem>>) attributes {dimension_semantics = [#tpu.dimension_semantics<arbitrary>], iteration_bounds = array<i64: 8>, scalar_prefetch = 0 : i64, scratch_operands = 1 : i64, tpu.core_type = #tpu.core_type<tc>, window_params = [{transform_indices = @transform_0, window_bounds = array<i64: 256, 8>}, {pipeline_mode = #tpu.pipeline_mode<synchronous>, transform_indices = @transform_1, window_bounds = array<i64: 8, 4096>}, {transform_indices = @transform_2, window_bounds = array<i64: 256, 32>}]} {
    %get3A = arith.constant 0 : index
    %get3A_0 = arith.constant 0 : index
    %get3A_1 = vector.load %arg1[%get3A, %get3A_0] : memref<256x8xf32, #tpu.memory_space<vmem>>, vector<256x8xf32>
    %get3A_2 = arith.constant 0 : index
    %get3A_3 = arith.constant 0 : index
    %get3A_4 = vector.load %arg2[%get3A_2, %get3A_3] : memref<8x4096xf32, #tpu.memory_space<vmem>>, vector<8x4096xf32>
    %dot_general3A = arith.constant dense<0.000000e+00> : vector<256x4096xf32>
    %dot_general3A_5 = tpu.matmul %get3A_1, %get3A_4, %dot_general3A {dimension_numbers = #tpu.dot_dimension_numbers<[1], [0], [0], [1], [0, 0, 1, 1], [], []>, transpose_lhs_hint = false} : vector<256x8xf32>, vector<8x4096xf32>, vector<256x4096xf32> -> vector<256x4096xf32>
    %mul3A = arith.mulf %get3A_4, %get3A_4 : vector<8x4096xf32>
    %reduce_sum3A = arith.constant dense<0.000000e+00> : vector<4096xf32>
    %reduce_sum3A_6 = vector.multi_reduction <add>, %mul3A, %reduce_sum3A [0] : vector<8x4096xf32> to vector<4096xf32>
    %broadcast_in_dim3A = vector.shape_cast %reduce_sum3A_6 : vector<4096xf32> to vector<1x4096xf32>
    %mul3A_7 = arith.constant 2.500000e-01 : f32
    %mul3A_8 = vector.broadcast %mul3A_7 : f32 to vector<1x4096xf32>
    %mul3A_9 = arith.mulf %mul3A_8, %broadcast_in_dim3A : vector<1x4096xf32>
    %iota3A = tpu.iota {dimensions = array<i32: 1>} : vector<256x4096xi32>
    %convert_element_type3A = arith.sitofp %iota3A : vector<256x4096xi32> to vector<256x4096xf32>
    %iota3A_10 = tpu.iota {dimensions = array<i32: 1>} : vector<256x32xi32>
    %add3A = arith.constant 0 : i32
    %add3A_11 = arith.addi %arg0, %add3A : i32
    %iota3A_12 = tpu.iota {dimensions = array<i32: 0>} : vector<256x1xi32>
    %mul3A_13 = arith.constant 256 : i32
    %mul3A_14 = arith.muli %add3A_11, %mul3A_13 : i32
    %add3A_15 = vector.broadcast %mul3A_14 : i32 to vector<256x1xi32>
    %add3A_16 = arith.addi %iota3A_12, %add3A_15 : vector<256x1xi32>
    %eq3A = vector.broadcast %add3A_16 : vector<256x1xi32> to vector<256x4096xi32>
    %eq3A_17 = arith.cmpi eq, %iota3A, %eq3A : vector<256x4096xi32>
    %sub3A = vector.broadcast %mul3A_9 : vector<1x4096xf32> to vector<256x4096xf32>
    %sub3A_18 = arith.subf %dot_general3A_5, %sub3A : vector<256x4096xf32>
    %jit3A = arith.constant -3.40282347E+38 : f32
    %broadcast_in_dim3A_19 = vector.broadcast %jit3A : f32 to vector<256x4096xf32>
    %select_n3A = arith.select %eq3A_17, %broadcast_in_dim3A_19, %sub3A_18 : vector<256x4096xi1>, vector<256x4096xf32>
    %swap3A = arith.constant 0 : index
    %swap3A_20 = arith.constant 0 : index
    %swap3A_21 = vector.load %arg4[%swap3A, %swap3A_20] : memref<256x4096xf32, #tpu.memory_space<vmem>>, vector<256x4096xf32>
    tpu.vector_store %arg4[%swap3A, %swap3A_20], %select_n3A {strides = array<i32>} : memref<256x4096xf32, #tpu.memory_space<vmem>>, vector<256x4096xf32>,
    %eq3A_22 = arith.constant 0 : i32
    %eq3A_23 = vector.broadcast %eq3A_22 : i32 to vector<256x32xi32>
    %eq3A_24 = arith.cmpi eq, %iota3A_10, %eq3A_23 : vector<256x32xi32>
    %broadcast_in_dim3A_25 = arith.constant 0 : i32
    %broadcast_in_dim3A_26 = vector.broadcast %broadcast_in_dim3A_25 : i32 to vector<256x32xi32>
    %broadcast_in_dim3A_27 = vector.shape_cast %add3A_16 : vector<256x1xi32> to vector<256x1xi32>
    %broadcast_in_dim3A_28 = vector.broadcast %broadcast_in_dim3A_27 : vector<256x1xi32> to vector<256x32xi32>
    %select_n3A_29 = arith.select %eq3A_24, %broadcast_in_dim3A_28, %broadcast_in_dim3A_26 : vector<256x32xi1>, vector<256x32xi32>
    %scan3A = arith.constant 1 : i32
    %scan3A_30 = arith.constant 31 : i32
    %scan3A_31 = arith.addi %scan3A, %scan3A_30 : i32
    %scan3A_32 = arith.constant 1 : i32
    %scan3A_33 = scf.for %scan3A_38 = %scan3A to %scan3A_31 step %scan3A_32 iter_args(%scan3A_39 = %select_n3A_29) -> (vector<256x32xi32>)  : i32 {
      %get3A_40 = arith.constant 0 : index
      %get3A_41 = arith.constant 0 : index
      %get3A_42 = vector.load %arg4[%get3A_40, %get3A_41] : memref<256x4096xf32, #tpu.memory_space<vmem>>, vector<256x4096xf32>
      %reduce_max3A = arith.constant dense<0xFF800000> : vector<256xf32>
      %reduce_max3A_43 = vector.multi_reduction <maximumf>, %get3A_42, %reduce_max3A [1] : vector<256x4096xf32> to vector<256xf32>
      %broadcast_in_dim3A_44 = vector.shape_cast %reduce_max3A_43 : vector<256xf32> to vector<256x1xf32>
      %eq3A_45 = vector.broadcast %broadcast_in_dim3A_44 : vector<256x1xf32> to vector<256x4096xf32>
      %eq3A_46 = arith.cmpf oeq, %get3A_42, %eq3A_45 : vector<256x4096xf32>
      %jit3A_47 = arith.constant 1.000000e+09 : f32
      %broadcast_in_dim3A_48 = vector.broadcast %jit3A_47 : f32 to vector<256x4096xf32>
      %select_n3A_49 = arith.select %eq3A_46, %convert_element_type3A, %broadcast_in_dim3A_48 : vector<256x4096xi1>, vector<256x4096xf32>
      %reduce_min3A = arith.constant dense<0x7F800000> : vector<256xf32>
      %reduce_min3A_50 = vector.multi_reduction <minimumf>, %select_n3A_49, %reduce_min3A [1] : vector<256x4096xf32> to vector<256xf32>
      %broadcast_in_dim3A_51 = vector.shape_cast %reduce_min3A_50 : vector<256xf32> to vector<256x1xf32>
      %convert_element_type3A_52 = arith.fptosi %broadcast_in_dim3A_51 : vector<256x1xf32> to vector<256x1xi32>
      %eq3A_53 = vector.broadcast %convert_element_type3A_52 : vector<256x1xi32> to vector<256x4096xi32>
      %eq3A_54 = arith.cmpi eq, %iota3A, %eq3A_53 : vector<256x4096xi32>
      %jit3A_55 = arith.constant -3.40282347E+38 : f32
      %broadcast_in_dim3A_56 = vector.broadcast %jit3A_55 : f32 to vector<256x4096xf32>
      %select_n3A_57 = arith.select %eq3A_54, %broadcast_in_dim3A_56, %get3A_42 : vector<256x4096xi1>, vector<256x4096xf32>
      %swap3A_58 = arith.constant 0 : index
      %swap3A_59 = arith.constant 0 : index
      %swap3A_60 = vector.load %arg4[%swap3A_58, %swap3A_59] : memref<256x4096xf32, #tpu.memory_space<vmem>>, vector<256x4096xf32>
      tpu.vector_store %arg4[%swap3A_58, %swap3A_59], %select_n3A_57 {strides = array<i32>} : memref<256x4096xf32, #tpu.memory_space<vmem>>, vector<256x4096xf32>,
      %eq3A_61 = vector.broadcast %scan3A_38 : i32 to vector<256x32xi32>
      %eq3A_62 = arith.cmpi eq, %iota3A_10, %eq3A_61 : vector<256x32xi32>
      %broadcast_in_dim3A_63 = vector.shape_cast %convert_element_type3A_52 : vector<256x1xi32> to vector<256x1xi32>
      %broadcast_in_dim3A_64 = vector.broadcast %broadcast_in_dim3A_63 : vector<256x1xi32> to vector<256x32xi32>
      %select_n3A_65 = arith.select %eq3A_62, %broadcast_in_dim3A_64, %scan3A_39 : vector<256x32xi1>, vector<256x32xi32>
      scf.yield %select_n3A_65 : vector<256x32xi32>
    }
    %scan3A_34 = arith.constant 31 : i32
    %swap3A_35 = arith.constant 0 : index
    %swap3A_36 = arith.constant 0 : index
    %swap3A_37 = vector.load %arg3[%swap3A_35, %swap3A_36] : memref<256x32xi32, #tpu.memory_space<vmem>>, vector<256x32xi32>
    tpu.vector_store %arg3[%swap3A_35, %swap3A_36], %scan3A_33 {strides = array<i32>} : memref<256x32xi32, #tpu.memory_space<vmem>>, vector<256x32xi32>,
    return
  }
  func.func @transform_0(%arg0: i32) -> (i32, i32) {
    %add3A = arith.constant 0 : i32
    %add3A_0 = arith.addi %arg0, %add3A : i32
    %c0_i32 = arith.constant 0 : i32
    %c0_i32_1 = arith.constant 0 : i32
    return %add3A_0, %c0_i32 : i32, i32
  }
  func.func @transform_1(%arg0: i32) -> (i32, i32) {
    %c0_i32 = arith.constant 0 : i32
    %c0_i32_0 = arith.constant 0 : i32
    %c0_i32_1 = arith.constant 0 : i32
    return %c0_i32, %c0_i32_0 : i32, i32
  }
  func.func @transform_2(%arg0: i32) -> (i32, i32) {
    %c0_i32 = arith.constant 0 : i32
    %c0_i32_0 = arith.constant 0 : i32
    return %arg0, %c0_i32 : i32, i32
  }
}

module attributes {stable_mosaic.version = 14 : i64} {
  func.func @_ua_body(%arg0: i32, %arg1: memref<2048x8xf32, #tpu.memory_space<vmem>>, %arg2: memref<8x64xf32, #tpu.memory_space<vmem>>, %arg3: memref<8x64xf32, #tpu.memory_space<vmem>>, %arg4: memref<1x64xf32, #tpu.memory_space<vmem>>, %arg5: memref<2048x64xf32, #tpu.memory_space<vmem>>, %arg6: memref<2048x64xf32, #tpu.memory_space<vmem>>) attributes {dimension_semantics = [#tpu.dimension_semantics<arbitrary>], iteration_bounds = array<i64: 2>, scalar_prefetch = 0 : i64, scratch_operands = 0 : i64, tpu.core_type = #tpu.core_type<tc>, window_params = [{transform_indices = @transform_0, window_bounds = array<i64: 2048, 8>}, {pipeline_mode = #tpu.pipeline_mode<synchronous>, transform_indices = @transform_1, window_bounds = array<i64: 8, 64>}, {pipeline_mode = #tpu.pipeline_mode<synchronous>, transform_indices = @transform_2, window_bounds = array<i64: 8, 64>}, {pipeline_mode = #tpu.pipeline_mode<synchronous>, transform_indices = @transform_3, window_bounds = array<i64: 1, 64>}, {transform_indices = @transform_4, window_bounds = array<i64: 2048, 64>}, {transform_indices = @transform_5, window_bounds = array<i64: 2048, 64>}]} {
    %get3A = arith.constant 0 : index
    %get3A_0 = arith.constant 0 : index
    %get3A_1 = vector.load %arg1[%get3A, %get3A_0] : memref<2048x8xf32, #tpu.memory_space<vmem>>, vector<2048x8xf32>
    %get3A_2 = arith.constant 0 : index
    %get3A_3 = arith.constant 0 : index
    %get3A_4 = vector.load %arg2[%get3A_2, %get3A_3] : memref<8x64xf32, #tpu.memory_space<vmem>>, vector<8x64xf32>
    %dot_general3A = arith.constant dense<0.000000e+00> : vector<2048x64xf32>
    %dot_general3A_5 = tpu.matmul %get3A_1, %get3A_4, %dot_general3A {dimension_numbers = #tpu.dot_dimension_numbers<[1], [0], [0], [1], [0, 0, 1, 1], [], []>, transpose_lhs_hint = false} : vector<2048x8xf32>, vector<8x64xf32>, vector<2048x64xf32> -> vector<2048x64xf32>
    %swap3A = arith.constant 0 : index
    %swap3A_6 = arith.constant 0 : index
    %swap3A_7 = vector.load %arg5[%swap3A, %swap3A_6] : memref<2048x64xf32, #tpu.memory_space<vmem>>, vector<2048x64xf32>
    tpu.vector_store %arg5[%swap3A, %swap3A_6], %dot_general3A_5 {strides = array<i32>} : memref<2048x64xf32, #tpu.memory_space<vmem>>, vector<2048x64xf32>,
    %get3A_8 = arith.constant 0 : index
    %get3A_9 = arith.constant 0 : index
    %get3A_10 = vector.load %arg3[%get3A_8, %get3A_9] : memref<8x64xf32, #tpu.memory_space<vmem>>, vector<8x64xf32>
    %dot_general3A_11 = arith.constant dense<0.000000e+00> : vector<2048x64xf32>
    %dot_general3A_12 = tpu.matmul %get3A_1, %get3A_10, %dot_general3A_11 {dimension_numbers = #tpu.dot_dimension_numbers<[1], [0], [0], [1], [0, 0, 1, 1], [], []>, transpose_lhs_hint = false} : vector<2048x8xf32>, vector<8x64xf32>, vector<2048x64xf32> -> vector<2048x64xf32>
    %get3A_13 = arith.constant 0 : index
    %get3A_14 = arith.constant 0 : index
    %get3A_15 = vector.load %arg4[%get3A_13, %get3A_14] : memref<1x64xf32, #tpu.memory_space<vmem>>, vector<1x64xf32>
    %add3A = vector.broadcast %get3A_15 : vector<1x64xf32> to vector<2048x64xf32>
    %add3A_16 = arith.addf %dot_general3A_12, %add3A : vector<2048x64xf32>
    %swap3A_17 = arith.constant 0 : index
    %swap3A_18 = arith.constant 0 : index
    %swap3A_19 = vector.load %arg6[%swap3A_17, %swap3A_18] : memref<2048x64xf32, #tpu.memory_space<vmem>>, vector<2048x64xf32>
    tpu.vector_store %arg6[%swap3A_17, %swap3A_18], %add3A_16 {strides = array<i32>} : memref<2048x64xf32, #tpu.memory_space<vmem>>, vector<2048x64xf32>,
    return
  }
  func.func @transform_0(%arg0: i32) -> (i32, i32) {
    %c0_i32 = arith.constant 0 : i32
    %c0_i32_0 = arith.constant 0 : i32
    return %arg0, %c0_i32 : i32, i32
  }
  func.func @transform_1(%arg0: i32) -> (i32, i32) {
    %c0_i32 = arith.constant 0 : i32
    %c0_i32_0 = arith.constant 0 : i32
    %c0_i32_1 = arith.constant 0 : i32
    return %c0_i32, %c0_i32_0 : i32, i32
  }
  func.func @transform_2(%arg0: i32) -> (i32, i32) {
    %c0_i32 = arith.constant 0 : i32
    %c0_i32_0 = arith.constant 0 : i32
    %c0_i32_1 = arith.constant 0 : i32
    return %c0_i32, %c0_i32_0 : i32, i32
  }
  func.func @transform_3(%arg0: i32) -> (i32, i32) {
    %c0_i32 = arith.constant 0 : i32
    %c0_i32_0 = arith.constant 0 : i32
    %c0_i32_1 = arith.constant 0 : i32
    return %c0_i32, %c0_i32_0 : i32, i32
  }
  func.func @transform_4(%arg0: i32) -> (i32, i32) {
    %c0_i32 = arith.constant 0 : i32
    %c0_i32_0 = arith.constant 0 : i32
    return %arg0, %c0_i32 : i32, i32
  }
  func.func @transform_5(%arg0: i32) -> (i32, i32) {
    %c0_i32 = arith.constant 0 : i32
    %c0_i32_0 = arith.constant 0 : i32
    return %arg0, %c0_i32 : i32, i32
  }
}

module attributes {stable_mosaic.version = 14 : i64} {
  func.func @_topk_body(%arg0: i32, %arg1: memref<256x8xf32, #tpu.memory_space<vmem>>, %arg2: memref<8x4096xf32, #tpu.memory_space<vmem>>, %arg3: memref<256x32xi32, #tpu.memory_space<vmem>>, %arg4: memref<256x4096xf32, #tpu.memory_space<vmem>>) attributes {dimension_semantics = [#tpu.dimension_semantics<arbitrary>], iteration_bounds = array<i64: 8>, scalar_prefetch = 0 : i64, scratch_operands = 1 : i64, tpu.core_type = #tpu.core_type<tc>, window_params = [{transform_indices = @transform_0, window_bounds = array<i64: 256, 8>}, {pipeline_mode = #tpu.pipeline_mode<synchronous>, transform_indices = @transform_1, window_bounds = array<i64: 8, 4096>}, {transform_indices = @transform_2, window_bounds = array<i64: 256, 32>}]} {
    %get3A = arith.constant 0 : index
    %get3A_0 = arith.constant 0 : index
    %get3A_1 = vector.load %arg1[%get3A, %get3A_0] : memref<256x8xf32, #tpu.memory_space<vmem>>, vector<256x8xf32>
    %get3A_2 = arith.constant 0 : index
    %get3A_3 = arith.constant 0 : index
    %get3A_4 = vector.load %arg2[%get3A_2, %get3A_3] : memref<8x4096xf32, #tpu.memory_space<vmem>>, vector<8x4096xf32>
    %dot_general3A = arith.constant dense<0.000000e+00> : vector<256x4096xf32>
    %dot_general3A_5 = tpu.matmul %get3A_1, %get3A_4, %dot_general3A {dimension_numbers = #tpu.dot_dimension_numbers<[1], [0], [0], [1], [0, 0, 1, 1], [], []>, transpose_lhs_hint = false} : vector<256x8xf32>, vector<8x4096xf32>, vector<256x4096xf32> -> vector<256x4096xf32>
    %mul3A = arith.mulf %get3A_4, %get3A_4 : vector<8x4096xf32>
    %reduce_sum3A = arith.constant dense<0.000000e+00> : vector<4096xf32>
    %reduce_sum3A_6 = vector.multi_reduction <add>, %mul3A, %reduce_sum3A [0] : vector<8x4096xf32> to vector<4096xf32>
    %broadcast_in_dim3A = vector.shape_cast %reduce_sum3A_6 : vector<4096xf32> to vector<1x4096xf32>
    %mul3A_7 = arith.constant 2.500000e-01 : f32
    %mul3A_8 = vector.broadcast %mul3A_7 : f32 to vector<1x4096xf32>
    %mul3A_9 = arith.mulf %mul3A_8, %broadcast_in_dim3A : vector<1x4096xf32>
    %iota3A = tpu.iota {dimensions = array<i32: 1>} : vector<256x4096xi32>
    %convert_element_type3A = arith.sitofp %iota3A : vector<256x4096xi32> to vector<256x4096xf32>
    %iota3A_10 = tpu.iota {dimensions = array<i32: 1>} : vector<256x32xi32>
    %add3A = arith.constant 8 : i32
    %add3A_11 = arith.addi %arg0, %add3A : i32
    %iota3A_12 = tpu.iota {dimensions = array<i32: 0>} : vector<256x1xi32>
    %mul3A_13 = arith.constant 256 : i32
    %mul3A_14 = arith.muli %add3A_11, %mul3A_13 : i32
    %add3A_15 = vector.broadcast %mul3A_14 : i32 to vector<256x1xi32>
    %add3A_16 = arith.addi %iota3A_12, %add3A_15 : vector<256x1xi32>
    %eq3A = vector.broadcast %add3A_16 : vector<256x1xi32> to vector<256x4096xi32>
    %eq3A_17 = arith.cmpi eq, %iota3A, %eq3A : vector<256x4096xi32>
    %sub3A = vector.broadcast %mul3A_9 : vector<1x4096xf32> to vector<256x4096xf32>
    %sub3A_18 = arith.subf %dot_general3A_5, %sub3A : vector<256x4096xf32>
    %jit3A = arith.constant -3.40282347E+38 : f32
    %broadcast_in_dim3A_19 = vector.broadcast %jit3A : f32 to vector<256x4096xf32>
    %select_n3A = arith.select %eq3A_17, %broadcast_in_dim3A_19, %sub3A_18 : vector<256x4096xi1>, vector<256x4096xf32>
    %swap3A = arith.constant 0 : index
    %swap3A_20 = arith.constant 0 : index
    %swap3A_21 = vector.load %arg4[%swap3A, %swap3A_20] : memref<256x4096xf32, #tpu.memory_space<vmem>>, vector<256x4096xf32>
    tpu.vector_store %arg4[%swap3A, %swap3A_20], %select_n3A {strides = array<i32>} : memref<256x4096xf32, #tpu.memory_space<vmem>>, vector<256x4096xf32>,
    %eq3A_22 = arith.constant 0 : i32
    %eq3A_23 = vector.broadcast %eq3A_22 : i32 to vector<256x32xi32>
    %eq3A_24 = arith.cmpi eq, %iota3A_10, %eq3A_23 : vector<256x32xi32>
    %broadcast_in_dim3A_25 = arith.constant 0 : i32
    %broadcast_in_dim3A_26 = vector.broadcast %broadcast_in_dim3A_25 : i32 to vector<256x32xi32>
    %broadcast_in_dim3A_27 = vector.shape_cast %add3A_16 : vector<256x1xi32> to vector<256x1xi32>
    %broadcast_in_dim3A_28 = vector.broadcast %broadcast_in_dim3A_27 : vector<256x1xi32> to vector<256x32xi32>
    %select_n3A_29 = arith.select %eq3A_24, %broadcast_in_dim3A_28, %broadcast_in_dim3A_26 : vector<256x32xi1>, vector<256x32xi32>
    %scan3A = arith.constant 1 : i32
    %scan3A_30 = arith.constant 31 : i32
    %scan3A_31 = arith.addi %scan3A, %scan3A_30 : i32
    %scan3A_32 = arith.constant 1 : i32
    %scan3A_33 = scf.for %scan3A_38 = %scan3A to %scan3A_31 step %scan3A_32 iter_args(%scan3A_39 = %select_n3A_29) -> (vector<256x32xi32>)  : i32 {
      %get3A_40 = arith.constant 0 : index
      %get3A_41 = arith.constant 0 : index
      %get3A_42 = vector.load %arg4[%get3A_40, %get3A_41] : memref<256x4096xf32, #tpu.memory_space<vmem>>, vector<256x4096xf32>
      %reduce_max3A = arith.constant dense<0xFF800000> : vector<256xf32>
      %reduce_max3A_43 = vector.multi_reduction <maximumf>, %get3A_42, %reduce_max3A [1] : vector<256x4096xf32> to vector<256xf32>
      %broadcast_in_dim3A_44 = vector.shape_cast %reduce_max3A_43 : vector<256xf32> to vector<256x1xf32>
      %eq3A_45 = vector.broadcast %broadcast_in_dim3A_44 : vector<256x1xf32> to vector<256x4096xf32>
      %eq3A_46 = arith.cmpf oeq, %get3A_42, %eq3A_45 : vector<256x4096xf32>
      %jit3A_47 = arith.constant 1.000000e+09 : f32
      %broadcast_in_dim3A_48 = vector.broadcast %jit3A_47 : f32 to vector<256x4096xf32>
      %select_n3A_49 = arith.select %eq3A_46, %convert_element_type3A, %broadcast_in_dim3A_48 : vector<256x4096xi1>, vector<256x4096xf32>
      %reduce_min3A = arith.constant dense<0x7F800000> : vector<256xf32>
      %reduce_min3A_50 = vector.multi_reduction <minimumf>, %select_n3A_49, %reduce_min3A [1] : vector<256x4096xf32> to vector<256xf32>
      %broadcast_in_dim3A_51 = vector.shape_cast %reduce_min3A_50 : vector<256xf32> to vector<256x1xf32>
      %convert_element_type3A_52 = arith.fptosi %broadcast_in_dim3A_51 : vector<256x1xf32> to vector<256x1xi32>
      %eq3A_53 = vector.broadcast %convert_element_type3A_52 : vector<256x1xi32> to vector<256x4096xi32>
      %eq3A_54 = arith.cmpi eq, %iota3A, %eq3A_53 : vector<256x4096xi32>
      %jit3A_55 = arith.constant -3.40282347E+38 : f32
      %broadcast_in_dim3A_56 = vector.broadcast %jit3A_55 : f32 to vector<256x4096xf32>
      %select_n3A_57 = arith.select %eq3A_54, %broadcast_in_dim3A_56, %get3A_42 : vector<256x4096xi1>, vector<256x4096xf32>
      %swap3A_58 = arith.constant 0 : index
      %swap3A_59 = arith.constant 0 : index
      %swap3A_60 = vector.load %arg4[%swap3A_58, %swap3A_59] : memref<256x4096xf32, #tpu.memory_space<vmem>>, vector<256x4096xf32>
      tpu.vector_store %arg4[%swap3A_58, %swap3A_59], %select_n3A_57 {strides = array<i32>} : memref<256x4096xf32, #tpu.memory_space<vmem>>, vector<256x4096xf32>,
      %eq3A_61 = vector.broadcast %scan3A_38 : i32 to vector<256x32xi32>
      %eq3A_62 = arith.cmpi eq, %iota3A_10, %eq3A_61 : vector<256x32xi32>
      %broadcast_in_dim3A_63 = vector.shape_cast %convert_element_type3A_52 : vector<256x1xi32> to vector<256x1xi32>
      %broadcast_in_dim3A_64 = vector.broadcast %broadcast_in_dim3A_63 : vector<256x1xi32> to vector<256x32xi32>
      %select_n3A_65 = arith.select %eq3A_62, %broadcast_in_dim3A_64, %scan3A_39 : vector<256x32xi1>, vector<256x32xi32>
      scf.yield %select_n3A_65 : vector<256x32xi32>
    }
    %scan3A_34 = arith.constant 31 : i32
    %swap3A_35 = arith.constant 0 : index
    %swap3A_36 = arith.constant 0 : index
    %swap3A_37 = vector.load %arg3[%swap3A_35, %swap3A_36] : memref<256x32xi32, #tpu.memory_space<vmem>>, vector<256x32xi32>
    tpu.vector_store %arg3[%swap3A_35, %swap3A_36], %scan3A_33 {strides = array<i32>} : memref<256x32xi32, #tpu.memory_space<vmem>>, vector<256x32xi32>,
    return
  }
  func.func @transform_0(%arg0: i32) -> (i32, i32) {
    %add3A = arith.constant 8 : i32
    %add3A_0 = arith.addi %arg0, %add3A : i32
    %c0_i32 = arith.constant 0 : i32
    %c0_i32_1 = arith.constant 0 : i32
    return %add3A_0, %c0_i32 : i32, i32
  }
  func.func @transform_1(%arg0: i32) -> (i32, i32) {
    %c0_i32 = arith.constant 0 : i32
    %c0_i32_0 = arith.constant 0 : i32
    %c0_i32_1 = arith.constant 0 : i32
    return %c0_i32, %c0_i32_0 : i32, i32
  }
  func.func @transform_2(%arg0: i32) -> (i32, i32) {
    %c0_i32 = arith.constant 0 : i32
    %c0_i32_0 = arith.constant 0 : i32
    return %arg0, %c0_i32 : i32, i32
  }
}

module attributes {stable_mosaic.version = 14 : i64} {
  func.func @_topk_body(%arg0: i32, %arg1: memref<256x64xf32, #tpu.memory_space<vmem>>, %arg2: memref<64x4096xf32, #tpu.memory_space<vmem>>, %arg3: memref<256x32xi32, #tpu.memory_space<vmem>>, %arg4: memref<256x4096xf32, #tpu.memory_space<vmem>>) attributes {dimension_semantics = [#tpu.dimension_semantics<arbitrary>], iteration_bounds = array<i64: 8>, scalar_prefetch = 0 : i64, scratch_operands = 1 : i64, tpu.core_type = #tpu.core_type<tc>, window_params = [{transform_indices = @transform_0, window_bounds = array<i64: 256, 64>}, {pipeline_mode = #tpu.pipeline_mode<synchronous>, transform_indices = @transform_1, window_bounds = array<i64: 64, 4096>}, {transform_indices = @transform_2, window_bounds = array<i64: 256, 32>}]} {
    %get3A = arith.constant 0 : index
    %get3A_0 = arith.constant 0 : index
    %get3A_1 = vector.load %arg1[%get3A, %get3A_0] : memref<256x64xf32, #tpu.memory_space<vmem>>, vector<256x64xf32>
    %get3A_2 = arith.constant 0 : index
    %get3A_3 = arith.constant 0 : index
    %get3A_4 = vector.load %arg2[%get3A_2, %get3A_3] : memref<64x4096xf32, #tpu.memory_space<vmem>>, vector<64x4096xf32>
    %dot_general3A = arith.constant dense<0.000000e+00> : vector<256x4096xf32>
    %dot_general3A_5 = tpu.matmul %get3A_1, %get3A_4, %dot_general3A {dimension_numbers = #tpu.dot_dimension_numbers<[1], [0], [0], [1], [0, 0, 1, 1], [], []>, transpose_lhs_hint = false} : vector<256x64xf32>, vector<64x4096xf32>, vector<256x4096xf32> -> vector<256x4096xf32>
    %mul3A = arith.mulf %get3A_4, %get3A_4 : vector<64x4096xf32>
    %reduce_sum3A = arith.constant dense<0.000000e+00> : vector<4096xf32>
    %reduce_sum3A_6 = vector.multi_reduction <add>, %mul3A, %reduce_sum3A [0] : vector<64x4096xf32> to vector<4096xf32>
    %broadcast_in_dim3A = vector.shape_cast %reduce_sum3A_6 : vector<4096xf32> to vector<1x4096xf32>
    %mul3A_7 = arith.constant 2.500000e-01 : f32
    %mul3A_8 = vector.broadcast %mul3A_7 : f32 to vector<1x4096xf32>
    %mul3A_9 = arith.mulf %mul3A_8, %broadcast_in_dim3A : vector<1x4096xf32>
    %iota3A = tpu.iota {dimensions = array<i32: 1>} : vector<256x4096xi32>
    %convert_element_type3A = arith.sitofp %iota3A : vector<256x4096xi32> to vector<256x4096xf32>
    %iota3A_10 = tpu.iota {dimensions = array<i32: 1>} : vector<256x32xi32>
    %add3A = arith.constant 0 : i32
    %add3A_11 = arith.addi %arg0, %add3A : i32
    %iota3A_12 = tpu.iota {dimensions = array<i32: 0>} : vector<256x1xi32>
    %mul3A_13 = arith.constant 256 : i32
    %mul3A_14 = arith.muli %add3A_11, %mul3A_13 : i32
    %add3A_15 = vector.broadcast %mul3A_14 : i32 to vector<256x1xi32>
    %add3A_16 = arith.addi %iota3A_12, %add3A_15 : vector<256x1xi32>
    %eq3A = vector.broadcast %add3A_16 : vector<256x1xi32> to vector<256x4096xi32>
    %eq3A_17 = arith.cmpi eq, %iota3A, %eq3A : vector<256x4096xi32>
    %sub3A = vector.broadcast %mul3A_9 : vector<1x4096xf32> to vector<256x4096xf32>
    %sub3A_18 = arith.subf %dot_general3A_5, %sub3A : vector<256x4096xf32>
    %jit3A = arith.constant -3.40282347E+38 : f32
    %broadcast_in_dim3A_19 = vector.broadcast %jit3A : f32 to vector<256x4096xf32>
    %select_n3A = arith.select %eq3A_17, %broadcast_in_dim3A_19, %sub3A_18 : vector<256x4096xi1>, vector<256x4096xf32>
    %swap3A = arith.constant 0 : index
    %swap3A_20 = arith.constant 0 : index
    %swap3A_21 = vector.load %arg4[%swap3A, %swap3A_20] : memref<256x4096xf32, #tpu.memory_space<vmem>>, vector<256x4096xf32>
    tpu.vector_store %arg4[%swap3A, %swap3A_20], %select_n3A {strides = array<i32>} : memref<256x4096xf32, #tpu.memory_space<vmem>>, vector<256x4096xf32>,
    %eq3A_22 = arith.constant 0 : i32
    %eq3A_23 = vector.broadcast %eq3A_22 : i32 to vector<256x32xi32>
    %eq3A_24 = arith.cmpi eq, %iota3A_10, %eq3A_23 : vector<256x32xi32>
    %broadcast_in_dim3A_25 = arith.constant 0 : i32
    %broadcast_in_dim3A_26 = vector.broadcast %broadcast_in_dim3A_25 : i32 to vector<256x32xi32>
    %broadcast_in_dim3A_27 = vector.shape_cast %add3A_16 : vector<256x1xi32> to vector<256x1xi32>
    %broadcast_in_dim3A_28 = vector.broadcast %broadcast_in_dim3A_27 : vector<256x1xi32> to vector<256x32xi32>
    %select_n3A_29 = arith.select %eq3A_24, %broadcast_in_dim3A_28, %broadcast_in_dim3A_26 : vector<256x32xi1>, vector<256x32xi32>
    %scan3A = arith.constant 1 : i32
    %scan3A_30 = arith.constant 31 : i32
    %scan3A_31 = arith.addi %scan3A, %scan3A_30 : i32
    %scan3A_32 = arith.constant 1 : i32
    %scan3A_33 = scf.for %scan3A_38 = %scan3A to %scan3A_31 step %scan3A_32 iter_args(%scan3A_39 = %select_n3A_29) -> (vector<256x32xi32>)  : i32 {
      %get3A_40 = arith.constant 0 : index
      %get3A_41 = arith.constant 0 : index
      %get3A_42 = vector.load %arg4[%get3A_40, %get3A_41] : memref<256x4096xf32, #tpu.memory_space<vmem>>, vector<256x4096xf32>
      %reduce_max3A = arith.constant dense<0xFF800000> : vector<256xf32>
      %reduce_max3A_43 = vector.multi_reduction <maximumf>, %get3A_42, %reduce_max3A [1] : vector<256x4096xf32> to vector<256xf32>
      %broadcast_in_dim3A_44 = vector.shape_cast %reduce_max3A_43 : vector<256xf32> to vector<256x1xf32>
      %eq3A_45 = vector.broadcast %broadcast_in_dim3A_44 : vector<256x1xf32> to vector<256x4096xf32>
      %eq3A_46 = arith.cmpf oeq, %get3A_42, %eq3A_45 : vector<256x4096xf32>
      %jit3A_47 = arith.constant 1.000000e+09 : f32
      %broadcast_in_dim3A_48 = vector.broadcast %jit3A_47 : f32 to vector<256x4096xf32>
      %select_n3A_49 = arith.select %eq3A_46, %convert_element_type3A, %broadcast_in_dim3A_48 : vector<256x4096xi1>, vector<256x4096xf32>
      %reduce_min3A = arith.constant dense<0x7F800000> : vector<256xf32>
      %reduce_min3A_50 = vector.multi_reduction <minimumf>, %select_n3A_49, %reduce_min3A [1] : vector<256x4096xf32> to vector<256xf32>
      %broadcast_in_dim3A_51 = vector.shape_cast %reduce_min3A_50 : vector<256xf32> to vector<256x1xf32>
      %convert_element_type3A_52 = arith.fptosi %broadcast_in_dim3A_51 : vector<256x1xf32> to vector<256x1xi32>
      %eq3A_53 = vector.broadcast %convert_element_type3A_52 : vector<256x1xi32> to vector<256x4096xi32>
      %eq3A_54 = arith.cmpi eq, %iota3A, %eq3A_53 : vector<256x4096xi32>
      %jit3A_55 = arith.constant -3.40282347E+38 : f32
      %broadcast_in_dim3A_56 = vector.broadcast %jit3A_55 : f32 to vector<256x4096xf32>
      %select_n3A_57 = arith.select %eq3A_54, %broadcast_in_dim3A_56, %get3A_42 : vector<256x4096xi1>, vector<256x4096xf32>
      %swap3A_58 = arith.constant 0 : index
      %swap3A_59 = arith.constant 0 : index
      %swap3A_60 = vector.load %arg4[%swap3A_58, %swap3A_59] : memref<256x4096xf32, #tpu.memory_space<vmem>>, vector<256x4096xf32>
      tpu.vector_store %arg4[%swap3A_58, %swap3A_59], %select_n3A_57 {strides = array<i32>} : memref<256x4096xf32, #tpu.memory_space<vmem>>, vector<256x4096xf32>,
      %eq3A_61 = vector.broadcast %scan3A_38 : i32 to vector<256x32xi32>
      %eq3A_62 = arith.cmpi eq, %iota3A_10, %eq3A_61 : vector<256x32xi32>
      %broadcast_in_dim3A_63 = vector.shape_cast %convert_element_type3A_52 : vector<256x1xi32> to vector<256x1xi32>
      %broadcast_in_dim3A_64 = vector.broadcast %broadcast_in_dim3A_63 : vector<256x1xi32> to vector<256x32xi32>
      %select_n3A_65 = arith.select %eq3A_62, %broadcast_in_dim3A_64, %scan3A_39 : vector<256x32xi1>, vector<256x32xi32>
      scf.yield %select_n3A_65 : vector<256x32xi32>
    }
    %scan3A_34 = arith.constant 31 : i32
    %swap3A_35 = arith.constant 0 : index
    %swap3A_36 = arith.constant 0 : index
    %swap3A_37 = vector.load %arg3[%swap3A_35, %swap3A_36] : memref<256x32xi32, #tpu.memory_space<vmem>>, vector<256x32xi32>
    tpu.vector_store %arg3[%swap3A_35, %swap3A_36], %scan3A_33 {strides = array<i32>} : memref<256x32xi32, #tpu.memory_space<vmem>>, vector<256x32xi32>,
    return
  }
  func.func @transform_0(%arg0: i32) -> (i32, i32) {
    %add3A = arith.constant 0 : i32
    %add3A_0 = arith.addi %arg0, %add3A : i32
    %c0_i32 = arith.constant 0 : i32
    %c0_i32_1 = arith.constant 0 : i32
    return %add3A_0, %c0_i32 : i32, i32
  }
  func.func @transform_1(%arg0: i32) -> (i32, i32) {
    %c0_i32 = arith.constant 0 : i32
    %c0_i32_0 = arith.constant 0 : i32
    %c0_i32_1 = arith.constant 0 : i32
    return %c0_i32, %c0_i32_0 : i32, i32
  }
  func.func @transform_2(%arg0: i32) -> (i32, i32) {
    %c0_i32 = arith.constant 0 : i32
    %c0_i32_0 = arith.constant 0 : i32
    return %arg0, %c0_i32 : i32, i32
  }
}

module attributes {stable_mosaic.version = 14 : i64} {
  func.func @_ua_body(%arg0: i32, %arg1: memref<2048x64xf32, #tpu.memory_space<vmem>>, %arg2: memref<64x64xf32, #tpu.memory_space<vmem>>, %arg3: memref<64x64xf32, #tpu.memory_space<vmem>>, %arg4: memref<1x64xf32, #tpu.memory_space<vmem>>, %arg5: memref<2048x64xf32, #tpu.memory_space<vmem>>, %arg6: memref<2048x64xf32, #tpu.memory_space<vmem>>) attributes {dimension_semantics = [#tpu.dimension_semantics<arbitrary>], iteration_bounds = array<i64: 2>, scalar_prefetch = 0 : i64, scratch_operands = 0 : i64, tpu.core_type = #tpu.core_type<tc>, window_params = [{transform_indices = @transform_0, window_bounds = array<i64: 2048, 64>}, {pipeline_mode = #tpu.pipeline_mode<synchronous>, transform_indices = @transform_1, window_bounds = array<i64: 64, 64>}, {pipeline_mode = #tpu.pipeline_mode<synchronous>, transform_indices = @transform_2, window_bounds = array<i64: 64, 64>}, {pipeline_mode = #tpu.pipeline_mode<synchronous>, transform_indices = @transform_3, window_bounds = array<i64: 1, 64>}, {transform_indices = @transform_4, window_bounds = array<i64: 2048, 64>}, {transform_indices = @transform_5, window_bounds = array<i64: 2048, 64>}]} {
    %get3A = arith.constant 0 : index
    %get3A_0 = arith.constant 0 : index
    %get3A_1 = vector.load %arg1[%get3A, %get3A_0] : memref<2048x64xf32, #tpu.memory_space<vmem>>, vector<2048x64xf32>
    %get3A_2 = arith.constant 0 : index
    %get3A_3 = arith.constant 0 : index
    %get3A_4 = vector.load %arg2[%get3A_2, %get3A_3] : memref<64x64xf32, #tpu.memory_space<vmem>>, vector<64x64xf32>
    %dot_general3A = arith.constant dense<0.000000e+00> : vector<2048x64xf32>
    %dot_general3A_5 = tpu.matmul %get3A_1, %get3A_4, %dot_general3A {dimension_numbers = #tpu.dot_dimension_numbers<[1], [0], [0], [1], [0, 0, 1, 1], [], []>, transpose_lhs_hint = false} : vector<2048x64xf32>, vector<64x64xf32>, vector<2048x64xf32> -> vector<2048x64xf32>
    %swap3A = arith.constant 0 : index
    %swap3A_6 = arith.constant 0 : index
    %swap3A_7 = vector.load %arg5[%swap3A, %swap3A_6] : memref<2048x64xf32, #tpu.memory_space<vmem>>, vector<2048x64xf32>
    tpu.vector_store %arg5[%swap3A, %swap3A_6], %dot_general3A_5 {strides = array<i32>} : memref<2048x64xf32, #tpu.memory_space<vmem>>, vector<2048x64xf32>,
    %get3A_8 = arith.constant 0 : index
    %get3A_9 = arith.constant 0 : index
    %get3A_10 = vector.load %arg3[%get3A_8, %get3A_9] : memref<64x64xf32, #tpu.memory_space<vmem>>, vector<64x64xf32>
    %dot_general3A_11 = arith.constant dense<0.000000e+00> : vector<2048x64xf32>
    %dot_general3A_12 = tpu.matmul %get3A_1, %get3A_10, %dot_general3A_11 {dimension_numbers = #tpu.dot_dimension_numbers<[1], [0], [0], [1], [0, 0, 1, 1], [], []>, transpose_lhs_hint = false} : vector<2048x64xf32>, vector<64x64xf32>, vector<2048x64xf32> -> vector<2048x64xf32>
    %get3A_13 = arith.constant 0 : index
    %get3A_14 = arith.constant 0 : index
    %get3A_15 = vector.load %arg4[%get3A_13, %get3A_14] : memref<1x64xf32, #tpu.memory_space<vmem>>, vector<1x64xf32>
    %add3A = vector.broadcast %get3A_15 : vector<1x64xf32> to vector<2048x64xf32>
    %add3A_16 = arith.addf %dot_general3A_12, %add3A : vector<2048x64xf32>
    %swap3A_17 = arith.constant 0 : index
    %swap3A_18 = arith.constant 0 : index
    %swap3A_19 = vector.load %arg6[%swap3A_17, %swap3A_18] : memref<2048x64xf32, #tpu.memory_space<vmem>>, vector<2048x64xf32>
    tpu.vector_store %arg6[%swap3A_17, %swap3A_18], %add3A_16 {strides = array<i32>} : memref<2048x64xf32, #tpu.memory_space<vmem>>, vector<2048x64xf32>,
    return
  }
  func.func @transform_0(%arg0: i32) -> (i32, i32) {
    %c0_i32 = arith.constant 0 : i32
    %c0_i32_0 = arith.constant 0 : i32
    return %arg0, %c0_i32 : i32, i32
  }
  func.func @transform_1(%arg0: i32) -> (i32, i32) {
    %c0_i32 = arith.constant 0 : i32
    %c0_i32_0 = arith.constant 0 : i32
    %c0_i32_1 = arith.constant 0 : i32
    return %c0_i32, %c0_i32_0 : i32, i32
  }
  func.func @transform_2(%arg0: i32) -> (i32, i32) {
    %c0_i32 = arith.constant 0 : i32
    %c0_i32_0 = arith.constant 0 : i32
    %c0_i32_1 = arith.constant 0 : i32
    return %c0_i32, %c0_i32_0 : i32, i32
  }
  func.func @transform_3(%arg0: i32) -> (i32, i32) {
    %c0_i32 = arith.constant 0 : i32
    %c0_i32_0 = arith.constant 0 : i32
    %c0_i32_1 = arith.constant 0 : i32
    return %c0_i32, %c0_i32_0 : i32, i32
  }
  func.func @transform_4(%arg0: i32) -> (i32, i32) {
    %c0_i32 = arith.constant 0 : i32
    %c0_i32_0 = arith.constant 0 : i32
    return %arg0, %c0_i32 : i32, i32
  }
  func.func @transform_5(%arg0: i32) -> (i32, i32) {
    %c0_i32 = arith.constant 0 : i32
    %c0_i32_0 = arith.constant 0 : i32
    return %arg0, %c0_i32 : i32, i32
  }
}

module attributes {stable_mosaic.version = 14 : i64} {
  func.func @_topk_body(%arg0: i32, %arg1: memref<256x64xf32, #tpu.memory_space<vmem>>, %arg2: memref<64x4096xf32, #tpu.memory_space<vmem>>, %arg3: memref<256x32xi32, #tpu.memory_space<vmem>>, %arg4: memref<256x4096xf32, #tpu.memory_space<vmem>>) attributes {dimension_semantics = [#tpu.dimension_semantics<arbitrary>], iteration_bounds = array<i64: 8>, scalar_prefetch = 0 : i64, scratch_operands = 1 : i64, tpu.core_type = #tpu.core_type<tc>, window_params = [{transform_indices = @transform_0, window_bounds = array<i64: 256, 64>}, {pipeline_mode = #tpu.pipeline_mode<synchronous>, transform_indices = @transform_1, window_bounds = array<i64: 64, 4096>}, {transform_indices = @transform_2, window_bounds = array<i64: 256, 32>}]} {
    %get3A = arith.constant 0 : index
    %get3A_0 = arith.constant 0 : index
    %get3A_1 = vector.load %arg1[%get3A, %get3A_0] : memref<256x64xf32, #tpu.memory_space<vmem>>, vector<256x64xf32>
    %get3A_2 = arith.constant 0 : index
    %get3A_3 = arith.constant 0 : index
    %get3A_4 = vector.load %arg2[%get3A_2, %get3A_3] : memref<64x4096xf32, #tpu.memory_space<vmem>>, vector<64x4096xf32>
    %dot_general3A = arith.constant dense<0.000000e+00> : vector<256x4096xf32>
    %dot_general3A_5 = tpu.matmul %get3A_1, %get3A_4, %dot_general3A {dimension_numbers = #tpu.dot_dimension_numbers<[1], [0], [0], [1], [0, 0, 1, 1], [], []>, transpose_lhs_hint = false} : vector<256x64xf32>, vector<64x4096xf32>, vector<256x4096xf32> -> vector<256x4096xf32>
    %mul3A = arith.mulf %get3A_4, %get3A_4 : vector<64x4096xf32>
    %reduce_sum3A = arith.constant dense<0.000000e+00> : vector<4096xf32>
    %reduce_sum3A_6 = vector.multi_reduction <add>, %mul3A, %reduce_sum3A [0] : vector<64x4096xf32> to vector<4096xf32>
    %broadcast_in_dim3A = vector.shape_cast %reduce_sum3A_6 : vector<4096xf32> to vector<1x4096xf32>
    %mul3A_7 = arith.constant 2.500000e-01 : f32
    %mul3A_8 = vector.broadcast %mul3A_7 : f32 to vector<1x4096xf32>
    %mul3A_9 = arith.mulf %mul3A_8, %broadcast_in_dim3A : vector<1x4096xf32>
    %iota3A = tpu.iota {dimensions = array<i32: 1>} : vector<256x4096xi32>
    %convert_element_type3A = arith.sitofp %iota3A : vector<256x4096xi32> to vector<256x4096xf32>
    %iota3A_10 = tpu.iota {dimensions = array<i32: 1>} : vector<256x32xi32>
    %add3A = arith.constant 8 : i32
    %add3A_11 = arith.addi %arg0, %add3A : i32
    %iota3A_12 = tpu.iota {dimensions = array<i32: 0>} : vector<256x1xi32>
    %mul3A_13 = arith.constant 256 : i32
    %mul3A_14 = arith.muli %add3A_11, %mul3A_13 : i32
    %add3A_15 = vector.broadcast %mul3A_14 : i32 to vector<256x1xi32>
    %add3A_16 = arith.addi %iota3A_12, %add3A_15 : vector<256x1xi32>
    %eq3A = vector.broadcast %add3A_16 : vector<256x1xi32> to vector<256x4096xi32>
    %eq3A_17 = arith.cmpi eq, %iota3A, %eq3A : vector<256x4096xi32>
    %sub3A = vector.broadcast %mul3A_9 : vector<1x4096xf32> to vector<256x4096xf32>
    %sub3A_18 = arith.subf %dot_general3A_5, %sub3A : vector<256x4096xf32>
    %jit3A = arith.constant -3.40282347E+38 : f32
    %broadcast_in_dim3A_19 = vector.broadcast %jit3A : f32 to vector<256x4096xf32>
    %select_n3A = arith.select %eq3A_17, %broadcast_in_dim3A_19, %sub3A_18 : vector<256x4096xi1>, vector<256x4096xf32>
    %swap3A = arith.constant 0 : index
    %swap3A_20 = arith.constant 0 : index
    %swap3A_21 = vector.load %arg4[%swap3A, %swap3A_20] : memref<256x4096xf32, #tpu.memory_space<vmem>>, vector<256x4096xf32>
    tpu.vector_store %arg4[%swap3A, %swap3A_20], %select_n3A {strides = array<i32>} : memref<256x4096xf32, #tpu.memory_space<vmem>>, vector<256x4096xf32>,
    %eq3A_22 = arith.constant 0 : i32
    %eq3A_23 = vector.broadcast %eq3A_22 : i32 to vector<256x32xi32>
    %eq3A_24 = arith.cmpi eq, %iota3A_10, %eq3A_23 : vector<256x32xi32>
    %broadcast_in_dim3A_25 = arith.constant 0 : i32
    %broadcast_in_dim3A_26 = vector.broadcast %broadcast_in_dim3A_25 : i32 to vector<256x32xi32>
    %broadcast_in_dim3A_27 = vector.shape_cast %add3A_16 : vector<256x1xi32> to vector<256x1xi32>
    %broadcast_in_dim3A_28 = vector.broadcast %broadcast_in_dim3A_27 : vector<256x1xi32> to vector<256x32xi32>
    %select_n3A_29 = arith.select %eq3A_24, %broadcast_in_dim3A_28, %broadcast_in_dim3A_26 : vector<256x32xi1>, vector<256x32xi32>
    %scan3A = arith.constant 1 : i32
    %scan3A_30 = arith.constant 31 : i32
    %scan3A_31 = arith.addi %scan3A, %scan3A_30 : i32
    %scan3A_32 = arith.constant 1 : i32
    %scan3A_33 = scf.for %scan3A_38 = %scan3A to %scan3A_31 step %scan3A_32 iter_args(%scan3A_39 = %select_n3A_29) -> (vector<256x32xi32>)  : i32 {
      %get3A_40 = arith.constant 0 : index
      %get3A_41 = arith.constant 0 : index
      %get3A_42 = vector.load %arg4[%get3A_40, %get3A_41] : memref<256x4096xf32, #tpu.memory_space<vmem>>, vector<256x4096xf32>
      %reduce_max3A = arith.constant dense<0xFF800000> : vector<256xf32>
      %reduce_max3A_43 = vector.multi_reduction <maximumf>, %get3A_42, %reduce_max3A [1] : vector<256x4096xf32> to vector<256xf32>
      %broadcast_in_dim3A_44 = vector.shape_cast %reduce_max3A_43 : vector<256xf32> to vector<256x1xf32>
      %eq3A_45 = vector.broadcast %broadcast_in_dim3A_44 : vector<256x1xf32> to vector<256x4096xf32>
      %eq3A_46 = arith.cmpf oeq, %get3A_42, %eq3A_45 : vector<256x4096xf32>
      %jit3A_47 = arith.constant 1.000000e+09 : f32
      %broadcast_in_dim3A_48 = vector.broadcast %jit3A_47 : f32 to vector<256x4096xf32>
      %select_n3A_49 = arith.select %eq3A_46, %convert_element_type3A, %broadcast_in_dim3A_48 : vector<256x4096xi1>, vector<256x4096xf32>
      %reduce_min3A = arith.constant dense<0x7F800000> : vector<256xf32>
      %reduce_min3A_50 = vector.multi_reduction <minimumf>, %select_n3A_49, %reduce_min3A [1] : vector<256x4096xf32> to vector<256xf32>
      %broadcast_in_dim3A_51 = vector.shape_cast %reduce_min3A_50 : vector<256xf32> to vector<256x1xf32>
      %convert_element_type3A_52 = arith.fptosi %broadcast_in_dim3A_51 : vector<256x1xf32> to vector<256x1xi32>
      %eq3A_53 = vector.broadcast %convert_element_type3A_52 : vector<256x1xi32> to vector<256x4096xi32>
      %eq3A_54 = arith.cmpi eq, %iota3A, %eq3A_53 : vector<256x4096xi32>
      %jit3A_55 = arith.constant -3.40282347E+38 : f32
      %broadcast_in_dim3A_56 = vector.broadcast %jit3A_55 : f32 to vector<256x4096xf32>
      %select_n3A_57 = arith.select %eq3A_54, %broadcast_in_dim3A_56, %get3A_42 : vector<256x4096xi1>, vector<256x4096xf32>
      %swap3A_58 = arith.constant 0 : index
      %swap3A_59 = arith.constant 0 : index
      %swap3A_60 = vector.load %arg4[%swap3A_58, %swap3A_59] : memref<256x4096xf32, #tpu.memory_space<vmem>>, vector<256x4096xf32>
      tpu.vector_store %arg4[%swap3A_58, %swap3A_59], %select_n3A_57 {strides = array<i32>} : memref<256x4096xf32, #tpu.memory_space<vmem>>, vector<256x4096xf32>,
      %eq3A_61 = vector.broadcast %scan3A_38 : i32 to vector<256x32xi32>
      %eq3A_62 = arith.cmpi eq, %iota3A_10, %eq3A_61 : vector<256x32xi32>
      %broadcast_in_dim3A_63 = vector.shape_cast %convert_element_type3A_52 : vector<256x1xi32> to vector<256x1xi32>
      %broadcast_in_dim3A_64 = vector.broadcast %broadcast_in_dim3A_63 : vector<256x1xi32> to vector<256x32xi32>
      %select_n3A_65 = arith.select %eq3A_62, %broadcast_in_dim3A_64, %scan3A_39 : vector<256x32xi1>, vector<256x32xi32>
      scf.yield %select_n3A_65 : vector<256x32xi32>
    }
    %scan3A_34 = arith.constant 31 : i32
    %swap3A_35 = arith.constant 0 : index
    %swap3A_36 = arith.constant 0 : index
    %swap3A_37 = vector.load %arg3[%swap3A_35, %swap3A_36] : memref<256x32xi32, #tpu.memory_space<vmem>>, vector<256x32xi32>
    tpu.vector_store %arg3[%swap3A_35, %swap3A_36], %scan3A_33 {strides = array<i32>} : memref<256x32xi32, #tpu.memory_space<vmem>>, vector<256x32xi32>,
    return
  }
  func.func @transform_0(%arg0: i32) -> (i32, i32) {
    %add3A = arith.constant 8 : i32
    %add3A_0 = arith.addi %arg0, %add3A : i32
    %c0_i32 = arith.constant 0 : i32
    %c0_i32_1 = arith.constant 0 : i32
    return %add3A_0, %c0_i32 : i32, i32
  }
  func.func @transform_1(%arg0: i32) -> (i32, i32) {
    %c0_i32 = arith.constant 0 : i32
    %c0_i32_0 = arith.constant 0 : i32
    %c0_i32_1 = arith.constant 0 : i32
    return %c0_i32, %c0_i32_0 : i32, i32
  }
  func.func @transform_2(%arg0: i32) -> (i32, i32) {
    %c0_i32 = arith.constant 0 : i32
    %c0_i32_0 = arith.constant 0 : i32
    return %arg0, %c0_i32 : i32, i32
  }
}

module attributes {stable_mosaic.version = 14 : i64} {
  func.func @_head_body(%arg0: i32, %arg1: memref<1024x64xf32, #tpu.memory_space<vmem>>, %arg2: memref<1024x64xf32, #tpu.memory_space<vmem>>, %arg3: memref<1024x64xf32, #tpu.memory_space<vmem>>, %arg4: memref<192x1024xf32, #tpu.memory_space<vmem>>, %arg5: memref<1x1024xf32, #tpu.memory_space<vmem>>, %arg6: memref<1024x256xf32, #tpu.memory_space<vmem>>, %arg7: memref<1x256xf32, #tpu.memory_space<vmem>>, %arg8: memref<256x128xf32, #tpu.memory_space<vmem>>, %arg9: memref<1x128xf32, #tpu.memory_space<vmem>>, %arg10: memref<128x40xf32, #tpu.memory_space<vmem>>, %arg11: memref<1x40xf32, #tpu.memory_space<vmem>>, %arg12: memref<1024x40xf32, #tpu.memory_space<vmem>>) attributes {dimension_semantics = [#tpu.dimension_semantics<arbitrary>], iteration_bounds = array<i64: 4>, scalar_prefetch = 0 : i64, scratch_operands = 0 : i64, tpu.core_type = #tpu.core_type<tc>, window_params = [{transform_indices = @transform_0, window_bounds = array<i64: 1024, 64>}, {transform_indices = @transform_1, window_bounds = array<i64: 1024, 64>}, {transform_indices = @transform_2, window_bounds = array<i64: 1024, 64>}, {pipeline_mode = #tpu.pipeline_mode<synchronous>, transform_indices = @transform_3, window_bounds = array<i64: 192, 1024>}, {pipeline_mode = #tpu.pipeline_mode<synchronous>, transform_indices = @transform_4, window_bounds = array<i64: 1, 1024>}, {pipeline_mode = #tpu.pipeline_mode<synchronous>, transform_indices = @transform_5, window_bounds = array<i64: 1024, 256>}, {pipeline_mode = #tpu.pipeline_mode<synchronous>, transform_indices = @transform_6, window_bounds = array<i64: 1, 256>}, {pipeline_mode = #tpu.pipeline_mode<synchronous>, transform_indices = @transform_7, window_bounds = array<i64: 256, 128>}, {pipeline_mode = #tpu.pipeline_mode<synchronous>, transform_indices = @transform_8, window_bounds = array<i64: 1, 128>}, {pipeline_mode = #tpu.pipeline_mode<synchronous>, transform_indices = @transform_9, window_bounds = array<i64: 128, 40>}, {pipeline_mode = #tpu.pipeline_mode<synchronous>, transform_indices = @transform_10, window_bounds = array<i64: 1, 40>}, {transform_indices = @transform_11, window_bounds = array<i64: 1024, 40>}]} {
    %get3A = arith.constant 0 : index
    %get3A_0 = arith.constant 0 : index
    %get3A_1 = vector.load %arg4[%get3A, %get3A_0] : memref<192x1024xf32, #tpu.memory_space<vmem>>, vector<192x1024xf32>
    %get3A_2 = arith.constant 0 : index
    %get3A_3 = arith.constant 0 : index
    %get3A_4 = vector.load %arg1[%get3A_2, %get3A_3] : memref<1024x64xf32, #tpu.memory_space<vmem>>, vector<1024x64xf32>
    %slice3A = vector.extract_strided_slice %get3A_1 {offsets = [0, 0], sizes = [64, 1024], strides = [1, 1]} : vector<192x1024xf32> to vector<64x1024xf32>
    %dot_general3A = arith.constant dense<0.000000e+00> : vector<1024x1024xf32>
    %dot_general3A_5 = tpu.matmul %get3A_4, %slice3A, %dot_general3A {dimension_numbers = #tpu.dot_dimension_numbers<[1], [0], [0], [1], [0, 0, 1, 1], [], []>, transpose_lhs_hint = false} : vector<1024x64xf32>, vector<64x1024xf32>, vector<1024x1024xf32> -> vector<1024x1024xf32>
    %get3A_6 = arith.constant 0 : index
    %get3A_7 = arith.constant 0 : index
    %get3A_8 = vector.load %arg2[%get3A_6, %get3A_7] : memref<1024x64xf32, #tpu.memory_space<vmem>>, vector<1024x64xf32>
    %slice3A_9 = vector.extract_strided_slice %get3A_1 {offsets = [64, 0], sizes = [64, 1024], strides = [1, 1]} : vector<192x1024xf32> to vector<64x1024xf32>
    %dot_general3A_10 = arith.constant dense<0.000000e+00> : vector<1024x1024xf32>
    %dot_general3A_11 = tpu.matmul %get3A_8, %slice3A_9, %dot_general3A_10 {dimension_numbers = #tpu.dot_dimension_numbers<[1], [0], [0], [1], [0, 0, 1, 1], [], []>, transpose_lhs_hint = false} : vector<1024x64xf32>, vector<64x1024xf32>, vector<1024x1024xf32> -> vector<1024x1024xf32>
    %add3A = arith.addf %dot_general3A_5, %dot_general3A_11 : vector<1024x1024xf32>
    %get3A_12 = arith.constant 0 : index
    %get3A_13 = arith.constant 0 : index
    %get3A_14 = vector.load %arg3[%get3A_12, %get3A_13] : memref<1024x64xf32, #tpu.memory_space<vmem>>, vector<1024x64xf32>
    %slice3A_15 = vector.extract_strided_slice %get3A_1 {offsets = [128, 0], sizes = [64, 1024], strides = [1, 1]} : vector<192x1024xf32> to vector<64x1024xf32>
    %dot_general3A_16 = arith.constant dense<0.000000e+00> : vector<1024x1024xf32>
    %dot_general3A_17 = tpu.matmul %get3A_14, %slice3A_15, %dot_general3A_16 {dimension_numbers = #tpu.dot_dimension_numbers<[1], [0], [0], [1], [0, 0, 1, 1], [], []>, transpose_lhs_hint = false} : vector<1024x64xf32>, vector<64x1024xf32>, vector<1024x1024xf32> -> vector<1024x1024xf32>
    %add3A_18 = arith.addf %add3A, %dot_general3A_17 : vector<1024x1024xf32>
    %get3A_19 = arith.constant 0 : index
    %get3A_20 = arith.constant 0 : index
    %get3A_21 = vector.load %arg5[%get3A_19, %get3A_20] : memref<1x1024xf32, #tpu.memory_space<vmem>>, vector<1x1024xf32>
    %add3A_22 = vector.broadcast %get3A_21 : vector<1x1024xf32> to vector<1024x1024xf32>
    %add3A_23 = arith.addf %add3A_18, %add3A_22 : vector<1024x1024xf32>
    %max3A = arith.constant 0.000000e+00 : f32
    %max3A_24 = vector.broadcast %max3A : f32 to vector<1024x1024xf32>
    %max3A_25 = arith.maximumf %add3A_23, %max3A_24 : vector<1024x1024xf32>
    %get3A_26 = arith.constant 0 : index
    %get3A_27 = arith.constant 0 : index
    %get3A_28 = vector.load %arg6[%get3A_26, %get3A_27] : memref<1024x256xf32, #tpu.memory_space<vmem>>, vector<1024x256xf32>
    %dot_general3A_29 = arith.constant dense<0.000000e+00> : vector<1024x256xf32>
    %dot_general3A_30 = tpu.matmul %max3A_25, %get3A_28, %dot_general3A_29 {dimension_numbers = #tpu.dot_dimension_numbers<[1], [0], [0], [1], [0, 0, 1, 1], [], []>, transpose_lhs_hint = false} : vector<1024x1024xf32>, vector<1024x256xf32>, vector<1024x256xf32> -> vector<1024x256xf32>
    %get3A_31 = arith.constant 0 : index
    %get3A_32 = arith.constant 0 : index
    %get3A_33 = vector.load %arg7[%get3A_31, %get3A_32] : memref<1x256xf32, #tpu.memory_space<vmem>>, vector<1x256xf32>
    %add3A_34 = vector.broadcast %get3A_33 : vector<1x256xf32> to vector<1024x256xf32>
    %add3A_35 = arith.addf %dot_general3A_30, %add3A_34 : vector<1024x256xf32>
    %max3A_36 = arith.constant 0.000000e+00 : f32
    %max3A_37 = vector.broadcast %max3A_36 : f32 to vector<1024x256xf32>
    %max3A_38 = arith.maximumf %add3A_35, %max3A_37 : vector<1024x256xf32>
    %get3A_39 = arith.constant 0 : index
    %get3A_40 = arith.constant 0 : index
    %get3A_41 = vector.load %arg8[%get3A_39, %get3A_40] : memref<256x128xf32, #tpu.memory_space<vmem>>, vector<256x128xf32>
    %dot_general3A_42 = arith.constant dense<0.000000e+00> : vector<1024x128xf32>
    %dot_general3A_43 = tpu.matmul %max3A_38, %get3A_41, %dot_general3A_42 {dimension_numbers = #tpu.dot_dimension_numbers<[1], [0], [0], [1], [0, 0, 1, 1], [], []>, transpose_lhs_hint = false} : vector<1024x256xf32>, vector<256x128xf32>, vector<1024x128xf32> -> vector<1024x128xf32>
    %get3A_44 = arith.constant 0 : index
    %get3A_45 = arith.constant 0 : index
    %get3A_46 = vector.load %arg9[%get3A_44, %get3A_45] : memref<1x128xf32, #tpu.memory_space<vmem>>, vector<1x128xf32>
    %add3A_47 = vector.broadcast %get3A_46 : vector<1x128xf32> to vector<1024x128xf32>
    %add3A_48 = arith.addf %dot_general3A_43, %add3A_47 : vector<1024x128xf32>
    %max3A_49 = arith.constant 0.000000e+00 : f32
    %max3A_50 = vector.broadcast %max3A_49 : f32 to vector<1024x128xf32>
    %max3A_51 = arith.maximumf %add3A_48, %max3A_50 : vector<1024x128xf32>
    %get3A_52 = arith.constant 0 : index
    %get3A_53 = arith.constant 0 : index
    %get3A_54 = vector.load %arg10[%get3A_52, %get3A_53] : memref<128x40xf32, #tpu.memory_space<vmem>>, vector<128x40xf32>
    %dot_general3A_55 = arith.constant dense<0.000000e+00> : vector<1024x40xf32>
    %dot_general3A_56 = tpu.matmul %max3A_51, %get3A_54, %dot_general3A_55 {dimension_numbers = #tpu.dot_dimension_numbers<[1], [0], [0], [1], [0, 0, 1, 1], [], []>, transpose_lhs_hint = false} : vector<1024x128xf32>, vector<128x40xf32>, vector<1024x40xf32> -> vector<1024x40xf32>
    %get3A_57 = arith.constant 0 : index
    %get3A_58 = arith.constant 0 : index
    %get3A_59 = vector.load %arg11[%get3A_57, %get3A_58] : memref<1x40xf32, #tpu.memory_space<vmem>>, vector<1x40xf32>
    %add3A_60 = vector.broadcast %get3A_59 : vector<1x40xf32> to vector<1024x40xf32>
    %add3A_61 = arith.addf %dot_general3A_56, %add3A_60 : vector<1024x40xf32>
    %reduce_max3A = arith.constant dense<0xFF800000> : vector<1024xf32>
    %reduce_max3A_62 = vector.multi_reduction <maximumf>, %add3A_61, %reduce_max3A [1] : vector<1024x40xf32> to vector<1024xf32>
    %broadcast_in_dim3A = vector.shape_cast %reduce_max3A_62 : vector<1024xf32> to vector<1024x1xf32>
    %sub3A = vector.broadcast %broadcast_in_dim3A : vector<1024x1xf32> to vector<1024x40xf32>
    %sub3A_63 = arith.subf %add3A_61, %sub3A : vector<1024x40xf32>
    %exp3A = math.exp %sub3A_63 : vector<1024x40xf32>
    %reduce_sum3A = arith.constant dense<0.000000e+00> : vector<1024xf32>
    %reduce_sum3A_64 = vector.multi_reduction <add>, %exp3A, %reduce_sum3A [1] : vector<1024x40xf32> to vector<1024xf32>
    %broadcast_in_dim3A_65 = vector.shape_cast %reduce_sum3A_64 : vector<1024xf32> to vector<1024x1xf32>
    %log3A = math.log %broadcast_in_dim3A_65 : vector<1024x1xf32>
    %sub3A_66 = vector.broadcast %log3A : vector<1024x1xf32> to vector<1024x40xf32>
    %sub3A_67 = arith.subf %sub3A_63, %sub3A_66 : vector<1024x40xf32>
    %swap3A = arith.constant 0 : index
    %swap3A_68 = arith.constant 0 : index
    %swap3A_69 = vector.load %arg12[%swap3A, %swap3A_68] : memref<1024x40xf32, #tpu.memory_space<vmem>>, vector<1024x40xf32>
    tpu.vector_store %arg12[%swap3A, %swap3A_68], %sub3A_67 {strides = array<i32>} : memref<1024x40xf32, #tpu.memory_space<vmem>>, vector<1024x40xf32>,
    return
  }
  func.func @transform_0(%arg0: i32) -> (i32, i32) {
    %c0_i32 = arith.constant 0 : i32
    %c0_i32_0 = arith.constant 0 : i32
    return %arg0, %c0_i32 : i32, i32
  }
  func.func @transform_1(%arg0: i32) -> (i32, i32) {
    %c0_i32 = arith.constant 0 : i32
    %c0_i32_0 = arith.constant 0 : i32
    return %arg0, %c0_i32 : i32, i32
  }
  func.func @transform_2(%arg0: i32) -> (i32, i32) {
    %c0_i32 = arith.constant 0 : i32
    %c0_i32_0 = arith.constant 0 : i32
    return %arg0, %c0_i32 : i32, i32
  }
  func.func @transform_3(%arg0: i32) -> (i32, i32) {
    %c0_i32 = arith.constant 0 : i32
    %c0_i32_0 = arith.constant 0 : i32
    %c0_i32_1 = arith.constant 0 : i32
    return %c0_i32, %c0_i32_0 : i32, i32
  }
  func.func @transform_4(%arg0: i32) -> (i32, i32) {
    %c0_i32 = arith.constant 0 : i32
    %c0_i32_0 = arith.constant 0 : i32
    %c0_i32_1 = arith.constant 0 : i32
    return %c0_i32, %c0_i32_0 : i32, i32
  }
  func.func @transform_5(%arg0: i32) -> (i32, i32) {
    %c0_i32 = arith.constant 0 : i32
    %c0_i32_0 = arith.constant 0 : i32
    %c0_i32_1 = arith.constant 0 : i32
    return %c0_i32, %c0_i32_0 : i32, i32
  }
  func.func @transform_6(%arg0: i32) -> (i32, i32) {
    %c0_i32 = arith.constant 0 : i32
    %c0_i32_0 = arith.constant 0 : i32
    %c0_i32_1 = arith.constant 0 : i32
    return %c0_i32, %c0_i32_0 : i32, i32
  }
  func.func @transform_7(%arg0: i32) -> (i32, i32) {
    %c0_i32 = arith.constant 0 : i32
    %c0_i32_0 = arith.constant 0 : i32
    %c0_i32_1 = arith.constant 0 : i32
    return %c0_i32, %c0_i32_0 : i32, i32
  }
  func.func @transform_8(%arg0: i32) -> (i32, i32) {
    %c0_i32 = arith.constant 0 : i32
    %c0_i32_0 = arith.constant 0 : i32
    %c0_i32_1 = arith.constant 0 : i32
    return %c0_i32, %c0_i32_0 : i32, i32
  }
  func.func @transform_9(%arg0: i32) -> (i32, i32) {
    %c0_i32 = arith.constant 0 : i32
    %c0_i32_0 = arith.constant 0 : i32
    %c0_i32_1 = arith.constant 0 : i32
    return %c0_i32, %c0_i32_0 : i32, i32
  }
  func.func @transform_10(%arg0: i32) -> (i32, i32) {
    %c0_i32 = arith.constant 0 : i32
    %c0_i32_0 = arith.constant 0 : i32
    %c0_i32_1 = arith.constant 0 : i32
    return %c0_i32, %c0_i32_0 : i32, i32
  }
  func.func @transform_11(%arg0: i32) -> (i32, i32) {
    %c0_i32 = arith.constant 0 : i32
    %c0_i32_0 = arith.constant 0 : i32
    return %arg0, %c0_i32 : i32, i32
  }
}

</mosaic_0001>

<sc_bundles>
// kernel: kernel.18.cloned.1.call-start
scs
__scs_entry_jumppad:
0x0: {  	(pc) =	sbr.rel $0x88, $3  }
0x1: {  	(tag) =	ssettag $0x0;
	lr =	simm.s32 $0x1  }
0x2: {  	[smem:$0x3F92] =	sst lr;
	_ =	strace $0xD0000000  }
0x3: {  	_ = 	snop  }
0x4: {  	_ = 	snop  }
0x5: {  	_ = 	snop  }
0x6: {  	_ = 	snop  }
0x7: {  	_ = 	snop  }
__scs_overlays_trampoline_lowered:
0x8: {  	[smem:$0x3FA1] =	sst s0  }
0x9: {  	[smem:$0x3FA2] =	sst s1  }
0xa: {  	[smem:$0x3FA3] =	sst s2  }
0xb: {  	[smem:$0x3FA4] =	sst s3  }
0xc: {  	[smem:$0x3FA5] =	sst s4  }
0xd: {  	[smem:$0x3FA6] =	sst s5  }
0xe: {  	[smem:$0x3FA7] =	sst s6  }
0xf: {  	[smem:$0x3FA8] =	sst s7  }
0x10: {  	[smem:$0x3FA9] =	sst s8  }
0x11: {  	[smem:$0x3FAA] =	sst s9;
	s0 =	simm.s32 @!p0 $0x0  }
0x12: {  	s1 =	sld [smem:$0x3F90];
	s0 =	simm.s32 @p0 $0x1  }
0x13: {  	[smem:$0x3FAB] =	sst s0;
	s0 =	simm.s32 @!p1 $0x0  }
0x14: {  	s2 =	sld [smem:$0x3F8F];
	s0 =	simm.s32 @p1 $0x1  }
0x15: {  	[smem:$0x3FAC] =	sst s0;
	s0 =	simm.s32 @!p2 $0x0  }
0x16: {  	s3 =	sld [smem:$0x3FDB];
	s0 =	simm.s32 @p2 $0x1  }
0x17: {  	s4 =	simm.s32 $0x1BF5;
	[smem:$0x3FAE] =	sst s0  }
0x18: {  	s0 =	sld [smem:$0x3F91];
	_ =	swait.ge [sflag:s4], $0x0  }
0x19: {  	s7 =	sld [smem:$0x3F92]  }
0x1a: {  	s8 =	sadd.s32 $0xFFFFE003, lr  }
0x1b: {  	s9 =	sadd.s32 $0xFFFFFEF7, lr;
	s5 =	simm.s32 $0xFFFFFFFF;
	p2 =	slt.u32 s8, $0xFFFFF086  }
0x1c: {  	p1 =	slt.u32 s9, $0xF7A;
	s5 =	simm.s32 @!p2 $0x0  }
0x1d: {  	s5 =	simm.s32 @p1 $0x1;
	p0 =	seq.s32 s7, s2  }
0x1e: {  	s7 =	smul.u32 @!p0 $0xF7A, s2;
	p2 =	seq.s32 @!p0 s5, $0x0  }
0x1f: {  	s9 =	smul.u32 $0xF7A, s1;
	s8 =	simm.s32 @!p0 $0x1BF5;
	p2 =	por !p2, p0  }
0x20: {  	[sflag:s8] =	ssyncset.s32 @!p0 $0xFFFFF086;
	s6 =	sadd.s32 @!p0 s3, s7;
	s7 =	simm.s32 @!p0 $0x108  }
0x21: {  	s3 =	sadd.s32 s3, s9;
	s6 =	sadd.s32 @!p0 $0x88, s6;
	s7 =	simm.s32 @p2 $0x1082  }
0x22: {  	[simem:s7], [sflag:s8] =	dma.local @!p0 [hbm:s6], $0xF7A  }
0x23: {  	s9 =	sor.u32 $0xD0000000, s2;
	s6 =	simm.s32 $0x108;
	_ =	swait.ge @!p0 [sflag:s8], $0x0  }
0x24: {  	s3 =	sadd.s32 $0x88, s3;
	s6 =	simm.s32 @!p1 $0x1082;
	[sflag:s4] =	ssyncset.s32 $0xFFFFF086  }
0x25: {  	[simem:s6], [sflag:s4] =	dma.local [hbm:s3], $0xF7A  }
0x26: {  	[smem:$0x3F92] =	sst s1;
	(tag) =	ssettag s2;
	_ =	strace s9  }
0x27: {  	s1 =	sld [smem:$0x3FA2]  }
0x28: {  	s2 =	sld [smem:$0x3FA3]  }
0x29: {  	s4 =	sld [smem:$0x3FA5]  }
0x2a: {  	p0 =	seq.s32 s5, $0x0;
	s5 =	sld [smem:$0x3FA6]  }
0x2b: {  	s6 =	sld [smem:$0x3FA7]  }
0x2c: {  	s7 =	sld [smem:$0x3FA8]  }
0x2d: {  	s3 =	simm.s32 $0x108;
	s8 =	sld [smem:$0x3FA9]  }
0x2e: {  	s3 =	simm.s32 @!p0 $0x1082;
	s9 =	sld [smem:$0x3FAA]  }
0x2f: {  	lr =	sadd.s32 s0, s3;
	s0 =	sld [smem:$0x3FA1]  }
0x30: {  	s3 =	sld [smem:$0x3FA4]  }
0x31: {  	[smem:$0x3FAD] =	sst s10  }
0x32: {  	s10 =	sld [smem:$0x3FAB];
	_ =	sdelay $0x3  }
0x33: {  	p0 =	seq.s32 s10, $0x1;
	s10 =	sld [smem:$0x3FAD];
	_ =	sdelay $0x3  }
0x34: {  	[smem:$0x3FAD] =	sst s10  }
0x35: {  	s10 =	sld [smem:$0x3FAC];
	_ =	sdelay $0x3  }
0x36: {  	p1 =	seq.s32 s10, $0x1;
	s10 =	sld [smem:$0x3FAD];
	_ =	sdelay $0x3  }
0x37: {  	[smem:$0x3FAD] =	sst s10  }
0x38: {  	s10 =	sld [smem:$0x3FAE]  }
0x39: {  	_ = 	snop;
	(pc) =	sbr.ind lr, $3  }
0x3a: {  	_ = 	snop  }
0x3b: {  	_ = 	snop  }
0x3c: {  	p2 =	seq.s32 s10, $0x1;
	s10 =	sld [smem:$0x3FAD]  }
0x3d: {  	_ =	shalt  }
0x3e: {  	_ =	shalt  }
0x3f: {  	_ =	shalt  }
0x40: {  	_ =	shalt  }
0x41: {  	_ =	shalt  }
0x42: {  	_ =	shalt  }
0x43: {  	_ =	shalt  }
0x44: {  	_ =	shalt  }
0x45: {  	_ =	shalt  }
0x46: {  	_ =	shalt  }
0x47: {  	_ =	shalt  }
0x48: {  	_ =	shalt  }
0x49: {  	_ =	shalt  }
0x4a: {  	_ =	shalt  }
0x4b: {  	_ =	shalt  }
0x4c: {  	_ =	shalt  }
0x4d: {  	_ =	shalt  }
0x4e: {  	_ =	shalt  }
0x4f: {  	_ =	shalt  }
0x50: {  	_ =	shalt  }
0x51: {  	_ =	shalt  }
0x52: {  	_ =	shalt  }
0x53: {  	_ =	shalt  }
0x54: {  	_ =	shalt  }
0x55: {  	_ =	shalt  }
0x56: {  	_ =	shalt  }
0x57: {  	_ =	shalt  }
0x58: {  	_ =	shalt  }
0x59: {  	_ =	shalt  }
0x5a: {  	_ =	shalt  }
0x5b: {  	_ =	shalt  }
0x5c: {  	_ =	shalt  }
0x5d: {  	_ =	shalt  }
0x5e: {  	_ =	shalt  }
0x5f: {  	_ =	shalt  }
0x60: {  	_ =	shalt  }
0x61: {  	_ =	shalt  }
0x62: {  	_ =	shalt  }
0x63: {  	_ =	shalt  }
0x64: {  	_ =	shalt  }
0x65: {  	_ =	shalt  }
0x66: {  	_ =	shalt  }
0x67: {  	_ =	shalt  }
0x68: {  	_ =	shalt  }
0x69: {  	_ =	shalt  }
0x6a: {  	_ =	shalt  }
0x6b: {  	_ =	shalt  }
0x6c: {  	_ =	shalt  }
0x6d: {  	_ =	shalt  }
0x6e: {  	_ =	shalt  }
0x6f: {  	_ =	shalt  }
0x70: {  	_ =	shalt  }
0x71: {  	_ =	shalt  }
0x72: {  	_ =	shalt  }
0x73: {  	_ =	shalt  }
0x74: {  	_ =	shalt  }
0x75: {  	_ =	shalt  }
0x76: {  	_ =	shalt  }
0x77: {  	_ =	shalt  }
0x78: {  	_ =	shalt  }
0x79: {  	_ =	shalt  }
0x7a: {  	_ =	shalt  }
0x7b: {  	_ =	shalt  }
0x7c: {  	_ =	shalt  }
0x7d: {  	_ =	shalt  }
0x7e: {  	_ =	shalt  }
0x7f: {  	_ =	shalt  }
0x80: {  	_ =	shalt  }
0x81: {  	_ =	shalt  }
0x82: {  	_ =	shalt  }
0x83: {  	_ =	shalt  }
0x84: {  	_ =	shalt  }
0x85: {  	_ =	shalt  }
0x86: {  	_ =	shalt  }
0x87: {  	_ =	shalt  }
.Lfunc_end0:
.L_simem_size_0:
called_computation_lowered:
.L_overlay_start_0:
0x88: {  	s2 =	sld [smem:$0x3FD9]  }
0x89: {  	s3 =	sld [smem:$0x3FFE];
	_ =	sdelay $0x1  }
0x8a: {  	s1 =	srdreg.scid  }
0x8b: {  	s0 =	sand.u32 $0x1, s1  }
0x8c: {  	s17 =	sshll.u32 s0, $0xA;
	s2 =	sadd.s32 s3, s2  }
0x8d: {  	s2 =	sadd.s32 s2, s17  }
0x8e: {  	[smem:$0x3FB9] =	sst s2  }
0x8f: {  	_ = 	snop  }
0x90: {  	s2 =	sld [smem:$0x3FD0];
	(tm) =	ssettm $0x1  }
0x91: {  	s18 =	sld [smem:$0x3FFB];
	_ =	sdelay $0x3  }
0x92: {  	_ =	strace s18  }
0x93: {  	s3 =	sld [smem:$0x3FFC];
	_ =	sdelay $0x3  }
0x94: {  	_ =	strace s3  }
0x95: {  	s3 =	sld [smem:$0x3FFD];
	_ =	sdelay $0x3  }
0x96: {  	_ =	strace s3  }
0x97: {  	_ =	strace $0x8FFFFFFF  }
0x98: {  	s19 =	sld [smem:$0x3FDB];
	_ =	sdelay $0x1  }
0x99: {  	s4 =	simm.s32 $_scs_section_size  }
0x9a: {  	s5 =	simm.s32 $_size__tile_overlayer_lowered;
	s6 =	simm.s32 $_tile_overlayer_lowered  }
0x9b: {  	s22 =	simm.s32 $0x1BFF;
	s21 =	sshll.u32 s6, $0x1;
	s3 =	sadd.s32 s4, s19  }
0x9c: {  	s7 =	simm.s32 $0x0;
	s20 =	sshll.u32 s5, $0x1;
	s5 =	sadd.s32 s21, s3  }
0x9d: {  	[timem:s7], [sflag:s22] =	dma.local [hbm:s5], s20  }
0x9e: {  	_ =	swait.ge [sflag:s22], s20  }
0x9f: {  	s4 =	ssub.s32 $0x0, s20;
	[sflag:s22] =	ssyncset.done $0x0  }
0xa0: {  	[sflag:s22] =	ssyncadd.s32 s4;
	_ =	sdelay $0x1  }
0xa1: {  	s23 =	simm.s32 $0x1B8B  }
0xa2: {  	_ =	swait.ge [sflag:s23], $0x1  }
0xa3: {  	[sflag:s23] =	ssyncset.done $0x0  }
0xa4: {  	s25 =	simm.s32 $0x1B8E;
	s24 =	sld [smem:$0x3FFE];
	[sflag:s23] =	ssyncadd.s32 $0xFFFFFFFF  }
0xa5: {  	s26 =	simm.s32 $execute0_lowered;
	[smem:$0x3FD2] =	sst s25  }
0xa6: {  	s5 =	sshll.u32 s26, $0x1;
	_ =	strace $0x80000046;
	[dreg:$0x1] =	wrdreg $0xFFFFFFFF  }
0xa7: {  	s28 =	simm.s32 $_size_execute0_lowered;
	s3 =	sadd.s32 s3, s5;
	[dreg:$0x0] =	wrdreg $0x0  }
0xa8: {  	s5 =	sshll.u32 s28, $0x1;
	[dreg:$0x2] =	wrdreg s3  }
0xa9: {  	[dreg:$0x3] =	wrdreg s5  }
0xaa: {  	[dreg:$0x4] =	wrdreg $0xC0  }
0xab: {  	_ =	task [dreg:s7], $0x5FFFF  }
0xac: {  	[dreg:$0x1] =	wrdreg $0xFFFFFFFF  }
0xad: {  	[dreg:$0x0] =	wrdreg $0x60  }
0xae: {  	[dreg:$0x2] =	wrdreg s24  }
0xaf: {  	[dreg:$0x3] =	wrdreg s2  }
0xb0: {  	[dreg:$0x4] =	wrdreg $0x9  }
0xb1: {  	_ =	task.clear_ibuf [dreg:s7], $0x5FFFF;
	_ =	strace $0x90000046  }
0xb2: {  	s29 =	simm.s32 $0x9;
	_ =	strace $0x80000048  }
0xb3: {  	_ =	swait.ge [sflag:s29], $0x1  }
0xb4: {  	[sflag:s29] =	ssyncadd.s32 $0xFFFFFFFF  }
0xb5: {  	_ =	strace $0x90000048  }
0xb6: {  	_ =	sfence  }
0xb7: {  	s30 =	sld [smem:$0x0];
	_ =	sdelay $0x2  }
0xb8: {  	s31 =	sshll.u32 s1, $0xD;
	s1 =	sshrl.u32 s1, $0x2  }
0xb9: {  	s3 =	sand.u32 $0x4000, s31;
	s1 =	sadd.s32 s1, s30  }
0xba: {  	s0 =	sor.u32 s3, s0;
	s1 =	sshll.u32 s1, $0x11  }
0xbb: {  	s0 =	sor.u32 s1, s0  }
0xbc: {  	s0 =	sadd.s32 $0x8F2B, s0  }
0xbd: {  	[sflag:s0] =	ssyncadd.remote.s32 $0x1  }
0xbe: {  	_ =	sfence.sel $0xFFFF  }
0xbf: {  	[dreg:$0x0] =	wrdreg $0xFFFFFFFF;
	(pc) =	sbr.abs _section_cstart, $3  }
0xc0: {  	[dreg:$0x1] =	wrdreg $0xFFFFFFFF  }
0xc1: {  	_ =	task.clear_ibuf [dreg:s7], $0x2FFFF;
	_ =	strace $0x9FFFFFFF  }
0xc2: {  	(tm) =	ssettm $0x7FFFFFFF  }
0xc3: {  	_ =	shalt  }
tec
execute0_lowered:
.L_overlay_start_1:
0x0: {  	(tag) =	ssettag $0x1  }
0x1: {  	s4 =	rddreg [dreg:$0x0]  }
0x2: {  	s5 =	rddreg [dreg:$0x1]  }
0x3: {  	s0 =	rddreg [dreg:$0x2];
	s2 =	simm.s32 $0x0  }
0x4: {  	s3 =	srdreg.scid;
	s1 =	stileid.u32;
	s11 =	simm.s32 $0x80  }
0x5: {  	s12 =	simm.s32 $0x100;
	s13 =	simm.s32 $0x3;
	s14 =	simm.s32 $0x2100  }
0x6: {  	s15 =	simm.s32 $0x1;
	s16 =	simm.s32 $0x2;
	s17 =	simm.s32 $0x5100  }
0x7: {  	s18 =	simm.s32 $0x0;
	s6 =	sand.u32 $0x1, s3;
	s7 =	sshll.u32 s1, $0x1  }
0x8: {  	[smem:$0x7FF] =	sst s2;
	s3 =	sadd.s32 $0x6600, s4;
	s7 =	sor.u32 s6, s7  }
0x9: {  	_ =	strace $0x80000047;
	s6 =	ssub.s32 $0x2, s6;
	s8 =	sshll.u32 s7, $0x8  }
0xa: {  	s7 =	sshll.u32 s7, $0x9;
	s9 =	sshrl.u32 s6, $0x1;
	s8 =	sadd.s32 s8, s4  }
0xb: {  	s10 =	sadd.s32 s7, s4;
	s9 =	ssub.s32 s6, s9;
	s4 =	sadd.s32 s5, s7  }
0xc: {  	s5 =	sadd.s32 $0x4600, s8;
	s6 =	sadd.s32 $0x4620, s8;
	s7 =	sadd.s32 $0xE600, s10  }
0xd: {  	s8 =	smax.u32 s9, $0x1;
	s9 =	simm.s32 $0x4100;
	s10 =	simm.s32 $0x4  }
.LBB2_1:
0xe: {  	[tilespmem:s9], [sflag:$0x3] =	stream.linear.gather [hbm4b:s4+s2], $0x1000, $0x38;
	[tilespmem:$0x6100] =	vst v63  }
0xf: {  	_ = 	snop  }
0x10: {  	[tilespmem:s2], [sflag:$0x4] =	stream.linear.gather [hbm4b:s5+s2], $0x80, $0x38;
	[tilespmem:$0x6100] =	vst v63  }
0x11: {  	_ =	swait.ge [sflag:s10], $0x80  }
0x12: {  	[sflag:s10] =	ssyncset.done $0x0  }
0x13: {  	[sflag:s10] =	ssyncadd.s32 $0xFFFFFF80  }
0x14: {  	[tilespmem:s12], [sflag:$0x1] =	stream.indirect.gather [hbm4b:s3+s11], $0x40, s2, s11, $0xb8;
	[tilespmem:$0x6100] =	vst v63  }
0x15: {  	_ =	swait.ge [sflag:s13], $0x1000  }
0x16: {  	[sflag:s13] =	ssyncset.done $0x0  }
0x17: {  	s19 =	simm.s32 $0x0;
	[sflag:s13] =	ssyncadd.s32 $0xFFFFF000  }
.LBB2_2:
0x18: {  	s20 =	sshll.u32 s19, $0x3  }
0x19: {  	s20 =	sor.u32 $0x4, s20  }
0x1a: {  	s21 =	sshll.u32 s20, $0x2  }
0x1b: {  	s22 =	sadd.s32 s21, s5;
	s21 =	simm.s32 $0x0  }
0x1c: {  	[tilespmem:s11], [sflag:$0x4] =	stream.linear.gather [hbm4b:s22+s21], $0x80, $0x38;
	[tilespmem:$0x6100] =	vst v63  }
0x1d: {  	_ =	swait.ge [sflag:s10], $0x80  }
0x1e: {  	[sflag:s10] =	ssyncset.done $0x0  }
0x1f: {  	[sflag:s10] =	ssyncadd.s32 $0xFFFFFF80  }
0x20: {  	[tilespmem:s14], [sflag:$0x2] =	stream.indirect.gather [hbm4b:s3+s11], $0x40, s11, s11, $0xb8;
	[tilespmem:$0x6100] =	vst v63  }
0x21: {  	_ =	swait.ge [sflag:s15], $0x2000  }
0x22: {  	s23 =	sshll.u32 s19, $0x9;
	[sflag:s15] =	ssyncset.done $0x0  }
0x23: {  	v0 =	vmov s23;
	s22 =	simm.s32 $0x140;
	[sflag:s15] =	ssyncadd.s32 $0xFFFFE000  }
.LBB2_3:
0x24: {  	s23 =	sshll.u32 s21, $0xD  }
0x25: {  	v7 =	vmov s22;
	s23 =	sshra.s32 s23, $0x2  }
0x26: {  	v5 =	vld [tilespmem:s23+$0x100]  }
0x27: {  	v4 =	vld [tilespmem:s23+$0x110]  }
0x28: {  	v3 =	vld [tilespmem:s23+$0x120]  }
0x29: {  	s24 =	simm.s32 $0x0;
	v1 =	vld [tilespmem:s23+$0x130]  }
0x2a: {  	v2 =	vld.idx.msk [tilespmem:v7+s24+$0x30 ss:$0x1], $0xffff  }
0x2b: {  	v9 =	vld.idx.msk [tilespmem:v7+s24+$0x0 ss:$0x1], $0xffff  }
0x2c: {  	v8 =	vld.idx.msk [tilespmem:v7+s24+$0x10 ss:$0x1], $0xffff  }
0x2d: {  	s23 =	simm.s32 $0x100;
	v6 =	vld.idx.msk [tilespmem:v7+s24+$0x20 ss:$0x1], $0xffff  }
.LBB2_4:
0x2e: {  	p0 =	sne.s32 s23, $0x1E00  }
.Ltmp0:
0x2f: {  	s24 =	sshra.s32 s23, $0x2;
	s23 =	sadd.s32 $0x100, s23;
	(pc) =	sbr.rel @p0 .LBB2_4-.Ltmp0, $4  }
0x30: {  	v1 =	vmax.f32 v1, v2;
	v2 =	vld.idx.msk [tilespmem:v7+s24+$0x30 ss:$0x1], $0xffff  }
0x31: {  	v5 =	vmax.f32 v5, v9;
	v9 =	vld.idx.msk [tilespmem:v7+s24+$0x0 ss:$0x1], $0xffff  }
0x32: {  	v4 =	vmax.f32 v4, v8;
	v8 =	vld.idx.msk [tilespmem:v7+s24+$0x10 ss:$0x1], $0xffff  }
0x33: {  	v3 =	vmax.f32 v3, v6;
	v6 =	vld.idx.msk [tilespmem:v7+s24+$0x20 ss:$0x1], $0xffff  }
0x34: {  	_ =	sdelay $0x2  }
0x35: {  	s23 =	sshll.u32 s21, $0x6  }
0x36: {  	v7 =	vld.idx.msk [tilespmem:v0+s23+$0x4100 ss:$0x1], $0xffff;
	_ =	sdelay $0x3  }
0x37: {  	v5 =	vmax.f32 v5, v9  }
0x38: {  	v5 =	vadd.f32 v7, v5;
	_ =	sdelay $0x1  }
0x39: {  	v5 =	vmax.f32 v5, $0.0e+00  }
0x3a: {  	[tilespmem:v0+s23+$0x5100 ss:$0x1] =	vst.idx.msk $0xffff, v5  }
0x3b: {  	v5 =	vld.idx.msk [tilespmem:v0+s23+$0x4110 ss:$0x1], $0xffff;
	_ =	sdelay $0x3  }
0x3c: {  	v4 =	vmax.f32 v4, v8  }
0x3d: {  	v4 =	vadd.f32 v5, v4;
	_ =	sdelay $0x1  }
0x3e: {  	v4 =	vmax.f32 v4, $0.0e+00  }
0x3f: {  	[tilespmem:v0+s23+$0x5110 ss:$0x1] =	vst.idx.msk $0xffff, v4  }
0x40: {  	v4 =	vld.idx.msk [tilespmem:v0+s23+$0x4120 ss:$0x1], $0xffff;
	_ =	sdelay $0x3  }
0x41: {  	v3 =	vmax.f32 v3, v6  }
0x42: {  	v3 =	vadd.f32 v4, v3;
	_ =	sdelay $0x1  }
0x43: {  	v3 =	vmax.f32 v3, $0.0e+00  }
0x44: {  	[tilespmem:v0+s23+$0x5120 ss:$0x1] =	vst.idx.msk $0xffff, v3  }
0x45: {  	v3 =	vld.idx.msk [tilespmem:v0+s23+$0x4130 ss:$0x1], $0xffff;
	_ =	sdelay $0x1  }
0x46: {  	s21 =	sadd.s32 $0x1, s21  }
0x47: {  	p0 =	sne.s32 s21, $0x4  }
.Ltmp1:
0x48: {  	v1 =	vmax.f32 v1, v2;
	(pc) =	sbr.rel @p0 .LBB2_3-.Ltmp1, $3  }
0x49: {  	v1 =	vadd.f32 v3, v1;
	_ =	sdelay $0x1  }
0x4a: {  	v1 =	vmax.f32 v1, $0.0e+00  }
0x4b: {  	s22 =	sadd.s32 $0x800, s22;
	[tilespmem:v0+s23+$0x5130 ss:$0x1] =	vst.idx.msk $0xffff, v1  }
0x4c: {  	p0 =	seq.s32 s19, $0x7  }
0x4d: {  	s21 =	sshll.u32 @!p0 s19, $0x5  }
0x4e: {  	s22 =	simm.s32 @!p0 $0x0;
	s21 =	sadd.s32 @!p0 s21, s6  }
0x4f: {  	[tilespmem:s22], [sflag:$0x4] =	stream.linear.gather @!p0 [hbm4b:s21+s22], $0x80, $0x38;
	[tilespmem:$0x6100] =	vst v63  }
0x50: {  	s21 =	simm.s32 @!p0 $0x4  }
0x51: {  	_ =	swait.ge @!p0 [sflag:s21], $0x80  }
0x52: {  	[sflag:s21] =	ssyncset.done @!p0 $0x0  }
0x53: {  	s23 =	simm.s32 @!p0 $0x100;
	[sflag:s21] =	ssyncadd.s32 @!p0 $0xFFFFFF80;
	s21 =	simm.s32 @!p0 $0x80  }
0x54: {  	[tilespmem:s23], [sflag:$0x1] =	stream.indirect.gather @!p0 [hbm4b:s3+s21], $0x40, s22, s21, $0xb8;
	[tilespmem:$0x6100] =	vst v63  }
0x55: {  	_ =	swait.ge [sflag:s16], $0x2000  }
0x56: {  	[sflag:s16] =	ssyncset.done $0x0  }
0x57: {  	s21 =	simm.s32 $0x0;
	s22 =	simm.s32 $0x2140;
	[sflag:s16] =	ssyncadd.s32 $0xFFFFE000  }
.LBB2_7:
0x58: {  	s23 =	sshll.u32 s21, $0xD  }
0x59: {  	v5 =	vmov s22;
	s23 =	sshra.s32 s23, $0x2  }
0x5a: {  	v2 =	vld [tilespmem:s23+$0x2100]  }
0x5b: {  	v3 =	vld [tilespmem:s23+$0x2110]  }
0x5c: {  	v1 =	vld [tilespmem:s23+$0x2120]  }
0x5d: {  	s24 =	simm.s32 $0x0;
	v0 =	vld [tilespmem:s23+$0x2130]  }
0x5e: {  	v4 =	vld.idx.msk [tilespmem:v5+s24+$0x30 ss:$0x1], $0xffff  }
0x5f: {  	v6 =	vld.idx.msk [tilespmem:v5+s24+$0x0 ss:$0x1], $0xffff  }
0x60: {  	v7 =	vld.idx.msk [tilespmem:v5+s24+$0x10 ss:$0x1], $0xffff  }
0x61: {  	s23 =	simm.s32 $0x100;
	v8 =	vld.idx.msk [tilespmem:v5+s24+$0x20 ss:$0x1], $0xffff  }
.LBB2_8:
0x62: {  	p0 =	sne.s32 s23, $0x1E00  }
.Ltmp2:
0x63: {  	s24 =	sshra.s32 s23, $0x2;
	s23 =	sadd.s32 $0x100, s23;
	(pc) =	sbr.rel @p0 .LBB2_8-.Ltmp2, $4  }
0x64: {  	v0 =	vmax.f32 v0, v4;
	v4 =	vld.idx.msk [tilespmem:v5+s24+$0x30 ss:$0x1], $0xffff  }
0x65: {  	v2 =	vmax.f32 v2, v6;
	v6 =	vld.idx.msk [tilespmem:v5+s24+$0x0 ss:$0x1], $0xffff  }
0x66: {  	v3 =	vmax.f32 v3, v7;
	v7 =	vld.idx.msk [tilespmem:v5+s24+$0x10 ss:$0x1], $0xffff  }
0x67: {  	v1 =	vmax.f32 v1, v8;
	v8 =	vld.idx.msk [tilespmem:v5+s24+$0x20 ss:$0x1], $0xffff  }
0x68: {  	s23 =	sor.u32 s20, s21  }
0x69: {  	s23 =	sshll.u32 s23, $0x6  }
0x6a: {  	v5 =	vld [tilespmem:s23+$0x4100]  }
0x6b: {  	v9 =	vld [tilespmem:s23+$0x4110]  }
0x6c: {  	v10 =	vld [tilespmem:s23+$0x4120]  }
0x6d: {  	v11 =	vld [tilespmem:s23+$0x4130]  }
0x6e: {  	v2 =	vmax.f32 v2, v6  }
0x6f: {  	s21 =	sadd.s32 $0x1, s21;
	v3 =	vmax.f32 v3, v7;
	v2 =	vadd.f32 v5, v2  }
0x70: {  	p0 =	sne.s32 s21, $0x4;
	v1 =	vmax.f32 v1, v8;
	v3 =	vadd.f32 v9, v3  }
.Ltmp3:
0x71: {  	v0 =	vmax.f32 v0, v4;
	v1 =	vadd.f32 v10, v1;
	v2 =	vmax.f32 v2, $0.0e+00;
	(pc) =	sbr.rel @p0 .LBB2_7-.Ltmp3, $4  }
0x72: {  	v0 =	vadd.f32 v11, v0;
	v63 =	vmax.f32 v3, $0.0e+00;
	[tilespmem:s23+$0x5100] =	vst v2  }
0x73: {  	v1 =	vmax.f32 v1, $0.0e+00;
	[tilespmem:s23+$0x5110] =	vst v63  }
0x74: {  	v0 =	vmax.f32 v0, $0.0e+00;
	[tilespmem:s23+$0x5120] =	vst v1  }
0x75: {  	s22 =	sadd.s32 $0x800, s22;
	[tilespmem:s23+$0x5130] =	vst v0  }
0x76: {  	s19 =	sadd.s32 $0x1, s19  }
0x77: {  	p0 =	sne.s32 s19, $0x8  }
.Ltmp4:
0x78: {  	_ = 	snop;
	(pc) =	sbr.rel @p0 .LBB2_2-.Ltmp4, $1  }
0x79: {  	_ =	sdelay $0x3  }
0x7a: {  	s18 =	sadd.s32 $0x1, s18  }
0x7b: {  	p0 =	sne.s32 s18, s8  }
.Ltmp5:
0x7c: {  	_ = 	snop;
	(pc) =	sbr.rel @p0 .LBB2_1-.Ltmp5, $4  }
0x7d: {  	[hbm4b:s7+s2] =	stream.linear.scatter [tilespmem:s17], [sflag:$0x4], $0x1000, $0x38;
	[tilespmem:$0x6100] =	vst v63  }
0x7e: {  	_ =	swait.ge [sflag:s10], $0x1000  }
0x7f: {  	[sflag:s10] =	ssyncset.done $0x0  }
0x80: {  	[sflag:s10] =	ssyncadd.s32 $0xFFFFF000  }
0x81: {  	_ =	sfence.sel $0x180000  }
0x82: {  	[bflag:$0x0] =	sbarrier.arrive $0xFFFF  }
0x83: {  	p0 =	sne.s32 s1, $0x0;
	_ =	strace $0x90000047  }
0x84: {  	s0 =	sadd.s32 @!p0 $0x100000, s0;
	[bflag:$0x2] =	sbarrier.arrive $0xFFFF  }
0x85: {  	[sflag:s0] =	ssyncadd.tile.s32 @!p0 $0x1;
	_ =	shalt  }
.Lfunc_end2:
_tile_overlayer_lowered:
.L_overlay_start_2:
0x86: {  	(tag) =	ssettag $0x2  }
0x87: {  	s0 =	rddreg [dreg:$0x0];
	s2 =	stileid.u32  }
0x88: {  	s1 =	rddreg [dreg:$0x1];
	p0 =	sne.s32 s2, $0x0  }
0x89: {  	s3 =	rddreg [dreg:$0x2];
	[bflag:$0x3] =	sbarrier.arrive $0xFFFF;
	s2 =	simm.s32 @!p0 $0x1C04  }
0x8a: {  	[timem:s3], [sflag:s2] =	dma.local @!p0 [hbm:s0], s1  }
0x8b: {  	s0 =	simm.s32 @!p0 $0x4  }
0x8c: {  	_ =	swait.ge @!p0 [sflag:s0], s1  }
0x8d: {  	s1 =	ssub.s32 @!p0 $0x0, s1;
	[sflag:s0] =	ssyncset.done @!p0 $0x0  }
0x8e: {  	[sflag:s0] =	ssyncadd.s32 @!p0 s1  }
0x8f: {  	[bflag:$0x3] =	sbarrier.arrive $0xFFFF  }
0x90: {  	_ =	shalt  }

// kernel: kernel.21.cloned.1.call-start
scs
__scs_entry_jumppad:
0x0: {  	(pc) =	sbr.rel $0x88, $3  }
0x1: {  	(tag) =	ssettag $0x0;
	lr =	simm.s32 $0x1  }
0x2: {  	[smem:$0x3F92] =	sst lr;
	_ =	strace $0xD0000000  }
0x3: {  	_ = 	snop  }
0x4: {  	_ = 	snop  }
0x5: {  	_ = 	snop  }
0x6: {  	_ = 	snop  }
0x7: {  	_ = 	snop  }
__scs_overlays_trampoline_lowered:
0x8: {  	[smem:$0x3FA1] =	sst s0  }
0x9: {  	[smem:$0x3FA2] =	sst s1  }
0xa: {  	[smem:$0x3FA3] =	sst s2  }
0xb: {  	[smem:$0x3FA4] =	sst s3  }
0xc: {  	[smem:$0x3FA5] =	sst s4  }
0xd: {  	[smem:$0x3FA6] =	sst s5  }
0xe: {  	[smem:$0x3FA7] =	sst s6  }
0xf: {  	[smem:$0x3FA8] =	sst s7  }
0x10: {  	[smem:$0x3FA9] =	sst s8  }
0x11: {  	[smem:$0x3FAA] =	sst s9;
	s0 =	simm.s32 @!p0 $0x0  }
0x12: {  	s1 =	sld [smem:$0x3F90];
	s0 =	simm.s32 @p0 $0x1  }
0x13: {  	[smem:$0x3FAB] =	sst s0;
	s0 =	simm.s32 @!p1 $0x0  }
0x14: {  	s2 =	sld [smem:$0x3F8F];
	s0 =	simm.s32 @p1 $0x1  }
0x15: {  	[smem:$0x3FAC] =	sst s0;
	s0 =	simm.s32 @!p2 $0x0  }
0x16: {  	s3 =	sld [smem:$0x3FDB];
	s0 =	simm.s32 @p2 $0x1  }
0x17: {  	s4 =	simm.s32 $0x1BF5;
	[smem:$0x3FAE] =	sst s0  }
0x18: {  	s0 =	sld [smem:$0x3F91];
	_ =	swait.ge [sflag:s4], $0x0  }
0x19: {  	s7 =	sld [smem:$0x3F92]  }
0x1a: {  	s8 =	sadd.s32 $0xFFFFE003, lr  }
0x1b: {  	s9 =	sadd.s32 $0xFFFFFEF7, lr;
	s5 =	simm.s32 $0xFFFFFFFF;
	p2 =	slt.u32 s8, $0xFFFFF086  }
0x1c: {  	p1 =	slt.u32 s9, $0xF7A;
	s5 =	simm.s32 @!p2 $0x0  }
0x1d: {  	s5 =	simm.s32 @p1 $0x1;
	p0 =	seq.s32 s7, s2  }
0x1e: {  	s7 =	smul.u32 @!p0 $0xF7A, s2;
	p2 =	seq.s32 @!p0 s5, $0x0  }
0x1f: {  	s9 =	smul.u32 $0xF7A, s1;
	s8 =	simm.s32 @!p0 $0x1BF5;
	p2 =	por !p2, p0  }
0x20: {  	[sflag:s8] =	ssyncset.s32 @!p0 $0xFFFFF086;
	s6 =	sadd.s32 @!p0 s3, s7;
	s7 =	simm.s32 @!p0 $0x108  }
0x21: {  	s3 =	sadd.s32 s3, s9;
	s6 =	sadd.s32 @!p0 $0x88, s6;
	s7 =	simm.s32 @p2 $0x1082  }
0x22: {  	[simem:s7], [sflag:s8] =	dma.local @!p0 [hbm:s6], $0xF7A  }
0x23: {  	s9 =	sor.u32 $0xD0000000, s2;
	s6 =	simm.s32 $0x108;
	_ =	swait.ge @!p0 [sflag:s8], $0x0  }
0x24: {  	s3 =	sadd.s32 $0x88, s3;
	s6 =	simm.s32 @!p1 $0x1082;
	[sflag:s4] =	ssyncset.s32 $0xFFFFF086  }
0x25: {  	[simem:s6], [sflag:s4] =	dma.local [hbm:s3], $0xF7A  }
0x26: {  	[smem:$0x3F92] =	sst s1;
	(tag) =	ssettag s2;
	_ =	strace s9  }
0x27: {  	s1 =	sld [smem:$0x3FA2]  }
0x28: {  	s2 =	sld [smem:$0x3FA3]  }
0x29: {  	s4 =	sld [smem:$0x3FA5]  }
0x2a: {  	p0 =	seq.s32 s5, $0x0;
	s5 =	sld [smem:$0x3FA6]  }
0x2b: {  	s6 =	sld [smem:$0x3FA7]  }
0x2c: {  	s7 =	sld [smem:$0x3FA8]  }
0x2d: {  	s3 =	simm.s32 $0x108;
	s8 =	sld [smem:$0x3FA9]  }
0x2e: {  	s3 =	simm.s32 @!p0 $0x1082;
	s9 =	sld [smem:$0x3FAA]  }
0x2f: {  	lr =	sadd.s32 s0, s3;
	s0 =	sld [smem:$0x3FA1]  }
0x30: {  	s3 =	sld [smem:$0x3FA4]  }
0x31: {  	[smem:$0x3FAD] =	sst s10  }
0x32: {  	s10 =	sld [smem:$0x3FAB];
	_ =	sdelay $0x3  }
0x33: {  	p0 =	seq.s32 s10, $0x1;
	s10 =	sld [smem:$0x3FAD];
	_ =	sdelay $0x3  }
0x34: {  	[smem:$0x3FAD] =	sst s10  }
0x35: {  	s10 =	sld [smem:$0x3FAC];
	_ =	sdelay $0x3  }
0x36: {  	p1 =	seq.s32 s10, $0x1;
	s10 =	sld [smem:$0x3FAD];
	_ =	sdelay $0x3  }
0x37: {  	[smem:$0x3FAD] =	sst s10  }
0x38: {  	s10 =	sld [smem:$0x3FAE]  }
0x39: {  	_ = 	snop;
	(pc) =	sbr.ind lr, $3  }
0x3a: {  	_ = 	snop  }
0x3b: {  	_ = 	snop  }
0x3c: {  	p2 =	seq.s32 s10, $0x1;
	s10 =	sld [smem:$0x3FAD]  }
0x3d: {  	_ =	shalt  }
0x3e: {  	_ =	shalt  }
0x3f: {  	_ =	shalt  }
0x40: {  	_ =	shalt  }
0x41: {  	_ =	shalt  }
0x42: {  	_ =	shalt  }
0x43: {  	_ =	shalt  }
0x44: {  	_ =	shalt  }
0x45: {  	_ =	shalt  }
0x46: {  	_ =	shalt  }
0x47: {  	_ =	shalt  }
0x48: {  	_ =	shalt  }
0x49: {  	_ =	shalt  }
0x4a: {  	_ =	shalt  }
0x4b: {  	_ =	shalt  }
0x4c: {  	_ =	shalt  }
0x4d: {  	_ =	shalt  }
0x4e: {  	_ =	shalt  }
0x4f: {  	_ =	shalt  }
0x50: {  	_ =	shalt  }
0x51: {  	_ =	shalt  }
0x52: {  	_ =	shalt  }
0x53: {  	_ =	shalt  }
0x54: {  	_ =	shalt  }
0x55: {  	_ =	shalt  }
0x56: {  	_ =	shalt  }
0x57: {  	_ =	shalt  }
0x58: {  	_ =	shalt  }
0x59: {  	_ =	shalt  }
0x5a: {  	_ =	shalt  }
0x5b: {  	_ =	shalt  }
0x5c: {  	_ =	shalt  }
0x5d: {  	_ =	shalt  }
0x5e: {  	_ =	shalt  }
0x5f: {  	_ =	shalt  }
0x60: {  	_ =	shalt  }
0x61: {  	_ =	shalt  }
0x62: {  	_ =	shalt  }
0x63: {  	_ =	shalt  }
0x64: {  	_ =	shalt  }
0x65: {  	_ =	shalt  }
0x66: {  	_ =	shalt  }
0x67: {  	_ =	shalt  }
0x68: {  	_ =	shalt  }
0x69: {  	_ =	shalt  }
0x6a: {  	_ =	shalt  }
0x6b: {  	_ =	shalt  }
0x6c: {  	_ =	shalt  }
0x6d: {  	_ =	shalt  }
0x6e: {  	_ =	shalt  }
0x6f: {  	_ =	shalt  }
0x70: {  	_ =	shalt  }
0x71: {  	_ =	shalt  }
0x72: {  	_ =	shalt  }
0x73: {  	_ =	shalt  }
0x74: {  	_ =	shalt  }
0x75: {  	_ =	shalt  }
0x76: {  	_ =	shalt  }
0x77: {  	_ =	shalt  }
0x78: {  	_ =	shalt  }
0x79: {  	_ =	shalt  }
0x7a: {  	_ =	shalt  }
0x7b: {  	_ =	shalt  }
0x7c: {  	_ =	shalt  }
0x7d: {  	_ =	shalt  }
0x7e: {  	_ =	shalt  }
0x7f: {  	_ =	shalt  }
0x80: {  	_ =	shalt  }
0x81: {  	_ =	shalt  }
0x82: {  	_ =	shalt  }
0x83: {  	_ =	shalt  }
0x84: {  	_ =	shalt  }
0x85: {  	_ =	shalt  }
0x86: {  	_ =	shalt  }
0x87: {  	_ =	shalt  }
.Lfunc_end0:
.L_simem_size_0:
called_computation.1_lowered:
.L_overlay_start_0:
0x88: {  	s2 =	sld [smem:$0x3FD9]  }
0x89: {  	s3 =	sld [smem:$0x3FFE];
	_ =	sdelay $0x1  }
0x8a: {  	s1 =	srdreg.scid  }
0x8b: {  	s0 =	sand.u32 $0x1, s1  }
0x8c: {  	s17 =	sshll.u32 s0, $0xA;
	s2 =	sadd.s32 s3, s2  }
0x8d: {  	s2 =	sadd.s32 s2, s17  }
0x8e: {  	[smem:$0x3FB9] =	sst s2  }
0x8f: {  	_ = 	snop  }
0x90: {  	(tm) =	ssettm $0x1  }
0x91: {  	s18 =	sld [smem:$0x3FFB];
	_ =	sdelay $0x3  }
0x92: {  	_ =	strace s18  }
0x93: {  	s2 =	sld [smem:$0x3FFC];
	_ =	sdelay $0x3  }
0x94: {  	_ =	strace s2  }
0x95: {  	s2 =	sld [smem:$0x3FFD];
	_ =	sdelay $0x3  }
0x96: {  	_ =	strace s2  }
0x97: {  	_ =	strace $0x8FFFFFFF  }
0x98: {  	s19 =	sld [smem:$0x3FDB];
	_ =	sdelay $0x1  }
0x99: {  	s20 =	simm.s32 $_scs_section_size  }
0x9a: {  	s4 =	simm.s32 $_size__tile_overlayer_lowered;
	s5 =	simm.s32 $_tile_overlayer_lowered  }
0x9b: {  	s6 =	simm.s32 $0x1BFF;
	s21 =	sshll.u32 s5, $0x1;
	s3 =	sadd.s32 s20, s19  }
0x9c: {  	s22 =	simm.s32 $0x0;
	s4 =	sshll.u32 s4, $0x1;
	s5 =	sadd.s32 s21, s3  }
0x9d: {  	[timem:s22], [sflag:s6] =	dma.local [hbm:s5], s4  }
0x9e: {  	_ =	swait.ge [sflag:s6], s4  }
0x9f: {  	s4 =	ssub.s32 $0x0, s4;
	[sflag:s6] =	ssyncset.done $0x0  }
0xa0: {  	[sflag:s6] =	ssyncadd.s32 s4;
	_ =	sdelay $0x1  }
0xa1: {  	s23 =	simm.s32 $0x1B8B  }
0xa2: {  	_ =	swait.ge [sflag:s23], $0x1  }
0xa3: {  	[sflag:s23] =	ssyncset.done $0x0  }
0xa4: {  	[sflag:s23] =	ssyncadd.s32 $0xFFFFFFFF  }
0xa5: {  	s4 =	sld [smem:$0x0]  }
0xa6: {  	s5 =	sand.u32 $0xFFFFFFFE, s1  }
0xa7: {  	p0 =	sne.s32 s1, s5  }
0xa8: {  	s5 =	sshll.u32 @p0 s5, $0xE  }
0xa9: {  	s5 =	sadd.s32 @p0 $0x11B8D, s5;
	s6 =	sshll.u32 @p0 s4, $0x11  }
0xaa: {  	s5 =	sor.u32 @p0 s6, s5  }
0xab: {  	[sflag:s5] =	ssyncadd.remote.s32 @p0 $0x1;
	_ =	sdelay $0x1  }
0xac: {  	s5 =	simm.s32 @p0 $0x1B8D  }
0xad: {  	_ =	swait.eq @p0 [sflag:s5], $0x1  }
0xae: {  	[sflag:s5] =	ssyncadd.s32 @p0 $0xFFFFFFFF  }
0xaf: {  	s6 =	sshll.u32 @!p0 s1, $0xE  }
0xb0: {  	s6 =	sor.u32 @!p0 $0x4000, s6;
	s5 =	simm.s32 @!p0 $0x1B8D  }
0xb1: {  	s4 =	sshll.u32 @!p0 s4, $0x11;
	s6 =	sadd.s32 @!p0 $0x11B8D, s6;
	_ =	swait.eq @!p0 [sflag:s5], $0x1  }
0xb2: {  	s4 =	sor.u32 @!p0 s4, s6;
	[sflag:s5] =	ssyncadd.s32 @!p0 $0xFFFFFFFF  }
0xb3: {  	s25 =	simm.s32 $0x1B8E;
	s24 =	sld [smem:$0x3FFE];
	[sflag:s4] =	ssyncadd.remote.s32 @!p0 $0x1  }
0xb4: {  	s26 =	simm.s32 $execute0_lowered;
	[smem:$0x3FD2] =	sst s25  }
0xb5: {  	s5 =	sshll.u32 s26, $0x1;
	_ =	strace $0x80000049;
	[dreg:$0x1] =	wrdreg $0xFFFFFFFF  }
0xb6: {  	s28 =	simm.s32 $_size_execute0_lowered;
	s3 =	sadd.s32 s3, s5;
	[dreg:$0x0] =	wrdreg $0x0  }
0xb7: {  	s5 =	sshll.u32 s28, $0x1;
	[dreg:$0x2] =	wrdreg s3  }
0xb8: {  	[dreg:$0x3] =	wrdreg s5  }
0xb9: {  	[dreg:$0x4] =	wrdreg $0xC0  }
0xba: {  	_ =	task [dreg:s22], $0x5FFFF  }
0xbb: {  	[dreg:$0x1] =	wrdreg $0xFFFFFFFF  }
0xbc: {  	[dreg:$0x0] =	wrdreg $0x60  }
0xbd: {  	[dreg:$0x2] =	wrdreg s24  }
0xbe: {  	[dreg:$0x3] =	wrdreg $0xA  }
0xbf: {  	_ =	task.clear_ibuf [dreg:s22], $0x4FFFF;
	_ =	strace $0x90000049  }
0xc0: {  	s29 =	simm.s32 $0xA;
	_ =	strace $0x8000004B  }
0xc1: {  	_ =	swait.ge [sflag:s29], $0x1  }
0xc2: {  	[sflag:s29] =	ssyncadd.s32 $0xFFFFFFFF  }
0xc3: {  	_ =	strace $0x9000004B  }
0xc4: {  	_ =	sfence  }
0xc5: {  	s30 =	sld [smem:$0x0];
	_ =	sdelay $0x2  }
0xc6: {  	s31 =	sshll.u32 s1, $0xD;
	s1 =	sshrl.u32 s1, $0x2  }
0xc7: {  	s4 =	sand.u32 $0x4000, s31;
	s1 =	sadd.s32 s1, s30  }
0xc8: {  	s0 =	sor.u32 s4, s0;
	s1 =	sshll.u32 s1, $0x11  }
0xc9: {  	s0 =	sor.u32 s1, s0  }
0xca: {  	s0 =	sadd.s32 $0x8F2B, s0  }
0xcb: {  	[sflag:s0] =	ssyncadd.remote.s32 $0x1  }
0xcc: {  	_ =	sfence.sel $0xFFFF  }
0xcd: {  	[dreg:$0x0] =	wrdreg $0xFFFFFFFF;
	(pc) =	sbr.abs _section_cstart, $3  }
0xce: {  	[dreg:$0x1] =	wrdreg $0xFFFFFFFF  }
0xcf: {  	_ =	task.clear_ibuf [dreg:s22], $0x2FFFF;
	_ =	strace $0x9FFFFFFF  }
0xd0: {  	(tm) =	ssettm $0x7FFFFFFF  }
0xd1: {  	_ =	shalt  }
tec
execute0_lowered:
.L_overlay_start_1:
0x0: {  	(tag) =	ssettag $0x1  }
0x1: {  	s4 =	rddreg [dreg:$0x0]  }
0x2: {  	s0 =	rddreg [dreg:$0x1];
	s2 =	simm.s32 $0x0  }
0x3: {  	s3 =	srdreg.scid;
	s1 =	stileid.u32;
	s10 =	simm.s32 $0x4  }
0x4: {  	s11 =	simm.s32 $0x80;
	s12 =	simm.s32 $0x100;
	s13 =	simm.s32 $0x3  }
0x5: {  	s14 =	simm.s32 $0x2100;
	s15 =	simm.s32 $0x1;
	s16 =	simm.s32 $0x2  }
0x6: {  	s17 =	simm.s32 $0x5100;
	s18 =	simm.s32 $0x0;
	[smem:$0x7FF] =	sst s2  }
0x7: {  	s5 =	sand.u32 $0x1, s3;
	s6 =	sshll.u32 s1, $0x1;
	s3 =	sadd.s32 $0x6600, s4  }
0x8: {  	_ =	strace $0x8000004A;
	s6 =	sor.u32 s5, s6;
	s5 =	ssub.s32 $0x2, s5  }
0x9: {  	s7 =	sshll.u32 s6, $0x8;
	s6 =	sshll.u32 s6, $0x9;
	s8 =	sshrl.u32 s5, $0x1  }
0xa: {  	s7 =	sadd.s32 s7, s4;
	s9 =	sadd.s32 s6, s4;
	s8 =	ssub.s32 s5, s8  }
0xb: {  	s4 =	sadd.s32 $0x14600, s9;
	s5 =	sadd.s32 $0x12600, s7;
	s6 =	sadd.s32 $0x12620, s7  }
0xc: {  	s7 =	sadd.s32 $0x18600, s9;
	s8 =	smax.u32 s8, $0x1;
	s9 =	simm.s32 $0x4100  }
.LBB2_1:
0xd: {  	[tilespmem:s9], [sflag:$0x3] =	stream.linear.gather [hbm4b:s4+s2], $0x1000, $0x38;
	[tilespmem:$0x6100] =	vst v63  }
0xe: {  	_ = 	snop  }
0xf: {  	[tilespmem:s2], [sflag:$0x4] =	stream.linear.gather [hbm4b:s5+s2], $0x80, $0x38;
	[tilespmem:$0x6100] =	vst v63  }
0x10: {  	_ =	swait.ge [sflag:s10], $0x80  }
0x11: {  	[sflag:s10] =	ssyncset.done $0x0  }
0x12: {  	[sflag:s10] =	ssyncadd.s32 $0xFFFFFF80  }
0x13: {  	[tilespmem:s12], [sflag:$0x1] =	stream.indirect.gather [hbm4b:s3+s11], $0x40, s2, s11, $0xb8;
	[tilespmem:$0x6100] =	vst v63  }
0x14: {  	_ =	swait.ge [sflag:s13], $0x1000  }
0x15: {  	[sflag:s13] =	ssyncset.done $0x0  }
0x16: {  	s19 =	simm.s32 $0x0;
	[sflag:s13] =	ssyncadd.s32 $0xFFFFF000  }
.LBB2_2:
0x17: {  	s20 =	sshll.u32 s19, $0x3  }
0x18: {  	s20 =	sor.u32 $0x4, s20  }
0x19: {  	s21 =	sshll.u32 s20, $0x2  }
0x1a: {  	s22 =	sadd.s32 s21, s5;
	s21 =	simm.s32 $0x0  }
0x1b: {  	[tilespmem:s11], [sflag:$0x4] =	stream.linear.gather [hbm4b:s22+s21], $0x80, $0x38;
	[tilespmem:$0x6100] =	vst v63  }
0x1c: {  	_ =	swait.ge [sflag:s10], $0x80  }
0x1d: {  	[sflag:s10] =	ssyncset.done $0x0  }
0x1e: {  	[sflag:s10] =	ssyncadd.s32 $0xFFFFFF80  }
0x1f: {  	[tilespmem:s14], [sflag:$0x2] =	stream.indirect.gather [hbm4b:s3+s11], $0x40, s11, s11, $0xb8;
	[tilespmem:$0x6100] =	vst v63  }
0x20: {  	_ =	swait.ge [sflag:s15], $0x2000  }
0x21: {  	s23 =	sshll.u32 s19, $0x9;
	[sflag:s15] =	ssyncset.done $0x0  }
0x22: {  	v0 =	vmov s23;
	s22 =	simm.s32 $0x140;
	[sflag:s15] =	ssyncadd.s32 $0xFFFFE000  }
.LBB2_3:
0x23: {  	s23 =	sshll.u32 s21, $0xD  }
0x24: {  	v7 =	vmov s22;
	s23 =	sshra.s32 s23, $0x2  }
0x25: {  	v5 =	vld [tilespmem:s23+$0x100]  }
0x26: {  	v4 =	vld [tilespmem:s23+$0x110]  }
0x27: {  	v3 =	vld [tilespmem:s23+$0x120]  }
0x28: {  	s24 =	simm.s32 $0x0;
	v1 =	vld [tilespmem:s23+$0x130]  }
0x29: {  	v2 =	vld.idx.msk [tilespmem:v7+s24+$0x30 ss:$0x1], $0xffff  }
0x2a: {  	v9 =	vld.idx.msk [tilespmem:v7+s24+$0x0 ss:$0x1], $0xffff  }
0x2b: {  	v8 =	vld.idx.msk [tilespmem:v7+s24+$0x10 ss:$0x1], $0xffff  }
0x2c: {  	s23 =	simm.s32 $0x100;
	v6 =	vld.idx.msk [tilespmem:v7+s24+$0x20 ss:$0x1], $0xffff  }
.LBB2_4:
0x2d: {  	p0 =	sne.s32 s23, $0x1E00  }
.Ltmp0:
0x2e: {  	s24 =	sshra.s32 s23, $0x2;
	s23 =	sadd.s32 $0x100, s23;
	(pc) =	sbr.rel @p0 .LBB2_4-.Ltmp0, $4  }
0x2f: {  	v1 =	vmax.f32 v1, v2;
	v2 =	vld.idx.msk [tilespmem:v7+s24+$0x30 ss:$0x1], $0xffff  }
0x30: {  	v5 =	vmax.f32 v5, v9;
	v9 =	vld.idx.msk [tilespmem:v7+s24+$0x0 ss:$0x1], $0xffff  }
0x31: {  	v4 =	vmax.f32 v4, v8;
	v8 =	vld.idx.msk [tilespmem:v7+s24+$0x10 ss:$0x1], $0xffff  }
0x32: {  	v3 =	vmax.f32 v3, v6;
	v6 =	vld.idx.msk [tilespmem:v7+s24+$0x20 ss:$0x1], $0xffff  }
0x33: {  	_ =	sdelay $0x2  }
0x34: {  	s23 =	sshll.u32 s21, $0x6  }
0x35: {  	v7 =	vld.idx.msk [tilespmem:v0+s23+$0x4100 ss:$0x1], $0xffff;
	_ =	sdelay $0x3  }
0x36: {  	v5 =	vmax.f32 v5, v9  }
0x37: {  	v5 =	vadd.f32 v7, v5;
	_ =	sdelay $0x1  }
0x38: {  	v5 =	vmax.f32 v5, $0.0e+00  }
0x39: {  	[tilespmem:v0+s23+$0x5100 ss:$0x1] =	vst.idx.msk $0xffff, v5  }
0x3a: {  	v5 =	vld.idx.msk [tilespmem:v0+s23+$0x4110 ss:$0x1], $0xffff;
	_ =	sdelay $0x3  }
0x3b: {  	v4 =	vmax.f32 v4, v8  }
0x3c: {  	v4 =	vadd.f32 v5, v4;
	_ =	sdelay $0x1  }
0x3d: {  	v4 =	vmax.f32 v4, $0.0e+00  }
0x3e: {  	[tilespmem:v0+s23+$0x5110 ss:$0x1] =	vst.idx.msk $0xffff, v4  }
0x3f: {  	v4 =	vld.idx.msk [tilespmem:v0+s23+$0x4120 ss:$0x1], $0xffff;
	_ =	sdelay $0x3  }
0x40: {  	v3 =	vmax.f32 v3, v6  }
0x41: {  	v3 =	vadd.f32 v4, v3;
	_ =	sdelay $0x1  }
0x42: {  	v3 =	vmax.f32 v3, $0.0e+00  }
0x43: {  	[tilespmem:v0+s23+$0x5120 ss:$0x1] =	vst.idx.msk $0xffff, v3  }
0x44: {  	v3 =	vld.idx.msk [tilespmem:v0+s23+$0x4130 ss:$0x1], $0xffff;
	_ =	sdelay $0x1  }
0x45: {  	s21 =	sadd.s32 $0x1, s21  }
0x46: {  	p0 =	sne.s32 s21, $0x4  }
.Ltmp1:
0x47: {  	v1 =	vmax.f32 v1, v2;
	(pc) =	sbr.rel @p0 .LBB2_3-.Ltmp1, $3  }
0x48: {  	v1 =	vadd.f32 v3, v1;
	_ =	sdelay $0x1  }
0x49: {  	v1 =	vmax.f32 v1, $0.0e+00  }
0x4a: {  	s22 =	sadd.s32 $0x800, s22;
	[tilespmem:v0+s23+$0x5130 ss:$0x1] =	vst.idx.msk $0xffff, v1  }
0x4b: {  	p0 =	seq.s32 s19, $0x7  }
0x4c: {  	s21 =	sshll.u32 @!p0 s19, $0x5  }
0x4d: {  	s22 =	simm.s32 @!p0 $0x0;
	s21 =	sadd.s32 @!p0 s21, s6  }
0x4e: {  	[tilespmem:s22], [sflag:$0x4] =	stream.linear.gather @!p0 [hbm4b:s21+s22], $0x80, $0x38;
	[tilespmem:$0x6100] =	vst v63  }
0x4f: {  	s21 =	simm.s32 @!p0 $0x4  }
0x50: {  	_ =	swait.ge @!p0 [sflag:s21], $0x80  }
0x51: {  	[sflag:s21] =	ssyncset.done @!p0 $0x0  }
0x52: {  	s23 =	simm.s32 @!p0 $0x100;
	[sflag:s21] =	ssyncadd.s32 @!p0 $0xFFFFFF80;
	s21 =	simm.s32 @!p0 $0x80  }
0x53: {  	[tilespmem:s23], [sflag:$0x1] =	stream.indirect.gather @!p0 [hbm4b:s3+s21], $0x40, s22, s21, $0xb8;
	[tilespmem:$0x6100] =	vst v63  }
0x54: {  	_ =	swait.ge [sflag:s16], $0x2000  }
0x55: {  	[sflag:s16] =	ssyncset.done $0x0  }
0x56: {  	s21 =	simm.s32 $0x0;
	s22 =	simm.s32 $0x2140;
	[sflag:s16] =	ssyncadd.s32 $0xFFFFE000  }
.LBB2_7:
0x57: {  	s23 =	sshll.u32 s21, $0xD  }
0x58: {  	v5 =	vmov s22;
	s23 =	sshra.s32 s23, $0x2  }
0x59: {  	v2 =	vld [tilespmem:s23+$0x2100]  }
0x5a: {  	v3 =	vld [tilespmem:s23+$0x2110]  }
0x5b: {  	v1 =	vld [tilespmem:s23+$0x2120]  }
0x5c: {  	s24 =	simm.s32 $0x0;
	v0 =	vld [tilespmem:s23+$0x2130]  }
0x5d: {  	v4 =	vld.idx.msk [tilespmem:v5+s24+$0x30 ss:$0x1], $0xffff  }
0x5e: {  	v6 =	vld.idx.msk [tilespmem:v5+s24+$0x0 ss:$0x1], $0xffff  }
0x5f: {  	v7 =	vld.idx.msk [tilespmem:v5+s24+$0x10 ss:$0x1], $0xffff  }
0x60: {  	s23 =	simm.s32 $0x100;
	v8 =	vld.idx.msk [tilespmem:v5+s24+$0x20 ss:$0x1], $0xffff  }
.LBB2_8:
0x61: {  	p0 =	sne.s32 s23, $0x1E00  }
.Ltmp2:
0x62: {  	s24 =	sshra.s32 s23, $0x2;
	s23 =	sadd.s32 $0x100, s23;
	(pc) =	sbr.rel @p0 .LBB2_8-.Ltmp2, $4  }
0x63: {  	v0 =	vmax.f32 v0, v4;
	v4 =	vld.idx.msk [tilespmem:v5+s24+$0x30 ss:$0x1], $0xffff  }
0x64: {  	v2 =	vmax.f32 v2, v6;
	v6 =	vld.idx.msk [tilespmem:v5+s24+$0x0 ss:$0x1], $0xffff  }
0x65: {  	v3 =	vmax.f32 v3, v7;
	v7 =	vld.idx.msk [tilespmem:v5+s24+$0x10 ss:$0x1], $0xffff  }
0x66: {  	v1 =	vmax.f32 v1, v8;
	v8 =	vld.idx.msk [tilespmem:v5+s24+$0x20 ss:$0x1], $0xffff  }
0x67: {  	s23 =	sor.u32 s20, s21  }
0x68: {  	s23 =	sshll.u32 s23, $0x6  }
0x69: {  	v5 =	vld [tilespmem:s23+$0x4100]  }
0x6a: {  	v9 =	vld [tilespmem:s23+$0x4110]  }
0x6b: {  	v10 =	vld [tilespmem:s23+$0x4120]  }
0x6c: {  	v11 =	vld [tilespmem:s23+$0x4130]  }
0x6d: {  	v2 =	vmax.f32 v2, v6  }
0x6e: {  	s21 =	sadd.s32 $0x1, s21;
	v3 =	vmax.f32 v3, v7;
	v2 =	vadd.f32 v5, v2  }
0x6f: {  	p0 =	sne.s32 s21, $0x4;
	v1 =	vmax.f32 v1, v8;
	v3 =	vadd.f32 v9, v3  }
.Ltmp3:
0x70: {  	v0 =	vmax.f32 v0, v4;
	v1 =	vadd.f32 v10, v1;
	v2 =	vmax.f32 v2, $0.0e+00;
	(pc) =	sbr.rel @p0 .LBB2_7-.Ltmp3, $4  }
0x71: {  	v0 =	vadd.f32 v11, v0;
	v63 =	vmax.f32 v3, $0.0e+00;
	[tilespmem:s23+$0x5100] =	vst v2  }
0x72: {  	v1 =	vmax.f32 v1, $0.0e+00;
	[tilespmem:s23+$0x5110] =	vst v63  }
0x73: {  	v0 =	vmax.f32 v0, $0.0e+00;
	[tilespmem:s23+$0x5120] =	vst v1  }
0x74: {  	s22 =	sadd.s32 $0x800, s22;
	[tilespmem:s23+$0x5130] =	vst v0  }
0x75: {  	s19 =	sadd.s32 $0x1, s19  }
0x76: {  	p0 =	sne.s32 s19, $0x8  }
.Ltmp4:
0x77: {  	_ = 	snop;
	(pc) =	sbr.rel @p0 .LBB2_2-.Ltmp4, $1  }
0x78: {  	_ =	sdelay $0x3  }
0x79: {  	s18 =	sadd.s32 $0x1, s18  }
0x7a: {  	p0 =	sne.s32 s18, s8  }
.Ltmp5:
0x7b: {  	_ = 	snop;
	(pc) =	sbr.rel @p0 .LBB2_1-.Ltmp5, $4  }
0x7c: {  	[hbm4b:s7+s2] =	stream.linear.scatter [tilespmem:s17], [sflag:$0x4], $0x1000, $0x38;
	[tilespmem:$0x6100] =	vst v63  }
0x7d: {  	_ =	swait.ge [sflag:s10], $0x1000  }
0x7e: {  	[sflag:s10] =	ssyncset.done $0x0  }
0x7f: {  	[sflag:s10] =	ssyncadd.s32 $0xFFFFF000  }
0x80: {  	_ =	sfence.sel $0x180000  }
0x81: {  	[bflag:$0x0] =	sbarrier.arrive $0xFFFF  }
0x82: {  	p0 =	sne.s32 s1, $0x0;
	_ =	strace $0x9000004A  }
0x83: {  	s0 =	sadd.s32 @!p0 $0x100000, s0;
	[bflag:$0x2] =	sbarrier.arrive $0xFFFF  }
0x84: {  	[sflag:s0] =	ssyncadd.tile.s32 @!p0 $0x1;
	_ =	shalt  }
.Lfunc_end2:
_tile_overlayer_lowered:
.L_overlay_start_2:
0x85: {  	(tag) =	ssettag $0x2  }
0x86: {  	s0 =	rddreg [dreg:$0x0];
	s2 =	stileid.u32  }
0x87: {  	s1 =	rddreg [dreg:$0x1];
	p0 =	sne.s32 s2, $0x0  }
0x88: {  	s3 =	rddreg [dreg:$0x2];
	[bflag:$0x3] =	sbarrier.arrive $0xFFFF;
	s2 =	simm.s32 @!p0 $0x1C04  }
0x89: {  	[timem:s3], [sflag:s2] =	dma.local @!p0 [hbm:s0], s1  }
0x8a: {  	s0 =	simm.s32 @!p0 $0x4  }
0x8b: {  	_ =	swait.ge @!p0 [sflag:s0], s1  }
0x8c: {  	s1 =	ssub.s32 @!p0 $0x0, s1;
	[sflag:s0] =	ssyncset.done @!p0 $0x0  }
0x8d: {  	[sflag:s0] =	ssyncadd.s32 @!p0 s1  }
0x8e: {  	[bflag:$0x3] =	sbarrier.arrive $0xFFFF  }
0x8f: {  	_ =	shalt  }

// kernel: kernel.24.cloned.1.call-start
scs
__scs_entry_jumppad:
0x0: {  	(pc) =	sbr.rel $0x88, $3  }
0x1: {  	(tag) =	ssettag $0x0;
	lr =	simm.s32 $0x1  }
0x2: {  	[smem:$0x3F92] =	sst lr;
	_ =	strace $0xD0000000  }
0x3: {  	_ = 	snop  }
0x4: {  	_ = 	snop  }
0x5: {  	_ = 	snop  }
0x6: {  	_ = 	snop  }
0x7: {  	_ = 	snop  }
__scs_overlays_trampoline_lowered:
0x8: {  	[smem:$0x3FA1] =	sst s0  }
0x9: {  	[smem:$0x3FA2] =	sst s1  }
0xa: {  	[smem:$0x3FA3] =	sst s2  }
0xb: {  	[smem:$0x3FA4] =	sst s3  }
0xc: {  	[smem:$0x3FA5] =	sst s4  }
0xd: {  	[smem:$0x3FA6] =	sst s5  }
0xe: {  	[smem:$0x3FA7] =	sst s6  }
0xf: {  	[smem:$0x3FA8] =	sst s7  }
0x10: {  	[smem:$0x3FA9] =	sst s8  }
0x11: {  	[smem:$0x3FAA] =	sst s9;
	s0 =	simm.s32 @!p0 $0x0  }
0x12: {  	s1 =	sld [smem:$0x3F90];
	s0 =	simm.s32 @p0 $0x1  }
0x13: {  	[smem:$0x3FAB] =	sst s0;
	s0 =	simm.s32 @!p1 $0x0  }
0x14: {  	s2 =	sld [smem:$0x3F8F];
	s0 =	simm.s32 @p1 $0x1  }
0x15: {  	[smem:$0x3FAC] =	sst s0;
	s0 =	simm.s32 @!p2 $0x0  }
0x16: {  	s3 =	sld [smem:$0x3FDB];
	s0 =	simm.s32 @p2 $0x1  }
0x17: {  	s4 =	simm.s32 $0x1BF5;
	[smem:$0x3FAE] =	sst s0  }
0x18: {  	s0 =	sld [smem:$0x3F91];
	_ =	swait.ge [sflag:s4], $0x0  }
0x19: {  	s7 =	sld [smem:$0x3F92]  }
0x1a: {  	s8 =	sadd.s32 $0xFFFFE003, lr  }
0x1b: {  	s9 =	sadd.s32 $0xFFFFFEF7, lr;
	s5 =	simm.s32 $0xFFFFFFFF;
	p2 =	slt.u32 s8, $0xFFFFF086  }
0x1c: {  	p1 =	slt.u32 s9, $0xF7A;
	s5 =	simm.s32 @!p2 $0x0  }
0x1d: {  	s5 =	simm.s32 @p1 $0x1;
	p0 =	seq.s32 s7, s2  }
0x1e: {  	s7 =	smul.u32 @!p0 $0xF7A, s2;
	p2 =	seq.s32 @!p0 s5, $0x0  }
0x1f: {  	s9 =	smul.u32 $0xF7A, s1;
	s8 =	simm.s32 @!p0 $0x1BF5;
	p2 =	por !p2, p0  }
0x20: {  	[sflag:s8] =	ssyncset.s32 @!p0 $0xFFFFF086;
	s6 =	sadd.s32 @!p0 s3, s7;
	s7 =	simm.s32 @!p0 $0x108  }
0x21: {  	s3 =	sadd.s32 s3, s9;
	s6 =	sadd.s32 @!p0 $0x88, s6;
	s7 =	simm.s32 @p2 $0x1082  }
0x22: {  	[simem:s7], [sflag:s8] =	dma.local @!p0 [hbm:s6], $0xF7A  }
0x23: {  	s9 =	sor.u32 $0xD0000000, s2;
	s6 =	simm.s32 $0x108;
	_ =	swait.ge @!p0 [sflag:s8], $0x0  }
0x24: {  	s3 =	sadd.s32 $0x88, s3;
	s6 =	simm.s32 @!p1 $0x1082;
	[sflag:s4] =	ssyncset.s32 $0xFFFFF086  }
0x25: {  	[simem:s6], [sflag:s4] =	dma.local [hbm:s3], $0xF7A  }
0x26: {  	[smem:$0x3F92] =	sst s1;
	(tag) =	ssettag s2;
	_ =	strace s9  }
0x27: {  	s1 =	sld [smem:$0x3FA2]  }
0x28: {  	s2 =	sld [smem:$0x3FA3]  }
0x29: {  	s4 =	sld [smem:$0x3FA5]  }
0x2a: {  	p0 =	seq.s32 s5, $0x0;
	s5 =	sld [smem:$0x3FA6]  }
0x2b: {  	s6 =	sld [smem:$0x3FA7]  }
0x2c: {  	s7 =	sld [smem:$0x3FA8]  }
0x2d: {  	s3 =	simm.s32 $0x108;
	s8 =	sld [smem:$0x3FA9]  }
0x2e: {  	s3 =	simm.s32 @!p0 $0x1082;
	s9 =	sld [smem:$0x3FAA]  }
0x2f: {  	lr =	sadd.s32 s0, s3;
	s0 =	sld [smem:$0x3FA1]  }
0x30: {  	s3 =	sld [smem:$0x3FA4]  }
0x31: {  	[smem:$0x3FAD] =	sst s10  }
0x32: {  	s10 =	sld [smem:$0x3FAB];
	_ =	sdelay $0x3  }
0x33: {  	p0 =	seq.s32 s10, $0x1;
	s10 =	sld [smem:$0x3FAD];
	_ =	sdelay $0x3  }
0x34: {  	[smem:$0x3FAD] =	sst s10  }
0x35: {  	s10 =	sld [smem:$0x3FAC];
	_ =	sdelay $0x3  }
0x36: {  	p1 =	seq.s32 s10, $0x1;
	s10 =	sld [smem:$0x3FAD];
	_ =	sdelay $0x3  }
0x37: {  	[smem:$0x3FAD] =	sst s10  }
0x38: {  	s10 =	sld [smem:$0x3FAE]  }
0x39: {  	_ = 	snop;
	(pc) =	sbr.ind lr, $3  }
0x3a: {  	_ = 	snop  }
0x3b: {  	_ = 	snop  }
0x3c: {  	p2 =	seq.s32 s10, $0x1;
	s10 =	sld [smem:$0x3FAD]  }
0x3d: {  	_ =	shalt  }
0x3e: {  	_ =	shalt  }
0x3f: {  	_ =	shalt  }
0x40: {  	_ =	shalt  }
0x41: {  	_ =	shalt  }
0x42: {  	_ =	shalt  }
0x43: {  	_ =	shalt  }
0x44: {  	_ =	shalt  }
0x45: {  	_ =	shalt  }
0x46: {  	_ =	shalt  }
0x47: {  	_ =	shalt  }
0x48: {  	_ =	shalt  }
0x49: {  	_ =	shalt  }
0x4a: {  	_ =	shalt  }
0x4b: {  	_ =	shalt  }
0x4c: {  	_ =	shalt  }
0x4d: {  	_ =	shalt  }
0x4e: {  	_ =	shalt  }
0x4f: {  	_ =	shalt  }
0x50: {  	_ =	shalt  }
0x51: {  	_ =	shalt  }
0x52: {  	_ =	shalt  }
0x53: {  	_ =	shalt  }
0x54: {  	_ =	shalt  }
0x55: {  	_ =	shalt  }
0x56: {  	_ =	shalt  }
0x57: {  	_ =	shalt  }
0x58: {  	_ =	shalt  }
0x59: {  	_ =	shalt  }
0x5a: {  	_ =	shalt  }
0x5b: {  	_ =	shalt  }
0x5c: {  	_ =	shalt  }
0x5d: {  	_ =	shalt  }
0x5e: {  	_ =	shalt  }
0x5f: {  	_ =	shalt  }
0x60: {  	_ =	shalt  }
0x61: {  	_ =	shalt  }
0x62: {  	_ =	shalt  }
0x63: {  	_ =	shalt  }
0x64: {  	_ =	shalt  }
0x65: {  	_ =	shalt  }
0x66: {  	_ =	shalt  }
0x67: {  	_ =	shalt  }
0x68: {  	_ =	shalt  }
0x69: {  	_ =	shalt  }
0x6a: {  	_ =	shalt  }
0x6b: {  	_ =	shalt  }
0x6c: {  	_ =	shalt  }
0x6d: {  	_ =	shalt  }
0x6e: {  	_ =	shalt  }
0x6f: {  	_ =	shalt  }
0x70: {  	_ =	shalt  }
0x71: {  	_ =	shalt  }
0x72: {  	_ =	shalt  }
0x73: {  	_ =	shalt  }
0x74: {  	_ =	shalt  }
0x75: {  	_ =	shalt  }
0x76: {  	_ =	shalt  }
0x77: {  	_ =	shalt  }
0x78: {  	_ =	shalt  }
0x79: {  	_ =	shalt  }
0x7a: {  	_ =	shalt  }
0x7b: {  	_ =	shalt  }
0x7c: {  	_ =	shalt  }
0x7d: {  	_ =	shalt  }
0x7e: {  	_ =	shalt  }
0x7f: {  	_ =	shalt  }
0x80: {  	_ =	shalt  }
0x81: {  	_ =	shalt  }
0x82: {  	_ =	shalt  }
0x83: {  	_ =	shalt  }
0x84: {  	_ =	shalt  }
0x85: {  	_ =	shalt  }
0x86: {  	_ =	shalt  }
0x87: {  	_ =	shalt  }
.Lfunc_end0:
.L_simem_size_0:
called_computation.2_lowered:
.L_overlay_start_0:
0x88: {  	s2 =	sld [smem:$0x3FD9]  }
0x89: {  	s3 =	sld [smem:$0x3FFE];
	_ =	sdelay $0x1  }
0x8a: {  	s1 =	srdreg.scid  }
0x8b: {  	s0 =	sand.u32 $0x1, s1  }
0x8c: {  	s17 =	sshll.u32 s0, $0xA;
	s2 =	sadd.s32 s3, s2  }
0x8d: {  	s2 =	sadd.s32 s2, s17  }
0x8e: {  	[smem:$0x3FB9] =	sst s2  }
0x8f: {  	_ = 	snop  }
0x90: {  	s2 =	sld [smem:$0x3FD0];
	(tm) =	ssettm $0x1  }
0x91: {  	s18 =	sld [smem:$0x3FFB];
	_ =	sdelay $0x3  }
0x92: {  	_ =	strace s18  }
0x93: {  	s3 =	sld [smem:$0x3FFC];
	_ =	sdelay $0x3  }
0x94: {  	_ =	strace s3  }
0x95: {  	s3 =	sld [smem:$0x3FFD];
	_ =	sdelay $0x3  }
0x96: {  	_ =	strace s3  }
0x97: {  	_ =	strace $0x8FFFFFFF  }
0x98: {  	s19 =	sld [smem:$0x3FDB];
	_ =	sdelay $0x1  }
0x99: {  	s4 =	simm.s32 $_scs_section_size  }
0x9a: {  	s5 =	simm.s32 $_size__tile_overlayer_lowered;
	s6 =	simm.s32 $_tile_overlayer_lowered  }
0x9b: {  	s22 =	simm.s32 $0x1BFF;
	s21 =	sshll.u32 s6, $0x1;
	s3 =	sadd.s32 s4, s19  }
0x9c: {  	s7 =	simm.s32 $0x0;
	s20 =	sshll.u32 s5, $0x1;
	s5 =	sadd.s32 s21, s3  }
0x9d: {  	[timem:s7], [sflag:s22] =	dma.local [hbm:s5], s20  }
0x9e: {  	_ =	swait.ge [sflag:s22], s20  }
0x9f: {  	s4 =	ssub.s32 $0x0, s20;
	[sflag:s22] =	ssyncset.done $0x0  }
0xa0: {  	[sflag:s22] =	ssyncadd.s32 s4;
	_ =	sdelay $0x1  }
0xa1: {  	s23 =	simm.s32 $0x1B8B  }
0xa2: {  	_ =	swait.ge [sflag:s23], $0x1  }
0xa3: {  	[sflag:s23] =	ssyncset.done $0x0  }
0xa4: {  	s25 =	simm.s32 $0x1B8E;
	s24 =	sld [smem:$0x3FFE];
	[sflag:s23] =	ssyncadd.s32 $0xFFFFFFFF  }
0xa5: {  	s26 =	simm.s32 $execute0_lowered;
	[smem:$0x3FD2] =	sst s25  }
0xa6: {  	s5 =	sshll.u32 s26, $0x1;
	_ =	strace $0x8000004C;
	[dreg:$0x1] =	wrdreg $0xFFFFFFFF  }
0xa7: {  	s28 =	simm.s32 $_size_execute0_lowered;
	s3 =	sadd.s32 s3, s5;
	[dreg:$0x0] =	wrdreg $0x0  }
0xa8: {  	s5 =	sshll.u32 s28, $0x1;
	[dreg:$0x2] =	wrdreg s3  }
0xa9: {  	[dreg:$0x3] =	wrdreg s5  }
0xaa: {  	[dreg:$0x4] =	wrdreg $0xC0  }
0xab: {  	_ =	task [dreg:s7], $0x5FFFF  }
0xac: {  	[dreg:$0x1] =	wrdreg $0xFFFFFFFF  }
0xad: {  	[dreg:$0x0] =	wrdreg $0x60  }
0xae: {  	[dreg:$0x2] =	wrdreg s24  }
0xaf: {  	[dreg:$0x3] =	wrdreg s2  }
0xb0: {  	[dreg:$0x4] =	wrdreg $0x9  }
0xb1: {  	_ =	task.clear_ibuf [dreg:s7], $0x5FFFF;
	_ =	strace $0x9000004C  }
0xb2: {  	s29 =	simm.s32 $0x9;
	_ =	strace $0x8000004E  }
0xb3: {  	_ =	swait.ge [sflag:s29], $0x1  }
0xb4: {  	[sflag:s29] =	ssyncadd.s32 $0xFFFFFFFF  }
0xb5: {  	_ =	strace $0x9000004E  }
0xb6: {  	_ =	sfence  }
0xb7: {  	s30 =	sld [smem:$0x0];
	_ =	sdelay $0x2  }
0xb8: {  	s31 =	sshll.u32 s1, $0xD;
	s1 =	sshrl.u32 s1, $0x2  }
0xb9: {  	s3 =	sand.u32 $0x4000, s31;
	s1 =	sadd.s32 s1, s30  }
0xba: {  	s0 =	sor.u32 s3, s0;
	s1 =	sshll.u32 s1, $0x11  }
0xbb: {  	s0 =	sor.u32 s1, s0  }
0xbc: {  	s0 =	sadd.s32 $0x8F2B, s0  }
0xbd: {  	[sflag:s0] =	ssyncadd.remote.s32 $0x1  }
0xbe: {  	_ =	sfence.sel $0xFFFF  }
0xbf: {  	[dreg:$0x0] =	wrdreg $0xFFFFFFFF;
	(pc) =	sbr.abs _section_cstart, $3  }
0xc0: {  	[dreg:$0x1] =	wrdreg $0xFFFFFFFF  }
0xc1: {  	_ =	task.clear_ibuf [dreg:s7], $0x2FFFF;
	_ =	strace $0x9FFFFFFF  }
0xc2: {  	(tm) =	ssettm $0x7FFFFFFF  }
0xc3: {  	_ =	shalt  }
tec
execute0_lowered:
.L_overlay_start_1:
0x0: {  	(tag) =	ssettag $0x1  }
0x1: {  	s4 =	rddreg [dreg:$0x0]  }
0x2: {  	s5 =	rddreg [dreg:$0x1]  }
0x3: {  	s0 =	rddreg [dreg:$0x2];
	s2 =	simm.s32 $0x0  }
0x4: {  	s3 =	srdreg.scid;
	s1 =	stileid.u32;
	s11 =	simm.s32 $0x80  }
0x5: {  	s12 =	simm.s32 $0x100;
	s13 =	simm.s32 $0x3;
	s14 =	simm.s32 $0x2100  }
0x6: {  	s15 =	simm.s32 $0x1;
	s16 =	simm.s32 $0x2;
	s17 =	simm.s32 $0x5100  }
0x7: {  	s18 =	simm.s32 $0x0;
	s6 =	sand.u32 $0x1, s3;
	s7 =	sshll.u32 s1, $0x1  }
0x8: {  	[smem:$0x7FF] =	sst s2;
	s3 =	sadd.s32 $0x6600, s4;
	s7 =	sor.u32 s6, s7  }
0x9: {  	_ =	strace $0x8000004D;
	s6 =	ssub.s32 $0x2, s6;
	s8 =	sshll.u32 s7, $0x8  }
0xa: {  	s7 =	sshll.u32 s7, $0x9;
	s9 =	sshrl.u32 s6, $0x1;
	s8 =	sadd.s32 s8, s4  }
0xb: {  	s10 =	sadd.s32 s7, s4;
	s9 =	ssub.s32 s6, s9;
	s4 =	sadd.s32 s5, s7  }
0xc: {  	s5 =	sadd.s32 $0x4600, s8;
	s6 =	sadd.s32 $0x4620, s8;
	s7 =	sadd.s32 $0xE600, s10  }
0xd: {  	s8 =	smax.u32 s9, $0x1;
	s9 =	simm.s32 $0x4100;
	s10 =	simm.s32 $0x4  }
.LBB2_1:
0xe: {  	[tilespmem:s9], [sflag:$0x3] =	stream.linear.gather [hbm4b:s4+s2], $0x1000, $0x38;
	[tilespmem:$0x6100] =	vst v63  }
0xf: {  	_ = 	snop  }
0x10: {  	[tilespmem:s2], [sflag:$0x4] =	stream.linear.gather [hbm4b:s5+s2], $0x80, $0x38;
	[tilespmem:$0x6100] =	vst v63  }
0x11: {  	_ =	swait.ge [sflag:s10], $0x80  }
0x12: {  	[sflag:s10] =	ssyncset.done $0x0  }
0x13: {  	[sflag:s10] =	ssyncadd.s32 $0xFFFFFF80  }
0x14: {  	[tilespmem:s12], [sflag:$0x1] =	stream.indirect.gather [hbm4b:s3+s11], $0x40, s2, s11, $0xb8;
	[tilespmem:$0x6100] =	vst v63  }
0x15: {  	_ =	swait.ge [sflag:s13], $0x1000  }
0x16: {  	[sflag:s13] =	ssyncset.done $0x0  }
0x17: {  	s19 =	simm.s32 $0x0;
	[sflag:s13] =	ssyncadd.s32 $0xFFFFF000  }
.LBB2_2:
0x18: {  	s20 =	sshll.u32 s19, $0x3  }
0x19: {  	s20 =	sor.u32 $0x4, s20  }
0x1a: {  	s21 =	sshll.u32 s20, $0x2  }
0x1b: {  	s22 =	sadd.s32 s21, s5;
	s21 =	simm.s32 $0x0  }
0x1c: {  	[tilespmem:s11], [sflag:$0x4] =	stream.linear.gather [hbm4b:s22+s21], $0x80, $0x38;
	[tilespmem:$0x6100] =	vst v63  }
0x1d: {  	_ =	swait.ge [sflag:s10], $0x80  }
0x1e: {  	[sflag:s10] =	ssyncset.done $0x0  }
0x1f: {  	[sflag:s10] =	ssyncadd.s32 $0xFFFFFF80  }
0x20: {  	[tilespmem:s14], [sflag:$0x2] =	stream.indirect.gather [hbm4b:s3+s11], $0x40, s11, s11, $0xb8;
	[tilespmem:$0x6100] =	vst v63  }
0x21: {  	_ =	swait.ge [sflag:s15], $0x2000  }
0x22: {  	s23 =	sshll.u32 s19, $0x9;
	[sflag:s15] =	ssyncset.done $0x0  }
0x23: {  	v0 =	vmov s23;
	s22 =	simm.s32 $0x140;
	[sflag:s15] =	ssyncadd.s32 $0xFFFFE000  }
.LBB2_3:
0x24: {  	s23 =	sshll.u32 s21, $0xD  }
0x25: {  	v7 =	vmov s22;
	s23 =	sshra.s32 s23, $0x2  }
0x26: {  	v5 =	vld [tilespmem:s23+$0x100]  }
0x27: {  	v4 =	vld [tilespmem:s23+$0x110]  }
0x28: {  	v3 =	vld [tilespmem:s23+$0x120]  }
0x29: {  	s24 =	simm.s32 $0x0;
	v1 =	vld [tilespmem:s23+$0x130]  }
0x2a: {  	v2 =	vld.idx.msk [tilespmem:v7+s24+$0x30 ss:$0x1], $0xffff  }
0x2b: {  	v9 =	vld.idx.msk [tilespmem:v7+s24+$0x0 ss:$0x1], $0xffff  }
0x2c: {  	v8 =	vld.idx.msk [tilespmem:v7+s24+$0x10 ss:$0x1], $0xffff  }
0x2d: {  	s23 =	simm.s32 $0x100;
	v6 =	vld.idx.msk [tilespmem:v7+s24+$0x20 ss:$0x1], $0xffff  }
.LBB2_4:
0x2e: {  	p0 =	sne.s32 s23, $0x1E00  }
.Ltmp0:
0x2f: {  	s24 =	sshra.s32 s23, $0x2;
	s23 =	sadd.s32 $0x100, s23;
	(pc) =	sbr.rel @p0 .LBB2_4-.Ltmp0, $4  }
0x30: {  	v1 =	vmax.f32 v1, v2;
	v2 =	vld.idx.msk [tilespmem:v7+s24+$0x30 ss:$0x1], $0xffff  }
0x31: {  	v5 =	vmax.f32 v5, v9;
	v9 =	vld.idx.msk [tilespmem:v7+s24+$0x0 ss:$0x1], $0xffff  }
0x32: {  	v4 =	vmax.f32 v4, v8;
	v8 =	vld.idx.msk [tilespmem:v7+s24+$0x10 ss:$0x1], $0xffff  }
0x33: {  	v3 =	vmax.f32 v3, v6;
	v6 =	vld.idx.msk [tilespmem:v7+s24+$0x20 ss:$0x1], $0xffff  }
0x34: {  	_ =	sdelay $0x2  }
0x35: {  	s23 =	sshll.u32 s21, $0x6  }
0x36: {  	v7 =	vld.idx.msk [tilespmem:v0+s23+$0x4100 ss:$0x1], $0xffff;
	_ =	sdelay $0x3  }
0x37: {  	v5 =	vmax.f32 v5, v9  }
0x38: {  	v5 =	vadd.f32 v7, v5;
	_ =	sdelay $0x1  }
0x39: {  	v5 =	vmax.f32 v5, $0.0e+00  }
0x3a: {  	[tilespmem:v0+s23+$0x5100 ss:$0x1] =	vst.idx.msk $0xffff, v5  }
0x3b: {  	v5 =	vld.idx.msk [tilespmem:v0+s23+$0x4110 ss:$0x1], $0xffff;
	_ =	sdelay $0x3  }
0x3c: {  	v4 =	vmax.f32 v4, v8  }
0x3d: {  	v4 =	vadd.f32 v5, v4;
	_ =	sdelay $0x1  }
0x3e: {  	v4 =	vmax.f32 v4, $0.0e+00  }
0x3f: {  	[tilespmem:v0+s23+$0x5110 ss:$0x1] =	vst.idx.msk $0xffff, v4  }
0x40: {  	v4 =	vld.idx.msk [tilespmem:v0+s23+$0x4120 ss:$0x1], $0xffff;
	_ =	sdelay $0x3  }
0x41: {  	v3 =	vmax.f32 v3, v6  }
0x42: {  	v3 =	vadd.f32 v4, v3;
	_ =	sdelay $0x1  }
0x43: {  	v3 =	vmax.f32 v3, $0.0e+00  }
0x44: {  	[tilespmem:v0+s23+$0x5120 ss:$0x1] =	vst.idx.msk $0xffff, v3  }
0x45: {  	v3 =	vld.idx.msk [tilespmem:v0+s23+$0x4130 ss:$0x1], $0xffff;
	_ =	sdelay $0x1  }
0x46: {  	s21 =	sadd.s32 $0x1, s21  }
0x47: {  	p0 =	sne.s32 s21, $0x4  }
.Ltmp1:
0x48: {  	v1 =	vmax.f32 v1, v2;
	(pc) =	sbr.rel @p0 .LBB2_3-.Ltmp1, $3  }
0x49: {  	v1 =	vadd.f32 v3, v1;
	_ =	sdelay $0x1  }
0x4a: {  	v1 =	vmax.f32 v1, $0.0e+00  }
0x4b: {  	s22 =	sadd.s32 $0x800, s22;
	[tilespmem:v0+s23+$0x5130 ss:$0x1] =	vst.idx.msk $0xffff, v1  }
0x4c: {  	p0 =	seq.s32 s19, $0x7  }
0x4d: {  	s21 =	sshll.u32 @!p0 s19, $0x5  }
0x4e: {  	s22 =	simm.s32 @!p0 $0x0;
	s21 =	sadd.s32 @!p0 s21, s6  }
0x4f: {  	[tilespmem:s22], [sflag:$0x4] =	stream.linear.gather @!p0 [hbm4b:s21+s22], $0x80, $0x38;
	[tilespmem:$0x6100] =	vst v63  }
0x50: {  	s21 =	simm.s32 @!p0 $0x4  }
0x51: {  	_ =	swait.ge @!p0 [sflag:s21], $0x80  }
0x52: {  	[sflag:s21] =	ssyncset.done @!p0 $0x0  }
0x53: {  	s23 =	simm.s32 @!p0 $0x100;
	[sflag:s21] =	ssyncadd.s32 @!p0 $0xFFFFFF80;
	s21 =	simm.s32 @!p0 $0x80  }
0x54: {  	[tilespmem:s23], [sflag:$0x1] =	stream.indirect.gather @!p0 [hbm4b:s3+s21], $0x40, s22, s21, $0xb8;
	[tilespmem:$0x6100] =	vst v63  }
0x55: {  	_ =	swait.ge [sflag:s16], $0x2000  }
0x56: {  	[sflag:s16] =	ssyncset.done $0x0  }
0x57: {  	s21 =	simm.s32 $0x0;
	s22 =	simm.s32 $0x2140;
	[sflag:s16] =	ssyncadd.s32 $0xFFFFE000  }
.LBB2_7:
0x58: {  	s23 =	sshll.u32 s21, $0xD  }
0x59: {  	v5 =	vmov s22;
	s23 =	sshra.s32 s23, $0x2  }
0x5a: {  	v2 =	vld [tilespmem:s23+$0x2100]  }
0x5b: {  	v3 =	vld [tilespmem:s23+$0x2110]  }
0x5c: {  	v1 =	vld [tilespmem:s23+$0x2120]  }
0x5d: {  	s24 =	simm.s32 $0x0;
	v0 =	vld [tilespmem:s23+$0x2130]  }
0x5e: {  	v4 =	vld.idx.msk [tilespmem:v5+s24+$0x30 ss:$0x1], $0xffff  }
0x5f: {  	v6 =	vld.idx.msk [tilespmem:v5+s24+$0x0 ss:$0x1], $0xffff  }
0x60: {  	v7 =	vld.idx.msk [tilespmem:v5+s24+$0x10 ss:$0x1], $0xffff  }
0x61: {  	s23 =	simm.s32 $0x100;
	v8 =	vld.idx.msk [tilespmem:v5+s24+$0x20 ss:$0x1], $0xffff  }
.LBB2_8:
0x62: {  	p0 =	sne.s32 s23, $0x1E00  }
.Ltmp2:
0x63: {  	s24 =	sshra.s32 s23, $0x2;
	s23 =	sadd.s32 $0x100, s23;
	(pc) =	sbr.rel @p0 .LBB2_8-.Ltmp2, $4  }
0x64: {  	v0 =	vmax.f32 v0, v4;
	v4 =	vld.idx.msk [tilespmem:v5+s24+$0x30 ss:$0x1], $0xffff  }
0x65: {  	v2 =	vmax.f32 v2, v6;
	v6 =	vld.idx.msk [tilespmem:v5+s24+$0x0 ss:$0x1], $0xffff  }
0x66: {  	v3 =	vmax.f32 v3, v7;
	v7 =	vld.idx.msk [tilespmem:v5+s24+$0x10 ss:$0x1], $0xffff  }
0x67: {  	v1 =	vmax.f32 v1, v8;
	v8 =	vld.idx.msk [tilespmem:v5+s24+$0x20 ss:$0x1], $0xffff  }
0x68: {  	s23 =	sor.u32 s20, s21  }
0x69: {  	s23 =	sshll.u32 s23, $0x6  }
0x6a: {  	v5 =	vld [tilespmem:s23+$0x4100]  }
0x6b: {  	v9 =	vld [tilespmem:s23+$0x4110]  }
0x6c: {  	v10 =	vld [tilespmem:s23+$0x4120]  }
0x6d: {  	v11 =	vld [tilespmem:s23+$0x4130]  }
0x6e: {  	v2 =	vmax.f32 v2, v6  }
0x6f: {  	s21 =	sadd.s32 $0x1, s21;
	v3 =	vmax.f32 v3, v7;
	v2 =	vadd.f32 v5, v2  }
0x70: {  	p0 =	sne.s32 s21, $0x4;
	v1 =	vmax.f32 v1, v8;
	v3 =	vadd.f32 v9, v3  }
.Ltmp3:
0x71: {  	v0 =	vmax.f32 v0, v4;
	v1 =	vadd.f32 v10, v1;
	v2 =	vmax.f32 v2, $0.0e+00;
	(pc) =	sbr.rel @p0 .LBB2_7-.Ltmp3, $4  }
0x72: {  	v0 =	vadd.f32 v11, v0;
	v63 =	vmax.f32 v3, $0.0e+00;
	[tilespmem:s23+$0x5100] =	vst v2  }
0x73: {  	v1 =	vmax.f32 v1, $0.0e+00;
	[tilespmem:s23+$0x5110] =	vst v63  }
0x74: {  	v0 =	vmax.f32 v0, $0.0e+00;
	[tilespmem:s23+$0x5120] =	vst v1  }
0x75: {  	s22 =	sadd.s32 $0x800, s22;
	[tilespmem:s23+$0x5130] =	vst v0  }
0x76: {  	s19 =	sadd.s32 $0x1, s19  }
0x77: {  	p0 =	sne.s32 s19, $0x8  }
.Ltmp4:
0x78: {  	_ = 	snop;
	(pc) =	sbr.rel @p0 .LBB2_2-.Ltmp4, $1  }
0x79: {  	_ =	sdelay $0x3  }
0x7a: {  	s18 =	sadd.s32 $0x1, s18  }
0x7b: {  	p0 =	sne.s32 s18, s8  }
.Ltmp5:
0x7c: {  	_ = 	snop;
	(pc) =	sbr.rel @p0 .LBB2_1-.Ltmp5, $4  }
0x7d: {  	[hbm4b:s7+s2] =	stream.linear.scatter [tilespmem:s17], [sflag:$0x4], $0x1000, $0x38;
	[tilespmem:$0x6100] =	vst v63  }
0x7e: {  	_ =	swait.ge [sflag:s10], $0x1000  }
0x7f: {  	[sflag:s10] =	ssyncset.done $0x0  }
0x80: {  	[sflag:s10] =	ssyncadd.s32 $0xFFFFF000  }
0x81: {  	_ =	sfence.sel $0x180000  }
0x82: {  	[bflag:$0x0] =	sbarrier.arrive $0xFFFF  }
0x83: {  	p0 =	sne.s32 s1, $0x0;
	_ =	strace $0x9000004D  }
0x84: {  	s0 =	sadd.s32 @!p0 $0x100000, s0;
	[bflag:$0x2] =	sbarrier.arrive $0xFFFF  }
0x85: {  	[sflag:s0] =	ssyncadd.tile.s32 @!p0 $0x1;
	_ =	shalt  }
.Lfunc_end2:
_tile_overlayer_lowered:
.L_overlay_start_2:
0x86: {  	(tag) =	ssettag $0x2  }
0x87: {  	s0 =	rddreg [dreg:$0x0];
	s2 =	stileid.u32  }
0x88: {  	s1 =	rddreg [dreg:$0x1];
	p0 =	sne.s32 s2, $0x0  }
0x89: {  	s3 =	rddreg [dreg:$0x2];
	[bflag:$0x3] =	sbarrier.arrive $0xFFFF;
	s2 =	simm.s32 @!p0 $0x1C04  }
0x8a: {  	[timem:s3], [sflag:s2] =	dma.local @!p0 [hbm:s0], s1  }
0x8b: {  	s0 =	simm.s32 @!p0 $0x4  }
0x8c: {  	_ =	swait.ge @!p0 [sflag:s0], s1  }
0x8d: {  	s1 =	ssub.s32 @!p0 $0x0, s1;
	[sflag:s0] =	ssyncset.done @!p0 $0x0  }
0x8e: {  	[sflag:s0] =	ssyncadd.s32 @!p0 s1  }
0x8f: {  	[bflag:$0x3] =	sbarrier.arrive $0xFFFF  }
0x90: {  	_ =	shalt  }

// kernel: kernel.27.cloned.1.call-start
scs
__scs_entry_jumppad:
0x0: {  	(pc) =	sbr.rel $0x88, $3  }
0x1: {  	(tag) =	ssettag $0x0;
	lr =	simm.s32 $0x1  }
0x2: {  	[smem:$0x3F92] =	sst lr;
	_ =	strace $0xD0000000  }
0x3: {  	_ = 	snop  }
0x4: {  	_ = 	snop  }
0x5: {  	_ = 	snop  }
0x6: {  	_ = 	snop  }
0x7: {  	_ = 	snop  }
__scs_overlays_trampoline_lowered:
0x8: {  	[smem:$0x3FA1] =	sst s0  }
0x9: {  	[smem:$0x3FA2] =	sst s1  }
0xa: {  	[smem:$0x3FA3] =	sst s2  }
0xb: {  	[smem:$0x3FA4] =	sst s3  }
0xc: {  	[smem:$0x3FA5] =	sst s4  }
0xd: {  	[smem:$0x3FA6] =	sst s5  }
0xe: {  	[smem:$0x3FA7] =	sst s6  }
0xf: {  	[smem:$0x3FA8] =	sst s7  }
0x10: {  	[smem:$0x3FA9] =	sst s8  }
0x11: {  	[smem:$0x3FAA] =	sst s9;
	s0 =	simm.s32 @!p0 $0x0  }
0x12: {  	s1 =	sld [smem:$0x3F90];
	s0 =	simm.s32 @p0 $0x1  }
0x13: {  	[smem:$0x3FAB] =	sst s0;
	s0 =	simm.s32 @!p1 $0x0  }
0x14: {  	s2 =	sld [smem:$0x3F8F];
	s0 =	simm.s32 @p1 $0x1  }
0x15: {  	[smem:$0x3FAC] =	sst s0;
	s0 =	simm.s32 @!p2 $0x0  }
0x16: {  	s3 =	sld [smem:$0x3FDB];
	s0 =	simm.s32 @p2 $0x1  }
0x17: {  	s4 =	simm.s32 $0x1BF5;
	[smem:$0x3FAE] =	sst s0  }
0x18: {  	s0 =	sld [smem:$0x3F91];
	_ =	swait.ge [sflag:s4], $0x0  }
0x19: {  	s7 =	sld [smem:$0x3F92]  }
0x1a: {  	s8 =	sadd.s32 $0xFFFFE003, lr  }
0x1b: {  	s9 =	sadd.s32 $0xFFFFFEF7, lr;
	s5 =	simm.s32 $0xFFFFFFFF;
	p2 =	slt.u32 s8, $0xFFFFF086  }
0x1c: {  	p1 =	slt.u32 s9, $0xF7A;
	s5 =	simm.s32 @!p2 $0x0  }
0x1d: {  	s5 =	simm.s32 @p1 $0x1;
	p0 =	seq.s32 s7, s2  }
0x1e: {  	s7 =	smul.u32 @!p0 $0xF7A, s2;
	p2 =	seq.s32 @!p0 s5, $0x0  }
0x1f: {  	s9 =	smul.u32 $0xF7A, s1;
	s8 =	simm.s32 @!p0 $0x1BF5;
	p2 =	por !p2, p0  }
0x20: {  	[sflag:s8] =	ssyncset.s32 @!p0 $0xFFFFF086;
	s6 =	sadd.s32 @!p0 s3, s7;
	s7 =	simm.s32 @!p0 $0x108  }
0x21: {  	s3 =	sadd.s32 s3, s9;
	s6 =	sadd.s32 @!p0 $0x88, s6;
	s7 =	simm.s32 @p2 $0x1082  }
0x22: {  	[simem:s7], [sflag:s8] =	dma.local @!p0 [hbm:s6], $0xF7A  }
0x23: {  	s9 =	sor.u32 $0xD0000000, s2;
	s6 =	simm.s32 $0x108;
	_ =	swait.ge @!p0 [sflag:s8], $0x0  }
0x24: {  	s3 =	sadd.s32 $0x88, s3;
	s6 =	simm.s32 @!p1 $0x1082;
	[sflag:s4] =	ssyncset.s32 $0xFFFFF086  }
0x25: {  	[simem:s6], [sflag:s4] =	dma.local [hbm:s3], $0xF7A  }
0x26: {  	[smem:$0x3F92] =	sst s1;
	(tag) =	ssettag s2;
	_ =	strace s9  }
0x27: {  	s1 =	sld [smem:$0x3FA2]  }
0x28: {  	s2 =	sld [smem:$0x3FA3]  }
0x29: {  	s4 =	sld [smem:$0x3FA5]  }
0x2a: {  	p0 =	seq.s32 s5, $0x0;
	s5 =	sld [smem:$0x3FA6]  }
0x2b: {  	s6 =	sld [smem:$0x3FA7]  }
0x2c: {  	s7 =	sld [smem:$0x3FA8]  }
0x2d: {  	s3 =	simm.s32 $0x108;
	s8 =	sld [smem:$0x3FA9]  }
0x2e: {  	s3 =	simm.s32 @!p0 $0x1082;
	s9 =	sld [smem:$0x3FAA]  }
0x2f: {  	lr =	sadd.s32 s0, s3;
	s0 =	sld [smem:$0x3FA1]  }
0x30: {  	s3 =	sld [smem:$0x3FA4]  }
0x31: {  	[smem:$0x3FAD] =	sst s10  }
0x32: {  	s10 =	sld [smem:$0x3FAB];
	_ =	sdelay $0x3  }
0x33: {  	p0 =	seq.s32 s10, $0x1;
	s10 =	sld [smem:$0x3FAD];
	_ =	sdelay $0x3  }
0x34: {  	[smem:$0x3FAD] =	sst s10  }
0x35: {  	s10 =	sld [smem:$0x3FAC];
	_ =	sdelay $0x3  }
0x36: {  	p1 =	seq.s32 s10, $0x1;
	s10 =	sld [smem:$0x3FAD];
	_ =	sdelay $0x3  }
0x37: {  	[smem:$0x3FAD] =	sst s10  }
0x38: {  	s10 =	sld [smem:$0x3FAE]  }
0x39: {  	_ = 	snop;
	(pc) =	sbr.ind lr, $3  }
0x3a: {  	_ = 	snop  }
0x3b: {  	_ = 	snop  }
0x3c: {  	p2 =	seq.s32 s10, $0x1;
	s10 =	sld [smem:$0x3FAD]  }
0x3d: {  	_ =	shalt  }
0x3e: {  	_ =	shalt  }
0x3f: {  	_ =	shalt  }
0x40: {  	_ =	shalt  }
0x41: {  	_ =	shalt  }
0x42: {  	_ =	shalt  }
0x43: {  	_ =	shalt  }
0x44: {  	_ =	shalt  }
0x45: {  	_ =	shalt  }
0x46: {  	_ =	shalt  }
0x47: {  	_ =	shalt  }
0x48: {  	_ =	shalt  }
0x49: {  	_ =	shalt  }
0x4a: {  	_ =	shalt  }
0x4b: {  	_ =	shalt  }
0x4c: {  	_ =	shalt  }
0x4d: {  	_ =	shalt  }
0x4e: {  	_ =	shalt  }
0x4f: {  	_ =	shalt  }
0x50: {  	_ =	shalt  }
0x51: {  	_ =	shalt  }
0x52: {  	_ =	shalt  }
0x53: {  	_ =	shalt  }
0x54: {  	_ =	shalt  }
0x55: {  	_ =	shalt  }
0x56: {  	_ =	shalt  }
0x57: {  	_ =	shalt  }
0x58: {  	_ =	shalt  }
0x59: {  	_ =	shalt  }
0x5a: {  	_ =	shalt  }
0x5b: {  	_ =	shalt  }
0x5c: {  	_ =	shalt  }
0x5d: {  	_ =	shalt  }
0x5e: {  	_ =	shalt  }
0x5f: {  	_ =	shalt  }
0x60: {  	_ =	shalt  }
0x61: {  	_ =	shalt  }
0x62: {  	_ =	shalt  }
0x63: {  	_ =	shalt  }
0x64: {  	_ =	shalt  }
0x65: {  	_ =	shalt  }
0x66: {  	_ =	shalt  }
0x67: {  	_ =	shalt  }
0x68: {  	_ =	shalt  }
0x69: {  	_ =	shalt  }
0x6a: {  	_ =	shalt  }
0x6b: {  	_ =	shalt  }
0x6c: {  	_ =	shalt  }
0x6d: {  	_ =	shalt  }
0x6e: {  	_ =	shalt  }
0x6f: {  	_ =	shalt  }
0x70: {  	_ =	shalt  }
0x71: {  	_ =	shalt  }
0x72: {  	_ =	shalt  }
0x73: {  	_ =	shalt  }
0x74: {  	_ =	shalt  }
0x75: {  	_ =	shalt  }
0x76: {  	_ =	shalt  }
0x77: {  	_ =	shalt  }
0x78: {  	_ =	shalt  }
0x79: {  	_ =	shalt  }
0x7a: {  	_ =	shalt  }
0x7b: {  	_ =	shalt  }
0x7c: {  	_ =	shalt  }
0x7d: {  	_ =	shalt  }
0x7e: {  	_ =	shalt  }
0x7f: {  	_ =	shalt  }
0x80: {  	_ =	shalt  }
0x81: {  	_ =	shalt  }
0x82: {  	_ =	shalt  }
0x83: {  	_ =	shalt  }
0x84: {  	_ =	shalt  }
0x85: {  	_ =	shalt  }
0x86: {  	_ =	shalt  }
0x87: {  	_ =	shalt  }
.Lfunc_end0:
.L_simem_size_0:
called_computation.3_lowered:
.L_overlay_start_0:
0x88: {  	s2 =	sld [smem:$0x3FD9]  }
0x89: {  	s3 =	sld [smem:$0x3FFE];
	_ =	sdelay $0x1  }
0x8a: {  	s1 =	srdreg.scid  }
0x8b: {  	s0 =	sand.u32 $0x1, s1  }
0x8c: {  	s17 =	sshll.u32 s0, $0xA;
	s2 =	sadd.s32 s3, s2  }
0x8d: {  	s2 =	sadd.s32 s2, s17  }
0x8e: {  	[smem:$0x3FB9] =	sst s2  }
0x8f: {  	_ = 	snop  }
0x90: {  	(tm) =	ssettm $0x1  }
0x91: {  	s18 =	sld [smem:$0x3FFB];
	_ =	sdelay $0x3  }
0x92: {  	_ =	strace s18  }
0x93: {  	s2 =	sld [smem:$0x3FFC];
	_ =	sdelay $0x3  }
0x94: {  	_ =	strace s2  }
0x95: {  	s2 =	sld [smem:$0x3FFD];
	_ =	sdelay $0x3  }
0x96: {  	_ =	strace s2  }
0x97: {  	_ =	strace $0x8FFFFFFF  }
0x98: {  	s19 =	sld [smem:$0x3FDB];
	_ =	sdelay $0x1  }
0x99: {  	s20 =	simm.s32 $_scs_section_size  }
0x9a: {  	s4 =	simm.s32 $_size__tile_overlayer_lowered;
	s5 =	simm.s32 $_tile_overlayer_lowered  }
0x9b: {  	s6 =	simm.s32 $0x1BFF;
	s21 =	sshll.u32 s5, $0x1;
	s3 =	sadd.s32 s20, s19  }
0x9c: {  	s22 =	simm.s32 $0x0;
	s4 =	sshll.u32 s4, $0x1;
	s5 =	sadd.s32 s21, s3  }
0x9d: {  	[timem:s22], [sflag:s6] =	dma.local [hbm:s5], s4  }
0x9e: {  	_ =	swait.ge [sflag:s6], s4  }
0x9f: {  	s4 =	ssub.s32 $0x0, s4;
	[sflag:s6] =	ssyncset.done $0x0  }
0xa0: {  	[sflag:s6] =	ssyncadd.s32 s4;
	_ =	sdelay $0x1  }
0xa1: {  	s23 =	simm.s32 $0x1B8B  }
0xa2: {  	_ =	swait.ge [sflag:s23], $0x1  }
0xa3: {  	[sflag:s23] =	ssyncset.done $0x0  }
0xa4: {  	[sflag:s23] =	ssyncadd.s32 $0xFFFFFFFF  }
0xa5: {  	s4 =	sld [smem:$0x0]  }
0xa6: {  	s5 =	sand.u32 $0xFFFFFFFE, s1  }
0xa7: {  	p0 =	sne.s32 s1, s5  }
0xa8: {  	s5 =	sshll.u32 @p0 s5, $0xE  }
0xa9: {  	s5 =	sadd.s32 @p0 $0x11B8D, s5;
	s6 =	sshll.u32 @p0 s4, $0x11  }
0xaa: {  	s5 =	sor.u32 @p0 s6, s5  }
0xab: {  	[sflag:s5] =	ssyncadd.remote.s32 @p0 $0x1;
	_ =	sdelay $0x1  }
0xac: {  	s5 =	simm.s32 @p0 $0x1B8D  }
0xad: {  	_ =	swait.eq @p0 [sflag:s5], $0x1  }
0xae: {  	[sflag:s5] =	ssyncadd.s32 @p0 $0xFFFFFFFF  }
0xaf: {  	s6 =	sshll.u32 @!p0 s1, $0xE  }
0xb0: {  	s6 =	sor.u32 @!p0 $0x4000, s6;
	s5 =	simm.s32 @!p0 $0x1B8D  }
0xb1: {  	s4 =	sshll.u32 @!p0 s4, $0x11;
	s6 =	sadd.s32 @!p0 $0x11B8D, s6;
	_ =	swait.eq @!p0 [sflag:s5], $0x1  }
0xb2: {  	s4 =	sor.u32 @!p0 s4, s6;
	[sflag:s5] =	ssyncadd.s32 @!p0 $0xFFFFFFFF  }
0xb3: {  	s25 =	simm.s32 $0x1B8E;
	s24 =	sld [smem:$0x3FFE];
	[sflag:s4] =	ssyncadd.remote.s32 @!p0 $0x1  }
0xb4: {  	s26 =	simm.s32 $execute0_lowered;
	[smem:$0x3FD2] =	sst s25  }
0xb5: {  	s5 =	sshll.u32 s26, $0x1;
	_ =	strace $0x8000004F;
	[dreg:$0x1] =	wrdreg $0xFFFFFFFF  }
0xb6: {  	s28 =	simm.s32 $_size_execute0_lowered;
	s3 =	sadd.s32 s3, s5;
	[dreg:$0x0] =	wrdreg $0x0  }
0xb7: {  	s5 =	sshll.u32 s28, $0x1;
	[dreg:$0x2] =	wrdreg s3  }
0xb8: {  	[dreg:$0x3] =	wrdreg s5  }
0xb9: {  	[dreg:$0x4] =	wrdreg $0xC0  }
0xba: {  	_ =	task [dreg:s22], $0x5FFFF  }
0xbb: {  	[dreg:$0x1] =	wrdreg $0xFFFFFFFF  }
0xbc: {  	[dreg:$0x0] =	wrdreg $0x60  }
0xbd: {  	[dreg:$0x2] =	wrdreg s24  }
0xbe: {  	[dreg:$0x3] =	wrdreg $0xA  }
0xbf: {  	_ =	task.clear_ibuf [dreg:s22], $0x4FFFF;
	_ =	strace $0x9000004F  }
0xc0: {  	s29 =	simm.s32 $0xA;
	_ =	strace $0x80000051  }
0xc1: {  	_ =	swait.ge [sflag:s29], $0x1  }
0xc2: {  	[sflag:s29] =	ssyncadd.s32 $0xFFFFFFFF  }
0xc3: {  	_ =	strace $0x90000051  }
0xc4: {  	_ =	sfence  }
0xc5: {  	s30 =	sld [smem:$0x0];
	_ =	sdelay $0x2  }
0xc6: {  	s31 =	sshll.u32 s1, $0xD;
	s1 =	sshrl.u32 s1, $0x2  }
0xc7: {  	s4 =	sand.u32 $0x4000, s31;
	s1 =	sadd.s32 s1, s30  }
0xc8: {  	s0 =	sor.u32 s4, s0;
	s1 =	sshll.u32 s1, $0x11  }
0xc9: {  	s0 =	sor.u32 s1, s0  }
0xca: {  	s0 =	sadd.s32 $0x8F2B, s0  }
0xcb: {  	[sflag:s0] =	ssyncadd.remote.s32 $0x1  }
0xcc: {  	_ =	sfence.sel $0xFFFF  }
0xcd: {  	[dreg:$0x0] =	wrdreg $0xFFFFFFFF;
	(pc) =	sbr.abs _section_cstart, $3  }
0xce: {  	[dreg:$0x1] =	wrdreg $0xFFFFFFFF  }
0xcf: {  	_ =	task.clear_ibuf [dreg:s22], $0x2FFFF;
	_ =	strace $0x9FFFFFFF  }
0xd0: {  	(tm) =	ssettm $0x7FFFFFFF  }
0xd1: {  	_ =	shalt  }
tec
execute0_lowered:
.L_overlay_start_1:
0x0: {  	(tag) =	ssettag $0x1  }
0x1: {  	s4 =	rddreg [dreg:$0x0]  }
0x2: {  	s0 =	rddreg [dreg:$0x1];
	s2 =	simm.s32 $0x0  }
0x3: {  	s3 =	srdreg.scid;
	s1 =	stileid.u32;
	s10 =	simm.s32 $0x4  }
0x4: {  	s11 =	simm.s32 $0x80;
	s12 =	simm.s32 $0x100;
	s13 =	simm.s32 $0x3  }
0x5: {  	s14 =	simm.s32 $0x2100;
	s15 =	simm.s32 $0x1;
	s16 =	simm.s32 $0x2  }
0x6: {  	s17 =	simm.s32 $0x5100;
	s18 =	simm.s32 $0x0;
	[smem:$0x7FF] =	sst s2  }
0x7: {  	s5 =	sand.u32 $0x1, s3;
	s6 =	sshll.u32 s1, $0x1;
	s3 =	sadd.s32 $0x6600, s4  }
0x8: {  	_ =	strace $0x80000050;
	s6 =	sor.u32 s5, s6;
	s5 =	ssub.s32 $0x2, s5  }
0x9: {  	s7 =	sshll.u32 s6, $0x8;
	s6 =	sshll.u32 s6, $0x9;
	s8 =	sshrl.u32 s5, $0x1  }
0xa: {  	s7 =	sadd.s32 s7, s4;
	s9 =	sadd.s32 s6, s4;
	s8 =	ssub.s32 s5, s8  }
0xb: {  	s4 =	sadd.s32 $0x14600, s9;
	s5 =	sadd.s32 $0x12600, s7;
	s6 =	sadd.s32 $0x12620, s7  }
0xc: {  	s7 =	sadd.s32 $0x18600, s9;
	s8 =	smax.u32 s8, $0x1;
	s9 =	simm.s32 $0x4100  }
.LBB2_1:
0xd: {  	[tilespmem:s9], [sflag:$0x3] =	stream.linear.gather [hbm4b:s4+s2], $0x1000, $0x38;
	[tilespmem:$0x6100] =	vst v63  }
0xe: {  	_ = 	snop  }
0xf: {  	[tilespmem:s2], [sflag:$0x4] =	stream.linear.gather [hbm4b:s5+s2], $0x80, $0x38;
	[tilespmem:$0x6100] =	vst v63  }
0x10: {  	_ =	swait.ge [sflag:s10], $0x80  }
0x11: {  	[sflag:s10] =	ssyncset.done $0x0  }
0x12: {  	[sflag:s10] =	ssyncadd.s32 $0xFFFFFF80  }
0x13: {  	[tilespmem:s12], [sflag:$0x1] =	stream.indirect.gather [hbm4b:s3+s11], $0x40, s2, s11, $0xb8;
	[tilespmem:$0x6100] =	vst v63  }
0x14: {  	_ =	swait.ge [sflag:s13], $0x1000  }
0x15: {  	[sflag:s13] =	ssyncset.done $0x0  }
0x16: {  	s19 =	simm.s32 $0x0;
	[sflag:s13] =	ssyncadd.s32 $0xFFFFF000  }
.LBB2_2:
0x17: {  	s20 =	sshll.u32 s19, $0x3  }
0x18: {  	s20 =	sor.u32 $0x4, s20  }
0x19: {  	s21 =	sshll.u32 s20, $0x2  }
0x1a: {  	s22 =	sadd.s32 s21, s5;
	s21 =	simm.s32 $0x0  }
0x1b: {  	[tilespmem:s11], [sflag:$0x4] =	stream.linear.gather [hbm4b:s22+s21], $0x80, $0x38;
	[tilespmem:$0x6100] =	vst v63  }
0x1c: {  	_ =	swait.ge [sflag:s10], $0x80  }
0x1d: {  	[sflag:s10] =	ssyncset.done $0x0  }
0x1e: {  	[sflag:s10] =	ssyncadd.s32 $0xFFFFFF80  }
0x1f: {  	[tilespmem:s14], [sflag:$0x2] =	stream.indirect.gather [hbm4b:s3+s11], $0x40, s11, s11, $0xb8;
	[tilespmem:$0x6100] =	vst v63  }
0x20: {  	_ =	swait.ge [sflag:s15], $0x2000  }
0x21: {  	s23 =	sshll.u32 s19, $0x9;
	[sflag:s15] =	ssyncset.done $0x0  }
0x22: {  	v0 =	vmov s23;
	s22 =	simm.s32 $0x140;
	[sflag:s15] =	ssyncadd.s32 $0xFFFFE000  }
.LBB2_3:
0x23: {  	s23 =	sshll.u32 s21, $0xD  }
0x24: {  	v7 =	vmov s22;
	s23 =	sshra.s32 s23, $0x2  }
0x25: {  	v5 =	vld [tilespmem:s23+$0x100]  }
0x26: {  	v4 =	vld [tilespmem:s23+$0x110]  }
0x27: {  	v3 =	vld [tilespmem:s23+$0x120]  }
0x28: {  	s24 =	simm.s32 $0x0;
	v1 =	vld [tilespmem:s23+$0x130]  }
0x29: {  	v2 =	vld.idx.msk [tilespmem:v7+s24+$0x30 ss:$0x1], $0xffff  }
0x2a: {  	v9 =	vld.idx.msk [tilespmem:v7+s24+$0x0 ss:$0x1], $0xffff  }
0x2b: {  	v8 =	vld.idx.msk [tilespmem:v7+s24+$0x10 ss:$0x1], $0xffff  }
0x2c: {  	s23 =	simm.s32 $0x100;
	v6 =	vld.idx.msk [tilespmem:v7+s24+$0x20 ss:$0x1], $0xffff  }
.LBB2_4:
0x2d: {  	p0 =	sne.s32 s23, $0x1E00  }
.Ltmp0:
0x2e: {  	s24 =	sshra.s32 s23, $0x2;
	s23 =	sadd.s32 $0x100, s23;
	(pc) =	sbr.rel @p0 .LBB2_4-.Ltmp0, $4  }
0x2f: {  	v1 =	vmax.f32 v1, v2;
	v2 =	vld.idx.msk [tilespmem:v7+s24+$0x30 ss:$0x1], $0xffff  }
0x30: {  	v5 =	vmax.f32 v5, v9;
	v9 =	vld.idx.msk [tilespmem:v7+s24+$0x0 ss:$0x1], $0xffff  }
0x31: {  	v4 =	vmax.f32 v4, v8;
	v8 =	vld.idx.msk [tilespmem:v7+s24+$0x10 ss:$0x1], $0xffff  }
0x32: {  	v3 =	vmax.f32 v3, v6;
	v6 =	vld.idx.msk [tilespmem:v7+s24+$0x20 ss:$0x1], $0xffff  }
0x33: {  	_ =	sdelay $0x2  }
0x34: {  	s23 =	sshll.u32 s21, $0x6  }
0x35: {  	v7 =	vld.idx.msk [tilespmem:v0+s23+$0x4100 ss:$0x1], $0xffff;
	_ =	sdelay $0x3  }
0x36: {  	v5 =	vmax.f32 v5, v9  }
0x37: {  	v5 =	vadd.f32 v7, v5;
	_ =	sdelay $0x1  }
0x38: {  	v5 =	vmax.f32 v5, $0.0e+00  }
0x39: {  	[tilespmem:v0+s23+$0x5100 ss:$0x1] =	vst.idx.msk $0xffff, v5  }
0x3a: {  	v5 =	vld.idx.msk [tilespmem:v0+s23+$0x4110 ss:$0x1], $0xffff;
	_ =	sdelay $0x3  }
0x3b: {  	v4 =	vmax.f32 v4, v8  }
0x3c: {  	v4 =	vadd.f32 v5, v4;
	_ =	sdelay $0x1  }
0x3d: {  	v4 =	vmax.f32 v4, $0.0e+00  }
0x3e: {  	[tilespmem:v0+s23+$0x5110 ss:$0x1] =	vst.idx.msk $0xffff, v4  }
0x3f: {  	v4 =	vld.idx.msk [tilespmem:v0+s23+$0x4120 ss:$0x1], $0xffff;
	_ =	sdelay $0x3  }
0x40: {  	v3 =	vmax.f32 v3, v6  }
0x41: {  	v3 =	vadd.f32 v4, v3;
	_ =	sdelay $0x1  }
0x42: {  	v3 =	vmax.f32 v3, $0.0e+00  }
0x43: {  	[tilespmem:v0+s23+$0x5120 ss:$0x1] =	vst.idx.msk $0xffff, v3  }
0x44: {  	v3 =	vld.idx.msk [tilespmem:v0+s23+$0x4130 ss:$0x1], $0xffff;
	_ =	sdelay $0x1  }
0x45: {  	s21 =	sadd.s32 $0x1, s21  }
0x46: {  	p0 =	sne.s32 s21, $0x4  }
.Ltmp1:
0x47: {  	v1 =	vmax.f32 v1, v2;
	(pc) =	sbr.rel @p0 .LBB2_3-.Ltmp1, $3  }
0x48: {  	v1 =	vadd.f32 v3, v1;
	_ =	sdelay $0x1  }
0x49: {  	v1 =	vmax.f32 v1, $0.0e+00  }
0x4a: {  	s22 =	sadd.s32 $0x800, s22;
	[tilespmem:v0+s23+$0x5130 ss:$0x1] =	vst.idx.msk $0xffff, v1  }
0x4b: {  	p0 =	seq.s32 s19, $0x7  }
0x4c: {  	s21 =	sshll.u32 @!p0 s19, $0x5  }
0x4d: {  	s22 =	simm.s32 @!p0 $0x0;
	s21 =	sadd.s32 @!p0 s21, s6  }
0x4e: {  	[tilespmem:s22], [sflag:$0x4] =	stream.linear.gather @!p0 [hbm4b:s21+s22], $0x80, $0x38;
	[tilespmem:$0x6100] =	vst v63  }
0x4f: {  	s21 =	simm.s32 @!p0 $0x4  }
0x50: {  	_ =	swait.ge @!p0 [sflag:s21], $0x80  }
0x51: {  	[sflag:s21] =	ssyncset.done @!p0 $0x0  }
0x52: {  	s23 =	simm.s32 @!p0 $0x100;
	[sflag:s21] =	ssyncadd.s32 @!p0 $0xFFFFFF80;
	s21 =	simm.s32 @!p0 $0x80  }
0x53: {  	[tilespmem:s23], [sflag:$0x1] =	stream.indirect.gather @!p0 [hbm4b:s3+s21], $0x40, s22, s21, $0xb8;
	[tilespmem:$0x6100] =	vst v63  }
0x54: {  	_ =	swait.ge [sflag:s16], $0x2000  }
0x55: {  	[sflag:s16] =	ssyncset.done $0x0  }
0x56: {  	s21 =	simm.s32 $0x0;
	s22 =	simm.s32 $0x2140;
	[sflag:s16] =	ssyncadd.s32 $0xFFFFE000  }
.LBB2_7:
0x57: {  	s23 =	sshll.u32 s21, $0xD  }
0x58: {  	v5 =	vmov s22;
	s23 =	sshra.s32 s23, $0x2  }
0x59: {  	v2 =	vld [tilespmem:s23+$0x2100]  }
0x5a: {  	v3 =	vld [tilespmem:s23+$0x2110]  }
0x5b: {  	v1 =	vld [tilespmem:s23+$0x2120]  }
0x5c: {  	s24 =	simm.s32 $0x0;
	v0 =	vld [tilespmem:s23+$0x2130]  }
0x5d: {  	v4 =	vld.idx.msk [tilespmem:v5+s24+$0x30 ss:$0x1], $0xffff  }
0x5e: {  	v6 =	vld.idx.msk [tilespmem:v5+s24+$0x0 ss:$0x1], $0xffff  }
0x5f: {  	v7 =	vld.idx.msk [tilespmem:v5+s24+$0x10 ss:$0x1], $0xffff  }
0x60: {  	s23 =	simm.s32 $0x100;
	v8 =	vld.idx.msk [tilespmem:v5+s24+$0x20 ss:$0x1], $0xffff  }
.LBB2_8:
0x61: {  	p0 =	sne.s32 s23, $0x1E00  }
.Ltmp2:
0x62: {  	s24 =	sshra.s32 s23, $0x2;
	s23 =	sadd.s32 $0x100, s23;
	(pc) =	sbr.rel @p0 .LBB2_8-.Ltmp2, $4  }
0x63: {  	v0 =	vmax.f32 v0, v4;
	v4 =	vld.idx.msk [tilespmem:v5+s24+$0x30 ss:$0x1], $0xffff  }
0x64: {  	v2 =	vmax.f32 v2, v6;
	v6 =	vld.idx.msk [tilespmem:v5+s24+$0x0 ss:$0x1], $0xffff  }
0x65: {  	v3 =	vmax.f32 v3, v7;
	v7 =	vld.idx.msk [tilespmem:v5+s24+$0x10 ss:$0x1], $0xffff  }
0x66: {  	v1 =	vmax.f32 v1, v8;
	v8 =	vld.idx.msk [tilespmem:v5+s24+$0x20 ss:$0x1], $0xffff  }
0x67: {  	s23 =	sor.u32 s20, s21  }
0x68: {  	s23 =	sshll.u32 s23, $0x6  }
0x69: {  	v5 =	vld [tilespmem:s23+$0x4100]  }
0x6a: {  	v9 =	vld [tilespmem:s23+$0x4110]  }
0x6b: {  	v10 =	vld [tilespmem:s23+$0x4120]  }
0x6c: {  	v11 =	vld [tilespmem:s23+$0x4130]  }
0x6d: {  	v2 =	vmax.f32 v2, v6  }
0x6e: {  	s21 =	sadd.s32 $0x1, s21;
	v3 =	vmax.f32 v3, v7;
	v2 =	vadd.f32 v5, v2  }
0x6f: {  	p0 =	sne.s32 s21, $0x4;
	v1 =	vmax.f32 v1, v8;
	v3 =	vadd.f32 v9, v3  }
.Ltmp3:
0x70: {  	v0 =	vmax.f32 v0, v4;
	v1 =	vadd.f32 v10, v1;
	v2 =	vmax.f32 v2, $0.0e+00;
	(pc) =	sbr.rel @p0 .LBB2_7-.Ltmp3, $4  }
0x71: {  	v0 =	vadd.f32 v11, v0;
	v63 =	vmax.f32 v3, $0.0e+00;
	[tilespmem:s23+$0x5100] =	vst v2  }
0x72: {  	v1 =	vmax.f32 v1, $0.0e+00;
	[tilespmem:s23+$0x5110] =	vst v63  }
0x73: {  	v0 =	vmax.f32 v0, $0.0e+00;
	[tilespmem:s23+$0x5120] =	vst v1  }
0x74: {  	s22 =	sadd.s32 $0x800, s22;
	[tilespmem:s23+$0x5130] =	vst v0  }
0x75: {  	s19 =	sadd.s32 $0x1, s19  }
0x76: {  	p0 =	sne.s32 s19, $0x8  }
.Ltmp4:
0x77: {  	_ = 	snop;
	(pc) =	sbr.rel @p0 .LBB2_2-.Ltmp4, $1  }
0x78: {  	_ =	sdelay $0x3  }
0x79: {  	s18 =	sadd.s32 $0x1, s18  }
0x7a: {  	p0 =	sne.s32 s18, s8  }
.Ltmp5:
0x7b: {  	_ = 	snop;
	(pc) =	sbr.rel @p0 .LBB2_1-.Ltmp5, $4  }
0x7c: {  	[hbm4b:s7+s2] =	stream.linear.scatter [tilespmem:s17], [sflag:$0x4], $0x1000, $0x38;
	[tilespmem:$0x6100] =	vst v63  }
0x7d: {  	_ =	swait.ge [sflag:s10], $0x1000  }
0x7e: {  	[sflag:s10] =	ssyncset.done $0x0  }
0x7f: {  	[sflag:s10] =	ssyncadd.s32 $0xFFFFF000  }
0x80: {  	_ =	sfence.sel $0x180000  }
0x81: {  	[bflag:$0x0] =	sbarrier.arrive $0xFFFF  }
0x82: {  	p0 =	sne.s32 s1, $0x0;
	_ =	strace $0x90000050  }
0x83: {  	s0 =	sadd.s32 @!p0 $0x100000, s0;
	[bflag:$0x2] =	sbarrier.arrive $0xFFFF  }
0x84: {  	[sflag:s0] =	ssyncadd.tile.s32 @!p0 $0x1;
	_ =	shalt  }
.Lfunc_end2:
_tile_overlayer_lowered:
.L_overlay_start_2:
0x85: {  	(tag) =	ssettag $0x2  }
0x86: {  	s0 =	rddreg [dreg:$0x0];
	s2 =	stileid.u32  }
0x87: {  	s1 =	rddreg [dreg:$0x1];
	p0 =	sne.s32 s2, $0x0  }
0x88: {  	s3 =	rddreg [dreg:$0x2];
	[bflag:$0x3] =	sbarrier.arrive $0xFFFF;
	s2 =	simm.s32 @!p0 $0x1C04  }
0x89: {  	[timem:s3], [sflag:s2] =	dma.local @!p0 [hbm:s0], s1  }
0x8a: {  	s0 =	simm.s32 @!p0 $0x4  }
0x8b: {  	_ =	swait.ge @!p0 [sflag:s0], s1  }
0x8c: {  	s1 =	ssub.s32 @!p0 $0x0, s1;
	[sflag:s0] =	ssyncset.done @!p0 $0x0  }
0x8d: {  	[sflag:s0] =	ssyncadd.s32 @!p0 s1  }
0x8e: {  	[bflag:$0x3] =	sbarrier.arrive $0xFFFF  }
0x8f: {  	_ =	shalt  }

// kernel: kernel.30.cloned.1.call-start
scs
__scs_entry_jumppad:
0x0: {  	(pc) =	sbr.rel $0x88, $3  }
0x1: {  	(tag) =	ssettag $0x0;
	lr =	simm.s32 $0x1  }
0x2: {  	[smem:$0x3F92] =	sst lr;
	_ =	strace $0xD0000000  }
0x3: {  	_ = 	snop  }
0x4: {  	_ = 	snop  }
0x5: {  	_ = 	snop  }
0x6: {  	_ = 	snop  }
0x7: {  	_ = 	snop  }
__scs_overlays_trampoline_lowered:
0x8: {  	[smem:$0x3FA1] =	sst s0  }
0x9: {  	[smem:$0x3FA2] =	sst s1  }
0xa: {  	[smem:$0x3FA3] =	sst s2  }
0xb: {  	[smem:$0x3FA4] =	sst s3  }
0xc: {  	[smem:$0x3FA5] =	sst s4  }
0xd: {  	[smem:$0x3FA6] =	sst s5  }
0xe: {  	[smem:$0x3FA7] =	sst s6  }
0xf: {  	[smem:$0x3FA8] =	sst s7  }
0x10: {  	[smem:$0x3FA9] =	sst s8  }
0x11: {  	[smem:$0x3FAA] =	sst s9;
	s0 =	simm.s32 @!p0 $0x0  }
0x12: {  	s1 =	sld [smem:$0x3F90];
	s0 =	simm.s32 @p0 $0x1  }
0x13: {  	[smem:$0x3FAB] =	sst s0;
	s0 =	simm.s32 @!p1 $0x0  }
0x14: {  	s2 =	sld [smem:$0x3F8F];
	s0 =	simm.s32 @p1 $0x1  }
0x15: {  	[smem:$0x3FAC] =	sst s0;
	s0 =	simm.s32 @!p2 $0x0  }
0x16: {  	s3 =	sld [smem:$0x3FDB];
	s0 =	simm.s32 @p2 $0x1  }
0x17: {  	s4 =	simm.s32 $0x1BF5;
	[smem:$0x3FAE] =	sst s0  }
0x18: {  	s0 =	sld [smem:$0x3F91];
	_ =	swait.ge [sflag:s4], $0x0  }
0x19: {  	s7 =	sld [smem:$0x3F92]  }
0x1a: {  	s8 =	sadd.s32 $0xFFFFE003, lr  }
0x1b: {  	s9 =	sadd.s32 $0xFFFFFEF7, lr;
	s5 =	simm.s32 $0xFFFFFFFF;
	p2 =	slt.u32 s8, $0xFFFFF086  }
0x1c: {  	p1 =	slt.u32 s9, $0xF7A;
	s5 =	simm.s32 @!p2 $0x0  }
0x1d: {  	s5 =	simm.s32 @p1 $0x1;
	p0 =	seq.s32 s7, s2  }
0x1e: {  	s7 =	smul.u32 @!p0 $0xF7A, s2;
	p2 =	seq.s32 @!p0 s5, $0x0  }
0x1f: {  	s9 =	smul.u32 $0xF7A, s1;
	s8 =	simm.s32 @!p0 $0x1BF5;
	p2 =	por !p2, p0  }
0x20: {  	[sflag:s8] =	ssyncset.s32 @!p0 $0xFFFFF086;
	s6 =	sadd.s32 @!p0 s3, s7;
	s7 =	simm.s32 @!p0 $0x108  }
0x21: {  	s3 =	sadd.s32 s3, s9;
	s6 =	sadd.s32 @!p0 $0x88, s6;
	s7 =	simm.s32 @p2 $0x1082  }
0x22: {  	[simem:s7], [sflag:s8] =	dma.local @!p0 [hbm:s6], $0xF7A  }
0x23: {  	s9 =	sor.u32 $0xD0000000, s2;
	s6 =	simm.s32 $0x108;
	_ =	swait.ge @!p0 [sflag:s8], $0x0  }
0x24: {  	s3 =	sadd.s32 $0x88, s3;
	s6 =	simm.s32 @!p1 $0x1082;
	[sflag:s4] =	ssyncset.s32 $0xFFFFF086  }
0x25: {  	[simem:s6], [sflag:s4] =	dma.local [hbm:s3], $0xF7A  }
0x26: {  	[smem:$0x3F92] =	sst s1;
	(tag) =	ssettag s2;
	_ =	strace s9  }
0x27: {  	s1 =	sld [smem:$0x3FA2]  }
0x28: {  	s2 =	sld [smem:$0x3FA3]  }
0x29: {  	s4 =	sld [smem:$0x3FA5]  }
0x2a: {  	p0 =	seq.s32 s5, $0x0;
	s5 =	sld [smem:$0x3FA6]  }
0x2b: {  	s6 =	sld [smem:$0x3FA7]  }
0x2c: {  	s7 =	sld [smem:$0x3FA8]  }
0x2d: {  	s3 =	simm.s32 $0x108;
	s8 =	sld [smem:$0x3FA9]  }
0x2e: {  	s3 =	simm.s32 @!p0 $0x1082;
	s9 =	sld [smem:$0x3FAA]  }
0x2f: {  	lr =	sadd.s32 s0, s3;
	s0 =	sld [smem:$0x3FA1]  }
0x30: {  	s3 =	sld [smem:$0x3FA4]  }
0x31: {  	[smem:$0x3FAD] =	sst s10  }
0x32: {  	s10 =	sld [smem:$0x3FAB];
	_ =	sdelay $0x3  }
0x33: {  	p0 =	seq.s32 s10, $0x1;
	s10 =	sld [smem:$0x3FAD];
	_ =	sdelay $0x3  }
0x34: {  	[smem:$0x3FAD] =	sst s10  }
0x35: {  	s10 =	sld [smem:$0x3FAC];
	_ =	sdelay $0x3  }
0x36: {  	p1 =	seq.s32 s10, $0x1;
	s10 =	sld [smem:$0x3FAD];
	_ =	sdelay $0x3  }
0x37: {  	[smem:$0x3FAD] =	sst s10  }
0x38: {  	s10 =	sld [smem:$0x3FAE]  }
0x39: {  	_ = 	snop;
	(pc) =	sbr.ind lr, $3  }
0x3a: {  	_ = 	snop  }
0x3b: {  	_ = 	snop  }
0x3c: {  	p2 =	seq.s32 s10, $0x1;
	s10 =	sld [smem:$0x3FAD]  }
0x3d: {  	_ =	shalt  }
0x3e: {  	_ =	shalt  }
0x3f: {  	_ =	shalt  }
0x40: {  	_ =	shalt  }
0x41: {  	_ =	shalt  }
0x42: {  	_ =	shalt  }
0x43: {  	_ =	shalt  }
0x44: {  	_ =	shalt  }
0x45: {  	_ =	shalt  }
0x46: {  	_ =	shalt  }
0x47: {  	_ =	shalt  }
0x48: {  	_ =	shalt  }
0x49: {  	_ =	shalt  }
0x4a: {  	_ =	shalt  }
0x4b: {  	_ =	shalt  }
0x4c: {  	_ =	shalt  }
0x4d: {  	_ =	shalt  }
0x4e: {  	_ =	shalt  }
0x4f: {  	_ =	shalt  }
0x50: {  	_ =	shalt  }
0x51: {  	_ =	shalt  }
0x52: {  	_ =	shalt  }
0x53: {  	_ =	shalt  }
0x54: {  	_ =	shalt  }
0x55: {  	_ =	shalt  }
0x56: {  	_ =	shalt  }
0x57: {  	_ =	shalt  }
0x58: {  	_ =	shalt  }
0x59: {  	_ =	shalt  }
0x5a: {  	_ =	shalt  }
0x5b: {  	_ =	shalt  }
0x5c: {  	_ =	shalt  }
0x5d: {  	_ =	shalt  }
0x5e: {  	_ =	shalt  }
0x5f: {  	_ =	shalt  }
0x60: {  	_ =	shalt  }
0x61: {  	_ =	shalt  }
0x62: {  	_ =	shalt  }
0x63: {  	_ =	shalt  }
0x64: {  	_ =	shalt  }
0x65: {  	_ =	shalt  }
0x66: {  	_ =	shalt  }
0x67: {  	_ =	shalt  }
0x68: {  	_ =	shalt  }
0x69: {  	_ =	shalt  }
0x6a: {  	_ =	shalt  }
0x6b: {  	_ =	shalt  }
0x6c: {  	_ =	shalt  }
0x6d: {  	_ =	shalt  }
0x6e: {  	_ =	shalt  }
0x6f: {  	_ =	shalt  }
0x70: {  	_ =	shalt  }
0x71: {  	_ =	shalt  }
0x72: {  	_ =	shalt  }
0x73: {  	_ =	shalt  }
0x74: {  	_ =	shalt  }
0x75: {  	_ =	shalt  }
0x76: {  	_ =	shalt  }
0x77: {  	_ =	shalt  }
0x78: {  	_ =	shalt  }
0x79: {  	_ =	shalt  }
0x7a: {  	_ =	shalt  }
0x7b: {  	_ =	shalt  }
0x7c: {  	_ =	shalt  }
0x7d: {  	_ =	shalt  }
0x7e: {  	_ =	shalt  }
0x7f: {  	_ =	shalt  }
0x80: {  	_ =	shalt  }
0x81: {  	_ =	shalt  }
0x82: {  	_ =	shalt  }
0x83: {  	_ =	shalt  }
0x84: {  	_ =	shalt  }
0x85: {  	_ =	shalt  }
0x86: {  	_ =	shalt  }
0x87: {  	_ =	shalt  }
.Lfunc_end0:
.L_simem_size_0:
called_computation.4_lowered:
.L_overlay_start_0:
0x88: {  	s2 =	sld [smem:$0x3FD9]  }
0x89: {  	s3 =	sld [smem:$0x3FFE];
	_ =	sdelay $0x1  }
0x8a: {  	s1 =	srdreg.scid  }
0x8b: {  	s0 =	sand.u32 $0x1, s1  }
0x8c: {  	s17 =	sshll.u32 s0, $0xA;
	s2 =	sadd.s32 s3, s2  }
0x8d: {  	s2 =	sadd.s32 s2, s17  }
0x8e: {  	[smem:$0x3FB9] =	sst s2  }
0x8f: {  	_ = 	snop  }
0x90: {  	(tm) =	ssettm $0x1  }
0x91: {  	s18 =	sld [smem:$0x3FFB];
	_ =	sdelay $0x3  }
0x92: {  	_ =	strace s18  }
0x93: {  	s2 =	sld [smem:$0x3FFC];
	_ =	sdelay $0x3  }
0x94: {  	_ =	strace s2  }
0x95: {  	s2 =	sld [smem:$0x3FFD];
	_ =	sdelay $0x3  }
0x96: {  	_ =	strace s2  }
0x97: {  	_ =	strace $0x8FFFFFFF  }
0x98: {  	s19 =	sld [smem:$0x3FDB];
	_ =	sdelay $0x1  }
0x99: {  	s20 =	simm.s32 $_scs_section_size  }
0x9a: {  	s4 =	simm.s32 $_size__tile_overlayer_lowered;
	s5 =	simm.s32 $_tile_overlayer_lowered  }
0x9b: {  	s6 =	simm.s32 $0x1BFF;
	s21 =	sshll.u32 s5, $0x1;
	s3 =	sadd.s32 s20, s19  }
0x9c: {  	s22 =	simm.s32 $0x0;
	s4 =	sshll.u32 s4, $0x1;
	s5 =	sadd.s32 s21, s3  }
0x9d: {  	[timem:s22], [sflag:s6] =	dma.local [hbm:s5], s4  }
0x9e: {  	_ =	swait.ge [sflag:s6], s4  }
0x9f: {  	s4 =	ssub.s32 $0x0, s4;
	[sflag:s6] =	ssyncset.done $0x0  }
0xa0: {  	[sflag:s6] =	ssyncadd.s32 s4;
	_ =	sdelay $0x1  }
0xa1: {  	s23 =	simm.s32 $0x1B8B  }
0xa2: {  	_ =	swait.ge [sflag:s23], $0x1  }
0xa3: {  	[sflag:s23] =	ssyncset.done $0x0  }
0xa4: {  	[sflag:s23] =	ssyncadd.s32 $0xFFFFFFFF  }
0xa5: {  	s4 =	sld [smem:$0x0]  }
0xa6: {  	s5 =	sand.u32 $0xFFFFFFFE, s1  }
0xa7: {  	p0 =	sne.s32 s1, s5  }
0xa8: {  	s5 =	sshll.u32 @p0 s5, $0xE  }
0xa9: {  	s5 =	sadd.s32 @p0 $0x11B8D, s5;
	s6 =	sshll.u32 @p0 s4, $0x11  }
0xaa: {  	s5 =	sor.u32 @p0 s6, s5  }
0xab: {  	[sflag:s5] =	ssyncadd.remote.s32 @p0 $0x1;
	_ =	sdelay $0x1  }
0xac: {  	s5 =	simm.s32 @p0 $0x1B8D  }
0xad: {  	_ =	swait.eq @p0 [sflag:s5], $0x1  }
0xae: {  	[sflag:s5] =	ssyncadd.s32 @p0 $0xFFFFFFFF  }
0xaf: {  	s6 =	sshll.u32 @!p0 s1, $0xE  }
0xb0: {  	s6 =	sor.u32 @!p0 $0x4000, s6;
	s5 =	simm.s32 @!p0 $0x1B8D  }
0xb1: {  	s4 =	sshll.u32 @!p0 s4, $0x11;
	s6 =	sadd.s32 @!p0 $0x11B8D, s6;
	_ =	swait.eq @!p0 [sflag:s5], $0x1  }
0xb2: {  	s4 =	sor.u32 @!p0 s4, s6;
	[sflag:s5] =	ssyncadd.s32 @!p0 $0xFFFFFFFF  }
0xb3: {  	s25 =	simm.s32 $0x1B8E;
	s24 =	sld [smem:$0x3FFE];
	[sflag:s4] =	ssyncadd.remote.s32 @!p0 $0x1  }
0xb4: {  	s26 =	simm.s32 $execute0_lowered;
	[smem:$0x3FD2] =	sst s25  }
0xb5: {  	s5 =	sshll.u32 s26, $0x1;
	_ =	strace $0x80000055;
	[dreg:$0x1] =	wrdreg $0xFFFFFFFF  }
0xb6: {  	s28 =	simm.s32 $_size_execute0_lowered;
	s3 =	sadd.s32 s3, s5;
	[dreg:$0x0] =	wrdreg $0x0  }
0xb7: {  	s5 =	sshll.u32 s28, $0x1;
	[dreg:$0x2] =	wrdreg s3  }
0xb8: {  	[dreg:$0x3] =	wrdreg s5  }
0xb9: {  	[dreg:$0x4] =	wrdreg $0xC0  }
0xba: {  	_ =	task [dreg:s22], $0x5FFFF  }
0xbb: {  	[dreg:$0x1] =	wrdreg $0xFFFFFFFF  }
0xbc: {  	[dreg:$0x0] =	wrdreg $0x60  }
0xbd: {  	[dreg:$0x2] =	wrdreg s24  }
0xbe: {  	[dreg:$0x3] =	wrdreg $0x9  }
0xbf: {  	_ =	task.clear_ibuf [dreg:s22], $0x4FFFF;
	_ =	strace $0x90000055  }
0xc0: {  	s29 =	simm.s32 $0x9;
	_ =	strace $0x80000057  }
0xc1: {  	_ =	swait.ge [sflag:s29], $0x1  }
0xc2: {  	[sflag:s29] =	ssyncadd.s32 $0xFFFFFFFF  }
0xc3: {  	_ =	strace $0x90000057  }
0xc4: {  	_ =	sfence  }
0xc5: {  	s30 =	sld [smem:$0x0];
	_ =	sdelay $0x2  }
0xc6: {  	s31 =	sshll.u32 s1, $0xD;
	s1 =	sshrl.u32 s1, $0x2  }
0xc7: {  	s4 =	sand.u32 $0x4000, s31;
	s1 =	sadd.s32 s1, s30  }
0xc8: {  	s0 =	sor.u32 s4, s0;
	s1 =	sshll.u32 s1, $0x11  }
0xc9: {  	s0 =	sor.u32 s1, s0  }
0xca: {  	s0 =	sadd.s32 $0x8F2B, s0  }
0xcb: {  	[sflag:s0] =	ssyncadd.remote.s32 $0x1  }
0xcc: {  	_ =	sfence.sel $0xFFFF  }
0xcd: {  	[dreg:$0x0] =	wrdreg $0xFFFFFFFF;
	(pc) =	sbr.abs _section_cstart, $3  }
0xce: {  	[dreg:$0x1] =	wrdreg $0xFFFFFFFF  }
0xcf: {  	_ =	task.clear_ibuf [dreg:s22], $0x2FFFF;
	_ =	strace $0x9FFFFFFF  }
0xd0: {  	(tm) =	ssettm $0x7FFFFFFF  }
0xd1: {  	_ =	shalt  }
tec
execute0_lowered:
.L_overlay_start_1:
0x0: {  	(tag) =	ssettag $0x1  }
0x1: {  	s4 =	rddreg [dreg:$0x0]  }
0x2: {  	s0 =	rddreg [dreg:$0x1];
	s2 =	simm.s32 $0x0  }
0x3: {  	s3 =	srdreg.scid;
	s1 =	stileid.u32;
	s10 =	simm.s32 $0x4  }
0x4: {  	s11 =	simm.s32 $0x80;
	s12 =	simm.s32 $0x100;
	s13 =	simm.s32 $0x3  }
0x5: {  	s14 =	simm.s32 $0x2100;
	s15 =	simm.s32 $0x1;
	s16 =	simm.s32 $0x2  }
0x6: {  	s17 =	simm.s32 $0x5100;
	s18 =	simm.s32 $0x0;
	[smem:$0x7FF] =	sst s2  }
0x7: {  	s5 =	sand.u32 $0x1, s3;
	s6 =	sshll.u32 s1, $0x1;
	s3 =	sadd.s32 $0x6600, s4  }
0x8: {  	_ =	strace $0x80000056;
	s6 =	sor.u32 s5, s6;
	s5 =	ssub.s32 $0x2, s5  }
0x9: {  	s7 =	sshll.u32 s6, $0x8;
	s6 =	sshll.u32 s6, $0x9;
	s8 =	sshrl.u32 s5, $0x1  }
0xa: {  	s7 =	sadd.s32 s7, s4;
	s9 =	sadd.s32 s6, s4;
	s8 =	ssub.s32 s5, s8  }
0xb: {  	s4 =	sadd.s32 $0x14600, s9;
	s5 =	sadd.s32 $0x12600, s7;
	s6 =	sadd.s32 $0x12620, s7  }
0xc: {  	s7 =	sadd.s32 $0x18600, s9;
	s8 =	smax.u32 s8, $0x1;
	s9 =	simm.s32 $0x4100  }
.LBB2_1:
0xd: {  	[tilespmem:s9], [sflag:$0x3] =	stream.linear.gather [hbm4b:s4+s2], $0x1000, $0x38;
	[tilespmem:$0x6100] =	vst v63  }
0xe: {  	_ = 	snop  }
0xf: {  	[tilespmem:s2], [sflag:$0x4] =	stream.linear.gather [hbm4b:s5+s2], $0x80, $0x38;
	[tilespmem:$0x6100] =	vst v63  }
0x10: {  	_ =	swait.ge [sflag:s10], $0x80  }
0x11: {  	[sflag:s10] =	ssyncset.done $0x0  }
0x12: {  	[sflag:s10] =	ssyncadd.s32 $0xFFFFFF80  }
0x13: {  	[tilespmem:s12], [sflag:$0x1] =	stream.indirect.gather [hbm4b:s3+s11], $0x40, s2, s11, $0xb8;
	[tilespmem:$0x6100] =	vst v63  }
0x14: {  	_ =	swait.ge [sflag:s13], $0x1000  }
0x15: {  	[sflag:s13] =	ssyncset.done $0x0  }
0x16: {  	s19 =	simm.s32 $0x0;
	[sflag:s13] =	ssyncadd.s32 $0xFFFFF000  }
.LBB2_2:
0x17: {  	s20 =	sshll.u32 s19, $0x3  }
0x18: {  	s20 =	sor.u32 $0x4, s20  }
0x19: {  	s21 =	sshll.u32 s20, $0x2  }
0x1a: {  	s22 =	sadd.s32 s21, s5;
	s21 =	simm.s32 $0x0  }
0x1b: {  	[tilespmem:s11], [sflag:$0x4] =	stream.linear.gather [hbm4b:s22+s21], $0x80, $0x38;
	[tilespmem:$0x6100] =	vst v63  }
0x1c: {  	_ =	swait.ge [sflag:s10], $0x80  }
0x1d: {  	[sflag:s10] =	ssyncset.done $0x0  }
0x1e: {  	[sflag:s10] =	ssyncadd.s32 $0xFFFFFF80  }
0x1f: {  	[tilespmem:s14], [sflag:$0x2] =	stream.indirect.gather [hbm4b:s3+s11], $0x40, s11, s11, $0xb8;
	[tilespmem:$0x6100] =	vst v63  }
0x20: {  	_ =	swait.ge [sflag:s15], $0x2000  }
0x21: {  	s23 =	sshll.u32 s19, $0x9;
	[sflag:s15] =	ssyncset.done $0x0  }
0x22: {  	v0 =	vmov s23;
	s22 =	simm.s32 $0x140;
	[sflag:s15] =	ssyncadd.s32 $0xFFFFE000  }
.LBB2_3:
0x23: {  	s23 =	sshll.u32 s21, $0xD  }
0x24: {  	v7 =	vmov s22;
	s23 =	sshra.s32 s23, $0x2  }
0x25: {  	v5 =	vld [tilespmem:s23+$0x100]  }
0x26: {  	v4 =	vld [tilespmem:s23+$0x110]  }
0x27: {  	v3 =	vld [tilespmem:s23+$0x120]  }
0x28: {  	s24 =	simm.s32 $0x0;
	v1 =	vld [tilespmem:s23+$0x130]  }
0x29: {  	v2 =	vld.idx.msk [tilespmem:v7+s24+$0x30 ss:$0x1], $0xffff  }
0x2a: {  	v9 =	vld.idx.msk [tilespmem:v7+s24+$0x0 ss:$0x1], $0xffff  }
0x2b: {  	v8 =	vld.idx.msk [tilespmem:v7+s24+$0x10 ss:$0x1], $0xffff  }
0x2c: {  	s23 =	simm.s32 $0x100;
	v6 =	vld.idx.msk [tilespmem:v7+s24+$0x20 ss:$0x1], $0xffff  }
.LBB2_4:
0x2d: {  	p0 =	sne.s32 s23, $0x1E00  }
.Ltmp0:
0x2e: {  	s24 =	sshra.s32 s23, $0x2;
	s23 =	sadd.s32 $0x100, s23;
	(pc) =	sbr.rel @p0 .LBB2_4-.Ltmp0, $4  }
0x2f: {  	v1 =	vmax.f32 v1, v2;
	v2 =	vld.idx.msk [tilespmem:v7+s24+$0x30 ss:$0x1], $0xffff  }
0x30: {  	v5 =	vmax.f32 v5, v9;
	v9 =	vld.idx.msk [tilespmem:v7+s24+$0x0 ss:$0x1], $0xffff  }
0x31: {  	v4 =	vmax.f32 v4, v8;
	v8 =	vld.idx.msk [tilespmem:v7+s24+$0x10 ss:$0x1], $0xffff  }
0x32: {  	v3 =	vmax.f32 v3, v6;
	v6 =	vld.idx.msk [tilespmem:v7+s24+$0x20 ss:$0x1], $0xffff  }
0x33: {  	_ =	sdelay $0x2  }
0x34: {  	s23 =	sshll.u32 s21, $0x6  }
0x35: {  	v7 =	vld.idx.msk [tilespmem:v0+s23+$0x4100 ss:$0x1], $0xffff;
	_ =	sdelay $0x3  }
0x36: {  	v5 =	vmax.f32 v5, v9  }
0x37: {  	v5 =	vadd.f32 v7, v5;
	_ =	sdelay $0x1  }
0x38: {  	v5 =	vmax.f32 v5, $0.0e+00  }
0x39: {  	[tilespmem:v0+s23+$0x5100 ss:$0x1] =	vst.idx.msk $0xffff, v5  }
0x3a: {  	v5 =	vld.idx.msk [tilespmem:v0+s23+$0x4110 ss:$0x1], $0xffff;
	_ =	sdelay $0x3  }
0x3b: {  	v4 =	vmax.f32 v4, v8  }
0x3c: {  	v4 =	vadd.f32 v5, v4;
	_ =	sdelay $0x1  }
0x3d: {  	v4 =	vmax.f32 v4, $0.0e+00  }
0x3e: {  	[tilespmem:v0+s23+$0x5110 ss:$0x1] =	vst.idx.msk $0xffff, v4  }
0x3f: {  	v4 =	vld.idx.msk [tilespmem:v0+s23+$0x4120 ss:$0x1], $0xffff;
	_ =	sdelay $0x3  }
0x40: {  	v3 =	vmax.f32 v3, v6  }
0x41: {  	v3 =	vadd.f32 v4, v3;
	_ =	sdelay $0x1  }
0x42: {  	v3 =	vmax.f32 v3, $0.0e+00  }
0x43: {  	[tilespmem:v0+s23+$0x5120 ss:$0x1] =	vst.idx.msk $0xffff, v3  }
0x44: {  	v3 =	vld.idx.msk [tilespmem:v0+s23+$0x4130 ss:$0x1], $0xffff;
	_ =	sdelay $0x1  }
0x45: {  	s21 =	sadd.s32 $0x1, s21  }
0x46: {  	p0 =	sne.s32 s21, $0x4  }
.Ltmp1:
0x47: {  	v1 =	vmax.f32 v1, v2;
	(pc) =	sbr.rel @p0 .LBB2_3-.Ltmp1, $3  }
0x48: {  	v1 =	vadd.f32 v3, v1;
	_ =	sdelay $0x1  }
0x49: {  	v1 =	vmax.f32 v1, $0.0e+00  }
0x4a: {  	s22 =	sadd.s32 $0x800, s22;
	[tilespmem:v0+s23+$0x5130 ss:$0x1] =	vst.idx.msk $0xffff, v1  }
0x4b: {  	p0 =	seq.s32 s19, $0x7  }
0x4c: {  	s21 =	sshll.u32 @!p0 s19, $0x5  }
0x4d: {  	s22 =	simm.s32 @!p0 $0x0;
	s21 =	sadd.s32 @!p0 s21, s6  }
0x4e: {  	[tilespmem:s22], [sflag:$0x4] =	stream.linear.gather @!p0 [hbm4b:s21+s22], $0x80, $0x38;
	[tilespmem:$0x6100] =	vst v63  }
0x4f: {  	s21 =	simm.s32 @!p0 $0x4  }
0x50: {  	_ =	swait.ge @!p0 [sflag:s21], $0x80  }
0x51: {  	[sflag:s21] =	ssyncset.done @!p0 $0x0  }
0x52: {  	s23 =	simm.s32 @!p0 $0x100;
	[sflag:s21] =	ssyncadd.s32 @!p0 $0xFFFFFF80;
	s21 =	simm.s32 @!p0 $0x80  }
0x53: {  	[tilespmem:s23], [sflag:$0x1] =	stream.indirect.gather @!p0 [hbm4b:s3+s21], $0x40, s22, s21, $0xb8;
	[tilespmem:$0x6100] =	vst v63  }
0x54: {  	_ =	swait.ge [sflag:s16], $0x2000  }
0x55: {  	[sflag:s16] =	ssyncset.done $0x0  }
0x56: {  	s21 =	simm.s32 $0x0;
	s22 =	simm.s32 $0x2140;
	[sflag:s16] =	ssyncadd.s32 $0xFFFFE000  }
.LBB2_7:
0x57: {  	s23 =	sshll.u32 s21, $0xD  }
0x58: {  	v5 =	vmov s22;
	s23 =	sshra.s32 s23, $0x2  }
0x59: {  	v2 =	vld [tilespmem:s23+$0x2100]  }
0x5a: {  	v3 =	vld [tilespmem:s23+$0x2110]  }
0x5b: {  	v1 =	vld [tilespmem:s23+$0x2120]  }
0x5c: {  	s24 =	simm.s32 $0x0;
	v0 =	vld [tilespmem:s23+$0x2130]  }
0x5d: {  	v4 =	vld.idx.msk [tilespmem:v5+s24+$0x30 ss:$0x1], $0xffff  }
0x5e: {  	v6 =	vld.idx.msk [tilespmem:v5+s24+$0x0 ss:$0x1], $0xffff  }
0x5f: {  	v7 =	vld.idx.msk [tilespmem:v5+s24+$0x10 ss:$0x1], $0xffff  }
0x60: {  	s23 =	simm.s32 $0x100;
	v8 =	vld.idx.msk [tilespmem:v5+s24+$0x20 ss:$0x1], $0xffff  }
.LBB2_8:
0x61: {  	p0 =	sne.s32 s23, $0x1E00  }
.Ltmp2:
0x62: {  	s24 =	sshra.s32 s23, $0x2;
	s23 =	sadd.s32 $0x100, s23;
	(pc) =	sbr.rel @p0 .LBB2_8-.Ltmp2, $4  }
0x63: {  	v0 =	vmax.f32 v0, v4;
	v4 =	vld.idx.msk [tilespmem:v5+s24+$0x30 ss:$0x1], $0xffff  }
0x64: {  	v2 =	vmax.f32 v2, v6;
	v6 =	vld.idx.msk [tilespmem:v5+s24+$0x0 ss:$0x1], $0xffff  }
0x65: {  	v3 =	vmax.f32 v3, v7;
	v7 =	vld.idx.msk [tilespmem:v5+s24+$0x10 ss:$0x1], $0xffff  }
0x66: {  	v1 =	vmax.f32 v1, v8;
	v8 =	vld.idx.msk [tilespmem:v5+s24+$0x20 ss:$0x1], $0xffff  }
0x67: {  	s23 =	sor.u32 s20, s21  }
0x68: {  	s23 =	sshll.u32 s23, $0x6  }
0x69: {  	v5 =	vld [tilespmem:s23+$0x4100]  }
0x6a: {  	v9 =	vld [tilespmem:s23+$0x4110]  }
0x6b: {  	v10 =	vld [tilespmem:s23+$0x4120]  }
0x6c: {  	v11 =	vld [tilespmem:s23+$0x4130]  }
0x6d: {  	v2 =	vmax.f32 v2, v6  }
0x6e: {  	s21 =	sadd.s32 $0x1, s21;
	v3 =	vmax.f32 v3, v7;
	v2 =	vadd.f32 v5, v2  }
0x6f: {  	p0 =	sne.s32 s21, $0x4;
	v1 =	vmax.f32 v1, v8;
	v3 =	vadd.f32 v9, v3  }
.Ltmp3:
0x70: {  	v0 =	vmax.f32 v0, v4;
	v1 =	vadd.f32 v10, v1;
	v2 =	vmax.f32 v2, $0.0e+00;
	(pc) =	sbr.rel @p0 .LBB2_7-.Ltmp3, $4  }
0x71: {  	v0 =	vadd.f32 v11, v0;
	v63 =	vmax.f32 v3, $0.0e+00;
	[tilespmem:s23+$0x5100] =	vst v2  }
0x72: {  	v1 =	vmax.f32 v1, $0.0e+00;
	[tilespmem:s23+$0x5110] =	vst v63  }
0x73: {  	v0 =	vmax.f32 v0, $0.0e+00;
	[tilespmem:s23+$0x5120] =	vst v1  }
0x74: {  	s22 =	sadd.s32 $0x800, s22;
	[tilespmem:s23+$0x5130] =	vst v0  }
0x75: {  	s19 =	sadd.s32 $0x1, s19  }
0x76: {  	p0 =	sne.s32 s19, $0x8  }
.Ltmp4:
0x77: {  	_ = 	snop;
	(pc) =	sbr.rel @p0 .LBB2_2-.Ltmp4, $1  }
0x78: {  	_ =	sdelay $0x3  }
0x79: {  	s18 =	sadd.s32 $0x1, s18  }
0x7a: {  	p0 =	sne.s32 s18, s8  }
.Ltmp5:
0x7b: {  	_ = 	snop;
	(pc) =	sbr.rel @p0 .LBB2_1-.Ltmp5, $4  }
0x7c: {  	[hbm4b:s7+s2] =	stream.linear.scatter [tilespmem:s17], [sflag:$0x4], $0x1000, $0x38;
	[tilespmem:$0x6100] =	vst v63  }
0x7d: {  	_ =	swait.ge [sflag:s10], $0x1000  }
0x7e: {  	[sflag:s10] =	ssyncset.done $0x0  }
0x7f: {  	[sflag:s10] =	ssyncadd.s32 $0xFFFFF000  }
0x80: {  	_ =	sfence.sel $0x180000  }
0x81: {  	[bflag:$0x0] =	sbarrier.arrive $0xFFFF  }
0x82: {  	p0 =	sne.s32 s1, $0x0;
	_ =	strace $0x90000056  }
0x83: {  	s0 =	sadd.s32 @!p0 $0x100000, s0;
	[bflag:$0x2] =	sbarrier.arrive $0xFFFF  }
0x84: {  	[sflag:s0] =	ssyncadd.tile.s32 @!p0 $0x1;
	_ =	shalt  }
.Lfunc_end2:
_tile_overlayer_lowered:
.L_overlay_start_2:
0x85: {  	(tag) =	ssettag $0x2  }
0x86: {  	s0 =	rddreg [dreg:$0x0];
	s2 =	stileid.u32  }
0x87: {  	s1 =	rddreg [dreg:$0x1];
	p0 =	sne.s32 s2, $0x0  }
0x88: {  	s3 =	rddreg [dreg:$0x2];
	[bflag:$0x3] =	sbarrier.arrive $0xFFFF;
	s2 =	simm.s32 @!p0 $0x1C04  }
0x89: {  	[timem:s3], [sflag:s2] =	dma.local @!p0 [hbm:s0], s1  }
0x8a: {  	s0 =	simm.s32 @!p0 $0x4  }
0x8b: {  	_ =	swait.ge @!p0 [sflag:s0], s1  }
0x8c: {  	s1 =	ssub.s32 @!p0 $0x0, s1;
	[sflag:s0] =	ssyncset.done @!p0 $0x0  }
0x8d: {  	[sflag:s0] =	ssyncadd.s32 @!p0 s1  }
0x8e: {  	[bflag:$0x3] =	sbarrier.arrive $0xFFFF  }
0x8f: {  	_ =	shalt  }

// kernel: kernel.33.cloned.1.call-start
scs
__scs_entry_jumppad:
0x0: {  	(pc) =	sbr.rel $0x88, $3  }
0x1: {  	(tag) =	ssettag $0x0;
	lr =	simm.s32 $0x1  }
0x2: {  	[smem:$0x3F92] =	sst lr;
	_ =	strace $0xD0000000  }
0x3: {  	_ = 	snop  }
0x4: {  	_ = 	snop  }
0x5: {  	_ = 	snop  }
0x6: {  	_ = 	snop  }
0x7: {  	_ = 	snop  }
__scs_overlays_trampoline_lowered:
0x8: {  	[smem:$0x3FA1] =	sst s0  }
0x9: {  	[smem:$0x3FA2] =	sst s1  }
0xa: {  	[smem:$0x3FA3] =	sst s2  }
0xb: {  	[smem:$0x3FA4] =	sst s3  }
0xc: {  	[smem:$0x3FA5] =	sst s4  }
0xd: {  	[smem:$0x3FA6] =	sst s5  }
0xe: {  	[smem:$0x3FA7] =	sst s6  }
0xf: {  	[smem:$0x3FA8] =	sst s7  }
0x10: {  	[smem:$0x3FA9] =	sst s8  }
0x11: {  	[smem:$0x3FAA] =	sst s9;
	s0 =	simm.s32 @!p0 $0x0  }
0x12: {  	s1 =	sld [smem:$0x3F90];
	s0 =	simm.s32 @p0 $0x1  }
0x13: {  	[smem:$0x3FAB] =	sst s0;
	s0 =	simm.s32 @!p1 $0x0  }
0x14: {  	s2 =	sld [smem:$0x3F8F];
	s0 =	simm.s32 @p1 $0x1  }
0x15: {  	[smem:$0x3FAC] =	sst s0;
	s0 =	simm.s32 @!p2 $0x0  }
0x16: {  	s3 =	sld [smem:$0x3FDB];
	s0 =	simm.s32 @p2 $0x1  }
0x17: {  	s4 =	simm.s32 $0x1BF5;
	[smem:$0x3FAE] =	sst s0  }
0x18: {  	s0 =	sld [smem:$0x3F91];
	_ =	swait.ge [sflag:s4], $0x0  }
0x19: {  	s7 =	sld [smem:$0x3F92]  }
0x1a: {  	s8 =	sadd.s32 $0xFFFFE003, lr  }
0x1b: {  	s9 =	sadd.s32 $0xFFFFFEF7, lr;
	s5 =	simm.s32 $0xFFFFFFFF;
	p2 =	slt.u32 s8, $0xFFFFF086  }
0x1c: {  	p1 =	slt.u32 s9, $0xF7A;
	s5 =	simm.s32 @!p2 $0x0  }
0x1d: {  	s5 =	simm.s32 @p1 $0x1;
	p0 =	seq.s32 s7, s2  }
0x1e: {  	s7 =	smul.u32 @!p0 $0xF7A, s2;
	p2 =	seq.s32 @!p0 s5, $0x0  }
0x1f: {  	s9 =	smul.u32 $0xF7A, s1;
	s8 =	simm.s32 @!p0 $0x1BF5;
	p2 =	por !p2, p0  }
0x20: {  	[sflag:s8] =	ssyncset.s32 @!p0 $0xFFFFF086;
	s6 =	sadd.s32 @!p0 s3, s7;
	s7 =	simm.s32 @!p0 $0x108  }
0x21: {  	s3 =	sadd.s32 s3, s9;
	s6 =	sadd.s32 @!p0 $0x88, s6;
	s7 =	simm.s32 @p2 $0x1082  }
0x22: {  	[simem:s7], [sflag:s8] =	dma.local @!p0 [hbm:s6], $0xF7A  }
0x23: {  	s9 =	sor.u32 $0xD0000000, s2;
	s6 =	simm.s32 $0x108;
	_ =	swait.ge @!p0 [sflag:s8], $0x0  }
0x24: {  	s3 =	sadd.s32 $0x88, s3;
	s6 =	simm.s32 @!p1 $0x1082;
	[sflag:s4] =	ssyncset.s32 $0xFFFFF086  }
0x25: {  	[simem:s6], [sflag:s4] =	dma.local [hbm:s3], $0xF7A  }
0x26: {  	[smem:$0x3F92] =	sst s1;
	(tag) =	ssettag s2;
	_ =	strace s9  }
0x27: {  	s1 =	sld [smem:$0x3FA2]  }
0x28: {  	s2 =	sld [smem:$0x3FA3]  }
0x29: {  	s4 =	sld [smem:$0x3FA5]  }
0x2a: {  	p0 =	seq.s32 s5, $0x0;
	s5 =	sld [smem:$0x3FA6]  }
0x2b: {  	s6 =	sld [smem:$0x3FA7]  }
0x2c: {  	s7 =	sld [smem:$0x3FA8]  }
0x2d: {  	s3 =	simm.s32 $0x108;
	s8 =	sld [smem:$0x3FA9]  }
0x2e: {  	s3 =	simm.s32 @!p0 $0x1082;
	s9 =	sld [smem:$0x3FAA]  }
0x2f: {  	lr =	sadd.s32 s0, s3;
	s0 =	sld [smem:$0x3FA1]  }
0x30: {  	s3 =	sld [smem:$0x3FA4]  }
0x31: {  	[smem:$0x3FAD] =	sst s10  }
0x32: {  	s10 =	sld [smem:$0x3FAB];
	_ =	sdelay $0x3  }
0x33: {  	p0 =	seq.s32 s10, $0x1;
	s10 =	sld [smem:$0x3FAD];
	_ =	sdelay $0x3  }
0x34: {  	[smem:$0x3FAD] =	sst s10  }
0x35: {  	s10 =	sld [smem:$0x3FAC];
	_ =	sdelay $0x3  }
0x36: {  	p1 =	seq.s32 s10, $0x1;
	s10 =	sld [smem:$0x3FAD];
	_ =	sdelay $0x3  }
0x37: {  	[smem:$0x3FAD] =	sst s10  }
0x38: {  	s10 =	sld [smem:$0x3FAE]  }
0x39: {  	_ = 	snop;
	(pc) =	sbr.ind lr, $3  }
0x3a: {  	_ = 	snop  }
0x3b: {  	_ = 	snop  }
0x3c: {  	p2 =	seq.s32 s10, $0x1;
	s10 =	sld [smem:$0x3FAD]  }
0x3d: {  	_ =	shalt  }
0x3e: {  	_ =	shalt  }
0x3f: {  	_ =	shalt  }
0x40: {  	_ =	shalt  }
0x41: {  	_ =	shalt  }
0x42: {  	_ =	shalt  }
0x43: {  	_ =	shalt  }
0x44: {  	_ =	shalt  }
0x45: {  	_ =	shalt  }
0x46: {  	_ =	shalt  }
0x47: {  	_ =	shalt  }
0x48: {  	_ =	shalt  }
0x49: {  	_ =	shalt  }
0x4a: {  	_ =	shalt  }
0x4b: {  	_ =	shalt  }
0x4c: {  	_ =	shalt  }
0x4d: {  	_ =	shalt  }
0x4e: {  	_ =	shalt  }
0x4f: {  	_ =	shalt  }
0x50: {  	_ =	shalt  }
0x51: {  	_ =	shalt  }
0x52: {  	_ =	shalt  }
0x53: {  	_ =	shalt  }
0x54: {  	_ =	shalt  }
0x55: {  	_ =	shalt  }
0x56: {  	_ =	shalt  }
0x57: {  	_ =	shalt  }
0x58: {  	_ =	shalt  }
0x59: {  	_ =	shalt  }
0x5a: {  	_ =	shalt  }
0x5b: {  	_ =	shalt  }
0x5c: {  	_ =	shalt  }
0x5d: {  	_ =	shalt  }
0x5e: {  	_ =	shalt  }
0x5f: {  	_ =	shalt  }
0x60: {  	_ =	shalt  }
0x61: {  	_ =	shalt  }
0x62: {  	_ =	shalt  }
0x63: {  	_ =	shalt  }
0x64: {  	_ =	shalt  }
0x65: {  	_ =	shalt  }
0x66: {  	_ =	shalt  }
0x67: {  	_ =	shalt  }
0x68: {  	_ =	shalt  }
0x69: {  	_ =	shalt  }
0x6a: {  	_ =	shalt  }
0x6b: {  	_ =	shalt  }
0x6c: {  	_ =	shalt  }
0x6d: {  	_ =	shalt  }
0x6e: {  	_ =	shalt  }
0x6f: {  	_ =	shalt  }
0x70: {  	_ =	shalt  }
0x71: {  	_ =	shalt  }
0x72: {  	_ =	shalt  }
0x73: {  	_ =	shalt  }
0x74: {  	_ =	shalt  }
0x75: {  	_ =	shalt  }
0x76: {  	_ =	shalt  }
0x77: {  	_ =	shalt  }
0x78: {  	_ =	shalt  }
0x79: {  	_ =	shalt  }
0x7a: {  	_ =	shalt  }
0x7b: {  	_ =	shalt  }
0x7c: {  	_ =	shalt  }
0x7d: {  	_ =	shalt  }
0x7e: {  	_ =	shalt  }
0x7f: {  	_ =	shalt  }
0x80: {  	_ =	shalt  }
0x81: {  	_ =	shalt  }
0x82: {  	_ =	shalt  }
0x83: {  	_ =	shalt  }
0x84: {  	_ =	shalt  }
0x85: {  	_ =	shalt  }
0x86: {  	_ =	shalt  }
0x87: {  	_ =	shalt  }
.Lfunc_end0:
.L_simem_size_0:
called_computation.5_lowered:
.L_overlay_start_0:
0x88: {  	s2 =	sld [smem:$0x3FD9]  }
0x89: {  	s3 =	sld [smem:$0x3FFE];
	_ =	sdelay $0x1  }
0x8a: {  	s1 =	srdreg.scid  }
0x8b: {  	s0 =	sand.u32 $0x1, s1  }
0x8c: {  	s17 =	sshll.u32 s0, $0xA;
	s2 =	sadd.s32 s3, s2  }
0x8d: {  	s2 =	sadd.s32 s2, s17  }
0x8e: {  	[smem:$0x3FB9] =	sst s2  }
0x8f: {  	_ = 	snop  }
0x90: {  	s2 =	sld [smem:$0x3FD0];
	(tm) =	ssettm $0x1  }
0x91: {  	s18 =	sld [smem:$0x3FFB];
	_ =	sdelay $0x3  }
0x92: {  	_ =	strace s18  }
0x93: {  	s3 =	sld [smem:$0x3FFC];
	_ =	sdelay $0x3  }
0x94: {  	_ =	strace s3  }
0x95: {  	s3 =	sld [smem:$0x3FFD];
	_ =	sdelay $0x3  }
0x96: {  	_ =	strace s3  }
0x97: {  	_ =	strace $0x8FFFFFFF  }
0x98: {  	s19 =	sld [smem:$0x3FDB];
	_ =	sdelay $0x1  }
0x99: {  	s4 =	simm.s32 $_scs_section_size  }
0x9a: {  	s5 =	simm.s32 $_size__tile_overlayer_lowered;
	s6 =	simm.s32 $_tile_overlayer_lowered  }
0x9b: {  	s22 =	simm.s32 $0x1BFF;
	s21 =	sshll.u32 s6, $0x1;
	s3 =	sadd.s32 s4, s19  }
0x9c: {  	s7 =	simm.s32 $0x0;
	s20 =	sshll.u32 s5, $0x1;
	s5 =	sadd.s32 s21, s3  }
0x9d: {  	[timem:s7], [sflag:s22] =	dma.local [hbm:s5], s20  }
0x9e: {  	_ =	swait.ge [sflag:s22], s20  }
0x9f: {  	s4 =	ssub.s32 $0x0, s20;
	[sflag:s22] =	ssyncset.done $0x0  }
0xa0: {  	[sflag:s22] =	ssyncadd.s32 s4;
	_ =	sdelay $0x1  }
0xa1: {  	s23 =	simm.s32 $0x1B8B  }
0xa2: {  	_ =	swait.ge [sflag:s23], $0x1  }
0xa3: {  	[sflag:s23] =	ssyncset.done $0x0  }
0xa4: {  	s25 =	simm.s32 $0x1B8E;
	s24 =	sld [smem:$0x3FFE];
	[sflag:s23] =	ssyncadd.s32 $0xFFFFFFFF  }
0xa5: {  	s26 =	simm.s32 $execute0_lowered;
	[smem:$0x3FD2] =	sst s25  }
0xa6: {  	s5 =	sshll.u32 s26, $0x1;
	_ =	strace $0x80000052;
	[dreg:$0x1] =	wrdreg $0xFFFFFFFF  }
0xa7: {  	s28 =	simm.s32 $_size_execute0_lowered;
	s3 =	sadd.s32 s3, s5;
	[dreg:$0x0] =	wrdreg $0x0  }
0xa8: {  	s5 =	sshll.u32 s28, $0x1;
	[dreg:$0x2] =	wrdreg s3  }
0xa9: {  	[dreg:$0x3] =	wrdreg s5  }
0xaa: {  	[dreg:$0x4] =	wrdreg $0xC0  }
0xab: {  	_ =	task [dreg:s7], $0x5FFFF  }
0xac: {  	[dreg:$0x1] =	wrdreg $0xFFFFFFFF  }
0xad: {  	[dreg:$0x0] =	wrdreg $0x60  }
0xae: {  	[dreg:$0x2] =	wrdreg s24  }
0xaf: {  	[dreg:$0x3] =	wrdreg s2  }
0xb0: {  	[dreg:$0x4] =	wrdreg $0xA  }
0xb1: {  	_ =	task.clear_ibuf [dreg:s7], $0x5FFFF;
	_ =	strace $0x90000052  }
0xb2: {  	s29 =	simm.s32 $0xA;
	_ =	strace $0x80000054  }
0xb3: {  	_ =	swait.ge [sflag:s29], $0x1  }
0xb4: {  	[sflag:s29] =	ssyncadd.s32 $0xFFFFFFFF  }
0xb5: {  	_ =	strace $0x90000054  }
0xb6: {  	_ =	sfence  }
0xb7: {  	s30 =	sld [smem:$0x0];
	_ =	sdelay $0x2  }
0xb8: {  	s31 =	sshll.u32 s1, $0xD;
	s1 =	sshrl.u32 s1, $0x2  }
0xb9: {  	s3 =	sand.u32 $0x4000, s31;
	s1 =	sadd.s32 s1, s30  }
0xba: {  	s0 =	sor.u32 s3, s0;
	s1 =	sshll.u32 s1, $0x11  }
0xbb: {  	s0 =	sor.u32 s1, s0  }
0xbc: {  	s0 =	sadd.s32 $0x8F2B, s0  }
0xbd: {  	[sflag:s0] =	ssyncadd.remote.s32 $0x1  }
0xbe: {  	_ =	sfence.sel $0xFFFF  }
0xbf: {  	[dreg:$0x0] =	wrdreg $0xFFFFFFFF;
	(pc) =	sbr.abs _section_cstart, $3  }
0xc0: {  	[dreg:$0x1] =	wrdreg $0xFFFFFFFF  }
0xc1: {  	_ =	task.clear_ibuf [dreg:s7], $0x2FFFF;
	_ =	strace $0x9FFFFFFF  }
0xc2: {  	(tm) =	ssettm $0x7FFFFFFF  }
0xc3: {  	_ =	shalt  }
tec
execute0_lowered:
.L_overlay_start_1:
0x0: {  	(tag) =	ssettag $0x1  }
0x1: {  	s4 =	rddreg [dreg:$0x0]  }
0x2: {  	s5 =	rddreg [dreg:$0x1]  }
0x3: {  	s0 =	rddreg [dreg:$0x2];
	s2 =	simm.s32 $0x0  }
0x4: {  	s3 =	srdreg.scid;
	s1 =	stileid.u32;
	s11 =	simm.s32 $0x80  }
0x5: {  	s12 =	simm.s32 $0x100;
	s13 =	simm.s32 $0x3;
	s14 =	simm.s32 $0x2100  }
0x6: {  	s15 =	simm.s32 $0x1;
	s16 =	simm.s32 $0x2;
	s17 =	simm.s32 $0x5100  }
0x7: {  	s18 =	simm.s32 $0x0;
	s6 =	sand.u32 $0x1, s3;
	s7 =	sshll.u32 s1, $0x1  }
0x8: {  	[smem:$0x7FF] =	sst s2;
	s3 =	sadd.s32 $0x6600, s4;
	s7 =	sor.u32 s6, s7  }
0x9: {  	_ =	strace $0x80000053;
	s6 =	ssub.s32 $0x2, s6;
	s8 =	sshll.u32 s7, $0x8  }
0xa: {  	s7 =	sshll.u32 s7, $0x9;
	s9 =	sshrl.u32 s6, $0x1;
	s8 =	sadd.s32 s8, s4  }
0xb: {  	s10 =	sadd.s32 s7, s4;
	s9 =	ssub.s32 s6, s9;
	s4 =	sadd.s32 s5, s7  }
0xc: {  	s5 =	sadd.s32 $0x4600, s8;
	s6 =	sadd.s32 $0x4620, s8;
	s7 =	sadd.s32 $0xE600, s10  }
0xd: {  	s8 =	smax.u32 s9, $0x1;
	s9 =	simm.s32 $0x4100;
	s10 =	simm.s32 $0x4  }
.LBB2_1:
0xe: {  	[tilespmem:s9], [sflag:$0x3] =	stream.linear.gather [hbm4b:s4+s2], $0x1000, $0x38;
	[tilespmem:$0x6100] =	vst v63  }
0xf: {  	_ = 	snop  }
0x10: {  	[tilespmem:s2], [sflag:$0x4] =	stream.linear.gather [hbm4b:s5+s2], $0x80, $0x38;
	[tilespmem:$0x6100] =	vst v63  }
0x11: {  	_ =	swait.ge [sflag:s10], $0x80  }
0x12: {  	[sflag:s10] =	ssyncset.done $0x0  }
0x13: {  	[sflag:s10] =	ssyncadd.s32 $0xFFFFFF80  }
0x14: {  	[tilespmem:s12], [sflag:$0x1] =	stream.indirect.gather [hbm4b:s3+s11], $0x40, s2, s11, $0xb8;
	[tilespmem:$0x6100] =	vst v63  }
0x15: {  	_ =	swait.ge [sflag:s13], $0x1000  }
0x16: {  	[sflag:s13] =	ssyncset.done $0x0  }
0x17: {  	s19 =	simm.s32 $0x0;
	[sflag:s13] =	ssyncadd.s32 $0xFFFFF000  }
.LBB2_2:
0x18: {  	s20 =	sshll.u32 s19, $0x3  }
0x19: {  	s20 =	sor.u32 $0x4, s20  }
0x1a: {  	s21 =	sshll.u32 s20, $0x2  }
0x1b: {  	s22 =	sadd.s32 s21, s5;
	s21 =	simm.s32 $0x0  }
0x1c: {  	[tilespmem:s11], [sflag:$0x4] =	stream.linear.gather [hbm4b:s22+s21], $0x80, $0x38;
	[tilespmem:$0x6100] =	vst v63  }
0x1d: {  	_ =	swait.ge [sflag:s10], $0x80  }
0x1e: {  	[sflag:s10] =	ssyncset.done $0x0  }
0x1f: {  	[sflag:s10] =	ssyncadd.s32 $0xFFFFFF80  }
0x20: {  	[tilespmem:s14], [sflag:$0x2] =	stream.indirect.gather [hbm4b:s3+s11], $0x40, s11, s11, $0xb8;
	[tilespmem:$0x6100] =	vst v63  }
0x21: {  	_ =	swait.ge [sflag:s15], $0x2000  }
0x22: {  	s23 =	sshll.u32 s19, $0x9;
	[sflag:s15] =	ssyncset.done $0x0  }
0x23: {  	v0 =	vmov s23;
	s22 =	simm.s32 $0x140;
	[sflag:s15] =	ssyncadd.s32 $0xFFFFE000  }
.LBB2_3:
0x24: {  	s23 =	sshll.u32 s21, $0xD  }
0x25: {  	v7 =	vmov s22;
	s23 =	sshra.s32 s23, $0x2  }
0x26: {  	v5 =	vld [tilespmem:s23+$0x100]  }
0x27: {  	v4 =	vld [tilespmem:s23+$0x110]  }
0x28: {  	v3 =	vld [tilespmem:s23+$0x120]  }
0x29: {  	s24 =	simm.s32 $0x0;
	v1 =	vld [tilespmem:s23+$0x130]  }
0x2a: {  	v2 =	vld.idx.msk [tilespmem:v7+s24+$0x30 ss:$0x1], $0xffff  }
0x2b: {  	v9 =	vld.idx.msk [tilespmem:v7+s24+$0x0 ss:$0x1], $0xffff  }
0x2c: {  	v8 =	vld.idx.msk [tilespmem:v7+s24+$0x10 ss:$0x1], $0xffff  }
0x2d: {  	s23 =	simm.s32 $0x100;
	v6 =	vld.idx.msk [tilespmem:v7+s24+$0x20 ss:$0x1], $0xffff  }
.LBB2_4:
0x2e: {  	p0 =	sne.s32 s23, $0x1E00  }
.Ltmp0:
0x2f: {  	s24 =	sshra.s32 s23, $0x2;
	s23 =	sadd.s32 $0x100, s23;
	(pc) =	sbr.rel @p0 .LBB2_4-.Ltmp0, $4  }
0x30: {  	v1 =	vmax.f32 v1, v2;
	v2 =	vld.idx.msk [tilespmem:v7+s24+$0x30 ss:$0x1], $0xffff  }
0x31: {  	v5 =	vmax.f32 v5, v9;
	v9 =	vld.idx.msk [tilespmem:v7+s24+$0x0 ss:$0x1], $0xffff  }
0x32: {  	v4 =	vmax.f32 v4, v8;
	v8 =	vld.idx.msk [tilespmem:v7+s24+$0x10 ss:$0x1], $0xffff  }
0x33: {  	v3 =	vmax.f32 v3, v6;
	v6 =	vld.idx.msk [tilespmem:v7+s24+$0x20 ss:$0x1], $0xffff  }
0x34: {  	_ =	sdelay $0x2  }
0x35: {  	s23 =	sshll.u32 s21, $0x6  }
0x36: {  	v7 =	vld.idx.msk [tilespmem:v0+s23+$0x4100 ss:$0x1], $0xffff;
	_ =	sdelay $0x3  }
0x37: {  	v5 =	vmax.f32 v5, v9  }
0x38: {  	v5 =	vadd.f32 v7, v5;
	_ =	sdelay $0x1  }
0x39: {  	v5 =	vmax.f32 v5, $0.0e+00  }
0x3a: {  	[tilespmem:v0+s23+$0x5100 ss:$0x1] =	vst.idx.msk $0xffff, v5  }
0x3b: {  	v5 =	vld.idx.msk [tilespmem:v0+s23+$0x4110 ss:$0x1], $0xffff;
	_ =	sdelay $0x3  }
0x3c: {  	v4 =	vmax.f32 v4, v8  }
0x3d: {  	v4 =	vadd.f32 v5, v4;
	_ =	sdelay $0x1  }
0x3e: {  	v4 =	vmax.f32 v4, $0.0e+00  }
0x3f: {  	[tilespmem:v0+s23+$0x5110 ss:$0x1] =	vst.idx.msk $0xffff, v4  }
0x40: {  	v4 =	vld.idx.msk [tilespmem:v0+s23+$0x4120 ss:$0x1], $0xffff;
	_ =	sdelay $0x3  }
0x41: {  	v3 =	vmax.f32 v3, v6  }
0x42: {  	v3 =	vadd.f32 v4, v3;
	_ =	sdelay $0x1  }
0x43: {  	v3 =	vmax.f32 v3, $0.0e+00  }
0x44: {  	[tilespmem:v0+s23+$0x5120 ss:$0x1] =	vst.idx.msk $0xffff, v3  }
0x45: {  	v3 =	vld.idx.msk [tilespmem:v0+s23+$0x4130 ss:$0x1], $0xffff;
	_ =	sdelay $0x1  }
0x46: {  	s21 =	sadd.s32 $0x1, s21  }
0x47: {  	p0 =	sne.s32 s21, $0x4  }
.Ltmp1:
0x48: {  	v1 =	vmax.f32 v1, v2;
	(pc) =	sbr.rel @p0 .LBB2_3-.Ltmp1, $3  }
0x49: {  	v1 =	vadd.f32 v3, v1;
	_ =	sdelay $0x1  }
0x4a: {  	v1 =	vmax.f32 v1, $0.0e+00  }
0x4b: {  	s22 =	sadd.s32 $0x800, s22;
	[tilespmem:v0+s23+$0x5130 ss:$0x1] =	vst.idx.msk $0xffff, v1  }
0x4c: {  	p0 =	seq.s32 s19, $0x7  }
0x4d: {  	s21 =	sshll.u32 @!p0 s19, $0x5  }
0x4e: {  	s22 =	simm.s32 @!p0 $0x0;
	s21 =	sadd.s32 @!p0 s21, s6  }
0x4f: {  	[tilespmem:s22], [sflag:$0x4] =	stream.linear.gather @!p0 [hbm4b:s21+s22], $0x80, $0x38;
	[tilespmem:$0x6100] =	vst v63  }
0x50: {  	s21 =	simm.s32 @!p0 $0x4  }
0x51: {  	_ =	swait.ge @!p0 [sflag:s21], $0x80  }
0x52: {  	[sflag:s21] =	ssyncset.done @!p0 $0x0  }
0x53: {  	s23 =	simm.s32 @!p0 $0x100;
	[sflag:s21] =	ssyncadd.s32 @!p0 $0xFFFFFF80;
	s21 =	simm.s32 @!p0 $0x80  }
0x54: {  	[tilespmem:s23], [sflag:$0x1] =	stream.indirect.gather @!p0 [hbm4b:s3+s21], $0x40, s22, s21, $0xb8;
	[tilespmem:$0x6100] =	vst v63  }
0x55: {  	_ =	swait.ge [sflag:s16], $0x2000  }
0x56: {  	[sflag:s16] =	ssyncset.done $0x0  }
0x57: {  	s21 =	simm.s32 $0x0;
	s22 =	simm.s32 $0x2140;
	[sflag:s16] =	ssyncadd.s32 $0xFFFFE000  }
.LBB2_7:
0x58: {  	s23 =	sshll.u32 s21, $0xD  }
0x59: {  	v5 =	vmov s22;
	s23 =	sshra.s32 s23, $0x2  }
0x5a: {  	v2 =	vld [tilespmem:s23+$0x2100]  }
0x5b: {  	v3 =	vld [tilespmem:s23+$0x2110]  }
0x5c: {  	v1 =	vld [tilespmem:s23+$0x2120]  }
0x5d: {  	s24 =	simm.s32 $0x0;
	v0 =	vld [tilespmem:s23+$0x2130]  }
0x5e: {  	v4 =	vld.idx.msk [tilespmem:v5+s24+$0x30 ss:$0x1], $0xffff  }
0x5f: {  	v6 =	vld.idx.msk [tilespmem:v5+s24+$0x0 ss:$0x1], $0xffff  }
0x60: {  	v7 =	vld.idx.msk [tilespmem:v5+s24+$0x10 ss:$0x1], $0xffff  }
0x61: {  	s23 =	simm.s32 $0x100;
	v8 =	vld.idx.msk [tilespmem:v5+s24+$0x20 ss:$0x1], $0xffff  }
.LBB2_8:
0x62: {  	p0 =	sne.s32 s23, $0x1E00  }
.Ltmp2:
0x63: {  	s24 =	sshra.s32 s23, $0x2;
	s23 =	sadd.s32 $0x100, s23;
	(pc) =	sbr.rel @p0 .LBB2_8-.Ltmp2, $4  }
0x64: {  	v0 =	vmax.f32 v0, v4;
	v4 =	vld.idx.msk [tilespmem:v5+s24+$0x30 ss:$0x1], $0xffff  }
0x65: {  	v2 =	vmax.f32 v2, v6;
	v6 =	vld.idx.msk [tilespmem:v5+s24+$0x0 ss:$0x1], $0xffff  }
0x66: {  	v3 =	vmax.f32 v3, v7;
	v7 =	vld.idx.msk [tilespmem:v5+s24+$0x10 ss:$0x1], $0xffff  }
0x67: {  	v1 =	vmax.f32 v1, v8;
	v8 =	vld.idx.msk [tilespmem:v5+s24+$0x20 ss:$0x1], $0xffff  }
0x68: {  	s23 =	sor.u32 s20, s21  }
0x69: {  	s23 =	sshll.u32 s23, $0x6  }
0x6a: {  	v5 =	vld [tilespmem:s23+$0x4100]  }
0x6b: {  	v9 =	vld [tilespmem:s23+$0x4110]  }
0x6c: {  	v10 =	vld [tilespmem:s23+$0x4120]  }
0x6d: {  	v11 =	vld [tilespmem:s23+$0x4130]  }
0x6e: {  	v2 =	vmax.f32 v2, v6  }
0x6f: {  	s21 =	sadd.s32 $0x1, s21;
	v3 =	vmax.f32 v3, v7;
	v2 =	vadd.f32 v5, v2  }
0x70: {  	p0 =	sne.s32 s21, $0x4;
	v1 =	vmax.f32 v1, v8;
	v3 =	vadd.f32 v9, v3  }
.Ltmp3:
0x71: {  	v0 =	vmax.f32 v0, v4;
	v1 =	vadd.f32 v10, v1;
	v2 =	vmax.f32 v2, $0.0e+00;
	(pc) =	sbr.rel @p0 .LBB2_7-.Ltmp3, $4  }
0x72: {  	v0 =	vadd.f32 v11, v0;
	v63 =	vmax.f32 v3, $0.0e+00;
	[tilespmem:s23+$0x5100] =	vst v2  }
0x73: {  	v1 =	vmax.f32 v1, $0.0e+00;
	[tilespmem:s23+$0x5110] =	vst v63  }
0x74: {  	v0 =	vmax.f32 v0, $0.0e+00;
	[tilespmem:s23+$0x5120] =	vst v1  }
0x75: {  	s22 =	sadd.s32 $0x800, s22;
	[tilespmem:s23+$0x5130] =	vst v0  }
0x76: {  	s19 =	sadd.s32 $0x1, s19  }
0x77: {  	p0 =	sne.s32 s19, $0x8  }
.Ltmp4:
0x78: {  	_ = 	snop;
	(pc) =	sbr.rel @p0 .LBB2_2-.Ltmp4, $1  }
0x79: {  	_ =	sdelay $0x3  }
0x7a: {  	s18 =	sadd.s32 $0x1, s18  }
0x7b: {  	p0 =	sne.s32 s18, s8  }
.Ltmp5:
0x7c: {  	_ = 	snop;
	(pc) =	sbr.rel @p0 .LBB2_1-.Ltmp5, $4  }
0x7d: {  	[hbm4b:s7+s2] =	stream.linear.scatter [tilespmem:s17], [sflag:$0x4], $0x1000, $0x38;
	[tilespmem:$0x6100] =	vst v63  }
0x7e: {  	_ =	swait.ge [sflag:s10], $0x1000  }
0x7f: {  	[sflag:s10] =	ssyncset.done $0x0  }
0x80: {  	[sflag:s10] =	ssyncadd.s32 $0xFFFFF000  }
0x81: {  	_ =	sfence.sel $0x180000  }
0x82: {  	[bflag:$0x0] =	sbarrier.arrive $0xFFFF  }
0x83: {  	p0 =	sne.s32 s1, $0x0;
	_ =	strace $0x90000053  }
0x84: {  	s0 =	sadd.s32 @!p0 $0x100000, s0;
	[bflag:$0x2] =	sbarrier.arrive $0xFFFF  }
0x85: {  	[sflag:s0] =	ssyncadd.tile.s32 @!p0 $0x1;
	_ =	shalt  }
.Lfunc_end2:
_tile_overlayer_lowered:
.L_overlay_start_2:
0x86: {  	(tag) =	ssettag $0x2  }
0x87: {  	s0 =	rddreg [dreg:$0x0];
	s2 =	stileid.u32  }
0x88: {  	s1 =	rddreg [dreg:$0x1];
	p0 =	sne.s32 s2, $0x0  }
0x89: {  	s3 =	rddreg [dreg:$0x2];
	[bflag:$0x3] =	sbarrier.arrive $0xFFFF;
	s2 =	simm.s32 @!p0 $0x1C04  }
0x8a: {  	[timem:s3], [sflag:s2] =	dma.local @!p0 [hbm:s0], s1  }
0x8b: {  	s0 =	simm.s32 @!p0 $0x4  }
0x8c: {  	_ =	swait.ge @!p0 [sflag:s0], s1  }
0x8d: {  	s1 =	ssub.s32 @!p0 $0x0, s1;
	[sflag:s0] =	ssyncset.done @!p0 $0x0  }
0x8e: {  	[sflag:s0] =	ssyncadd.s32 @!p0 s1  }
0x8f: {  	[bflag:$0x3] =	sbarrier.arrive $0xFFFF  }
0x90: {  	_ =	shalt  }

</sc_bundles>
